<compile_context>
chip_gen: v7x
topology: tpu7x:2x2x1
jax: 0.10.2.dev20260603
libtpu: 0.0.44.dev20260713+nightly
codegen_flags: <defaults>
</compile_context>

<pallas_src>
import functools

import jax
import jax.numpy as jnp
from jax import lax
from jax.experimental import pallas as pl
from jax.experimental.pallas import tpu as pltpu
from jax.experimental.pallas import tpu_sc as plsc

_N = 10000
_NP = 10240
_E = 320000
_D = 128
_NG = 16
_DOUT = 64

_NC_CORES = 2
_NSUB = 16
_NW = _NC_CORES * _NSUB
_PER_W = _E // _NW
_CK = 80
_NCH = _PER_W // _CK
_RPT = _NP // _NSUB
_CW = 16

_mesh = plsc.VectorSubcoreMesh(core_axis_name="c", subcore_axis_name="s")


def _make_scatter_pass(gdim, sdim):
    return functools.partial(
        pl.kernel,
        out_type=jax.ShapeDtypeStruct((_NC_CORES, _NP, _D), jnp.float32),
        mesh=_mesh,
        compiler_params=pltpu.CompilerParams(use_tc_tiling_on_sc=False),
        scratch_types=[
            pltpu.VMEM((_NCH, _CK), jnp.int32),
            pltpu.VMEM((_NCH, _CK), jnp.int32),
            pltpu.VMEM((_CK, _D), jnp.float32),
            pltpu.VMEM((_CK, _D), jnp.float32),
            pltpu.SemaphoreType.DMA,
            pltpu.SemaphoreType.DMA,
            pltpu.VMEM_SHARED((_NP, _D), jnp.float32),
        ],
    )(functools.partial(_sc_scatter_pass, gdim=gdim, sdim=sdim))


def _sc_scatter_pass(src, hidx, out, gidx_v, sidx_v, rows_a, rows_b,
                     sem_a, sem_b, acc, *, gdim, sdim):
    cid = lax.axis_index("c")
    sid = lax.axis_index("s")
    wid = sid * _NC_CORES + cid

    pltpu.async_copy(hidx.at[gdim, wid], gidx_v, sem_a)
    pltpu.async_copy(hidx.at[sdim, wid], sidx_v, sem_b)

    @pl.loop(0, _CK)
    def _zero_rows(i):
        for k in range(_D // 16):
            rows_b[i, pl.ds(k * 16, 16)] = jnp.zeros((16,), jnp.float32)

    for t in range(_RPT // _CK):
        pltpu.sync_copy(rows_b, acc.at[pl.ds(sid * _RPT + t * _CK, _CK)])
    pltpu.make_async_copy(hidx.at[gdim, wid], gidx_v, sem_a).wait()
    pltpu.make_async_copy(hidx.at[sdim, wid], sidx_v, sem_b).wait()
    plsc.subcore_barrier()

    pltpu.async_copy(src.at[gidx_v.at[0]], rows_a, sem_a)

    @pl.loop(0, _NCH - 1, step=2)
    def _chunk(j):
        pltpu.async_copy(src.at[gidx_v.at[j + 1]], rows_b, sem_b)
        pltpu.make_async_copy(src.at[gidx_v.at[j]], rows_a, sem_a).wait()
        pltpu.sync_copy(rows_a, acc.at[sidx_v.at[j]], add=True)
        pltpu.async_copy(src.at[gidx_v.at[j + 2]], rows_a, sem_a)
        pltpu.make_async_copy(src.at[gidx_v.at[j + 1]], rows_b, sem_b).wait()
        pltpu.sync_copy(rows_b, acc.at[sidx_v.at[j + 1]], add=True)

    pltpu.make_async_copy(src.at[gidx_v.at[_NCH - 1]], rows_a, sem_a).wait()
    pltpu.sync_copy(rows_a, acc.at[sidx_v.at[_NCH - 1]], add=True)

    plsc.subcore_barrier()

    nslc = _RPT // _CK
    for t in range(nslc):
        buf, sem = (rows_a, sem_a) if t % 2 == 0 else (rows_b, sem_b)
        r0 = sid * _RPT + t * _CK
        if t >= 2:
            rp = sid * _RPT + (t - 2) * _CK
            pltpu.make_async_copy(buf, out.at[cid, pl.ds(rp, _CK)],
                                  sem).wait()
        pltpu.sync_copy(acc.at[pl.ds(r0, _CK)], buf)
        pltpu.async_copy(buf, out.at[cid, pl.ds(r0, _CK)], sem)
    for t in (nslc - 2, nslc - 1):
        buf, sem = (rows_a, sem_a) if t % 2 == 0 else (rows_b, sem_b)
        r0 = sid * _RPT + t * _CK
        pltpu.make_async_copy(buf, out.at[cid, pl.ds(r0, _CK)], sem).wait()


_scatter_ne = _make_scatter_pass(0, 1)
_scatter_en = _make_scatter_pass(1, 0)


@functools.partial(
    pl.kernel,
    out_type=jax.ShapeDtypeStruct((_NC_CORES, 2, _NP, _CW), jnp.float32),
    mesh=_mesh,
    compiler_params=pltpu.CompilerParams(use_tc_tiling_on_sc=False),
    scratch_types=[
        pltpu.VMEM((_NCH, _CK), jnp.int32),
        pltpu.VMEM((_NCH, _CK), jnp.int32),
        pltpu.VMEM((_CK, _CW), jnp.float32),
        pltpu.VMEM((_RPT, _CW), jnp.float32),
        pltpu.VMEM_SHARED((_NP, _CW), jnp.float32),
        pltpu.VMEM_SHARED((_NP, _CW), jnp.float32),
    ],
)
def _sc_counts(hidx, out, nidx_v, eidx_v, ones_v, buf_v, acc_d, acc_b):
    cid = lax.axis_index("c")
    sid = lax.axis_index("s")
    wid = sid * _NC_CORES + cid

    pltpu.sync_copy(hidx.at[0, wid], nidx_v)
    pltpu.sync_copy(hidx.at[1, wid], eidx_v)

    @pl.loop(0, _CK)
    def _fill_ones(i):
        ones_v[i, :] = jnp.ones((_CW,), jnp.float32)

    @pl.loop(0, _RPT)
    def _fill_zeros(i):
        buf_v[i, :] = jnp.zeros((_CW,), jnp.float32)

    pltpu.sync_copy(buf_v, acc_d.at[pl.ds(sid * _RPT, _RPT)])
    pltpu.sync_copy(buf_v, acc_b.at[pl.ds(sid * _RPT, _RPT)])
    plsc.subcore_barrier()

    @pl.loop(0, _NCH)
    def _chunk(j):
        pltpu.sync_copy(ones_v, acc_d.at[nidx_v.at[j]], add=True)
        pltpu.sync_copy(ones_v, acc_b.at[eidx_v.at[j]], add=True)

    plsc.subcore_barrier()

    pltpu.sync_copy(acc_d.at[pl.ds(sid * _RPT, _RPT)], buf_v)
    pltpu.sync_copy(buf_v, out.at[cid, 0, pl.ds(sid * _RPT, _RPT)])
    pltpu.sync_copy(acc_b.at[pl.ds(sid * _RPT, _RPT)], buf_v)
    pltpu.sync_copy(buf_v, out.at[cid, 1, pl.ds(sid * _RPT, _RPT)])


_BLK = 1024
_GRID = _NP // _BLK


def _mm_body(x_ref, w_ref, o_ref):
    o_ref[...] = jnp.dot(x_ref[...], w_ref[...],
                         preferred_element_type=jnp.float32)


def _tc_matmul(x, w):
    return pl.pallas_call(
        _mm_body,
        grid=(_GRID,),
        in_specs=[pl.BlockSpec((_BLK, _D), lambda i: (i, 0)),
                  pl.BlockSpec((_D, _D), lambda i: (0, 0))],
        out_specs=pl.BlockSpec((_BLK, _D), lambda i: (i, 0)),
        out_shape=jax.ShapeDtypeStruct((_NP, _D), jnp.float32),
    )(x, w)


def _inv_from_counts(c_ref):
    cnt = c_ref[0, 0, :, 0:1] + c_ref[1, 0, :, 0:1]
    return jnp.where(cnt > 0.0, 1.0 / cnt, 0.0)


def _merge_b_body(p_ref, c_ref, o_ref):
    o_ref[...] = (p_ref[0] + p_ref[1]) * _inv_from_counts(c_ref)


def _tc_merge_b(parts, counts):
    return pl.pallas_call(
        _merge_b_body,
        grid=(_GRID,),
        in_specs=[
            pl.BlockSpec((_NC_CORES, _BLK, _D), lambda i: (0, i, 0)),
            pl.BlockSpec((_NC_CORES, 1, _BLK, _CW), lambda i: (0, 1, i, 0)),
        ],
        out_specs=pl.BlockSpec((_BLK, _D), lambda i: (i, 0)),
        out_shape=jax.ShapeDtypeStruct((_NP, _D), jnp.float32),
    )(parts, counts)


def _merge_d_mm_body(p_ref, c_ref, b_ref, w_ref, h_ref, o_ref):
    h = jnp.maximum(
        (p_ref[0] + p_ref[1]) * _inv_from_counts(c_ref) + b_ref[...], 0.0)
    h_ref[...] = h
    o_ref[...] = jnp.dot(h, w_ref[...], preferred_element_type=jnp.float32)


def _tc_merge_d_mm(parts, counts, bias, w):
    return pl.pallas_call(
        _merge_d_mm_body,
        grid=(_GRID,),
        in_specs=[
            pl.BlockSpec((_NC_CORES, _BLK, _D), lambda i: (0, i, 0)),
            pl.BlockSpec((_NC_CORES, 1, _BLK, _CW), lambda i: (0, 0, i, 0)),
            pl.BlockSpec((1, _D), lambda i: (0, 0)),
            pl.BlockSpec((_D, _D), lambda i: (0, 0)),
        ],
        out_specs=[pl.BlockSpec((_BLK, _D), lambda i: (i, 0)),
                   pl.BlockSpec((_BLK, _D), lambda i: (i, 0))],
        out_shape=[jax.ShapeDtypeStruct((_NP, _D), jnp.float32),
                   jax.ShapeDtypeStruct((_NP, _D), jnp.float32)],
    )(parts, counts, bias, w)


def _pool_body(p_ref, c_ref, b_ref, h0_ref, bt_ref, wl_ref, bl_ref, o_ref,
               sum_acc, max_acc, cnt_acc):
    i = pl.program_id(0)

    @pl.when(i == 0)
    def _():
        sum_acc[...] = jnp.zeros((_NG, _D), jnp.float32)
        cnt_acc[...] = jnp.zeros((_NG, _D), jnp.float32)
        max_acc[...] = jnp.full((_NG, _D), -jnp.inf, jnp.float32)

    m = (p_ref[0] + p_ref[1]) * _inv_from_counts(c_ref)
    h = jnp.maximum(h0_ref[...] + m + b_ref[...], 0.0)
    bt = bt_ref[...]
    oh = (bt == lax.broadcasted_iota(jnp.int32, (_BLK, _NG), 1)
          ).astype(jnp.float32)
    dn = (((0,), (0,)), ((), ()))
    sum_acc[...] += lax.dot_general(oh, h, dn,
                                    preferred_element_type=jnp.float32)
    cnt_acc[...] += lax.dot_general(oh, jnp.ones_like(h), dn,
                                    preferred_element_type=jnp.float32)
    g_lo = bt[0, 0]
    g_hi = bt[_BLK - 1, 0]
    for g in range(_NG):
        @pl.when((g_lo <= g) & (g <= g_hi))
        def _(g=g):
            mg = jnp.max(jnp.where(bt == g, h, -jnp.inf), axis=0,
                         keepdims=True)
            max_acc[g:g + 1, :] = jnp.maximum(max_acc[g:g + 1, :], mg)

    @pl.when(i == _GRID - 1)
    def _():
        s = sum_acc[...]
        mean = s / jnp.maximum(cnt_acc[...], 1.0)
        pooled = jnp.concatenate([mean, max_acc[...], s], axis=1)
        o_ref[...] = jnp.dot(pooled, wl_ref[...],
                             preferred_element_type=jnp.float32) + bl_ref[...]


def _tc_pool(parts, counts, bias, h0, bt, wlin, blin):
    return pl.pallas_call(
        _pool_body,
        grid=(_GRID,),
        in_specs=[pl.BlockSpec((_NC_CORES, _BLK, _D), lambda i: (0, i, 0)),
                  pl.BlockSpec((_NC_CORES, 1, _BLK, _CW),
                               lambda i: (0, 0, i, 0)),
                  pl.BlockSpec((1, _D), lambda i: (0, 0)),
                  pl.BlockSpec((_BLK, _D), lambda i: (i, 0)),
                  pl.BlockSpec((_BLK, 1), lambda i: (i, 0)),
                  pl.BlockSpec((3 * _D, _DOUT), lambda i: (0, 0)),
                  pl.BlockSpec((1, _DOUT), lambda i: (0, 0))],
        out_specs=pl.BlockSpec((_NG, _DOUT), lambda i: (0, 0)),
        out_shape=jax.ShapeDtypeStruct((_NG, _DOUT), jnp.float32),
        scratch_shapes=[pltpu.VMEM((_NG, _D), jnp.float32),
                        pltpu.VMEM((_NG, _D), jnp.float32),
                        pltpu.VMEM((_NG, _D), jnp.float32)],
    )(parts, counts, bias, h0, bt, wlin, blin)


def kernel(x, hyperedge_index, edge_attr, batch, W1, b1, W2, b2, Wlin, blin):
    del edge_attr
    hi = hyperedge_index.reshape(2, _NW, _NCH, _CK)
    xp = jnp.pad(x, ((0, _NP - _N), (0, 0)))

    def half_conv(vt, counts):
        p = _scatter_ne(vt, hi)
        m = _tc_merge_b(p, counts)
        return _scatter_en(m, hi)

    p1 = _scatter_ne(_tc_matmul(xp, W1), hi)
    counts = _sc_counts(hi)
    q1 = _scatter_en(_tc_merge_b(p1, counts), hi)
    h, xt2 = _tc_merge_d_mm(q1, counts, b1.reshape(1, _D), W2)
    q2 = half_conv(xt2, counts)

    bt = jnp.pad(batch.astype(jnp.int32), (0, _NP - _N),
                 constant_values=_NG)[:, None]
    return _tc_pool(q2, counts, b2.reshape(1, _D), h, bt, Wlin,
                    blin.reshape(1, _DOUT))

# --- scband reference (transcript-rebuilt; emitter-appended) ---
"""Pipeline reference for scband-hyper-gnn-35519379537926 (READ-ONLY COPY).

The authoritative reference and input builder live on the scoring server;
editing this copy changes nothing except your own understanding.
"""

import jax, jax.numpy as jnp
import numpy as np

N = 10000        # num nodes (also num hyperedges)
EINC = 320000    # incidence count (nnz of H)
DIN = 128
DH = 128
DOUT = 64
NG = 16          # graphs in batch


def setup_inputs(seed: int = 0) -> dict:
    key = jax.random.key(seed)
    ks = jax.random.split(key, 10)
    x = jax.random.normal(ks[0], (N, DIN), dtype=jnp.float32)
    hyperedge_index = jax.random.randint(ks[1], (2, EINC), 0, N, dtype=jnp.int32)
    edge_attr = jax.random.normal(ks[2], (EINC, 4), dtype=jnp.float32)
    batch = jnp.sort(jax.random.randint(ks[3], (N,), 0, NG, dtype=jnp.int32))
    W1 = jax.random.normal(ks[4], (DIN, DH), dtype=jnp.float32) * (1.0 / np.sqrt(DIN))
    b1 = jnp.zeros((DH,), dtype=jnp.float32)
    W2 = jax.random.normal(ks[5], (DH, DH), dtype=jnp.float32) * (1.0 / np.sqrt(DH))
    b2 = jnp.zeros((DH,), dtype=jnp.float32)
    Wlin = jax.random.normal(ks[6], (3 * DH, DOUT), dtype=jnp.float32) * (1.0 / np.sqrt(3 * DH))
    blin = jnp.zeros((DOUT,), dtype=jnp.float32)
    return {"x": x, "hyperedge_index": hyperedge_index, "edge_attr": edge_attr,
            "batch": batch, "W1": W1, "b1": b1, "W2": W2, "b2": b2,
            "Wlin": Wlin, "blin": blin}


def _hypergraph_conv(x, node_idx, edge_idx, W, b, num_nodes, num_edges):
    # PyG HypergraphConv (no attention): out = D^-1 H B^-1 H^T (x W) + b
    xt = x @ W
    ones = jnp.ones((node_idx.shape[0],), dtype=x.dtype)
    Dd = jax.ops.segment_sum(ones, node_idx, num_segments=num_nodes)
    Dinv = jnp.where(Dd == 0, 0.0, 1.0 / Dd)
    Bd = jax.ops.segment_sum(ones, edge_idx, num_segments=num_edges)
    Binv = jnp.where(Bd == 0, 0.0, 1.0 / Bd)
    # nodes -> hyperedges (messages weighted by B^-1 at target hyperedge)
    m = jax.ops.segment_sum(xt[node_idx] * Binv[edge_idx][:, None], edge_idx, num_segments=num_edges)
    # hyperedges -> nodes (messages weighted by D^-1 at target node)
    out = jax.ops.segment_sum(m[edge_idx] * Dinv[node_idx][:, None], node_idx, num_segments=num_nodes)
    return out + b


def reference(x, hyperedge_index, edge_attr, batch, W1, b1, W2, b2, Wlin, blin):
    del edge_attr  # unused: use_attention=False, embedding_used=False
    node_idx = hyperedge_index[0]
    edge_idx = hyperedge_index[1]
    h = jax.nn.relu(_hypergraph_conv(x, node_idx, edge_idx, W1, b1, N, N))
    h2 = _hypergraph_conv(h, node_idx, edge_idx, W2, b2, N, N)
    h = jax.nn.relu(h + h2)
    counts = jax.ops.segment_sum(jnp.ones((N,), dtype=h.dtype), batch, num_segments=NG)
    x_sum = jax.ops.segment_sum(h, batch, num_segments=NG)
    x_mean = x_sum / jnp.maximum(counts, 1.0)[:, None]
    x_max = jax.ops.segment_max(h, batch, num_segments=NG)
    pooled = jnp.concatenate([x_mean, x_max, x_sum], axis=1)
    return pooled @ Wlin + blin

if __name__ == "__main__":
    import jax
    _d = setup_inputs()
    print(jax.jit(kernel)(*tuple(_d.values())))

</pallas_src>

<mosaic_0001>
#map = affine_map<(d0, d1) -> (0, 0)>
#map1 = affine_map<(d0, d1) -> (0, 0, 0, 0)>
#map2 = affine_map<(d0, d1) -> (0, 0, 0)>
module attributes {stable_mosaic.version = 14 : i64} {
  func.func @_sc_scatter_pass(%arg0: i32, %arg1: i32, %arg2: memref<10240x128xf32, #tpu.memory_space<hbm>>, %arg3: memref<2x32x125x80xi32, #tpu.memory_space<hbm>>, %arg4: memref<2x10240x128xf32, #tpu.memory_space<hbm>>, %arg5: memref<125x80xi32, #tpu.memory_space<vmem>>, %arg6: memref<125x80xi32, #tpu.memory_space<vmem>>, %arg7: memref<80x128xf32, #tpu.memory_space<vmem>>, %arg8: memref<80x128xf32, #tpu.memory_space<vmem>>, %arg9: memref<!tpu.dma_semaphore, #tpu.memory_space<semaphore_mem>>, %arg10: memref<!tpu.dma_semaphore, #tpu.memory_space<semaphore_mem>>, %arg11: memref<10240x128xf32, #tpu.memory_space<vmem_shared>>) attributes {dimension_semantics = [#tpu.dimension_semantics<core_parallel>, #tpu.dimension_semantics<subcore_parallel>], iteration_bounds = array<i64: 2, 16>, scalar_prefetch = 0 : i64, scratch_operands = 7 : i64, tpu.core_type = #tpu.core_type<sc_vector_subcore>, window_params = [{transform_indices = #map}, {transform_indices = #map1}, {transform_indices = #map2}]} {
    %mul3A = arith.constant 2 : i32
    %mul3A_0 = arith.muli %arg1, %mul3A : i32
    %add3A = arith.addi %mul3A_0, %arg0 : i32
    %dma_start3A = arith.constant 1 : i32
    %dma_start3A_1 = arith.constant 0 : i32
    %dma_start3A_2 = arith.constant 0 : i32
    %dma_start3A_3 = tpu.memref_slice %arg3[%dma_start3A, %add3A, %dma_start3A_1, %dma_start3A_2] : memref<2x32x125x80xi32, #tpu.memory_space<hbm>> -> memref<1x1x125x80xi32, #tpu.memory_space<hbm>>
    %dma_start3A_4 = tpu.memref_squeeze %dma_start3A_3 : memref<1x1x125x80xi32, #tpu.memory_space<hbm>> -> memref<125x80xi32, #tpu.memory_space<hbm>>
    %dma_start3A_5 = arith.constant 0 : i32
    %dma_start3A_6 = arith.constant 0 : i32
    %dma_start3A_7 = tpu.memref_slice %arg3[%dma_start3A, %add3A, %dma_start3A_5, %dma_start3A_6] : memref<2x32x125x80xi32, #tpu.memory_space<hbm>> -> memref<1x1x125x80xi32, #tpu.memory_space<hbm>>
    %dma_start3A_8 = tpu.memref_squeeze %dma_start3A_7 : memref<1x1x125x80xi32, #tpu.memory_space<hbm>> -> memref<125x80xi32, #tpu.memory_space<hbm>>
    tpu.enqueue_dma source(%dma_start3A_8 : memref<125x80xi32, #tpu.memory_space<hbm>>) target(%arg5 : memref<125x80xi32, #tpu.memory_space<vmem>>) target_semaphore(%arg9 : memref<!tpu.dma_semaphore, #tpu.memory_space<semaphore_mem>>)
    %dma_start3A_9 = arith.constant 0 : i32
    %dma_start3A_10 = arith.constant 0 : i32
    %dma_start3A_11 = arith.constant 0 : i32
    %dma_start3A_12 = tpu.memref_slice %arg3[%dma_start3A_9, %add3A, %dma_start3A_10, %dma_start3A_11] : memref<2x32x125x80xi32, #tpu.memory_space<hbm>> -> memref<1x1x125x80xi32, #tpu.memory_space<hbm>>
    %dma_start3A_13 = tpu.memref_squeeze %dma_start3A_12 : memref<1x1x125x80xi32, #tpu.memory_space<hbm>> -> memref<125x80xi32, #tpu.memory_space<hbm>>
    %dma_start3A_14 = arith.constant 0 : i32
    %dma_start3A_15 = arith.constant 0 : i32
    %dma_start3A_16 = tpu.memref_slice %arg3[%dma_start3A_9, %add3A, %dma_start3A_14, %dma_start3A_15] : memref<2x32x125x80xi32, #tpu.memory_space<hbm>> -> memref<1x1x125x80xi32, #tpu.memory_space<hbm>>
    %dma_start3A_17 = tpu.memref_squeeze %dma_start3A_16 : memref<1x1x125x80xi32, #tpu.memory_space<hbm>> -> memref<125x80xi32, #tpu.memory_space<hbm>>
    tpu.enqueue_dma source(%dma_start3A_17 : memref<125x80xi32, #tpu.memory_space<hbm>>) target(%arg6 : memref<125x80xi32, #tpu.memory_space<vmem>>) target_semaphore(%arg10 : memref<!tpu.dma_semaphore, #tpu.memory_space<semaphore_mem>>)
    %scan3A = arith.constant 0 : i32
    %scan3A_18 = arith.constant 80 : i32
    %scan3A_19 = arith.addi %scan3A, %scan3A_18 : i32
    %scan3A_20 = arith.constant 1 : i32
    scf.for %scan3A_251 = %scan3A to %scan3A_19 step %scan3A_20  : i32 {
      %mul3A_252 = arith.constant 1 : i32
      %mul3A_253 = arith.muli %scan3A_251, %mul3A_252 : i32
      %add3A_254 = arith.constant 0 : i32
      %add3A_255 = arith.addi %add3A_254, %mul3A_253 : i32
      %broadcast_in_dim3A = arith.constant 0.000000e+00 : f32
      %broadcast_in_dim3A_256 = vector.broadcast %broadcast_in_dim3A : f32 to vector<16xf32>
      %swap3A = arith.index_cast %add3A_255 : i32 to index
      %swap3A_257 = arith.constant 0 : index
      %swap3A_258 = tpu.vector_load %arg8[%swap3A, %swap3A_257] {strides = array<i32>} : memref<80x128xf32, #tpu.memory_space<vmem>>, vector<1x16xf32>,
      %swap3A_259 = vector.shape_cast %swap3A_258 : vector<1x16xf32> to vector<16xf32>
      %swap3A_260 = vector.shape_cast %broadcast_in_dim3A_256 : vector<16xf32> to vector<1x16xf32>
      tpu.vector_store %arg8[%swap3A, %swap3A_257], %swap3A_260 {strides = array<i32>} : memref<80x128xf32, #tpu.memory_space<vmem>>, vector<1x16xf32>,
      %broadcast_in_dim3A_261 = arith.constant 0.000000e+00 : f32
      %broadcast_in_dim3A_262 = vector.broadcast %broadcast_in_dim3A_261 : f32 to vector<16xf32>
      %swap3A_263 = arith.index_cast %add3A_255 : i32 to index
      %swap3A_264 = arith.constant 16 : index
      %swap3A_265 = tpu.vector_load %arg8[%swap3A_263, %swap3A_264] {strides = array<i32>} : memref<80x128xf32, #tpu.memory_space<vmem>>, vector<1x16xf32>,
      %swap3A_266 = vector.shape_cast %swap3A_265 : vector<1x16xf32> to vector<16xf32>
      %swap3A_267 = vector.shape_cast %broadcast_in_dim3A_262 : vector<16xf32> to vector<1x16xf32>
      tpu.vector_store %arg8[%swap3A_263, %swap3A_264], %swap3A_267 {strides = array<i32>} : memref<80x128xf32, #tpu.memory_space<vmem>>, vector<1x16xf32>,
      %broadcast_in_dim3A_268 = arith.constant 0.000000e+00 : f32
      %broadcast_in_dim3A_269 = vector.broadcast %broadcast_in_dim3A_268 : f32 to vector<16xf32>
      %swap3A_270 = arith.index_cast %add3A_255 : i32 to index
      %swap3A_271 = arith.constant 32 : index
      %swap3A_272 = tpu.vector_load %arg8[%swap3A_270, %swap3A_271] {strides = array<i32>} : memref<80x128xf32, #tpu.memory_space<vmem>>, vector<1x16xf32>,
      %swap3A_273 = vector.shape_cast %swap3A_272 : vector<1x16xf32> to vector<16xf32>
      %swap3A_274 = vector.shape_cast %broadcast_in_dim3A_269 : vector<16xf32> to vector<1x16xf32>
      tpu.vector_store %arg8[%swap3A_270, %swap3A_271], %swap3A_274 {strides = array<i32>} : memref<80x128xf32, #tpu.memory_space<vmem>>, vector<1x16xf32>,
      %broadcast_in_dim3A_275 = arith.constant 0.000000e+00 : f32
      %broadcast_in_dim3A_276 = vector.broadcast %broadcast_in_dim3A_275 : f32 to vector<16xf32>
      %swap3A_277 = arith.index_cast %add3A_255 : i32 to index
      %swap3A_278 = arith.constant 48 : index
      %swap3A_279 = tpu.vector_load %arg8[%swap3A_277, %swap3A_278] {strides = array<i32>} : memref<80x128xf32, #tpu.memory_space<vmem>>, vector<1x16xf32>,
      %swap3A_280 = vector.shape_cast %swap3A_279 : vector<1x16xf32> to vector<16xf32>
      %swap3A_281 = vector.shape_cast %broadcast_in_dim3A_276 : vector<16xf32> to vector<1x16xf32>
      tpu.vector_store %arg8[%swap3A_277, %swap3A_278], %swap3A_281 {strides = array<i32>} : memref<80x128xf32, #tpu.memory_space<vmem>>, vector<1x16xf32>,
      %broadcast_in_dim3A_282 = arith.constant 0.000000e+00 : f32
      %broadcast_in_dim3A_283 = vector.broadcast %broadcast_in_dim3A_282 : f32 to vector<16xf32>
      %swap3A_284 = arith.index_cast %add3A_255 : i32 to index
      %swap3A_285 = arith.constant 64 : index
      %swap3A_286 = tpu.vector_load %arg8[%swap3A_284, %swap3A_285] {strides = array<i32>} : memref<80x128xf32, #tpu.memory_space<vmem>>, vector<1x16xf32>,
      %swap3A_287 = vector.shape_cast %swap3A_286 : vector<1x16xf32> to vector<16xf32>
      %swap3A_288 = vector.shape_cast %broadcast_in_dim3A_283 : vector<16xf32> to vector<1x16xf32>
      tpu.vector_store %arg8[%swap3A_284, %swap3A_285], %swap3A_288 {strides = array<i32>} : memref<80x128xf32, #tpu.memory_space<vmem>>, vector<1x16xf32>,
      %broadcast_in_dim3A_289 = arith.constant 0.000000e+00 : f32
      %broadcast_in_dim3A_290 = vector.broadcast %broadcast_in_dim3A_289 : f32 to vector<16xf32>
      %swap3A_291 = arith.index_cast %add3A_255 : i32 to index
      %swap3A_292 = arith.constant 80 : index
      %swap3A_293 = tpu.vector_load %arg8[%swap3A_291, %swap3A_292] {strides = array<i32>} : memref<80x128xf32, #tpu.memory_space<vmem>>, vector<1x16xf32>,
      %swap3A_294 = vector.shape_cast %swap3A_293 : vector<1x16xf32> to vector<16xf32>
      %swap3A_295 = vector.shape_cast %broadcast_in_dim3A_290 : vector<16xf32> to vector<1x16xf32>
      tpu.vector_store %arg8[%swap3A_291, %swap3A_292], %swap3A_295 {strides = array<i32>} : memref<80x128xf32, #tpu.memory_space<vmem>>, vector<1x16xf32>,
      %broadcast_in_dim3A_296 = arith.constant 0.000000e+00 : f32
      %broadcast_in_dim3A_297 = vector.broadcast %broadcast_in_dim3A_296 : f32 to vector<16xf32>
      %swap3A_298 = arith.index_cast %add3A_255 : i32 to index
      %swap3A_299 = arith.constant 96 : index
      %swap3A_300 = tpu.vector_load %arg8[%swap3A_298, %swap3A_299] {strides = array<i32>} : memref<80x128xf32, #tpu.memory_space<vmem>>, vector<1x16xf32>,
      %swap3A_301 = vector.shape_cast %swap3A_300 : vector<1x16xf32> to vector<16xf32>
      %swap3A_302 = vector.shape_cast %broadcast_in_dim3A_297 : vector<16xf32> to vector<1x16xf32>
      tpu.vector_store %arg8[%swap3A_298, %swap3A_299], %swap3A_302 {strides = array<i32>} : memref<80x128xf32, #tpu.memory_space<vmem>>, vector<1x16xf32>,
      %broadcast_in_dim3A_303 = arith.constant 0.000000e+00 : f32
      %broadcast_in_dim3A_304 = vector.broadcast %broadcast_in_dim3A_303 : f32 to vector<16xf32>
      %swap3A_305 = arith.index_cast %add3A_255 : i32 to index
      %swap3A_306 = arith.constant 112 : index
      %swap3A_307 = tpu.vector_load %arg8[%swap3A_305, %swap3A_306] {strides = array<i32>} : memref<80x128xf32, #tpu.memory_space<vmem>>, vector<1x16xf32>,
      %swap3A_308 = vector.shape_cast %swap3A_307 : vector<1x16xf32> to vector<16xf32>
      %swap3A_309 = vector.shape_cast %broadcast_in_dim3A_304 : vector<16xf32> to vector<1x16xf32>
      tpu.vector_store %arg8[%swap3A_305, %swap3A_306], %swap3A_309 {strides = array<i32>} : memref<80x128xf32, #tpu.memory_space<vmem>>, vector<1x16xf32>,
    }
    %scan3A_21 = arith.constant 80 : i32
    %mul3A_22 = arith.constant 640 : i32
    %mul3A_23 = arith.muli %arg1, %mul3A_22 : i32
    %add3A_24 = arith.constant 0 : i32
    %add3A_25 = arith.addi %mul3A_23, %add3A_24 : i32
    "tpu.region"() ({
      %run_scoped3A_251 = tpu.sem_alloc : memref<!tpu.dma_semaphore, #tpu.memory_space<semaphore_mem>>
      %dma_start3A_252 = arith.constant 0 : i32
      %dma_start3A_253 = tpu.memref_slice %arg11[%add3A_25, %dma_start3A_252] : memref<10240x128xf32, #tpu.memory_space<vmem_shared>> -> memref<80x128xf32, #tpu.memory_space<vmem_shared>>
      %dma_start3A_254 = arith.constant 0 : i32
      %dma_start3A_255 = tpu.memref_slice %arg11[%add3A_25, %dma_start3A_254] : memref<10240x128xf32, #tpu.memory_space<vmem_shared>> -> memref<80x128xf32, #tpu.memory_space<vmem_shared>>
      tpu.enqueue_dma source(%arg8 : memref<80x128xf32, #tpu.memory_space<vmem>>) target(%dma_start3A_255 : memref<80x128xf32, #tpu.memory_space<vmem_shared>>) target_semaphore(%run_scoped3A_251 : memref<!tpu.dma_semaphore, #tpu.memory_space<semaphore_mem>>)
      %dma_wait3A_256 = arith.constant 0 : i32
      %dma_wait3A_257 = tpu.memref_slice %arg11[%add3A_25, %dma_wait3A_256] : memref<10240x128xf32, #tpu.memory_space<vmem_shared>> -> memref<80x128xf32, #tpu.memory_space<vmem_shared>>
      %dma_wait3A_258 = arith.constant 0 : i32
      %dma_wait3A_259 = tpu.memref_slice %arg11[%add3A_25, %dma_wait3A_258] : memref<10240x128xf32, #tpu.memory_space<vmem_shared>> -> memref<80x128xf32, #tpu.memory_space<vmem_shared>>
      tpu.wait_dma2 semaphore(%run_scoped3A_251 : memref<!tpu.dma_semaphore, #tpu.memory_space<semaphore_mem>>) src(%arg8 : memref<80x128xf32, #tpu.memory_space<vmem>>) dst(%dma_wait3A_259 : memref<80x128xf32, #tpu.memory_space<vmem_shared>>)
      tpu.yield
    }) : () -> ()
    %mul3A_26 = arith.constant 640 : i32
    %mul3A_27 = arith.muli %arg1, %mul3A_26 : i32
    %add3A_28 = arith.constant 80 : i32
    %add3A_29 = arith.addi %mul3A_27, %add3A_28 : i32
    "tpu.region"() ({
      %run_scoped3A_251 = tpu.sem_alloc : memref<!tpu.dma_semaphore, #tpu.memory_space<semaphore_mem>>
      %dma_start3A_252 = arith.constant 0 : i32
      %dma_start3A_253 = tpu.memref_slice %arg11[%add3A_29, %dma_start3A_252] : memref<10240x128xf32, #tpu.memory_space<vmem_shared>> -> memref<80x128xf32, #tpu.memory_space<vmem_shared>>
      %dma_start3A_254 = arith.constant 0 : i32
      %dma_start3A_255 = tpu.memref_slice %arg11[%add3A_29, %dma_start3A_254] : memref<10240x128xf32, #tpu.memory_space<vmem_shared>> -> memref<80x128xf32, #tpu.memory_space<vmem_shared>>
      tpu.enqueue_dma source(%arg8 : memref<80x128xf32, #tpu.memory_space<vmem>>) target(%dma_start3A_255 : memref<80x128xf32, #tpu.memory_space<vmem_shared>>) target_semaphore(%run_scoped3A_251 : memref<!tpu.dma_semaphore, #tpu.memory_space<semaphore_mem>>)
      %dma_wait3A_256 = arith.constant 0 : i32
      %dma_wait3A_257 = tpu.memref_slice %arg11[%add3A_29, %dma_wait3A_256] : memref<10240x128xf32, #tpu.memory_space<vmem_shared>> -> memref<80x128xf32, #tpu.memory_space<vmem_shared>>
      %dma_wait3A_258 = arith.constant 0 : i32
      %dma_wait3A_259 = tpu.memref_slice %arg11[%add3A_29, %dma_wait3A_258] : memref<10240x128xf32, #tpu.memory_space<vmem_shared>> -> memref<80x128xf32, #tpu.memory_space<vmem_shared>>
      tpu.wait_dma2 semaphore(%run_scoped3A_251 : memref<!tpu.dma_semaphore, #tpu.memory_space<semaphore_mem>>) src(%arg8 : memref<80x128xf32, #tpu.memory_space<vmem>>) dst(%dma_wait3A_259 : memref<80x128xf32, #tpu.memory_space<vmem_shared>>)
      tpu.yield
    }) : () -> ()
    %mul3A_30 = arith.constant 640 : i32
    %mul3A_31 = arith.muli %arg1, %mul3A_30 : i32
    %add3A_32 = arith.constant 160 : i32
    %add3A_33 = arith.addi %mul3A_31, %add3A_32 : i32
    "tpu.region"() ({
      %run_scoped3A_251 = tpu.sem_alloc : memref<!tpu.dma_semaphore, #tpu.memory_space<semaphore_mem>>
      %dma_start3A_252 = arith.constant 0 : i32
      %dma_start3A_253 = tpu.memref_slice %arg11[%add3A_33, %dma_start3A_252] : memref<10240x128xf32, #tpu.memory_space<vmem_shared>> -> memref<80x128xf32, #tpu.memory_space<vmem_shared>>
      %dma_start3A_254 = arith.constant 0 : i32
      %dma_start3A_255 = tpu.memref_slice %arg11[%add3A_33, %dma_start3A_254] : memref<10240x128xf32, #tpu.memory_space<vmem_shared>> -> memref<80x128xf32, #tpu.memory_space<vmem_shared>>
      tpu.enqueue_dma source(%arg8 : memref<80x128xf32, #tpu.memory_space<vmem>>) target(%dma_start3A_255 : memref<80x128xf32, #tpu.memory_space<vmem_shared>>) target_semaphore(%run_scoped3A_251 : memref<!tpu.dma_semaphore, #tpu.memory_space<semaphore_mem>>)
      %dma_wait3A_256 = arith.constant 0 : i32
      %dma_wait3A_257 = tpu.memref_slice %arg11[%add3A_33, %dma_wait3A_256] : memref<10240x128xf32, #tpu.memory_space<vmem_shared>> -> memref<80x128xf32, #tpu.memory_space<vmem_shared>>
      %dma_wait3A_258 = arith.constant 0 : i32
      %dma_wait3A_259 = tpu.memref_slice %arg11[%add3A_33, %dma_wait3A_258] : memref<10240x128xf32, #tpu.memory_space<vmem_shared>> -> memref<80x128xf32, #tpu.memory_space<vmem_shared>>
      tpu.wait_dma2 semaphore(%run_scoped3A_251 : memref<!tpu.dma_semaphore, #tpu.memory_space<semaphore_mem>>) src(%arg8 : memref<80x128xf32, #tpu.memory_space<vmem>>) dst(%dma_wait3A_259 : memref<80x128xf32, #tpu.memory_space<vmem_shared>>)
      tpu.yield
    }) : () -> ()
    %mul3A_34 = arith.constant 640 : i32
    %mul3A_35 = arith.muli %arg1, %mul3A_34 : i32
    %add3A_36 = arith.constant 240 : i32
    %add3A_37 = arith.addi %mul3A_35, %add3A_36 : i32
    "tpu.region"() ({
      %run_scoped3A_251 = tpu.sem_alloc : memref<!tpu.dma_semaphore, #tpu.memory_space<semaphore_mem>>
      %dma_start3A_252 = arith.constant 0 : i32
      %dma_start3A_253 = tpu.memref_slice %arg11[%add3A_37, %dma_start3A_252] : memref<10240x128xf32, #tpu.memory_space<vmem_shared>> -> memref<80x128xf32, #tpu.memory_space<vmem_shared>>
      %dma_start3A_254 = arith.constant 0 : i32
      %dma_start3A_255 = tpu.memref_slice %arg11[%add3A_37, %dma_start3A_254] : memref<10240x128xf32, #tpu.memory_space<vmem_shared>> -> memref<80x128xf32, #tpu.memory_space<vmem_shared>>
      tpu.enqueue_dma source(%arg8 : memref<80x128xf32, #tpu.memory_space<vmem>>) target(%dma_start3A_255 : memref<80x128xf32, #tpu.memory_space<vmem_shared>>) target_semaphore(%run_scoped3A_251 : memref<!tpu.dma_semaphore, #tpu.memory_space<semaphore_mem>>)
      %dma_wait3A_256 = arith.constant 0 : i32
      %dma_wait3A_257 = tpu.memref_slice %arg11[%add3A_37, %dma_wait3A_256] : memref<10240x128xf32, #tpu.memory_space<vmem_shared>> -> memref<80x128xf32, #tpu.memory_space<vmem_shared>>
      %dma_wait3A_258 = arith.constant 0 : i32
      %dma_wait3A_259 = tpu.memref_slice %arg11[%add3A_37, %dma_wait3A_258] : memref<10240x128xf32, #tpu.memory_space<vmem_shared>> -> memref<80x128xf32, #tpu.memory_space<vmem_shared>>
      tpu.wait_dma2 semaphore(%run_scoped3A_251 : memref<!tpu.dma_semaphore, #tpu.memory_space<semaphore_mem>>) src(%arg8 : memref<80x128xf32, #tpu.memory_space<vmem>>) dst(%dma_wait3A_259 : memref<80x128xf32, #tpu.memory_space<vmem_shared>>)
      tpu.yield
    }) : () -> ()
    %mul3A_38 = arith.constant 640 : i32
    %mul3A_39 = arith.muli %arg1, %mul3A_38 : i32
    %add3A_40 = arith.constant 320 : i32
    %add3A_41 = arith.addi %mul3A_39, %add3A_40 : i32
    "tpu.region"() ({
      %run_scoped3A_251 = tpu.sem_alloc : memref<!tpu.dma_semaphore, #tpu.memory_space<semaphore_mem>>
      %dma_start3A_252 = arith.constant 0 : i32
      %dma_start3A_253 = tpu.memref_slice %arg11[%add3A_41, %dma_start3A_252] : memref<10240x128xf32, #tpu.memory_space<vmem_shared>> -> memref<80x128xf32, #tpu.memory_space<vmem_shared>>
      %dma_start3A_254 = arith.constant 0 : i32
      %dma_start3A_255 = tpu.memref_slice %arg11[%add3A_41, %dma_start3A_254] : memref<10240x128xf32, #tpu.memory_space<vmem_shared>> -> memref<80x128xf32, #tpu.memory_space<vmem_shared>>
      tpu.enqueue_dma source(%arg8 : memref<80x128xf32, #tpu.memory_space<vmem>>) target(%dma_start3A_255 : memref<80x128xf32, #tpu.memory_space<vmem_shared>>) target_semaphore(%run_scoped3A_251 : memref<!tpu.dma_semaphore, #tpu.memory_space<semaphore_mem>>)
      %dma_wait3A_256 = arith.constant 0 : i32
      %dma_wait3A_257 = tpu.memref_slice %arg11[%add3A_41, %dma_wait3A_256] : memref<10240x128xf32, #tpu.memory_space<vmem_shared>> -> memref<80x128xf32, #tpu.memory_space<vmem_shared>>
      %dma_wait3A_258 = arith.constant 0 : i32
      %dma_wait3A_259 = tpu.memref_slice %arg11[%add3A_41, %dma_wait3A_258] : memref<10240x128xf32, #tpu.memory_space<vmem_shared>> -> memref<80x128xf32, #tpu.memory_space<vmem_shared>>
      tpu.wait_dma2 semaphore(%run_scoped3A_251 : memref<!tpu.dma_semaphore, #tpu.memory_space<semaphore_mem>>) src(%arg8 : memref<80x128xf32, #tpu.memory_space<vmem>>) dst(%dma_wait3A_259 : memref<80x128xf32, #tpu.memory_space<vmem_shared>>)
      tpu.yield
    }) : () -> ()
    %mul3A_42 = arith.constant 640 : i32
    %mul3A_43 = arith.muli %arg1, %mul3A_42 : i32
    %add3A_44 = arith.constant 400 : i32
    %add3A_45 = arith.addi %mul3A_43, %add3A_44 : i32
    "tpu.region"() ({
      %run_scoped3A_251 = tpu.sem_alloc : memref<!tpu.dma_semaphore, #tpu.memory_space<semaphore_mem>>
      %dma_start3A_252 = arith.constant 0 : i32
      %dma_start3A_253 = tpu.memref_slice %arg11[%add3A_45, %dma_start3A_252] : memref<10240x128xf32, #tpu.memory_space<vmem_shared>> -> memref<80x128xf32, #tpu.memory_space<vmem_shared>>
      %dma_start3A_254 = arith.constant 0 : i32
      %dma_start3A_255 = tpu.memref_slice %arg11[%add3A_45, %dma_start3A_254] : memref<10240x128xf32, #tpu.memory_space<vmem_shared>> -> memref<80x128xf32, #tpu.memory_space<vmem_shared>>
      tpu.enqueue_dma source(%arg8 : memref<80x128xf32, #tpu.memory_space<vmem>>) target(%dma_start3A_255 : memref<80x128xf32, #tpu.memory_space<vmem_shared>>) target_semaphore(%run_scoped3A_251 : memref<!tpu.dma_semaphore, #tpu.memory_space<semaphore_mem>>)
      %dma_wait3A_256 = arith.constant 0 : i32
      %dma_wait3A_257 = tpu.memref_slice %arg11[%add3A_45, %dma_wait3A_256] : memref<10240x128xf32, #tpu.memory_space<vmem_shared>> -> memref<80x128xf32, #tpu.memory_space<vmem_shared>>
      %dma_wait3A_258 = arith.constant 0 : i32
      %dma_wait3A_259 = tpu.memref_slice %arg11[%add3A_45, %dma_wait3A_258] : memref<10240x128xf32, #tpu.memory_space<vmem_shared>> -> memref<80x128xf32, #tpu.memory_space<vmem_shared>>
      tpu.wait_dma2 semaphore(%run_scoped3A_251 : memref<!tpu.dma_semaphore, #tpu.memory_space<semaphore_mem>>) src(%arg8 : memref<80x128xf32, #tpu.memory_space<vmem>>) dst(%dma_wait3A_259 : memref<80x128xf32, #tpu.memory_space<vmem_shared>>)
      tpu.yield
    }) : () -> ()
    %mul3A_46 = arith.constant 640 : i32
    %mul3A_47 = arith.muli %arg1, %mul3A_46 : i32
    %add3A_48 = arith.constant 480 : i32
    %add3A_49 = arith.addi %mul3A_47, %add3A_48 : i32
    "tpu.region"() ({
      %run_scoped3A_251 = tpu.sem_alloc : memref<!tpu.dma_semaphore, #tpu.memory_space<semaphore_mem>>
      %dma_start3A_252 = arith.constant 0 : i32
      %dma_start3A_253 = tpu.memref_slice %arg11[%add3A_49, %dma_start3A_252] : memref<10240x128xf32, #tpu.memory_space<vmem_shared>> -> memref<80x128xf32, #tpu.memory_space<vmem_shared>>
      %dma_start3A_254 = arith.constant 0 : i32
      %dma_start3A_255 = tpu.memref_slice %arg11[%add3A_49, %dma_start3A_254] : memref<10240x128xf32, #tpu.memory_space<vmem_shared>> -> memref<80x128xf32, #tpu.memory_space<vmem_shared>>
      tpu.enqueue_dma source(%arg8 : memref<80x128xf32, #tpu.memory_space<vmem>>) target(%dma_start3A_255 : memref<80x128xf32, #tpu.memory_space<vmem_shared>>) target_semaphore(%run_scoped3A_251 : memref<!tpu.dma_semaphore, #tpu.memory_space<semaphore_mem>>)
      %dma_wait3A_256 = arith.constant 0 : i32
      %dma_wait3A_257 = tpu.memref_slice %arg11[%add3A_49, %dma_wait3A_256] : memref<10240x128xf32, #tpu.memory_space<vmem_shared>> -> memref<80x128xf32, #tpu.memory_space<vmem_shared>>
      %dma_wait3A_258 = arith.constant 0 : i32
      %dma_wait3A_259 = tpu.memref_slice %arg11[%add3A_49, %dma_wait3A_258] : memref<10240x128xf32, #tpu.memory_space<vmem_shared>> -> memref<80x128xf32, #tpu.memory_space<vmem_shared>>
      tpu.wait_dma2 semaphore(%run_scoped3A_251 : memref<!tpu.dma_semaphore, #tpu.memory_space<semaphore_mem>>) src(%arg8 : memref<80x128xf32, #tpu.memory_space<vmem>>) dst(%dma_wait3A_259 : memref<80x128xf32, #tpu.memory_space<vmem_shared>>)
      tpu.yield
    }) : () -> ()
    %mul3A_50 = arith.constant 640 : i32
    %mul3A_51 = arith.muli %arg1, %mul3A_50 : i32
    %add3A_52 = arith.constant 560 : i32
    %add3A_53 = arith.addi %mul3A_51, %add3A_52 : i32
    "tpu.region"() ({
      %run_scoped3A_251 = tpu.sem_alloc : memref<!tpu.dma_semaphore, #tpu.memory_space<semaphore_mem>>
      %dma_start3A_252 = arith.constant 0 : i32
      %dma_start3A_253 = tpu.memref_slice %arg11[%add3A_53, %dma_start3A_252] : memref<10240x128xf32, #tpu.memory_space<vmem_shared>> -> memref<80x128xf32, #tpu.memory_space<vmem_shared>>
      %dma_start3A_254 = arith.constant 0 : i32
      %dma_start3A_255 = tpu.memref_slice %arg11[%add3A_53, %dma_start3A_254] : memref<10240x128xf32, #tpu.memory_space<vmem_shared>> -> memref<80x128xf32, #tpu.memory_space<vmem_shared>>
      tpu.enqueue_dma source(%arg8 : memref<80x128xf32, #tpu.memory_space<vmem>>) target(%dma_start3A_255 : memref<80x128xf32, #tpu.memory_space<vmem_shared>>) target_semaphore(%run_scoped3A_251 : memref<!tpu.dma_semaphore, #tpu.memory_space<semaphore_mem>>)
      %dma_wait3A_256 = arith.constant 0 : i32
      %dma_wait3A_257 = tpu.memref_slice %arg11[%add3A_53, %dma_wait3A_256] : memref<10240x128xf32, #tpu.memory_space<vmem_shared>> -> memref<80x128xf32, #tpu.memory_space<vmem_shared>>
      %dma_wait3A_258 = arith.constant 0 : i32
      %dma_wait3A_259 = tpu.memref_slice %arg11[%add3A_53, %dma_wait3A_258] : memref<10240x128xf32, #tpu.memory_space<vmem_shared>> -> memref<80x128xf32, #tpu.memory_space<vmem_shared>>
      tpu.wait_dma2 semaphore(%run_scoped3A_251 : memref<!tpu.dma_semaphore, #tpu.memory_space<semaphore_mem>>) src(%arg8 : memref<80x128xf32, #tpu.memory_space<vmem>>) dst(%dma_wait3A_259 : memref<80x128xf32, #tpu.memory_space<vmem_shared>>)
      tpu.yield
    }) : () -> ()
    %dma_wait3A = arith.constant 1 : i32
    %dma_wait3A_54 = arith.constant 0 : i32
    %dma_wait3A_55 = arith.constant 0 : i32
    %dma_wait3A_56 = tpu.memref_slice %arg3[%dma_wait3A, %add3A, %dma_wait3A_54, %dma_wait3A_55] : memref<2x32x125x80xi32, #tpu.memory_space<hbm>> -> memref<1x1x125x80xi32, #tpu.memory_space<hbm>>
    %dma_wait3A_57 = tpu.memref_squeeze %dma_wait3A_56 : memref<1x1x125x80xi32, #tpu.memory_space<hbm>> -> memref<125x80xi32, #tpu.memory_space<hbm>>
    %dma_wait3A_58 = arith.constant 0 : i32
    %dma_wait3A_59 = arith.constant 0 : i32
    %dma_wait3A_60 = tpu.memref_slice %arg3[%dma_wait3A, %add3A, %dma_wait3A_58, %dma_wait3A_59] : memref<2x32x125x80xi32, #tpu.memory_space<hbm>> -> memref<1x1x125x80xi32, #tpu.memory_space<hbm>>
    %dma_wait3A_61 = tpu.memref_squeeze %dma_wait3A_60 : memref<1x1x125x80xi32, #tpu.memory_space<hbm>> -> memref<125x80xi32, #tpu.memory_space<hbm>>
    tpu.wait_dma2 semaphore(%arg9 : memref<!tpu.dma_semaphore, #tpu.memory_space<semaphore_mem>>) src(%dma_wait3A_61 : memref<125x80xi32, #tpu.memory_space<hbm>>) dst(%arg5 : memref<125x80xi32, #tpu.memory_space<vmem>>)
    %dma_wait3A_62 = arith.constant 0 : i32
    %dma_wait3A_63 = arith.constant 0 : i32
    %dma_wait3A_64 = arith.constant 0 : i32
    %dma_wait3A_65 = tpu.memref_slice %arg3[%dma_wait3A_62, %add3A, %dma_wait3A_63, %dma_wait3A_64] : memref<2x32x125x80xi32, #tpu.memory_space<hbm>> -> memref<1x1x125x80xi32, #tpu.memory_space<hbm>>
    %dma_wait3A_66 = tpu.memref_squeeze %dma_wait3A_65 : memref<1x1x125x80xi32, #tpu.memory_space<hbm>> -> memref<125x80xi32, #tpu.memory_space<hbm>>
    %dma_wait3A_67 = arith.constant 0 : i32
    %dma_wait3A_68 = arith.constant 0 : i32
    %dma_wait3A_69 = tpu.memref_slice %arg3[%dma_wait3A_62, %add3A, %dma_wait3A_67, %dma_wait3A_68] : memref<2x32x125x80xi32, #tpu.memory_space<hbm>> -> memref<1x1x125x80xi32, #tpu.memory_space<hbm>>
    %dma_wait3A_70 = tpu.memref_squeeze %dma_wait3A_69 : memref<1x1x125x80xi32, #tpu.memory_space<hbm>> -> memref<125x80xi32, #tpu.memory_space<hbm>>
    tpu.wait_dma2 semaphore(%arg10 : memref<!tpu.dma_semaphore, #tpu.memory_space<semaphore_mem>>) src(%dma_wait3A_70 : memref<125x80xi32, #tpu.memory_space<hbm>>) dst(%arg6 : memref<125x80xi32, #tpu.memory_space<vmem>>)
    %barrier3A = arith.constant 0 : index
    tpu.barrier barrier_id(%barrier3A)
    %dma_start3A_71 = arith.constant 0 : i32
    %dma_start3A_72 = arith.constant 0 : i32
    %dma_start3A_73 = tpu.memref_slice %arg5[%dma_start3A_71, %dma_start3A_72] : memref<125x80xi32, #tpu.memory_space<vmem>> -> memref<1x80xi32, #tpu.memory_space<vmem>>
    %dma_start3A_74 = tpu.memref_squeeze %dma_start3A_73 : memref<1x80xi32, #tpu.memory_space<vmem>> -> memref<80xi32, #tpu.memory_space<vmem>>
    %dma_start3A_75 = arith.constant 0 : i32
    %dma_start3A_76 = arith.constant 0 : i32
    %dma_start3A_77 = tpu.memref_slice %arg2[%dma_start3A_75, %dma_start3A_76] : memref<10240x128xf32, #tpu.memory_space<hbm>> -> memref<10240x128xf32, #tpu.memory_space<hbm>>
    tpu.enqueue_indirect_dma source(%dma_start3A_77 : memref<10240x128xf32, #tpu.memory_space<hbm>>) target(%arg7 : memref<80x128xf32, #tpu.memory_space<vmem>>) offsets(%dma_start3A_74 : memref<80xi32, #tpu.memory_space<vmem>>) semaphore(%arg9 : memref<!tpu.dma_semaphore, #tpu.memory_space<semaphore_mem>>)
    %scan3A_78 = arith.constant 0 : i32
    %scan3A_79 = arith.constant 62 : i32
    %scan3A_80 = arith.addi %scan3A_78, %scan3A_79 : i32
    %scan3A_81 = arith.constant 1 : i32
    scf.for %scan3A_251 = %scan3A_78 to %scan3A_80 step %scan3A_81  : i32 {
      %mul3A_252 = arith.constant 2 : i32
      %mul3A_253 = arith.muli %scan3A_251, %mul3A_252 : i32
      %add3A_254 = arith.constant 0 : i32
      %add3A_255 = arith.addi %add3A_254, %mul3A_253 : i32
      %add3A_256 = arith.constant 1 : i32
      %add3A_257 = arith.addi %add3A_255, %add3A_256 : i32
      %dma_start3A_258 = arith.constant 0 : i32
      %dma_start3A_259 = tpu.memref_slice %arg5[%add3A_257, %dma_start3A_258] : memref<125x80xi32, #tpu.memory_space<vmem>> -> memref<1x80xi32, #tpu.memory_space<vmem>>
      %dma_start3A_260 = tpu.memref_squeeze %dma_start3A_259 : memref<1x80xi32, #tpu.memory_space<vmem>> -> memref<80xi32, #tpu.memory_space<vmem>>
      %dma_start3A_261 = arith.constant 0 : i32
      %dma_start3A_262 = arith.constant 0 : i32
      %dma_start3A_263 = tpu.memref_slice %arg2[%dma_start3A_261, %dma_start3A_262] : memref<10240x128xf32, #tpu.memory_space<hbm>> -> memref<10240x128xf32, #tpu.memory_space<hbm>>
      tpu.enqueue_indirect_dma source(%dma_start3A_263 : memref<10240x128xf32, #tpu.memory_space<hbm>>) target(%arg8 : memref<80x128xf32, #tpu.memory_space<vmem>>) offsets(%dma_start3A_260 : memref<80xi32, #tpu.memory_space<vmem>>) semaphore(%arg10 : memref<!tpu.dma_semaphore, #tpu.memory_space<semaphore_mem>>)
      %dma_wait3A_264 = arith.constant 0 : i32
      %dma_wait3A_265 = tpu.memref_slice %arg5[%add3A_255, %dma_wait3A_264] : memref<125x80xi32, #tpu.memory_space<vmem>> -> memref<1x80xi32, #tpu.memory_space<vmem>>
      %dma_wait3A_266 = tpu.memref_squeeze %dma_wait3A_265 : memref<1x80xi32, #tpu.memory_space<vmem>> -> memref<80xi32, #tpu.memory_space<vmem>>
      %dma_wait3A_267 = arith.constant 0 : i32
      %dma_wait3A_268 = arith.constant 0 : i32
      %dma_wait3A_269 = tpu.memref_slice %arg2[%dma_wait3A_267, %dma_wait3A_268] : memref<10240x128xf32, #tpu.memory_space<hbm>> -> memref<10240x128xf32, #tpu.memory_space<hbm>>
      tpu.wait_indirect_dma semaphore(%arg9 : memref<!tpu.dma_semaphore, #tpu.memory_space<semaphore_mem>>) src(%dma_wait3A_269 : memref<10240x128xf32, #tpu.memory_space<hbm>>) dst(%arg7 : memref<80x128xf32, #tpu.memory_space<vmem>>)
      "tpu.region"() ({
        %run_scoped3A_288 = tpu.sem_alloc : memref<!tpu.dma_semaphore, #tpu.memory_space<semaphore_mem>>
        %dma_start3A_289 = arith.constant 0 : i32
        %dma_start3A_290 = tpu.memref_slice %arg6[%add3A_255, %dma_start3A_289] : memref<125x80xi32, #tpu.memory_space<vmem>> -> memref<1x80xi32, #tpu.memory_space<vmem>>
        %dma_start3A_291 = tpu.memref_squeeze %dma_start3A_290 : memref<1x80xi32, #tpu.memory_space<vmem>> -> memref<80xi32, #tpu.memory_space<vmem>>
        %dma_start3A_292 = arith.constant 0 : i32
        %dma_start3A_293 = arith.constant 0 : i32
        %dma_start3A_294 = tpu.memref_slice %arg11[%dma_start3A_292, %dma_start3A_293] : memref<10240x128xf32, #tpu.memory_space<vmem_shared>> -> memref<10240x128xf32, #tpu.memory_space<vmem_shared>>
        tpu.enqueue_indirect_dma source(%arg7 : memref<80x128xf32, #tpu.memory_space<vmem>>) target(%dma_start3A_294 : memref<10240x128xf32, #tpu.memory_space<vmem_shared>>) offsets(%dma_start3A_291 : memref<80xi32, #tpu.memory_space<vmem>>) semaphore(%run_scoped3A_288 : memref<!tpu.dma_semaphore, #tpu.memory_space<semaphore_mem>>) {add = true}
        %dma_wait3A_295 = arith.constant 0 : i32
        %dma_wait3A_296 = tpu.memref_slice %arg6[%add3A_255, %dma_wait3A_295] : memref<125x80xi32, #tpu.memory_space<vmem>> -> memref<1x80xi32, #tpu.memory_space<vmem>>
        %dma_wait3A_297 = tpu.memref_squeeze %dma_wait3A_296 : memref<1x80xi32, #tpu.memory_space<vmem>> -> memref<80xi32, #tpu.memory_space<vmem>>
        %dma_wait3A_298 = arith.constant 0 : i32
        %dma_wait3A_299 = arith.constant 0 : i32
        %dma_wait3A_300 = tpu.memref_slice %arg11[%dma_wait3A_298, %dma_wait3A_299] : memref<10240x128xf32, #tpu.memory_space<vmem_shared>> -> memref<10240x128xf32, #tpu.memory_space<vmem_shared>>
        tpu.wait_indirect_dma semaphore(%run_scoped3A_288 : memref<!tpu.dma_semaphore, #tpu.memory_space<semaphore_mem>>) src(%arg7 : memref<80x128xf32, #tpu.memory_space<vmem>>) dst(%dma_wait3A_300 : memref<10240x128xf32, #tpu.memory_space<vmem_shared>>)
        tpu.yield
      }) : () -> ()
      %add3A_270 = arith.constant 2 : i32
      %add3A_271 = arith.addi %add3A_255, %add3A_270 : i32
      %dma_start3A_272 = arith.constant 0 : i32
      %dma_start3A_273 = tpu.memref_slice %arg5[%add3A_271, %dma_start3A_272] : memref<125x80xi32, #tpu.memory_space<vmem>> -> memref<1x80xi32, #tpu.memory_space<vmem>>
      %dma_start3A_274 = tpu.memref_squeeze %dma_start3A_273 : memref<1x80xi32, #tpu.memory_space<vmem>> -> memref<80xi32, #tpu.memory_space<vmem>>
      %dma_start3A_275 = arith.constant 0 : i32
      %dma_start3A_276 = arith.constant 0 : i32
      %dma_start3A_277 = tpu.memref_slice %arg2[%dma_start3A_275, %dma_start3A_276] : memref<10240x128xf32, #tpu.memory_space<hbm>> -> memref<10240x128xf32, #tpu.memory_space<hbm>>
      tpu.enqueue_indirect_dma source(%dma_start3A_277 : memref<10240x128xf32, #tpu.memory_space<hbm>>) target(%arg7 : memref<80x128xf32, #tpu.memory_space<vmem>>) offsets(%dma_start3A_274 : memref<80xi32, #tpu.memory_space<vmem>>) semaphore(%arg9 : memref<!tpu.dma_semaphore, #tpu.memory_space<semaphore_mem>>)
      %add3A_278 = arith.constant 1 : i32
      %add3A_279 = arith.addi %add3A_255, %add3A_278 : i32
      %dma_wait3A_280 = arith.constant 0 : i32
      %dma_wait3A_281 = tpu.memref_slice %arg5[%add3A_279, %dma_wait3A_280] : memref<125x80xi32, #tpu.memory_space<vmem>> -> memref<1x80xi32, #tpu.memory_space<vmem>>
      %dma_wait3A_282 = tpu.memref_squeeze %dma_wait3A_281 : memref<1x80xi32, #tpu.memory_space<vmem>> -> memref<80xi32, #tpu.memory_space<vmem>>
      %dma_wait3A_283 = arith.constant 0 : i32
      %dma_wait3A_284 = arith.constant 0 : i32
      %dma_wait3A_285 = tpu.memref_slice %arg2[%dma_wait3A_283, %dma_wait3A_284] : memref<10240x128xf32, #tpu.memory_space<hbm>> -> memref<10240x128xf32, #tpu.memory_space<hbm>>
      tpu.wait_indirect_dma semaphore(%arg10 : memref<!tpu.dma_semaphore, #tpu.memory_space<semaphore_mem>>) src(%dma_wait3A_285 : memref<10240x128xf32, #tpu.memory_space<hbm>>) dst(%arg8 : memref<80x128xf32, #tpu.memory_space<vmem>>)
      %add3A_286 = arith.constant 1 : i32
      %add3A_287 = arith.addi %add3A_255, %add3A_286 : i32
      "tpu.region"() ({
        %run_scoped3A_288 = tpu.sem_alloc : memref<!tpu.dma_semaphore, #tpu.memory_space<semaphore_mem>>
        %dma_start3A_289 = arith.constant 0 : i32
        %dma_start3A_290 = tpu.memref_slice %arg6[%add3A_287, %dma_start3A_289] : memref<125x80xi32, #tpu.memory_space<vmem>> -> memref<1x80xi32, #tpu.memory_space<vmem>>
        %dma_start3A_291 = tpu.memref_squeeze %dma_start3A_290 : memref<1x80xi32, #tpu.memory_space<vmem>> -> memref<80xi32, #tpu.memory_space<vmem>>
        %dma_start3A_292 = arith.constant 0 : i32
        %dma_start3A_293 = arith.constant 0 : i32
        %dma_start3A_294 = tpu.memref_slice %arg11[%dma_start3A_292, %dma_start3A_293] : memref<10240x128xf32, #tpu.memory_space<vmem_shared>> -> memref<10240x128xf32, #tpu.memory_space<vmem_shared>>
        tpu.enqueue_indirect_dma source(%arg8 : memref<80x128xf32, #tpu.memory_space<vmem>>) target(%dma_start3A_294 : memref<10240x128xf32, #tpu.memory_space<vmem_shared>>) offsets(%dma_start3A_291 : memref<80xi32, #tpu.memory_space<vmem>>) semaphore(%run_scoped3A_288 : memref<!tpu.dma_semaphore, #tpu.memory_space<semaphore_mem>>) {add = true}
        %dma_wait3A_295 = arith.constant 0 : i32
        %dma_wait3A_296 = tpu.memref_slice %arg6[%add3A_287, %dma_wait3A_295] : memref<125x80xi32, #tpu.memory_space<vmem>> -> memref<1x80xi32, #tpu.memory_space<vmem>>
        %dma_wait3A_297 = tpu.memref_squeeze %dma_wait3A_296 : memref<1x80xi32, #tpu.memory_space<vmem>> -> memref<80xi32, #tpu.memory_space<vmem>>
        %dma_wait3A_298 = arith.constant 0 : i32
        %dma_wait3A_299 = arith.constant 0 : i32
        %dma_wait3A_300 = tpu.memref_slice %arg11[%dma_wait3A_298, %dma_wait3A_299] : memref<10240x128xf32, #tpu.memory_space<vmem_shared>> -> memref<10240x128xf32, #tpu.memory_space<vmem_shared>>
        tpu.wait_indirect_dma semaphore(%run_scoped3A_288 : memref<!tpu.dma_semaphore, #tpu.memory_space<semaphore_mem>>) src(%arg8 : memref<80x128xf32, #tpu.memory_space<vmem>>) dst(%dma_wait3A_300 : memref<10240x128xf32, #tpu.memory_space<vmem_shared>>)
        tpu.yield
      }) : () -> ()
    }
    %scan3A_82 = arith.constant 62 : i32
    %dma_wait3A_83 = arith.constant 124 : i32
    %dma_wait3A_84 = arith.constant 0 : i32
    %dma_wait3A_85 = tpu.memref_slice %arg5[%dma_wait3A_83, %dma_wait3A_84] : memref<125x80xi32, #tpu.memory_space<vmem>> -> memref<1x80xi32, #tpu.memory_space<vmem>>
    %dma_wait3A_86 = tpu.memref_squeeze %dma_wait3A_85 : memref<1x80xi32, #tpu.memory_space<vmem>> -> memref<80xi32, #tpu.memory_space<vmem>>
    %dma_wait3A_87 = arith.constant 0 : i32
    %dma_wait3A_88 = arith.constant 0 : i32
    %dma_wait3A_89 = tpu.memref_slice %arg2[%dma_wait3A_87, %dma_wait3A_88] : memref<10240x128xf32, #tpu.memory_space<hbm>> -> memref<10240x128xf32, #tpu.memory_space<hbm>>
    tpu.wait_indirect_dma semaphore(%arg9 : memref<!tpu.dma_semaphore, #tpu.memory_space<semaphore_mem>>) src(%dma_wait3A_89 : memref<10240x128xf32, #tpu.memory_space<hbm>>) dst(%arg7 : memref<80x128xf32, #tpu.memory_space<vmem>>)
    %run_scoped3A = arith.constant 124 : i32
    "tpu.region"() ({
      %run_scoped3A_251 = tpu.sem_alloc : memref<!tpu.dma_semaphore, #tpu.memory_space<semaphore_mem>>
      %dma_start3A_252 = arith.constant 0 : i32
      %dma_start3A_253 = tpu.memref_slice %arg6[%run_scoped3A, %dma_start3A_252] : memref<125x80xi32, #tpu.memory_space<vmem>> -> memref<1x80xi32, #tpu.memory_space<vmem>>
      %dma_start3A_254 = tpu.memref_squeeze %dma_start3A_253 : memref<1x80xi32, #tpu.memory_space<vmem>> -> memref<80xi32, #tpu.memory_space<vmem>>
      %dma_start3A_255 = arith.constant 0 : i32
      %dma_start3A_256 = arith.constant 0 : i32
      %dma_start3A_257 = tpu.memref_slice %arg11[%dma_start3A_255, %dma_start3A_256] : memref<10240x128xf32, #tpu.memory_space<vmem_shared>> -> memref<10240x128xf32, #tpu.memory_space<vmem_shared>>
      tpu.enqueue_indirect_dma source(%arg7 : memref<80x128xf32, #tpu.memory_space<vmem>>) target(%dma_start3A_257 : memref<10240x128xf32, #tpu.memory_space<vmem_shared>>) offsets(%dma_start3A_254 : memref<80xi32, #tpu.memory_space<vmem>>) semaphore(%run_scoped3A_251 : memref<!tpu.dma_semaphore, #tpu.memory_space<semaphore_mem>>) {add = true}
      %dma_wait3A_258 = arith.constant 0 : i32
      %dma_wait3A_259 = tpu.memref_slice %arg6[%run_scoped3A, %dma_wait3A_258] : memref<125x80xi32, #tpu.memory_space<vmem>> -> memref<1x80xi32, #tpu.memory_space<vmem>>
      %dma_wait3A_260 = tpu.memref_squeeze %dma_wait3A_259 : memref<1x80xi32, #tpu.memory_space<vmem>> -> memref<80xi32, #tpu.memory_space<vmem>>
      %dma_wait3A_261 = arith.constant 0 : i32
      %dma_wait3A_262 = arith.constant 0 : i32
      %dma_wait3A_263 = tpu.memref_slice %arg11[%dma_wait3A_261, %dma_wait3A_262] : memref<10240x128xf32, #tpu.memory_space<vmem_shared>> -> memref<10240x128xf32, #tpu.memory_space<vmem_shared>>
      tpu.wait_indirect_dma semaphore(%run_scoped3A_251 : memref<!tpu.dma_semaphore, #tpu.memory_space<semaphore_mem>>) src(%arg7 : memref<80x128xf32, #tpu.memory_space<vmem>>) dst(%dma_wait3A_263 : memref<10240x128xf32, #tpu.memory_space<vmem_shared>>)
      tpu.yield
    }) : () -> ()
    %barrier3A_90 = arith.constant 0 : index
    tpu.barrier barrier_id(%barrier3A_90)
    %mul3A_91 = arith.constant 640 : i32
    %mul3A_92 = arith.muli %arg1, %mul3A_91 : i32
    %add3A_93 = arith.constant 0 : i32
    %add3A_94 = arith.addi %mul3A_92, %add3A_93 : i32
    "tpu.region"() ({
      %run_scoped3A_251 = tpu.sem_alloc : memref<!tpu.dma_semaphore, #tpu.memory_space<semaphore_mem>>
      %dma_start3A_252 = arith.constant 0 : i32
      %dma_start3A_253 = tpu.memref_slice %arg11[%add3A_94, %dma_start3A_252] : memref<10240x128xf32, #tpu.memory_space<vmem_shared>> -> memref<80x128xf32, #tpu.memory_space<vmem_shared>>
      %dma_start3A_254 = arith.constant 0 : i32
      %dma_start3A_255 = tpu.memref_slice %arg11[%add3A_94, %dma_start3A_254] : memref<10240x128xf32, #tpu.memory_space<vmem_shared>> -> memref<80x128xf32, #tpu.memory_space<vmem_shared>>
      tpu.enqueue_dma source(%dma_start3A_255 : memref<80x128xf32, #tpu.memory_space<vmem_shared>>) target(%arg7 : memref<80x128xf32, #tpu.memory_space<vmem>>) target_semaphore(%run_scoped3A_251 : memref<!tpu.dma_semaphore, #tpu.memory_space<semaphore_mem>>)
      %dma_wait3A_256 = arith.constant 0 : i32
      %dma_wait3A_257 = tpu.memref_slice %arg11[%add3A_94, %dma_wait3A_256] : memref<10240x128xf32, #tpu.memory_space<vmem_shared>> -> memref<80x128xf32, #tpu.memory_space<vmem_shared>>
      %dma_wait3A_258 = arith.constant 0 : i32
      %dma_wait3A_259 = tpu.memref_slice %arg11[%add3A_94, %dma_wait3A_258] : memref<10240x128xf32, #tpu.memory_space<vmem_shared>> -> memref<80x128xf32, #tpu.memory_space<vmem_shared>>
      tpu.wait_dma2 semaphore(%run_scoped3A_251 : memref<!tpu.dma_semaphore, #tpu.memory_space<semaphore_mem>>) src(%dma_wait3A_259 : memref<80x128xf32, #tpu.memory_space<vmem_shared>>) dst(%arg7 : memref<80x128xf32, #tpu.memory_space<vmem>>)
      tpu.yield
    }) : () -> ()
    %dma_start3A_95 = arith.constant 0 : i32
    %dma_start3A_96 = tpu.memref_slice %arg4[%arg0, %add3A_94, %dma_start3A_95] : memref<2x10240x128xf32, #tpu.memory_space<hbm>> -> memref<1x80x128xf32, #tpu.memory_space<hbm>>
    %dma_start3A_97 = tpu.memref_squeeze %dma_start3A_96 : memref<1x80x128xf32, #tpu.memory_space<hbm>> -> memref<80x128xf32, #tpu.memory_space<hbm>>
    %dma_start3A_98 = arith.constant 0 : i32
    %dma_start3A_99 = tpu.memref_slice %arg4[%arg0, %add3A_94, %dma_start3A_98] : memref<2x10240x128xf32, #tpu.memory_space<hbm>> -> memref<1x80x128xf32, #tpu.memory_space<hbm>>
    %dma_start3A_100 = tpu.memref_squeeze %dma_start3A_99 : memref<1x80x128xf32, #tpu.memory_space<hbm>> -> memref<80x128xf32, #tpu.memory_space<hbm>>
    tpu.enqueue_dma source(%arg7 : memref<80x128xf32, #tpu.memory_space<vmem>>) target(%dma_start3A_100 : memref<80x128xf32, #tpu.memory_space<hbm>>) target_semaphore(%arg9 : memref<!tpu.dma_semaphore, #tpu.memory_space<semaphore_mem>>)
    %mul3A_101 = arith.constant 640 : i32
    %mul3A_102 = arith.muli %arg1, %mul3A_101 : i32
    %add3A_103 = arith.constant 80 : i32
    %add3A_104 = arith.addi %mul3A_102, %add3A_103 : i32
    "tpu.region"() ({
      %run_scoped3A_251 = tpu.sem_alloc : memref<!tpu.dma_semaphore, #tpu.memory_space<semaphore_mem>>
      %dma_start3A_252 = arith.constant 0 : i32
      %dma_start3A_253 = tpu.memref_slice %arg11[%add3A_104, %dma_start3A_252] : memref<10240x128xf32, #tpu.memory_space<vmem_shared>> -> memref<80x128xf32, #tpu.memory_space<vmem_shared>>
      %dma_start3A_254 = arith.constant 0 : i32
      %dma_start3A_255 = tpu.memref_slice %arg11[%add3A_104, %dma_start3A_254] : memref<10240x128xf32, #tpu.memory_space<vmem_shared>> -> memref<80x128xf32, #tpu.memory_space<vmem_shared>>
      tpu.enqueue_dma source(%dma_start3A_255 : memref<80x128xf32, #tpu.memory_space<vmem_shared>>) target(%arg8 : memref<80x128xf32, #tpu.memory_space<vmem>>) target_semaphore(%run_scoped3A_251 : memref<!tpu.dma_semaphore, #tpu.memory_space<semaphore_mem>>)
      %dma_wait3A_256 = arith.constant 0 : i32
      %dma_wait3A_257 = tpu.memref_slice %arg11[%add3A_104, %dma_wait3A_256] : memref<10240x128xf32, #tpu.memory_space<vmem_shared>> -> memref<80x128xf32, #tpu.memory_space<vmem_shared>>
      %dma_wait3A_258 = arith.constant 0 : i32
      %dma_wait3A_259 = tpu.memref_slice %arg11[%add3A_104, %dma_wait3A_258] : memref<10240x128xf32, #tpu.memory_space<vmem_shared>> -> memref<80x128xf32, #tpu.memory_space<vmem_shared>>
      tpu.wait_dma2 semaphore(%run_scoped3A_251 : memref<!tpu.dma_semaphore, #tpu.memory_space<semaphore_mem>>) src(%dma_wait3A_259 : memref<80x128xf32, #tpu.memory_space<vmem_shared>>) dst(%arg8 : memref<80x128xf32, #tpu.memory_space<vmem>>)
      tpu.yield
    }) : () -> ()
    %dma_start3A_105 = arith.constant 0 : i32
    %dma_start3A_106 = tpu.memref_slice %arg4[%arg0, %add3A_104, %dma_start3A_105] : memref<2x10240x128xf32, #tpu.memory_space<hbm>> -> memref<1x80x128xf32, #tpu.memory_space<hbm>>
    %dma_start3A_107 = tpu.memref_squeeze %dma_start3A_106 : memref<1x80x128xf32, #tpu.memory_space<hbm>> -> memref<80x128xf32, #tpu.memory_space<hbm>>
    %dma_start3A_108 = arith.constant 0 : i32
    %dma_start3A_109 = tpu.memref_slice %arg4[%arg0, %add3A_104, %dma_start3A_108] : memref<2x10240x128xf32, #tpu.memory_space<hbm>> -> memref<1x80x128xf32, #tpu.memory_space<hbm>>
    %dma_start3A_110 = tpu.memref_squeeze %dma_start3A_109 : memref<1x80x128xf32, #tpu.memory_space<hbm>> -> memref<80x128xf32, #tpu.memory_space<hbm>>
    tpu.enqueue_dma source(%arg8 : memref<80x128xf32, #tpu.memory_space<vmem>>) target(%dma_start3A_110 : memref<80x128xf32, #tpu.memory_space<hbm>>) target_semaphore(%arg10 : memref<!tpu.dma_semaphore, #tpu.memory_space<semaphore_mem>>)
    %mul3A_111 = arith.constant 640 : i32
    %mul3A_112 = arith.muli %arg1, %mul3A_111 : i32
    %add3A_113 = arith.constant 160 : i32
    %add3A_114 = arith.addi %mul3A_112, %add3A_113 : i32
    %mul3A_115 = arith.constant 640 : i32
    %mul3A_116 = arith.muli %arg1, %mul3A_115 : i32
    %add3A_117 = arith.constant 0 : i32
    %add3A_118 = arith.addi %mul3A_116, %add3A_117 : i32
    %dma_wait3A_119 = arith.constant 0 : i32
    %dma_wait3A_120 = tpu.memref_slice %arg4[%arg0, %add3A_118, %dma_wait3A_119] : memref<2x10240x128xf32, #tpu.memory_space<hbm>> -> memref<1x80x128xf32, #tpu.memory_space<hbm>>
    %dma_wait3A_121 = tpu.memref_squeeze %dma_wait3A_120 : memref<1x80x128xf32, #tpu.memory_space<hbm>> -> memref<80x128xf32, #tpu.memory_space<hbm>>
    %dma_wait3A_122 = arith.constant 0 : i32
    %dma_wait3A_123 = tpu.memref_slice %arg4[%arg0, %add3A_118, %dma_wait3A_122] : memref<2x10240x128xf32, #tpu.memory_space<hbm>> -> memref<1x80x128xf32, #tpu.memory_space<hbm>>
    %dma_wait3A_124 = tpu.memref_squeeze %dma_wait3A_123 : memref<1x80x128xf32, #tpu.memory_space<hbm>> -> memref<80x128xf32, #tpu.memory_space<hbm>>
    tpu.wait_dma2 semaphore(%arg9 : memref<!tpu.dma_semaphore, #tpu.memory_space<semaphore_mem>>) src(%arg7 : memref<80x128xf32, #tpu.memory_space<vmem>>) dst(%dma_wait3A_124 : memref<80x128xf32, #tpu.memory_space<hbm>>)
    "tpu.region"() ({
      %run_scoped3A_251 = tpu.sem_alloc : memref<!tpu.dma_semaphore, #tpu.memory_space<semaphore_mem>>
      %dma_start3A_252 = arith.constant 0 : i32
      %dma_start3A_253 = tpu.memref_slice %arg11[%add3A_114, %dma_start3A_252] : memref<10240x128xf32, #tpu.memory_space<vmem_shared>> -> memref<80x128xf32, #tpu.memory_space<vmem_shared>>
      %dma_start3A_254 = arith.constant 0 : i32
      %dma_start3A_255 = tpu.memref_slice %arg11[%add3A_114, %dma_start3A_254] : memref<10240x128xf32, #tpu.memory_space<vmem_shared>> -> memref<80x128xf32, #tpu.memory_space<vmem_shared>>
      tpu.enqueue_dma source(%dma_start3A_255 : memref<80x128xf32, #tpu.memory_space<vmem_shared>>) target(%arg7 : memref<80x128xf32, #tpu.memory_space<vmem>>) target_semaphore(%run_scoped3A_251 : memref<!tpu.dma_semaphore, #tpu.memory_space<semaphore_mem>>)
      %dma_wait3A_256 = arith.constant 0 : i32
      %dma_wait3A_257 = tpu.memref_slice %arg11[%add3A_114, %dma_wait3A_256] : memref<10240x128xf32, #tpu.memory_space<vmem_shared>> -> memref<80x128xf32, #tpu.memory_space<vmem_shared>>
      %dma_wait3A_258 = arith.constant 0 : i32
      %dma_wait3A_259 = tpu.memref_slice %arg11[%add3A_114, %dma_wait3A_258] : memref<10240x128xf32, #tpu.memory_space<vmem_shared>> -> memref<80x128xf32, #tpu.memory_space<vmem_shared>>
      tpu.wait_dma2 semaphore(%run_scoped3A_251 : memref<!tpu.dma_semaphore, #tpu.memory_space<semaphore_mem>>) src(%dma_wait3A_259 : memref<80x128xf32, #tpu.memory_space<vmem_shared>>) dst(%arg7 : memref<80x128xf32, #tpu.memory_space<vmem>>)
      tpu.yield
    }) : () -> ()
    %dma_start3A_125 = arith.constant 0 : i32
    %dma_start3A_126 = tpu.memref_slice %arg4[%arg0, %add3A_114, %dma_start3A_125] : memref<2x10240x128xf32, #tpu.memory_space<hbm>> -> memref<1x80x128xf32, #tpu.memory_space<hbm>>
    %dma_start3A_127 = tpu.memref_squeeze %dma_start3A_126 : memref<1x80x128xf32, #tpu.memory_space<hbm>> -> memref<80x128xf32, #tpu.memory_space<hbm>>
    %dma_start3A_128 = arith.constant 0 : i32
    %dma_start3A_129 = tpu.memref_slice %arg4[%arg0, %add3A_114, %dma_start3A_128] : memref<2x10240x128xf32, #tpu.memory_space<hbm>> -> memref<1x80x128xf32, #tpu.memory_space<hbm>>
    %dma_start3A_130 = tpu.memref_squeeze %dma_start3A_129 : memref<1x80x128xf32, #tpu.memory_space<hbm>> -> memref<80x128xf32, #tpu.memory_space<hbm>>
    tpu.enqueue_dma source(%arg7 : memref<80x128xf32, #tpu.memory_space<vmem>>) target(%dma_start3A_130 : memref<80x128xf32, #tpu.memory_space<hbm>>) target_semaphore(%arg9 : memref<!tpu.dma_semaphore, #tpu.memory_space<semaphore_mem>>)
    %mul3A_131 = arith.constant 640 : i32
    %mul3A_132 = arith.muli %arg1, %mul3A_131 : i32
    %add3A_133 = arith.constant 240 : i32
    %add3A_134 = arith.addi %mul3A_132, %add3A_133 : i32
    %mul3A_135 = arith.constant 640 : i32
    %mul3A_136 = arith.muli %arg1, %mul3A_135 : i32
    %add3A_137 = arith.constant 80 : i32
    %add3A_138 = arith.addi %mul3A_136, %add3A_137 : i32
    %dma_wait3A_139 = arith.constant 0 : i32
    %dma_wait3A_140 = tpu.memref_slice %arg4[%arg0, %add3A_138, %dma_wait3A_139] : memref<2x10240x128xf32, #tpu.memory_space<hbm>> -> memref<1x80x128xf32, #tpu.memory_space<hbm>>
    %dma_wait3A_141 = tpu.memref_squeeze %dma_wait3A_140 : memref<1x80x128xf32, #tpu.memory_space<hbm>> -> memref<80x128xf32, #tpu.memory_space<hbm>>
    %dma_wait3A_142 = arith.constant 0 : i32
    %dma_wait3A_143 = tpu.memref_slice %arg4[%arg0, %add3A_138, %dma_wait3A_142] : memref<2x10240x128xf32, #tpu.memory_space<hbm>> -> memref<1x80x128xf32, #tpu.memory_space<hbm>>
    %dma_wait3A_144 = tpu.memref_squeeze %dma_wait3A_143 : memref<1x80x128xf32, #tpu.memory_space<hbm>> -> memref<80x128xf32, #tpu.memory_space<hbm>>
    tpu.wait_dma2 semaphore(%arg10 : memref<!tpu.dma_semaphore, #tpu.memory_space<semaphore_mem>>) src(%arg8 : memref<80x128xf32, #tpu.memory_space<vmem>>) dst(%dma_wait3A_144 : memref<80x128xf32, #tpu.memory_space<hbm>>)
    "tpu.region"() ({
      %run_scoped3A_251 = tpu.sem_alloc : memref<!tpu.dma_semaphore, #tpu.memory_space<semaphore_mem>>
      %dma_start3A_252 = arith.constant 0 : i32
      %dma_start3A_253 = tpu.memref_slice %arg11[%add3A_134, %dma_start3A_252] : memref<10240x128xf32, #tpu.memory_space<vmem_shared>> -> memref<80x128xf32, #tpu.memory_space<vmem_shared>>
      %dma_start3A_254 = arith.constant 0 : i32
      %dma_start3A_255 = tpu.memref_slice %arg11[%add3A_134, %dma_start3A_254] : memref<10240x128xf32, #tpu.memory_space<vmem_shared>> -> memref<80x128xf32, #tpu.memory_space<vmem_shared>>
      tpu.enqueue_dma source(%dma_start3A_255 : memref<80x128xf32, #tpu.memory_space<vmem_shared>>) target(%arg8 : memref<80x128xf32, #tpu.memory_space<vmem>>) target_semaphore(%run_scoped3A_251 : memref<!tpu.dma_semaphore, #tpu.memory_space<semaphore_mem>>)
      %dma_wait3A_256 = arith.constant 0 : i32
      %dma_wait3A_257 = tpu.memref_slice %arg11[%add3A_134, %dma_wait3A_256] : memref<10240x128xf32, #tpu.memory_space<vmem_shared>> -> memref<80x128xf32, #tpu.memory_space<vmem_shared>>
      %dma_wait3A_258 = arith.constant 0 : i32
      %dma_wait3A_259 = tpu.memref_slice %arg11[%add3A_134, %dma_wait3A_258] : memref<10240x128xf32, #tpu.memory_space<vmem_shared>> -> memref<80x128xf32, #tpu.memory_space<vmem_shared>>
      tpu.wait_dma2 semaphore(%run_scoped3A_251 : memref<!tpu.dma_semaphore, #tpu.memory_space<semaphore_mem>>) src(%dma_wait3A_259 : memref<80x128xf32, #tpu.memory_space<vmem_shared>>) dst(%arg8 : memref<80x128xf32, #tpu.memory_space<vmem>>)
      tpu.yield
    }) : () -> ()
    %dma_start3A_145 = arith.constant 0 : i32
    %dma_start3A_146 = tpu.memref_slice %arg4[%arg0, %add3A_134, %dma_start3A_145] : memref<2x10240x128xf32, #tpu.memory_space<hbm>> -> memref<1x80x128xf32, #tpu.memory_space<hbm>>
    %dma_start3A_147 = tpu.memref_squeeze %dma_start3A_146 : memref<1x80x128xf32, #tpu.memory_space<hbm>> -> memref<80x128xf32, #tpu.memory_space<hbm>>
    %dma_start3A_148 = arith.constant 0 : i32
    %dma_start3A_149 = tpu.memref_slice %arg4[%arg0, %add3A_134, %dma_start3A_148] : memref<2x10240x128xf32, #tpu.memory_space<hbm>> -> memref<1x80x128xf32, #tpu.memory_space<hbm>>
    %dma_start3A_150 = tpu.memref_squeeze %dma_start3A_149 : memref<1x80x128xf32, #tpu.memory_space<hbm>> -> memref<80x128xf32, #tpu.memory_space<hbm>>
    tpu.enqueue_dma source(%arg8 : memref<80x128xf32, #tpu.memory_space<vmem>>) target(%dma_start3A_150 : memref<80x128xf32, #tpu.memory_space<hbm>>) target_semaphore(%arg10 : memref<!tpu.dma_semaphore, #tpu.memory_space<semaphore_mem>>)
    %mul3A_151 = arith.constant 640 : i32
    %mul3A_152 = arith.muli %arg1, %mul3A_151 : i32
    %add3A_153 = arith.constant 320 : i32
    %add3A_154 = arith.addi %mul3A_152, %add3A_153 : i32
    %mul3A_155 = arith.constant 640 : i32
    %mul3A_156 = arith.muli %arg1, %mul3A_155 : i32
    %add3A_157 = arith.constant 160 : i32
    %add3A_158 = arith.addi %mul3A_156, %add3A_157 : i32
    %dma_wait3A_159 = arith.constant 0 : i32
    %dma_wait3A_160 = tpu.memref_slice %arg4[%arg0, %add3A_158, %dma_wait3A_159] : memref<2x10240x128xf32, #tpu.memory_space<hbm>> -> memref<1x80x128xf32, #tpu.memory_space<hbm>>
    %dma_wait3A_161 = tpu.memref_squeeze %dma_wait3A_160 : memref<1x80x128xf32, #tpu.memory_space<hbm>> -> memref<80x128xf32, #tpu.memory_space<hbm>>
    %dma_wait3A_162 = arith.constant 0 : i32
    %dma_wait3A_163 = tpu.memref_slice %arg4[%arg0, %add3A_158, %dma_wait3A_162] : memref<2x10240x128xf32, #tpu.memory_space<hbm>> -> memref<1x80x128xf32, #tpu.memory_space<hbm>>
    %dma_wait3A_164 = tpu.memref_squeeze %dma_wait3A_163 : memref<1x80x128xf32, #tpu.memory_space<hbm>> -> memref<80x128xf32, #tpu.memory_space<hbm>>
    tpu.wait_dma2 semaphore(%arg9 : memref<!tpu.dma_semaphore, #tpu.memory_space<semaphore_mem>>) src(%arg7 : memref<80x128xf32, #tpu.memory_space<vmem>>) dst(%dma_wait3A_164 : memref<80x128xf32, #tpu.memory_space<hbm>>)
    "tpu.region"() ({
      %run_scoped3A_251 = tpu.sem_alloc : memref<!tpu.dma_semaphore, #tpu.memory_space<semaphore_mem>>
      %dma_start3A_252 = arith.constant 0 : i32
      %dma_start3A_253 = tpu.memref_slice %arg11[%add3A_154, %dma_start3A_252] : memref<10240x128xf32, #tpu.memory_space<vmem_shared>> -> memref<80x128xf32, #tpu.memory_space<vmem_shared>>
      %dma_start3A_254 = arith.constant 0 : i32
      %dma_start3A_255 = tpu.memref_slice %arg11[%add3A_154, %dma_start3A_254] : memref<10240x128xf32, #tpu.memory_space<vmem_shared>> -> memref<80x128xf32, #tpu.memory_space<vmem_shared>>
      tpu.enqueue_dma source(%dma_start3A_255 : memref<80x128xf32, #tpu.memory_space<vmem_shared>>) target(%arg7 : memref<80x128xf32, #tpu.memory_space<vmem>>) target_semaphore(%run_scoped3A_251 : memref<!tpu.dma_semaphore, #tpu.memory_space<semaphore_mem>>)
      %dma_wait3A_256 = arith.constant 0 : i32
      %dma_wait3A_257 = tpu.memref_slice %arg11[%add3A_154, %dma_wait3A_256] : memref<10240x128xf32, #tpu.memory_space<vmem_shared>> -> memref<80x128xf32, #tpu.memory_space<vmem_shared>>
      %dma_wait3A_258 = arith.constant 0 : i32
      %dma_wait3A_259 = tpu.memref_slice %arg11[%add3A_154, %dma_wait3A_258] : memref<10240x128xf32, #tpu.memory_space<vmem_shared>> -> memref<80x128xf32, #tpu.memory_space<vmem_shared>>
      tpu.wait_dma2 semaphore(%run_scoped3A_251 : memref<!tpu.dma_semaphore, #tpu.memory_space<semaphore_mem>>) src(%dma_wait3A_259 : memref<80x128xf32, #tpu.memory_space<vmem_shared>>) dst(%arg7 : memref<80x128xf32, #tpu.memory_space<vmem>>)
      tpu.yield
    }) : () -> ()
    %dma_start3A_165 = arith.constant 0 : i32
    %dma_start3A_166 = tpu.memref_slice %arg4[%arg0, %add3A_154, %dma_start3A_165] : memref<2x10240x128xf32, #tpu.memory_space<hbm>> -> memref<1x80x128xf32, #tpu.memory_space<hbm>>
    %dma_start3A_167 = tpu.memref_squeeze %dma_start3A_166 : memref<1x80x128xf32, #tpu.memory_space<hbm>> -> memref<80x128xf32, #tpu.memory_space<hbm>>
    %dma_start3A_168 = arith.constant 0 : i32
    %dma_start3A_169 = tpu.memref_slice %arg4[%arg0, %add3A_154, %dma_start3A_168] : memref<2x10240x128xf32, #tpu.memory_space<hbm>> -> memref<1x80x128xf32, #tpu.memory_space<hbm>>
    %dma_start3A_170 = tpu.memref_squeeze %dma_start3A_169 : memref<1x80x128xf32, #tpu.memory_space<hbm>> -> memref<80x128xf32, #tpu.memory_space<hbm>>
    tpu.enqueue_dma source(%arg7 : memref<80x128xf32, #tpu.memory_space<vmem>>) target(%dma_start3A_170 : memref<80x128xf32, #tpu.memory_space<hbm>>) target_semaphore(%arg9 : memref<!tpu.dma_semaphore, #tpu.memory_space<semaphore_mem>>)
    %mul3A_171 = arith.constant 640 : i32
    %mul3A_172 = arith.muli %arg1, %mul3A_171 : i32
    %add3A_173 = arith.constant 400 : i32
    %add3A_174 = arith.addi %mul3A_172, %add3A_173 : i32
    %mul3A_175 = arith.constant 640 : i32
    %mul3A_176 = arith.muli %arg1, %mul3A_175 : i32
    %add3A_177 = arith.constant 240 : i32
    %add3A_178 = arith.addi %mul3A_176, %add3A_177 : i32
    %dma_wait3A_179 = arith.constant 0 : i32
    %dma_wait3A_180 = tpu.memref_slice %arg4[%arg0, %add3A_178, %dma_wait3A_179] : memref<2x10240x128xf32, #tpu.memory_space<hbm>> -> memref<1x80x128xf32, #tpu.memory_space<hbm>>
    %dma_wait3A_181 = tpu.memref_squeeze %dma_wait3A_180 : memref<1x80x128xf32, #tpu.memory_space<hbm>> -> memref<80x128xf32, #tpu.memory_space<hbm>>
    %dma_wait3A_182 = arith.constant 0 : i32
    %dma_wait3A_183 = tpu.memref_slice %arg4[%arg0, %add3A_178, %dma_wait3A_182] : memref<2x10240x128xf32, #tpu.memory_space<hbm>> -> memref<1x80x128xf32, #tpu.memory_space<hbm>>
    %dma_wait3A_184 = tpu.memref_squeeze %dma_wait3A_183 : memref<1x80x128xf32, #tpu.memory_space<hbm>> -> memref<80x128xf32, #tpu.memory_space<hbm>>
    tpu.wait_dma2 semaphore(%arg10 : memref<!tpu.dma_semaphore, #tpu.memory_space<semaphore_mem>>) src(%arg8 : memref<80x128xf32, #tpu.memory_space<vmem>>) dst(%dma_wait3A_184 : memref<80x128xf32, #tpu.memory_space<hbm>>)
    "tpu.region"() ({
      %run_scoped3A_251 = tpu.sem_alloc : memref<!tpu.dma_semaphore, #tpu.memory_space<semaphore_mem>>
      %dma_start3A_252 = arith.constant 0 : i32
      %dma_start3A_253 = tpu.memref_slice %arg11[%add3A_174, %dma_start3A_252] : memref<10240x128xf32, #tpu.memory_space<vmem_shared>> -> memref<80x128xf32, #tpu.memory_space<vmem_shared>>
      %dma_start3A_254 = arith.constant 0 : i32
      %dma_start3A_255 = tpu.memref_slice %arg11[%add3A_174, %dma_start3A_254] : memref<10240x128xf32, #tpu.memory_space<vmem_shared>> -> memref<80x128xf32, #tpu.memory_space<vmem_shared>>
      tpu.enqueue_dma source(%dma_start3A_255 : memref<80x128xf32, #tpu.memory_space<vmem_shared>>) target(%arg8 : memref<80x128xf32, #tpu.memory_space<vmem>>) target_semaphore(%run_scoped3A_251 : memref<!tpu.dma_semaphore, #tpu.memory_space<semaphore_mem>>)
      %dma_wait3A_256 = arith.constant 0 : i32
      %dma_wait3A_257 = tpu.memref_slice %arg11[%add3A_174, %dma_wait3A_256] : memref<10240x128xf32, #tpu.memory_space<vmem_shared>> -> memref<80x128xf32, #tpu.memory_space<vmem_shared>>
      %dma_wait3A_258 = arith.constant 0 : i32
      %dma_wait3A_259 = tpu.memref_slice %arg11[%add3A_174, %dma_wait3A_258] : memref<10240x128xf32, #tpu.memory_space<vmem_shared>> -> memref<80x128xf32, #tpu.memory_space<vmem_shared>>
      tpu.wait_dma2 semaphore(%run_scoped3A_251 : memref<!tpu.dma_semaphore, #tpu.memory_space<semaphore_mem>>) src(%dma_wait3A_259 : memref<80x128xf32, #tpu.memory_space<vmem_shared>>) dst(%arg8 : memref<80x128xf32, #tpu.memory_space<vmem>>)
      tpu.yield
    }) : () -> ()
    %dma_start3A_185 = arith.constant 0 : i32
    %dma_start3A_186 = tpu.memref_slice %arg4[%arg0, %add3A_174, %dma_start3A_185] : memref<2x10240x128xf32, #tpu.memory_space<hbm>> -> memref<1x80x128xf32, #tpu.memory_space<hbm>>
    %dma_start3A_187 = tpu.memref_squeeze %dma_start3A_186 : memref<1x80x128xf32, #tpu.memory_space<hbm>> -> memref<80x128xf32, #tpu.memory_space<hbm>>
    %dma_start3A_188 = arith.constant 0 : i32
    %dma_start3A_189 = tpu.memref_slice %arg4[%arg0, %add3A_174, %dma_start3A_188] : memref<2x10240x128xf32, #tpu.memory_space<hbm>> -> memref<1x80x128xf32, #tpu.memory_space<hbm>>
    %dma_start3A_190 = tpu.memref_squeeze %dma_start3A_189 : memref<1x80x128xf32, #tpu.memory_space<hbm>> -> memref<80x128xf32, #tpu.memory_space<hbm>>
    tpu.enqueue_dma source(%arg8 : memref<80x128xf32, #tpu.memory_space<vmem>>) target(%dma_start3A_190 : memref<80x128xf32, #tpu.memory_space<hbm>>) target_semaphore(%arg10 : memref<!tpu.dma_semaphore, #tpu.memory_space<semaphore_mem>>)
    %mul3A_191 = arith.constant 640 : i32
    %mul3A_192 = arith.muli %arg1, %mul3A_191 : i32
    %add3A_193 = arith.constant 480 : i32
    %add3A_194 = arith.addi %mul3A_192, %add3A_193 : i32
    %mul3A_195 = arith.constant 640 : i32
    %mul3A_196 = arith.muli %arg1, %mul3A_195 : i32
    %add3A_197 = arith.constant 320 : i32
    %add3A_198 = arith.addi %mul3A_196, %add3A_197 : i32
    %dma_wait3A_199 = arith.constant 0 : i32
    %dma_wait3A_200 = tpu.memref_slice %arg4[%arg0, %add3A_198, %dma_wait3A_199] : memref<2x10240x128xf32, #tpu.memory_space<hbm>> -> memref<1x80x128xf32, #tpu.memory_space<hbm>>
    %dma_wait3A_201 = tpu.memref_squeeze %dma_wait3A_200 : memref<1x80x128xf32, #tpu.memory_space<hbm>> -> memref<80x128xf32, #tpu.memory_space<hbm>>
    %dma_wait3A_202 = arith.constant 0 : i32
    %dma_wait3A_203 = tpu.memref_slice %arg4[%arg0, %add3A_198, %dma_wait3A_202] : memref<2x10240x128xf32, #tpu.memory_space<hbm>> -> memref<1x80x128xf32, #tpu.memory_space<hbm>>
    %dma_wait3A_204 = tpu.memref_squeeze %dma_wait3A_203 : memref<1x80x128xf32, #tpu.memory_space<hbm>> -> memref<80x128xf32, #tpu.memory_space<hbm>>
    tpu.wait_dma2 semaphore(%arg9 : memref<!tpu.dma_semaphore, #tpu.memory_space<semaphore_mem>>) src(%arg7 : memref<80x128xf32, #tpu.memory_space<vmem>>) dst(%dma_wait3A_204 : memref<80x128xf32, #tpu.memory_space<hbm>>)
    "tpu.region"() ({
      %run_scoped3A_251 = tpu.sem_alloc : memref<!tpu.dma_semaphore, #tpu.memory_space<semaphore_mem>>
      %dma_start3A_252 = arith.constant 0 : i32
      %dma_start3A_253 = tpu.memref_slice %arg11[%add3A_194, %dma_start3A_252] : memref<10240x128xf32, #tpu.memory_space<vmem_shared>> -> memref<80x128xf32, #tpu.memory_space<vmem_shared>>
      %dma_start3A_254 = arith.constant 0 : i32
      %dma_start3A_255 = tpu.memref_slice %arg11[%add3A_194, %dma_start3A_254] : memref<10240x128xf32, #tpu.memory_space<vmem_shared>> -> memref<80x128xf32, #tpu.memory_space<vmem_shared>>
      tpu.enqueue_dma source(%dma_start3A_255 : memref<80x128xf32, #tpu.memory_space<vmem_shared>>) target(%arg7 : memref<80x128xf32, #tpu.memory_space<vmem>>) target_semaphore(%run_scoped3A_251 : memref<!tpu.dma_semaphore, #tpu.memory_space<semaphore_mem>>)
      %dma_wait3A_256 = arith.constant 0 : i32
      %dma_wait3A_257 = tpu.memref_slice %arg11[%add3A_194, %dma_wait3A_256] : memref<10240x128xf32, #tpu.memory_space<vmem_shared>> -> memref<80x128xf32, #tpu.memory_space<vmem_shared>>
      %dma_wait3A_258 = arith.constant 0 : i32
      %dma_wait3A_259 = tpu.memref_slice %arg11[%add3A_194, %dma_wait3A_258] : memref<10240x128xf32, #tpu.memory_space<vmem_shared>> -> memref<80x128xf32, #tpu.memory_space<vmem_shared>>
      tpu.wait_dma2 semaphore(%run_scoped3A_251 : memref<!tpu.dma_semaphore, #tpu.memory_space<semaphore_mem>>) src(%dma_wait3A_259 : memref<80x128xf32, #tpu.memory_space<vmem_shared>>) dst(%arg7 : memref<80x128xf32, #tpu.memory_space<vmem>>)
      tpu.yield
    }) : () -> ()
    %dma_start3A_205 = arith.constant 0 : i32
    %dma_start3A_206 = tpu.memref_slice %arg4[%arg0, %add3A_194, %dma_start3A_205] : memref<2x10240x128xf32, #tpu.memory_space<hbm>> -> memref<1x80x128xf32, #tpu.memory_space<hbm>>
    %dma_start3A_207 = tpu.memref_squeeze %dma_start3A_206 : memref<1x80x128xf32, #tpu.memory_space<hbm>> -> memref<80x128xf32, #tpu.memory_space<hbm>>
    %dma_start3A_208 = arith.constant 0 : i32
    %dma_start3A_209 = tpu.memref_slice %arg4[%arg0, %add3A_194, %dma_start3A_208] : memref<2x10240x128xf32, #tpu.memory_space<hbm>> -> memref<1x80x128xf32, #tpu.memory_space<hbm>>
    %dma_start3A_210 = tpu.memref_squeeze %dma_start3A_209 : memref<1x80x128xf32, #tpu.memory_space<hbm>> -> memref<80x128xf32, #tpu.memory_space<hbm>>
    tpu.enqueue_dma source(%arg7 : memref<80x128xf32, #tpu.memory_space<vmem>>) target(%dma_start3A_210 : memref<80x128xf32, #tpu.memory_space<hbm>>) target_semaphore(%arg9 : memref<!tpu.dma_semaphore, #tpu.memory_space<semaphore_mem>>)
    %mul3A_211 = arith.constant 640 : i32
    %mul3A_212 = arith.muli %arg1, %mul3A_211 : i32
    %add3A_213 = arith.constant 560 : i32
    %add3A_214 = arith.addi %mul3A_212, %add3A_213 : i32
    %mul3A_215 = arith.constant 640 : i32
    %mul3A_216 = arith.muli %arg1, %mul3A_215 : i32
    %add3A_217 = arith.constant 400 : i32
    %add3A_218 = arith.addi %mul3A_216, %add3A_217 : i32
    %dma_wait3A_219 = arith.constant 0 : i32
    %dma_wait3A_220 = tpu.memref_slice %arg4[%arg0, %add3A_218, %dma_wait3A_219] : memref<2x10240x128xf32, #tpu.memory_space<hbm>> -> memref<1x80x128xf32, #tpu.memory_space<hbm>>
    %dma_wait3A_221 = tpu.memref_squeeze %dma_wait3A_220 : memref<1x80x128xf32, #tpu.memory_space<hbm>> -> memref<80x128xf32, #tpu.memory_space<hbm>>
    %dma_wait3A_222 = arith.constant 0 : i32
    %dma_wait3A_223 = tpu.memref_slice %arg4[%arg0, %add3A_218, %dma_wait3A_222] : memref<2x10240x128xf32, #tpu.memory_space<hbm>> -> memref<1x80x128xf32, #tpu.memory_space<hbm>>
    %dma_wait3A_224 = tpu.memref_squeeze %dma_wait3A_223 : memref<1x80x128xf32, #tpu.memory_space<hbm>> -> memref<80x128xf32, #tpu.memory_space<hbm>>
    tpu.wait_dma2 semaphore(%arg10 : memref<!tpu.dma_semaphore, #tpu.memory_space<semaphore_mem>>) src(%arg8 : memref<80x128xf32, #tpu.memory_space<vmem>>) dst(%dma_wait3A_224 : memref<80x128xf32, #tpu.memory_space<hbm>>)
    "tpu.region"() ({
      %run_scoped3A_251 = tpu.sem_alloc : memref<!tpu.dma_semaphore, #tpu.memory_space<semaphore_mem>>
      %dma_start3A_252 = arith.constant 0 : i32
      %dma_start3A_253 = tpu.memref_slice %arg11[%add3A_214, %dma_start3A_252] : memref<10240x128xf32, #tpu.memory_space<vmem_shared>> -> memref<80x128xf32, #tpu.memory_space<vmem_shared>>
      %dma_start3A_254 = arith.constant 0 : i32
      %dma_start3A_255 = tpu.memref_slice %arg11[%add3A_214, %dma_start3A_254] : memref<10240x128xf32, #tpu.memory_space<vmem_shared>> -> memref<80x128xf32, #tpu.memory_space<vmem_shared>>
      tpu.enqueue_dma source(%dma_start3A_255 : memref<80x128xf32, #tpu.memory_space<vmem_shared>>) target(%arg8 : memref<80x128xf32, #tpu.memory_space<vmem>>) target_semaphore(%run_scoped3A_251 : memref<!tpu.dma_semaphore, #tpu.memory_space<semaphore_mem>>)
      %dma_wait3A_256 = arith.constant 0 : i32
      %dma_wait3A_257 = tpu.memref_slice %arg11[%add3A_214, %dma_wait3A_256] : memref<10240x128xf32, #tpu.memory_space<vmem_shared>> -> memref<80x128xf32, #tpu.memory_space<vmem_shared>>
      %dma_wait3A_258 = arith.constant 0 : i32
      %dma_wait3A_259 = tpu.memref_slice %arg11[%add3A_214, %dma_wait3A_258] : memref<10240x128xf32, #tpu.memory_space<vmem_shared>> -> memref<80x128xf32, #tpu.memory_space<vmem_shared>>
      tpu.wait_dma2 semaphore(%run_scoped3A_251 : memref<!tpu.dma_semaphore, #tpu.memory_space<semaphore_mem>>) src(%dma_wait3A_259 : memref<80x128xf32, #tpu.memory_space<vmem_shared>>) dst(%arg8 : memref<80x128xf32, #tpu.memory_space<vmem>>)
      tpu.yield
    }) : () -> ()
    %dma_start3A_225 = arith.constant 0 : i32
    %dma_start3A_226 = tpu.memref_slice %arg4[%arg0, %add3A_214, %dma_start3A_225] : memref<2x10240x128xf32, #tpu.memory_space<hbm>> -> memref<1x80x128xf32, #tpu.memory_space<hbm>>
    %dma_start3A_227 = tpu.memref_squeeze %dma_start3A_226 : memref<1x80x128xf32, #tpu.memory_space<hbm>> -> memref<80x128xf32, #tpu.memory_space<hbm>>
    %dma_start3A_228 = arith.constant 0 : i32
    %dma_start3A_229 = tpu.memref_slice %arg4[%arg0, %add3A_214, %dma_start3A_228] : memref<2x10240x128xf32, #tpu.memory_space<hbm>> -> memref<1x80x128xf32, #tpu.memory_space<hbm>>
    %dma_start3A_230 = tpu.memref_squeeze %dma_start3A_229 : memref<1x80x128xf32, #tpu.memory_space<hbm>> -> memref<80x128xf32, #tpu.memory_space<hbm>>
    tpu.enqueue_dma source(%arg8 : memref<80x128xf32, #tpu.memory_space<vmem>>) target(%dma_start3A_230 : memref<80x128xf32, #tpu.memory_space<hbm>>) target_semaphore(%arg10 : memref<!tpu.dma_semaphore, #tpu.memory_space<semaphore_mem>>)
    %mul3A_231 = arith.constant 640 : i32
    %mul3A_232 = arith.muli %arg1, %mul3A_231 : i32
    %add3A_233 = arith.constant 480 : i32
    %add3A_234 = arith.addi %mul3A_232, %add3A_233 : i32
    %dma_wait3A_235 = arith.constant 0 : i32
    %dma_wait3A_236 = tpu.memref_slice %arg4[%arg0, %add3A_234, %dma_wait3A_235] : memref<2x10240x128xf32, #tpu.memory_space<hbm>> -> memref<1x80x128xf32, #tpu.memory_space<hbm>>
    %dma_wait3A_237 = tpu.memref_squeeze %dma_wait3A_236 : memref<1x80x128xf32, #tpu.memory_space<hbm>> -> memref<80x128xf32, #tpu.memory_space<hbm>>
    %dma_wait3A_238 = arith.constant 0 : i32
    %dma_wait3A_239 = tpu.memref_slice %arg4[%arg0, %add3A_234, %dma_wait3A_238] : memref<2x10240x128xf32, #tpu.memory_space<hbm>> -> memref<1x80x128xf32, #tpu.memory_space<hbm>>
    %dma_wait3A_240 = tpu.memref_squeeze %dma_wait3A_239 : memref<1x80x128xf32, #tpu.memory_space<hbm>> -> memref<80x128xf32, #tpu.memory_space<hbm>>
    tpu.wait_dma2 semaphore(%arg9 : memref<!tpu.dma_semaphore, #tpu.memory_space<semaphore_mem>>) src(%arg7 : memref<80x128xf32, #tpu.memory_space<vmem>>) dst(%dma_wait3A_240 : memref<80x128xf32, #tpu.memory_space<hbm>>)
    %mul3A_241 = arith.constant 640 : i32
    %mul3A_242 = arith.muli %arg1, %mul3A_241 : i32
    %add3A_243 = arith.constant 560 : i32
    %add3A_244 = arith.addi %mul3A_242, %add3A_243 : i32
    %dma_wait3A_245 = arith.constant 0 : i32
    %dma_wait3A_246 = tpu.memref_slice %arg4[%arg0, %add3A_244, %dma_wait3A_245] : memref<2x10240x128xf32, #tpu.memory_space<hbm>> -> memref<1x80x128xf32, #tpu.memory_space<hbm>>
    %dma_wait3A_247 = tpu.memref_squeeze %dma_wait3A_246 : memref<1x80x128xf32, #tpu.memory_space<hbm>> -> memref<80x128xf32, #tpu.memory_space<hbm>>
    %dma_wait3A_248 = arith.constant 0 : i32
    %dma_wait3A_249 = tpu.memref_slice %arg4[%arg0, %add3A_244, %dma_wait3A_248] : memref<2x10240x128xf32, #tpu.memory_space<hbm>> -> memref<1x80x128xf32, #tpu.memory_space<hbm>>
    %dma_wait3A_250 = tpu.memref_squeeze %dma_wait3A_249 : memref<1x80x128xf32, #tpu.memory_space<hbm>> -> memref<80x128xf32, #tpu.memory_space<hbm>>
    tpu.wait_dma2 semaphore(%arg10 : memref<!tpu.dma_semaphore, #tpu.memory_space<semaphore_mem>>) src(%arg8 : memref<80x128xf32, #tpu.memory_space<vmem>>) dst(%dma_wait3A_250 : memref<80x128xf32, #tpu.memory_space<hbm>>)
    return
  }
}

#map = affine_map<(d0, d1) -> (0, 0)>
#map1 = affine_map<(d0, d1) -> (0, 0, 0, 0)>
#map2 = affine_map<(d0, d1) -> (0, 0, 0)>
module attributes {stable_mosaic.version = 14 : i64} {
  func.func @_sc_scatter_pass(%arg0: i32, %arg1: i32, %arg2: memref<10240x128xf32, #tpu.memory_space<hbm>>, %arg3: memref<2x32x125x80xi32, #tpu.memory_space<hbm>>, %arg4: memref<2x10240x128xf32, #tpu.memory_space<hbm>>, %arg5: memref<125x80xi32, #tpu.memory_space<vmem>>, %arg6: memref<125x80xi32, #tpu.memory_space<vmem>>, %arg7: memref<80x128xf32, #tpu.memory_space<vmem>>, %arg8: memref<80x128xf32, #tpu.memory_space<vmem>>, %arg9: memref<!tpu.dma_semaphore, #tpu.memory_space<semaphore_mem>>, %arg10: memref<!tpu.dma_semaphore, #tpu.memory_space<semaphore_mem>>, %arg11: memref<10240x128xf32, #tpu.memory_space<vmem_shared>>) attributes {dimension_semantics = [#tpu.dimension_semantics<core_parallel>, #tpu.dimension_semantics<subcore_parallel>], iteration_bounds = array<i64: 2, 16>, scalar_prefetch = 0 : i64, scratch_operands = 7 : i64, tpu.core_type = #tpu.core_type<sc_vector_subcore>, window_params = [{transform_indices = #map}, {transform_indices = #map1}, {transform_indices = #map2}]} {
    %mul3A = arith.constant 2 : i32
    %mul3A_0 = arith.muli %arg1, %mul3A : i32
    %add3A = arith.addi %mul3A_0, %arg0 : i32
    %dma_start3A = arith.constant 0 : i32
    %dma_start3A_1 = arith.constant 0 : i32
    %dma_start3A_2 = arith.constant 0 : i32
    %dma_start3A_3 = tpu.memref_slice %arg3[%dma_start3A, %add3A, %dma_start3A_1, %dma_start3A_2] : memref<2x32x125x80xi32, #tpu.memory_space<hbm>> -> memref<1x1x125x80xi32, #tpu.memory_space<hbm>>
    %dma_start3A_4 = tpu.memref_squeeze %dma_start3A_3 : memref<1x1x125x80xi32, #tpu.memory_space<hbm>> -> memref<125x80xi32, #tpu.memory_space<hbm>>
    %dma_start3A_5 = arith.constant 0 : i32
    %dma_start3A_6 = arith.constant 0 : i32
    %dma_start3A_7 = tpu.memref_slice %arg3[%dma_start3A, %add3A, %dma_start3A_5, %dma_start3A_6] : memref<2x32x125x80xi32, #tpu.memory_space<hbm>> -> memref<1x1x125x80xi32, #tpu.memory_space<hbm>>
    %dma_start3A_8 = tpu.memref_squeeze %dma_start3A_7 : memref<1x1x125x80xi32, #tpu.memory_space<hbm>> -> memref<125x80xi32, #tpu.memory_space<hbm>>
    tpu.enqueue_dma source(%dma_start3A_8 : memref<125x80xi32, #tpu.memory_space<hbm>>) target(%arg5 : memref<125x80xi32, #tpu.memory_space<vmem>>) target_semaphore(%arg9 : memref<!tpu.dma_semaphore, #tpu.memory_space<semaphore_mem>>)
    %dma_start3A_9 = arith.constant 1 : i32
    %dma_start3A_10 = arith.constant 0 : i32
    %dma_start3A_11 = arith.constant 0 : i32
    %dma_start3A_12 = tpu.memref_slice %arg3[%dma_start3A_9, %add3A, %dma_start3A_10, %dma_start3A_11] : memref<2x32x125x80xi32, #tpu.memory_space<hbm>> -> memref<1x1x125x80xi32, #tpu.memory_space<hbm>>
    %dma_start3A_13 = tpu.memref_squeeze %dma_start3A_12 : memref<1x1x125x80xi32, #tpu.memory_space<hbm>> -> memref<125x80xi32, #tpu.memory_space<hbm>>
    %dma_start3A_14 = arith.constant 0 : i32
    %dma_start3A_15 = arith.constant 0 : i32
    %dma_start3A_16 = tpu.memref_slice %arg3[%dma_start3A_9, %add3A, %dma_start3A_14, %dma_start3A_15] : memref<2x32x125x80xi32, #tpu.memory_space<hbm>> -> memref<1x1x125x80xi32, #tpu.memory_space<hbm>>
    %dma_start3A_17 = tpu.memref_squeeze %dma_start3A_16 : memref<1x1x125x80xi32, #tpu.memory_space<hbm>> -> memref<125x80xi32, #tpu.memory_space<hbm>>
    tpu.enqueue_dma source(%dma_start3A_17 : memref<125x80xi32, #tpu.memory_space<hbm>>) target(%arg6 : memref<125x80xi32, #tpu.memory_space<vmem>>) target_semaphore(%arg10 : memref<!tpu.dma_semaphore, #tpu.memory_space<semaphore_mem>>)
    %scan3A = arith.constant 0 : i32
    %scan3A_18 = arith.constant 80 : i32
    %scan3A_19 = arith.addi %scan3A, %scan3A_18 : i32
    %scan3A_20 = arith.constant 1 : i32
    scf.for %scan3A_251 = %scan3A to %scan3A_19 step %scan3A_20  : i32 {
      %mul3A_252 = arith.constant 1 : i32
      %mul3A_253 = arith.muli %scan3A_251, %mul3A_252 : i32
      %add3A_254 = arith.constant 0 : i32
      %add3A_255 = arith.addi %add3A_254, %mul3A_253 : i32
      %broadcast_in_dim3A = arith.constant 0.000000e+00 : f32
      %broadcast_in_dim3A_256 = vector.broadcast %broadcast_in_dim3A : f32 to vector<16xf32>
      %swap3A = arith.index_cast %add3A_255 : i32 to index
      %swap3A_257 = arith.constant 0 : index
      %swap3A_258 = tpu.vector_load %arg8[%swap3A, %swap3A_257] {strides = array<i32>} : memref<80x128xf32, #tpu.memory_space<vmem>>, vector<1x16xf32>,
      %swap3A_259 = vector.shape_cast %swap3A_258 : vector<1x16xf32> to vector<16xf32>
      %swap3A_260 = vector.shape_cast %broadcast_in_dim3A_256 : vector<16xf32> to vector<1x16xf32>
      tpu.vector_store %arg8[%swap3A, %swap3A_257], %swap3A_260 {strides = array<i32>} : memref<80x128xf32, #tpu.memory_space<vmem>>, vector<1x16xf32>,
      %broadcast_in_dim3A_261 = arith.constant 0.000000e+00 : f32
      %broadcast_in_dim3A_262 = vector.broadcast %broadcast_in_dim3A_261 : f32 to vector<16xf32>
      %swap3A_263 = arith.index_cast %add3A_255 : i32 to index
      %swap3A_264 = arith.constant 16 : index
      %swap3A_265 = tpu.vector_load %arg8[%swap3A_263, %swap3A_264] {strides = array<i32>} : memref<80x128xf32, #tpu.memory_space<vmem>>, vector<1x16xf32>,
      %swap3A_266 = vector.shape_cast %swap3A_265 : vector<1x16xf32> to vector<16xf32>
      %swap3A_267 = vector.shape_cast %broadcast_in_dim3A_262 : vector<16xf32> to vector<1x16xf32>
      tpu.vector_store %arg8[%swap3A_263, %swap3A_264], %swap3A_267 {strides = array<i32>} : memref<80x128xf32, #tpu.memory_space<vmem>>, vector<1x16xf32>,
      %broadcast_in_dim3A_268 = arith.constant 0.000000e+00 : f32
      %broadcast_in_dim3A_269 = vector.broadcast %broadcast_in_dim3A_268 : f32 to vector<16xf32>
      %swap3A_270 = arith.index_cast %add3A_255 : i32 to index
      %swap3A_271 = arith.constant 32 : index
      %swap3A_272 = tpu.vector_load %arg8[%swap3A_270, %swap3A_271] {strides = array<i32>} : memref<80x128xf32, #tpu.memory_space<vmem>>, vector<1x16xf32>,
      %swap3A_273 = vector.shape_cast %swap3A_272 : vector<1x16xf32> to vector<16xf32>
      %swap3A_274 = vector.shape_cast %broadcast_in_dim3A_269 : vector<16xf32> to vector<1x16xf32>
      tpu.vector_store %arg8[%swap3A_270, %swap3A_271], %swap3A_274 {strides = array<i32>} : memref<80x128xf32, #tpu.memory_space<vmem>>, vector<1x16xf32>,
      %broadcast_in_dim3A_275 = arith.constant 0.000000e+00 : f32
      %broadcast_in_dim3A_276 = vector.broadcast %broadcast_in_dim3A_275 : f32 to vector<16xf32>
      %swap3A_277 = arith.index_cast %add3A_255 : i32 to index
      %swap3A_278 = arith.constant 48 : index
      %swap3A_279 = tpu.vector_load %arg8[%swap3A_277, %swap3A_278] {strides = array<i32>} : memref<80x128xf32, #tpu.memory_space<vmem>>, vector<1x16xf32>,
      %swap3A_280 = vector.shape_cast %swap3A_279 : vector<1x16xf32> to vector<16xf32>
      %swap3A_281 = vector.shape_cast %broadcast_in_dim3A_276 : vector<16xf32> to vector<1x16xf32>
      tpu.vector_store %arg8[%swap3A_277, %swap3A_278], %swap3A_281 {strides = array<i32>} : memref<80x128xf32, #tpu.memory_space<vmem>>, vector<1x16xf32>,
      %broadcast_in_dim3A_282 = arith.constant 0.000000e+00 : f32
      %broadcast_in_dim3A_283 = vector.broadcast %broadcast_in_dim3A_282 : f32 to vector<16xf32>
      %swap3A_284 = arith.index_cast %add3A_255 : i32 to index
      %swap3A_285 = arith.constant 64 : index
      %swap3A_286 = tpu.vector_load %arg8[%swap3A_284, %swap3A_285] {strides = array<i32>} : memref<80x128xf32, #tpu.memory_space<vmem>>, vector<1x16xf32>,
      %swap3A_287 = vector.shape_cast %swap3A_286 : vector<1x16xf32> to vector<16xf32>
      %swap3A_288 = vector.shape_cast %broadcast_in_dim3A_283 : vector<16xf32> to vector<1x16xf32>
      tpu.vector_store %arg8[%swap3A_284, %swap3A_285], %swap3A_288 {strides = array<i32>} : memref<80x128xf32, #tpu.memory_space<vmem>>, vector<1x16xf32>,
      %broadcast_in_dim3A_289 = arith.constant 0.000000e+00 : f32
      %broadcast_in_dim3A_290 = vector.broadcast %broadcast_in_dim3A_289 : f32 to vector<16xf32>
      %swap3A_291 = arith.index_cast %add3A_255 : i32 to index
      %swap3A_292 = arith.constant 80 : index
      %swap3A_293 = tpu.vector_load %arg8[%swap3A_291, %swap3A_292] {strides = array<i32>} : memref<80x128xf32, #tpu.memory_space<vmem>>, vector<1x16xf32>,
      %swap3A_294 = vector.shape_cast %swap3A_293 : vector<1x16xf32> to vector<16xf32>
      %swap3A_295 = vector.shape_cast %broadcast_in_dim3A_290 : vector<16xf32> to vector<1x16xf32>
      tpu.vector_store %arg8[%swap3A_291, %swap3A_292], %swap3A_295 {strides = array<i32>} : memref<80x128xf32, #tpu.memory_space<vmem>>, vector<1x16xf32>,
      %broadcast_in_dim3A_296 = arith.constant 0.000000e+00 : f32
      %broadcast_in_dim3A_297 = vector.broadcast %broadcast_in_dim3A_296 : f32 to vector<16xf32>
      %swap3A_298 = arith.index_cast %add3A_255 : i32 to index
      %swap3A_299 = arith.constant 96 : index
      %swap3A_300 = tpu.vector_load %arg8[%swap3A_298, %swap3A_299] {strides = array<i32>} : memref<80x128xf32, #tpu.memory_space<vmem>>, vector<1x16xf32>,
      %swap3A_301 = vector.shape_cast %swap3A_300 : vector<1x16xf32> to vector<16xf32>
      %swap3A_302 = vector.shape_cast %broadcast_in_dim3A_297 : vector<16xf32> to vector<1x16xf32>
      tpu.vector_store %arg8[%swap3A_298, %swap3A_299], %swap3A_302 {strides = array<i32>} : memref<80x128xf32, #tpu.memory_space<vmem>>, vector<1x16xf32>,
      %broadcast_in_dim3A_303 = arith.constant 0.000000e+00 : f32
      %broadcast_in_dim3A_304 = vector.broadcast %broadcast_in_dim3A_303 : f32 to vector<16xf32>
      %swap3A_305 = arith.index_cast %add3A_255 : i32 to index
      %swap3A_306 = arith.constant 112 : index
      %swap3A_307 = tpu.vector_load %arg8[%swap3A_305, %swap3A_306] {strides = array<i32>} : memref<80x128xf32, #tpu.memory_space<vmem>>, vector<1x16xf32>,
      %swap3A_308 = vector.shape_cast %swap3A_307 : vector<1x16xf32> to vector<16xf32>
      %swap3A_309 = vector.shape_cast %broadcast_in_dim3A_304 : vector<16xf32> to vector<1x16xf32>
      tpu.vector_store %arg8[%swap3A_305, %swap3A_306], %swap3A_309 {strides = array<i32>} : memref<80x128xf32, #tpu.memory_space<vmem>>, vector<1x16xf32>,
    }
    %scan3A_21 = arith.constant 80 : i32
    %mul3A_22 = arith.constant 640 : i32
    %mul3A_23 = arith.muli %arg1, %mul3A_22 : i32
    %add3A_24 = arith.constant 0 : i32
    %add3A_25 = arith.addi %mul3A_23, %add3A_24 : i32
    "tpu.region"() ({
      %run_scoped3A_251 = tpu.sem_alloc : memref<!tpu.dma_semaphore, #tpu.memory_space<semaphore_mem>>
      %dma_start3A_252 = arith.constant 0 : i32
      %dma_start3A_253 = tpu.memref_slice %arg11[%add3A_25, %dma_start3A_252] : memref<10240x128xf32, #tpu.memory_space<vmem_shared>> -> memref<80x128xf32, #tpu.memory_space<vmem_shared>>
      %dma_start3A_254 = arith.constant 0 : i32
      %dma_start3A_255 = tpu.memref_slice %arg11[%add3A_25, %dma_start3A_254] : memref<10240x128xf32, #tpu.memory_space<vmem_shared>> -> memref<80x128xf32, #tpu.memory_space<vmem_shared>>
      tpu.enqueue_dma source(%arg8 : memref<80x128xf32, #tpu.memory_space<vmem>>) target(%dma_start3A_255 : memref<80x128xf32, #tpu.memory_space<vmem_shared>>) target_semaphore(%run_scoped3A_251 : memref<!tpu.dma_semaphore, #tpu.memory_space<semaphore_mem>>)
      %dma_wait3A_256 = arith.constant 0 : i32
      %dma_wait3A_257 = tpu.memref_slice %arg11[%add3A_25, %dma_wait3A_256] : memref<10240x128xf32, #tpu.memory_space<vmem_shared>> -> memref<80x128xf32, #tpu.memory_space<vmem_shared>>
      %dma_wait3A_258 = arith.constant 0 : i32
      %dma_wait3A_259 = tpu.memref_slice %arg11[%add3A_25, %dma_wait3A_258] : memref<10240x128xf32, #tpu.memory_space<vmem_shared>> -> memref<80x128xf32, #tpu.memory_space<vmem_shared>>
      tpu.wait_dma2 semaphore(%run_scoped3A_251 : memref<!tpu.dma_semaphore, #tpu.memory_space<semaphore_mem>>) src(%arg8 : memref<80x128xf32, #tpu.memory_space<vmem>>) dst(%dma_wait3A_259 : memref<80x128xf32, #tpu.memory_space<vmem_shared>>)
      tpu.yield
    }) : () -> ()
    %mul3A_26 = arith.constant 640 : i32
    %mul3A_27 = arith.muli %arg1, %mul3A_26 : i32
    %add3A_28 = arith.constant 80 : i32
    %add3A_29 = arith.addi %mul3A_27, %add3A_28 : i32
    "tpu.region"() ({
      %run_scoped3A_251 = tpu.sem_alloc : memref<!tpu.dma_semaphore, #tpu.memory_space<semaphore_mem>>
      %dma_start3A_252 = arith.constant 0 : i32
      %dma_start3A_253 = tpu.memref_slice %arg11[%add3A_29, %dma_start3A_252] : memref<10240x128xf32, #tpu.memory_space<vmem_shared>> -> memref<80x128xf32, #tpu.memory_space<vmem_shared>>
      %dma_start3A_254 = arith.constant 0 : i32
      %dma_start3A_255 = tpu.memref_slice %arg11[%add3A_29, %dma_start3A_254] : memref<10240x128xf32, #tpu.memory_space<vmem_shared>> -> memref<80x128xf32, #tpu.memory_space<vmem_shared>>
      tpu.enqueue_dma source(%arg8 : memref<80x128xf32, #tpu.memory_space<vmem>>) target(%dma_start3A_255 : memref<80x128xf32, #tpu.memory_space<vmem_shared>>) target_semaphore(%run_scoped3A_251 : memref<!tpu.dma_semaphore, #tpu.memory_space<semaphore_mem>>)
      %dma_wait3A_256 = arith.constant 0 : i32
      %dma_wait3A_257 = tpu.memref_slice %arg11[%add3A_29, %dma_wait3A_256] : memref<10240x128xf32, #tpu.memory_space<vmem_shared>> -> memref<80x128xf32, #tpu.memory_space<vmem_shared>>
      %dma_wait3A_258 = arith.constant 0 : i32
      %dma_wait3A_259 = tpu.memref_slice %arg11[%add3A_29, %dma_wait3A_258] : memref<10240x128xf32, #tpu.memory_space<vmem_shared>> -> memref<80x128xf32, #tpu.memory_space<vmem_shared>>
      tpu.wait_dma2 semaphore(%run_scoped3A_251 : memref<!tpu.dma_semaphore, #tpu.memory_space<semaphore_mem>>) src(%arg8 : memref<80x128xf32, #tpu.memory_space<vmem>>) dst(%dma_wait3A_259 : memref<80x128xf32, #tpu.memory_space<vmem_shared>>)
      tpu.yield
    }) : () -> ()
    %mul3A_30 = arith.constant 640 : i32
    %mul3A_31 = arith.muli %arg1, %mul3A_30 : i32
    %add3A_32 = arith.constant 160 : i32
    %add3A_33 = arith.addi %mul3A_31, %add3A_32 : i32
    "tpu.region"() ({
      %run_scoped3A_251 = tpu.sem_alloc : memref<!tpu.dma_semaphore, #tpu.memory_space<semaphore_mem>>
      %dma_start3A_252 = arith.constant 0 : i32
      %dma_start3A_253 = tpu.memref_slice %arg11[%add3A_33, %dma_start3A_252] : memref<10240x128xf32, #tpu.memory_space<vmem_shared>> -> memref<80x128xf32, #tpu.memory_space<vmem_shared>>
      %dma_start3A_254 = arith.constant 0 : i32
      %dma_start3A_255 = tpu.memref_slice %arg11[%add3A_33, %dma_start3A_254] : memref<10240x128xf32, #tpu.memory_space<vmem_shared>> -> memref<80x128xf32, #tpu.memory_space<vmem_shared>>
      tpu.enqueue_dma source(%arg8 : memref<80x128xf32, #tpu.memory_space<vmem>>) target(%dma_start3A_255 : memref<80x128xf32, #tpu.memory_space<vmem_shared>>) target_semaphore(%run_scoped3A_251 : memref<!tpu.dma_semaphore, #tpu.memory_space<semaphore_mem>>)
      %dma_wait3A_256 = arith.constant 0 : i32
      %dma_wait3A_257 = tpu.memref_slice %arg11[%add3A_33, %dma_wait3A_256] : memref<10240x128xf32, #tpu.memory_space<vmem_shared>> -> memref<80x128xf32, #tpu.memory_space<vmem_shared>>
      %dma_wait3A_258 = arith.constant 0 : i32
      %dma_wait3A_259 = tpu.memref_slice %arg11[%add3A_33, %dma_wait3A_258] : memref<10240x128xf32, #tpu.memory_space<vmem_shared>> -> memref<80x128xf32, #tpu.memory_space<vmem_shared>>
      tpu.wait_dma2 semaphore(%run_scoped3A_251 : memref<!tpu.dma_semaphore, #tpu.memory_space<semaphore_mem>>) src(%arg8 : memref<80x128xf32, #tpu.memory_space<vmem>>) dst(%dma_wait3A_259 : memref<80x128xf32, #tpu.memory_space<vmem_shared>>)
      tpu.yield
    }) : () -> ()
    %mul3A_34 = arith.constant 640 : i32
    %mul3A_35 = arith.muli %arg1, %mul3A_34 : i32
    %add3A_36 = arith.constant 240 : i32
    %add3A_37 = arith.addi %mul3A_35, %add3A_36 : i32
    "tpu.region"() ({
      %run_scoped3A_251 = tpu.sem_alloc : memref<!tpu.dma_semaphore, #tpu.memory_space<semaphore_mem>>
      %dma_start3A_252 = arith.constant 0 : i32
      %dma_start3A_253 = tpu.memref_slice %arg11[%add3A_37, %dma_start3A_252] : memref<10240x128xf32, #tpu.memory_space<vmem_shared>> -> memref<80x128xf32, #tpu.memory_space<vmem_shared>>
      %dma_start3A_254 = arith.constant 0 : i32
      %dma_start3A_255 = tpu.memref_slice %arg11[%add3A_37, %dma_start3A_254] : memref<10240x128xf32, #tpu.memory_space<vmem_shared>> -> memref<80x128xf32, #tpu.memory_space<vmem_shared>>
      tpu.enqueue_dma source(%arg8 : memref<80x128xf32, #tpu.memory_space<vmem>>) target(%dma_start3A_255 : memref<80x128xf32, #tpu.memory_space<vmem_shared>>) target_semaphore(%run_scoped3A_251 : memref<!tpu.dma_semaphore, #tpu.memory_space<semaphore_mem>>)
      %dma_wait3A_256 = arith.constant 0 : i32
      %dma_wait3A_257 = tpu.memref_slice %arg11[%add3A_37, %dma_wait3A_256] : memref<10240x128xf32, #tpu.memory_space<vmem_shared>> -> memref<80x128xf32, #tpu.memory_space<vmem_shared>>
      %dma_wait3A_258 = arith.constant 0 : i32
      %dma_wait3A_259 = tpu.memref_slice %arg11[%add3A_37, %dma_wait3A_258] : memref<10240x128xf32, #tpu.memory_space<vmem_shared>> -> memref<80x128xf32, #tpu.memory_space<vmem_shared>>
      tpu.wait_dma2 semaphore(%run_scoped3A_251 : memref<!tpu.dma_semaphore, #tpu.memory_space<semaphore_mem>>) src(%arg8 : memref<80x128xf32, #tpu.memory_space<vmem>>) dst(%dma_wait3A_259 : memref<80x128xf32, #tpu.memory_space<vmem_shared>>)
      tpu.yield
    }) : () -> ()
    %mul3A_38 = arith.constant 640 : i32
    %mul3A_39 = arith.muli %arg1, %mul3A_38 : i32
    %add3A_40 = arith.constant 320 : i32
    %add3A_41 = arith.addi %mul3A_39, %add3A_40 : i32
    "tpu.region"() ({
      %run_scoped3A_251 = tpu.sem_alloc : memref<!tpu.dma_semaphore, #tpu.memory_space<semaphore_mem>>
      %dma_start3A_252 = arith.constant 0 : i32
      %dma_start3A_253 = tpu.memref_slice %arg11[%add3A_41, %dma_start3A_252] : memref<10240x128xf32, #tpu.memory_space<vmem_shared>> -> memref<80x128xf32, #tpu.memory_space<vmem_shared>>
      %dma_start3A_254 = arith.constant 0 : i32
      %dma_start3A_255 = tpu.memref_slice %arg11[%add3A_41, %dma_start3A_254] : memref<10240x128xf32, #tpu.memory_space<vmem_shared>> -> memref<80x128xf32, #tpu.memory_space<vmem_shared>>
      tpu.enqueue_dma source(%arg8 : memref<80x128xf32, #tpu.memory_space<vmem>>) target(%dma_start3A_255 : memref<80x128xf32, #tpu.memory_space<vmem_shared>>) target_semaphore(%run_scoped3A_251 : memref<!tpu.dma_semaphore, #tpu.memory_space<semaphore_mem>>)
      %dma_wait3A_256 = arith.constant 0 : i32
      %dma_wait3A_257 = tpu.memref_slice %arg11[%add3A_41, %dma_wait3A_256] : memref<10240x128xf32, #tpu.memory_space<vmem_shared>> -> memref<80x128xf32, #tpu.memory_space<vmem_shared>>
      %dma_wait3A_258 = arith.constant 0 : i32
      %dma_wait3A_259 = tpu.memref_slice %arg11[%add3A_41, %dma_wait3A_258] : memref<10240x128xf32, #tpu.memory_space<vmem_shared>> -> memref<80x128xf32, #tpu.memory_space<vmem_shared>>
      tpu.wait_dma2 semaphore(%run_scoped3A_251 : memref<!tpu.dma_semaphore, #tpu.memory_space<semaphore_mem>>) src(%arg8 : memref<80x128xf32, #tpu.memory_space<vmem>>) dst(%dma_wait3A_259 : memref<80x128xf32, #tpu.memory_space<vmem_shared>>)
      tpu.yield
    }) : () -> ()
    %mul3A_42 = arith.constant 640 : i32
    %mul3A_43 = arith.muli %arg1, %mul3A_42 : i32
    %add3A_44 = arith.constant 400 : i32
    %add3A_45 = arith.addi %mul3A_43, %add3A_44 : i32
    "tpu.region"() ({
      %run_scoped3A_251 = tpu.sem_alloc : memref<!tpu.dma_semaphore, #tpu.memory_space<semaphore_mem>>
      %dma_start3A_252 = arith.constant 0 : i32
      %dma_start3A_253 = tpu.memref_slice %arg11[%add3A_45, %dma_start3A_252] : memref<10240x128xf32, #tpu.memory_space<vmem_shared>> -> memref<80x128xf32, #tpu.memory_space<vmem_shared>>
      %dma_start3A_254 = arith.constant 0 : i32
      %dma_start3A_255 = tpu.memref_slice %arg11[%add3A_45, %dma_start3A_254] : memref<10240x128xf32, #tpu.memory_space<vmem_shared>> -> memref<80x128xf32, #tpu.memory_space<vmem_shared>>
      tpu.enqueue_dma source(%arg8 : memref<80x128xf32, #tpu.memory_space<vmem>>) target(%dma_start3A_255 : memref<80x128xf32, #tpu.memory_space<vmem_shared>>) target_semaphore(%run_scoped3A_251 : memref<!tpu.dma_semaphore, #tpu.memory_space<semaphore_mem>>)
      %dma_wait3A_256 = arith.constant 0 : i32
      %dma_wait3A_257 = tpu.memref_slice %arg11[%add3A_45, %dma_wait3A_256] : memref<10240x128xf32, #tpu.memory_space<vmem_shared>> -> memref<80x128xf32, #tpu.memory_space<vmem_shared>>
      %dma_wait3A_258 = arith.constant 0 : i32
      %dma_wait3A_259 = tpu.memref_slice %arg11[%add3A_45, %dma_wait3A_258] : memref<10240x128xf32, #tpu.memory_space<vmem_shared>> -> memref<80x128xf32, #tpu.memory_space<vmem_shared>>
      tpu.wait_dma2 semaphore(%run_scoped3A_251 : memref<!tpu.dma_semaphore, #tpu.memory_space<semaphore_mem>>) src(%arg8 : memref<80x128xf32, #tpu.memory_space<vmem>>) dst(%dma_wait3A_259 : memref<80x128xf32, #tpu.memory_space<vmem_shared>>)
      tpu.yield
    }) : () -> ()
    %mul3A_46 = arith.constant 640 : i32
    %mul3A_47 = arith.muli %arg1, %mul3A_46 : i32
    %add3A_48 = arith.constant 480 : i32
    %add3A_49 = arith.addi %mul3A_47, %add3A_48 : i32
    "tpu.region"() ({
      %run_scoped3A_251 = tpu.sem_alloc : memref<!tpu.dma_semaphore, #tpu.memory_space<semaphore_mem>>
      %dma_start3A_252 = arith.constant 0 : i32
      %dma_start3A_253 = tpu.memref_slice %arg11[%add3A_49, %dma_start3A_252] : memref<10240x128xf32, #tpu.memory_space<vmem_shared>> -> memref<80x128xf32, #tpu.memory_space<vmem_shared>>
      %dma_start3A_254 = arith.constant 0 : i32
      %dma_start3A_255 = tpu.memref_slice %arg11[%add3A_49, %dma_start3A_254] : memref<10240x128xf32, #tpu.memory_space<vmem_shared>> -> memref<80x128xf32, #tpu.memory_space<vmem_shared>>
      tpu.enqueue_dma source(%arg8 : memref<80x128xf32, #tpu.memory_space<vmem>>) target(%dma_start3A_255 : memref<80x128xf32, #tpu.memory_space<vmem_shared>>) target_semaphore(%run_scoped3A_251 : memref<!tpu.dma_semaphore, #tpu.memory_space<semaphore_mem>>)
      %dma_wait3A_256 = arith.constant 0 : i32
      %dma_wait3A_257 = tpu.memref_slice %arg11[%add3A_49, %dma_wait3A_256] : memref<10240x128xf32, #tpu.memory_space<vmem_shared>> -> memref<80x128xf32, #tpu.memory_space<vmem_shared>>
      %dma_wait3A_258 = arith.constant 0 : i32
      %dma_wait3A_259 = tpu.memref_slice %arg11[%add3A_49, %dma_wait3A_258] : memref<10240x128xf32, #tpu.memory_space<vmem_shared>> -> memref<80x128xf32, #tpu.memory_space<vmem_shared>>
      tpu.wait_dma2 semaphore(%run_scoped3A_251 : memref<!tpu.dma_semaphore, #tpu.memory_space<semaphore_mem>>) src(%arg8 : memref<80x128xf32, #tpu.memory_space<vmem>>) dst(%dma_wait3A_259 : memref<80x128xf32, #tpu.memory_space<vmem_shared>>)
      tpu.yield
    }) : () -> ()
    %mul3A_50 = arith.constant 640 : i32
    %mul3A_51 = arith.muli %arg1, %mul3A_50 : i32
    %add3A_52 = arith.constant 560 : i32
    %add3A_53 = arith.addi %mul3A_51, %add3A_52 : i32
    "tpu.region"() ({
      %run_scoped3A_251 = tpu.sem_alloc : memref<!tpu.dma_semaphore, #tpu.memory_space<semaphore_mem>>
      %dma_start3A_252 = arith.constant 0 : i32
      %dma_start3A_253 = tpu.memref_slice %arg11[%add3A_53, %dma_start3A_252] : memref<10240x128xf32, #tpu.memory_space<vmem_shared>> -> memref<80x128xf32, #tpu.memory_space<vmem_shared>>
      %dma_start3A_254 = arith.constant 0 : i32
      %dma_start3A_255 = tpu.memref_slice %arg11[%add3A_53, %dma_start3A_254] : memref<10240x128xf32, #tpu.memory_space<vmem_shared>> -> memref<80x128xf32, #tpu.memory_space<vmem_shared>>
      tpu.enqueue_dma source(%arg8 : memref<80x128xf32, #tpu.memory_space<vmem>>) target(%dma_start3A_255 : memref<80x128xf32, #tpu.memory_space<vmem_shared>>) target_semaphore(%run_scoped3A_251 : memref<!tpu.dma_semaphore, #tpu.memory_space<semaphore_mem>>)
      %dma_wait3A_256 = arith.constant 0 : i32
      %dma_wait3A_257 = tpu.memref_slice %arg11[%add3A_53, %dma_wait3A_256] : memref<10240x128xf32, #tpu.memory_space<vmem_shared>> -> memref<80x128xf32, #tpu.memory_space<vmem_shared>>
      %dma_wait3A_258 = arith.constant 0 : i32
      %dma_wait3A_259 = tpu.memref_slice %arg11[%add3A_53, %dma_wait3A_258] : memref<10240x128xf32, #tpu.memory_space<vmem_shared>> -> memref<80x128xf32, #tpu.memory_space<vmem_shared>>
      tpu.wait_dma2 semaphore(%run_scoped3A_251 : memref<!tpu.dma_semaphore, #tpu.memory_space<semaphore_mem>>) src(%arg8 : memref<80x128xf32, #tpu.memory_space<vmem>>) dst(%dma_wait3A_259 : memref<80x128xf32, #tpu.memory_space<vmem_shared>>)
      tpu.yield
    }) : () -> ()
    %dma_wait3A = arith.constant 0 : i32
    %dma_wait3A_54 = arith.constant 0 : i32
    %dma_wait3A_55 = arith.constant 0 : i32
    %dma_wait3A_56 = tpu.memref_slice %arg3[%dma_wait3A, %add3A, %dma_wait3A_54, %dma_wait3A_55] : memref<2x32x125x80xi32, #tpu.memory_space<hbm>> -> memref<1x1x125x80xi32, #tpu.memory_space<hbm>>
    %dma_wait3A_57 = tpu.memref_squeeze %dma_wait3A_56 : memref<1x1x125x80xi32, #tpu.memory_space<hbm>> -> memref<125x80xi32, #tpu.memory_space<hbm>>
    %dma_wait3A_58 = arith.constant 0 : i32
    %dma_wait3A_59 = arith.constant 0 : i32
    %dma_wait3A_60 = tpu.memref_slice %arg3[%dma_wait3A, %add3A, %dma_wait3A_58, %dma_wait3A_59] : memref<2x32x125x80xi32, #tpu.memory_space<hbm>> -> memref<1x1x125x80xi32, #tpu.memory_space<hbm>>
    %dma_wait3A_61 = tpu.memref_squeeze %dma_wait3A_60 : memref<1x1x125x80xi32, #tpu.memory_space<hbm>> -> memref<125x80xi32, #tpu.memory_space<hbm>>
    tpu.wait_dma2 semaphore(%arg9 : memref<!tpu.dma_semaphore, #tpu.memory_space<semaphore_mem>>) src(%dma_wait3A_61 : memref<125x80xi32, #tpu.memory_space<hbm>>) dst(%arg5 : memref<125x80xi32, #tpu.memory_space<vmem>>)
    %dma_wait3A_62 = arith.constant 1 : i32
    %dma_wait3A_63 = arith.constant 0 : i32
    %dma_wait3A_64 = arith.constant 0 : i32
    %dma_wait3A_65 = tpu.memref_slice %arg3[%dma_wait3A_62, %add3A, %dma_wait3A_63, %dma_wait3A_64] : memref<2x32x125x80xi32, #tpu.memory_space<hbm>> -> memref<1x1x125x80xi32, #tpu.memory_space<hbm>>
    %dma_wait3A_66 = tpu.memref_squeeze %dma_wait3A_65 : memref<1x1x125x80xi32, #tpu.memory_space<hbm>> -> memref<125x80xi32, #tpu.memory_space<hbm>>
    %dma_wait3A_67 = arith.constant 0 : i32
    %dma_wait3A_68 = arith.constant 0 : i32
    %dma_wait3A_69 = tpu.memref_slice %arg3[%dma_wait3A_62, %add3A, %dma_wait3A_67, %dma_wait3A_68] : memref<2x32x125x80xi32, #tpu.memory_space<hbm>> -> memref<1x1x125x80xi32, #tpu.memory_space<hbm>>
    %dma_wait3A_70 = tpu.memref_squeeze %dma_wait3A_69 : memref<1x1x125x80xi32, #tpu.memory_space<hbm>> -> memref<125x80xi32, #tpu.memory_space<hbm>>
    tpu.wait_dma2 semaphore(%arg10 : memref<!tpu.dma_semaphore, #tpu.memory_space<semaphore_mem>>) src(%dma_wait3A_70 : memref<125x80xi32, #tpu.memory_space<hbm>>) dst(%arg6 : memref<125x80xi32, #tpu.memory_space<vmem>>)
    %barrier3A = arith.constant 0 : index
    tpu.barrier barrier_id(%barrier3A)
    %dma_start3A_71 = arith.constant 0 : i32
    %dma_start3A_72 = arith.constant 0 : i32
    %dma_start3A_73 = tpu.memref_slice %arg5[%dma_start3A_71, %dma_start3A_72] : memref<125x80xi32, #tpu.memory_space<vmem>> -> memref<1x80xi32, #tpu.memory_space<vmem>>
    %dma_start3A_74 = tpu.memref_squeeze %dma_start3A_73 : memref<1x80xi32, #tpu.memory_space<vmem>> -> memref<80xi32, #tpu.memory_space<vmem>>
    %dma_start3A_75 = arith.constant 0 : i32
    %dma_start3A_76 = arith.constant 0 : i32
    %dma_start3A_77 = tpu.memref_slice %arg2[%dma_start3A_75, %dma_start3A_76] : memref<10240x128xf32, #tpu.memory_space<hbm>> -> memref<10240x128xf32, #tpu.memory_space<hbm>>
    tpu.enqueue_indirect_dma source(%dma_start3A_77 : memref<10240x128xf32, #tpu.memory_space<hbm>>) target(%arg7 : memref<80x128xf32, #tpu.memory_space<vmem>>) offsets(%dma_start3A_74 : memref<80xi32, #tpu.memory_space<vmem>>) semaphore(%arg9 : memref<!tpu.dma_semaphore, #tpu.memory_space<semaphore_mem>>)
    %scan3A_78 = arith.constant 0 : i32
    %scan3A_79 = arith.constant 62 : i32
    %scan3A_80 = arith.addi %scan3A_78, %scan3A_79 : i32
    %scan3A_81 = arith.constant 1 : i32
    scf.for %scan3A_251 = %scan3A_78 to %scan3A_80 step %scan3A_81  : i32 {
      %mul3A_252 = arith.constant 2 : i32
      %mul3A_253 = arith.muli %scan3A_251, %mul3A_252 : i32
      %add3A_254 = arith.constant 0 : i32
      %add3A_255 = arith.addi %add3A_254, %mul3A_253 : i32
      %add3A_256 = arith.constant 1 : i32
      %add3A_257 = arith.addi %add3A_255, %add3A_256 : i32
      %dma_start3A_258 = arith.constant 0 : i32
      %dma_start3A_259 = tpu.memref_slice %arg5[%add3A_257, %dma_start3A_258] : memref<125x80xi32, #tpu.memory_space<vmem>> -> memref<1x80xi32, #tpu.memory_space<vmem>>
      %dma_start3A_260 = tpu.memref_squeeze %dma_start3A_259 : memref<1x80xi32, #tpu.memory_space<vmem>> -> memref<80xi32, #tpu.memory_space<vmem>>
      %dma_start3A_261 = arith.constant 0 : i32
      %dma_start3A_262 = arith.constant 0 : i32
      %dma_start3A_263 = tpu.memref_slice %arg2[%dma_start3A_261, %dma_start3A_262] : memref<10240x128xf32, #tpu.memory_space<hbm>> -> memref<10240x128xf32, #tpu.memory_space<hbm>>
      tpu.enqueue_indirect_dma source(%dma_start3A_263 : memref<10240x128xf32, #tpu.memory_space<hbm>>) target(%arg8 : memref<80x128xf32, #tpu.memory_space<vmem>>) offsets(%dma_start3A_260 : memref<80xi32, #tpu.memory_space<vmem>>) semaphore(%arg10 : memref<!tpu.dma_semaphore, #tpu.memory_space<semaphore_mem>>)
      %dma_wait3A_264 = arith.constant 0 : i32
      %dma_wait3A_265 = tpu.memref_slice %arg5[%add3A_255, %dma_wait3A_264] : memref<125x80xi32, #tpu.memory_space<vmem>> -> memref<1x80xi32, #tpu.memory_space<vmem>>
      %dma_wait3A_266 = tpu.memref_squeeze %dma_wait3A_265 : memref<1x80xi32, #tpu.memory_space<vmem>> -> memref<80xi32, #tpu.memory_space<vmem>>
      %dma_wait3A_267 = arith.constant 0 : i32
      %dma_wait3A_268 = arith.constant 0 : i32
      %dma_wait3A_269 = tpu.memref_slice %arg2[%dma_wait3A_267, %dma_wait3A_268] : memref<10240x128xf32, #tpu.memory_space<hbm>> -> memref<10240x128xf32, #tpu.memory_space<hbm>>
      tpu.wait_indirect_dma semaphore(%arg9 : memref<!tpu.dma_semaphore, #tpu.memory_space<semaphore_mem>>) src(%dma_wait3A_269 : memref<10240x128xf32, #tpu.memory_space<hbm>>) dst(%arg7 : memref<80x128xf32, #tpu.memory_space<vmem>>)
      "tpu.region"() ({
        %run_scoped3A_288 = tpu.sem_alloc : memref<!tpu.dma_semaphore, #tpu.memory_space<semaphore_mem>>
        %dma_start3A_289 = arith.constant 0 : i32
        %dma_start3A_290 = tpu.memref_slice %arg6[%add3A_255, %dma_start3A_289] : memref<125x80xi32, #tpu.memory_space<vmem>> -> memref<1x80xi32, #tpu.memory_space<vmem>>
        %dma_start3A_291 = tpu.memref_squeeze %dma_start3A_290 : memref<1x80xi32, #tpu.memory_space<vmem>> -> memref<80xi32, #tpu.memory_space<vmem>>
        %dma_start3A_292 = arith.constant 0 : i32
        %dma_start3A_293 = arith.constant 0 : i32
        %dma_start3A_294 = tpu.memref_slice %arg11[%dma_start3A_292, %dma_start3A_293] : memref<10240x128xf32, #tpu.memory_space<vmem_shared>> -> memref<10240x128xf32, #tpu.memory_space<vmem_shared>>
        tpu.enqueue_indirect_dma source(%arg7 : memref<80x128xf32, #tpu.memory_space<vmem>>) target(%dma_start3A_294 : memref<10240x128xf32, #tpu.memory_space<vmem_shared>>) offsets(%dma_start3A_291 : memref<80xi32, #tpu.memory_space<vmem>>) semaphore(%run_scoped3A_288 : memref<!tpu.dma_semaphore, #tpu.memory_space<semaphore_mem>>) {add = true}
        %dma_wait3A_295 = arith.constant 0 : i32
        %dma_wait3A_296 = tpu.memref_slice %arg6[%add3A_255, %dma_wait3A_295] : memref<125x80xi32, #tpu.memory_space<vmem>> -> memref<1x80xi32, #tpu.memory_space<vmem>>
        %dma_wait3A_297 = tpu.memref_squeeze %dma_wait3A_296 : memref<1x80xi32, #tpu.memory_space<vmem>> -> memref<80xi32, #tpu.memory_space<vmem>>
        %dma_wait3A_298 = arith.constant 0 : i32
        %dma_wait3A_299 = arith.constant 0 : i32
        %dma_wait3A_300 = tpu.memref_slice %arg11[%dma_wait3A_298, %dma_wait3A_299] : memref<10240x128xf32, #tpu.memory_space<vmem_shared>> -> memref<10240x128xf32, #tpu.memory_space<vmem_shared>>
        tpu.wait_indirect_dma semaphore(%run_scoped3A_288 : memref<!tpu.dma_semaphore, #tpu.memory_space<semaphore_mem>>) src(%arg7 : memref<80x128xf32, #tpu.memory_space<vmem>>) dst(%dma_wait3A_300 : memref<10240x128xf32, #tpu.memory_space<vmem_shared>>)
        tpu.yield
      }) : () -> ()
      %add3A_270 = arith.constant 2 : i32
      %add3A_271 = arith.addi %add3A_255, %add3A_270 : i32
      %dma_start3A_272 = arith.constant 0 : i32
      %dma_start3A_273 = tpu.memref_slice %arg5[%add3A_271, %dma_start3A_272] : memref<125x80xi32, #tpu.memory_space<vmem>> -> memref<1x80xi32, #tpu.memory_space<vmem>>
      %dma_start3A_274 = tpu.memref_squeeze %dma_start3A_273 : memref<1x80xi32, #tpu.memory_space<vmem>> -> memref<80xi32, #tpu.memory_space<vmem>>
      %dma_start3A_275 = arith.constant 0 : i32
      %dma_start3A_276 = arith.constant 0 : i32
      %dma_start3A_277 = tpu.memref_slice %arg2[%dma_start3A_275, %dma_start3A_276] : memref<10240x128xf32, #tpu.memory_space<hbm>> -> memref<10240x128xf32, #tpu.memory_space<hbm>>
      tpu.enqueue_indirect_dma source(%dma_start3A_277 : memref<10240x128xf32, #tpu.memory_space<hbm>>) target(%arg7 : memref<80x128xf32, #tpu.memory_space<vmem>>) offsets(%dma_start3A_274 : memref<80xi32, #tpu.memory_space<vmem>>) semaphore(%arg9 : memref<!tpu.dma_semaphore, #tpu.memory_space<semaphore_mem>>)
      %add3A_278 = arith.constant 1 : i32
      %add3A_279 = arith.addi %add3A_255, %add3A_278 : i32
      %dma_wait3A_280 = arith.constant 0 : i32
      %dma_wait3A_281 = tpu.memref_slice %arg5[%add3A_279, %dma_wait3A_280] : memref<125x80xi32, #tpu.memory_space<vmem>> -> memref<1x80xi32, #tpu.memory_space<vmem>>
      %dma_wait3A_282 = tpu.memref_squeeze %dma_wait3A_281 : memref<1x80xi32, #tpu.memory_space<vmem>> -> memref<80xi32, #tpu.memory_space<vmem>>
      %dma_wait3A_283 = arith.constant 0 : i32
      %dma_wait3A_284 = arith.constant 0 : i32
      %dma_wait3A_285 = tpu.memref_slice %arg2[%dma_wait3A_283, %dma_wait3A_284] : memref<10240x128xf32, #tpu.memory_space<hbm>> -> memref<10240x128xf32, #tpu.memory_space<hbm>>
      tpu.wait_indirect_dma semaphore(%arg10 : memref<!tpu.dma_semaphore, #tpu.memory_space<semaphore_mem>>) src(%dma_wait3A_285 : memref<10240x128xf32, #tpu.memory_space<hbm>>) dst(%arg8 : memref<80x128xf32, #tpu.memory_space<vmem>>)
      %add3A_286 = arith.constant 1 : i32
      %add3A_287 = arith.addi %add3A_255, %add3A_286 : i32
      "tpu.region"() ({
        %run_scoped3A_288 = tpu.sem_alloc : memref<!tpu.dma_semaphore, #tpu.memory_space<semaphore_mem>>
        %dma_start3A_289 = arith.constant 0 : i32
        %dma_start3A_290 = tpu.memref_slice %arg6[%add3A_287, %dma_start3A_289] : memref<125x80xi32, #tpu.memory_space<vmem>> -> memref<1x80xi32, #tpu.memory_space<vmem>>
        %dma_start3A_291 = tpu.memref_squeeze %dma_start3A_290 : memref<1x80xi32, #tpu.memory_space<vmem>> -> memref<80xi32, #tpu.memory_space<vmem>>
        %dma_start3A_292 = arith.constant 0 : i32
        %dma_start3A_293 = arith.constant 0 : i32
        %dma_start3A_294 = tpu.memref_slice %arg11[%dma_start3A_292, %dma_start3A_293] : memref<10240x128xf32, #tpu.memory_space<vmem_shared>> -> memref<10240x128xf32, #tpu.memory_space<vmem_shared>>
        tpu.enqueue_indirect_dma source(%arg8 : memref<80x128xf32, #tpu.memory_space<vmem>>) target(%dma_start3A_294 : memref<10240x128xf32, #tpu.memory_space<vmem_shared>>) offsets(%dma_start3A_291 : memref<80xi32, #tpu.memory_space<vmem>>) semaphore(%run_scoped3A_288 : memref<!tpu.dma_semaphore, #tpu.memory_space<semaphore_mem>>) {add = true}
        %dma_wait3A_295 = arith.constant 0 : i32
        %dma_wait3A_296 = tpu.memref_slice %arg6[%add3A_287, %dma_wait3A_295] : memref<125x80xi32, #tpu.memory_space<vmem>> -> memref<1x80xi32, #tpu.memory_space<vmem>>
        %dma_wait3A_297 = tpu.memref_squeeze %dma_wait3A_296 : memref<1x80xi32, #tpu.memory_space<vmem>> -> memref<80xi32, #tpu.memory_space<vmem>>
        %dma_wait3A_298 = arith.constant 0 : i32
        %dma_wait3A_299 = arith.constant 0 : i32
        %dma_wait3A_300 = tpu.memref_slice %arg11[%dma_wait3A_298, %dma_wait3A_299] : memref<10240x128xf32, #tpu.memory_space<vmem_shared>> -> memref<10240x128xf32, #tpu.memory_space<vmem_shared>>
        tpu.wait_indirect_dma semaphore(%run_scoped3A_288 : memref<!tpu.dma_semaphore, #tpu.memory_space<semaphore_mem>>) src(%arg8 : memref<80x128xf32, #tpu.memory_space<vmem>>) dst(%dma_wait3A_300 : memref<10240x128xf32, #tpu.memory_space<vmem_shared>>)
        tpu.yield
      }) : () -> ()
    }
    %scan3A_82 = arith.constant 62 : i32
    %dma_wait3A_83 = arith.constant 124 : i32
    %dma_wait3A_84 = arith.constant 0 : i32
    %dma_wait3A_85 = tpu.memref_slice %arg5[%dma_wait3A_83, %dma_wait3A_84] : memref<125x80xi32, #tpu.memory_space<vmem>> -> memref<1x80xi32, #tpu.memory_space<vmem>>
    %dma_wait3A_86 = tpu.memref_squeeze %dma_wait3A_85 : memref<1x80xi32, #tpu.memory_space<vmem>> -> memref<80xi32, #tpu.memory_space<vmem>>
    %dma_wait3A_87 = arith.constant 0 : i32
    %dma_wait3A_88 = arith.constant 0 : i32
    %dma_wait3A_89 = tpu.memref_slice %arg2[%dma_wait3A_87, %dma_wait3A_88] : memref<10240x128xf32, #tpu.memory_space<hbm>> -> memref<10240x128xf32, #tpu.memory_space<hbm>>
    tpu.wait_indirect_dma semaphore(%arg9 : memref<!tpu.dma_semaphore, #tpu.memory_space<semaphore_mem>>) src(%dma_wait3A_89 : memref<10240x128xf32, #tpu.memory_space<hbm>>) dst(%arg7 : memref<80x128xf32, #tpu.memory_space<vmem>>)
    %run_scoped3A = arith.constant 124 : i32
    "tpu.region"() ({
      %run_scoped3A_251 = tpu.sem_alloc : memref<!tpu.dma_semaphore, #tpu.memory_space<semaphore_mem>>
      %dma_start3A_252 = arith.constant 0 : i32
      %dma_start3A_253 = tpu.memref_slice %arg6[%run_scoped3A, %dma_start3A_252] : memref<125x80xi32, #tpu.memory_space<vmem>> -> memref<1x80xi32, #tpu.memory_space<vmem>>
      %dma_start3A_254 = tpu.memref_squeeze %dma_start3A_253 : memref<1x80xi32, #tpu.memory_space<vmem>> -> memref<80xi32, #tpu.memory_space<vmem>>
      %dma_start3A_255 = arith.constant 0 : i32
      %dma_start3A_256 = arith.constant 0 : i32
      %dma_start3A_257 = tpu.memref_slice %arg11[%dma_start3A_255, %dma_start3A_256] : memref<10240x128xf32, #tpu.memory_space<vmem_shared>> -> memref<10240x128xf32, #tpu.memory_space<vmem_shared>>
      tpu.enqueue_indirect_dma source(%arg7 : memref<80x128xf32, #tpu.memory_space<vmem>>) target(%dma_start3A_257 : memref<10240x128xf32, #tpu.memory_space<vmem_shared>>) offsets(%dma_start3A_254 : memref<80xi32, #tpu.memory_space<vmem>>) semaphore(%run_scoped3A_251 : memref<!tpu.dma_semaphore, #tpu.memory_space<semaphore_mem>>) {add = true}
      %dma_wait3A_258 = arith.constant 0 : i32
      %dma_wait3A_259 = tpu.memref_slice %arg6[%run_scoped3A, %dma_wait3A_258] : memref<125x80xi32, #tpu.memory_space<vmem>> -> memref<1x80xi32, #tpu.memory_space<vmem>>
      %dma_wait3A_260 = tpu.memref_squeeze %dma_wait3A_259 : memref<1x80xi32, #tpu.memory_space<vmem>> -> memref<80xi32, #tpu.memory_space<vmem>>
      %dma_wait3A_261 = arith.constant 0 : i32
      %dma_wait3A_262 = arith.constant 0 : i32
      %dma_wait3A_263 = tpu.memref_slice %arg11[%dma_wait3A_261, %dma_wait3A_262] : memref<10240x128xf32, #tpu.memory_space<vmem_shared>> -> memref<10240x128xf32, #tpu.memory_space<vmem_shared>>
      tpu.wait_indirect_dma semaphore(%run_scoped3A_251 : memref<!tpu.dma_semaphore, #tpu.memory_space<semaphore_mem>>) src(%arg7 : memref<80x128xf32, #tpu.memory_space<vmem>>) dst(%dma_wait3A_263 : memref<10240x128xf32, #tpu.memory_space<vmem_shared>>)
      tpu.yield
    }) : () -> ()
    %barrier3A_90 = arith.constant 0 : index
    tpu.barrier barrier_id(%barrier3A_90)
    %mul3A_91 = arith.constant 640 : i32
    %mul3A_92 = arith.muli %arg1, %mul3A_91 : i32
    %add3A_93 = arith.constant 0 : i32
    %add3A_94 = arith.addi %mul3A_92, %add3A_93 : i32
    "tpu.region"() ({
      %run_scoped3A_251 = tpu.sem_alloc : memref<!tpu.dma_semaphore, #tpu.memory_space<semaphore_mem>>
      %dma_start3A_252 = arith.constant 0 : i32
      %dma_start3A_253 = tpu.memref_slice %arg11[%add3A_94, %dma_start3A_252] : memref<10240x128xf32, #tpu.memory_space<vmem_shared>> -> memref<80x128xf32, #tpu.memory_space<vmem_shared>>
      %dma_start3A_254 = arith.constant 0 : i32
      %dma_start3A_255 = tpu.memref_slice %arg11[%add3A_94, %dma_start3A_254] : memref<10240x128xf32, #tpu.memory_space<vmem_shared>> -> memref<80x128xf32, #tpu.memory_space<vmem_shared>>
      tpu.enqueue_dma source(%dma_start3A_255 : memref<80x128xf32, #tpu.memory_space<vmem_shared>>) target(%arg7 : memref<80x128xf32, #tpu.memory_space<vmem>>) target_semaphore(%run_scoped3A_251 : memref<!tpu.dma_semaphore, #tpu.memory_space<semaphore_mem>>)
      %dma_wait3A_256 = arith.constant 0 : i32
      %dma_wait3A_257 = tpu.memref_slice %arg11[%add3A_94, %dma_wait3A_256] : memref<10240x128xf32, #tpu.memory_space<vmem_shared>> -> memref<80x128xf32, #tpu.memory_space<vmem_shared>>
      %dma_wait3A_258 = arith.constant 0 : i32
      %dma_wait3A_259 = tpu.memref_slice %arg11[%add3A_94, %dma_wait3A_258] : memref<10240x128xf32, #tpu.memory_space<vmem_shared>> -> memref<80x128xf32, #tpu.memory_space<vmem_shared>>
      tpu.wait_dma2 semaphore(%run_scoped3A_251 : memref<!tpu.dma_semaphore, #tpu.memory_space<semaphore_mem>>) src(%dma_wait3A_259 : memref<80x128xf32, #tpu.memory_space<vmem_shared>>) dst(%arg7 : memref<80x128xf32, #tpu.memory_space<vmem>>)
      tpu.yield
    }) : () -> ()
    %dma_start3A_95 = arith.constant 0 : i32
    %dma_start3A_96 = tpu.memref_slice %arg4[%arg0, %add3A_94, %dma_start3A_95] : memref<2x10240x128xf32, #tpu.memory_space<hbm>> -> memref<1x80x128xf32, #tpu.memory_space<hbm>>
    %dma_start3A_97 = tpu.memref_squeeze %dma_start3A_96 : memref<1x80x128xf32, #tpu.memory_space<hbm>> -> memref<80x128xf32, #tpu.memory_space<hbm>>
    %dma_start3A_98 = arith.constant 0 : i32
    %dma_start3A_99 = tpu.memref_slice %arg4[%arg0, %add3A_94, %dma_start3A_98] : memref<2x10240x128xf32, #tpu.memory_space<hbm>> -> memref<1x80x128xf32, #tpu.memory_space<hbm>>
    %dma_start3A_100 = tpu.memref_squeeze %dma_start3A_99 : memref<1x80x128xf32, #tpu.memory_space<hbm>> -> memref<80x128xf32, #tpu.memory_space<hbm>>
    tpu.enqueue_dma source(%arg7 : memref<80x128xf32, #tpu.memory_space<vmem>>) target(%dma_start3A_100 : memref<80x128xf32, #tpu.memory_space<hbm>>) target_semaphore(%arg9 : memref<!tpu.dma_semaphore, #tpu.memory_space<semaphore_mem>>)
    %mul3A_101 = arith.constant 640 : i32
    %mul3A_102 = arith.muli %arg1, %mul3A_101 : i32
    %add3A_103 = arith.constant 80 : i32
    %add3A_104 = arith.addi %mul3A_102, %add3A_103 : i32
    "tpu.region"() ({
      %run_scoped3A_251 = tpu.sem_alloc : memref<!tpu.dma_semaphore, #tpu.memory_space<semaphore_mem>>
      %dma_start3A_252 = arith.constant 0 : i32
      %dma_start3A_253 = tpu.memref_slice %arg11[%add3A_104, %dma_start3A_252] : memref<10240x128xf32, #tpu.memory_space<vmem_shared>> -> memref<80x128xf32, #tpu.memory_space<vmem_shared>>
      %dma_start3A_254 = arith.constant 0 : i32
      %dma_start3A_255 = tpu.memref_slice %arg11[%add3A_104, %dma_start3A_254] : memref<10240x128xf32, #tpu.memory_space<vmem_shared>> -> memref<80x128xf32, #tpu.memory_space<vmem_shared>>
      tpu.enqueue_dma source(%dma_start3A_255 : memref<80x128xf32, #tpu.memory_space<vmem_shared>>) target(%arg8 : memref<80x128xf32, #tpu.memory_space<vmem>>) target_semaphore(%run_scoped3A_251 : memref<!tpu.dma_semaphore, #tpu.memory_space<semaphore_mem>>)
      %dma_wait3A_256 = arith.constant 0 : i32
      %dma_wait3A_257 = tpu.memref_slice %arg11[%add3A_104, %dma_wait3A_256] : memref<10240x128xf32, #tpu.memory_space<vmem_shared>> -> memref<80x128xf32, #tpu.memory_space<vmem_shared>>
      %dma_wait3A_258 = arith.constant 0 : i32
      %dma_wait3A_259 = tpu.memref_slice %arg11[%add3A_104, %dma_wait3A_258] : memref<10240x128xf32, #tpu.memory_space<vmem_shared>> -> memref<80x128xf32, #tpu.memory_space<vmem_shared>>
      tpu.wait_dma2 semaphore(%run_scoped3A_251 : memref<!tpu.dma_semaphore, #tpu.memory_space<semaphore_mem>>) src(%dma_wait3A_259 : memref<80x128xf32, #tpu.memory_space<vmem_shared>>) dst(%arg8 : memref<80x128xf32, #tpu.memory_space<vmem>>)
      tpu.yield
    }) : () -> ()
    %dma_start3A_105 = arith.constant 0 : i32
    %dma_start3A_106 = tpu.memref_slice %arg4[%arg0, %add3A_104, %dma_start3A_105] : memref<2x10240x128xf32, #tpu.memory_space<hbm>> -> memref<1x80x128xf32, #tpu.memory_space<hbm>>
    %dma_start3A_107 = tpu.memref_squeeze %dma_start3A_106 : memref<1x80x128xf32, #tpu.memory_space<hbm>> -> memref<80x128xf32, #tpu.memory_space<hbm>>
    %dma_start3A_108 = arith.constant 0 : i32
    %dma_start3A_109 = tpu.memref_slice %arg4[%arg0, %add3A_104, %dma_start3A_108] : memref<2x10240x128xf32, #tpu.memory_space<hbm>> -> memref<1x80x128xf32, #tpu.memory_space<hbm>>
    %dma_start3A_110 = tpu.memref_squeeze %dma_start3A_109 : memref<1x80x128xf32, #tpu.memory_space<hbm>> -> memref<80x128xf32, #tpu.memory_space<hbm>>
    tpu.enqueue_dma source(%arg8 : memref<80x128xf32, #tpu.memory_space<vmem>>) target(%dma_start3A_110 : memref<80x128xf32, #tpu.memory_space<hbm>>) target_semaphore(%arg10 : memref<!tpu.dma_semaphore, #tpu.memory_space<semaphore_mem>>)
    %mul3A_111 = arith.constant 640 : i32
    %mul3A_112 = arith.muli %arg1, %mul3A_111 : i32
    %add3A_113 = arith.constant 160 : i32
    %add3A_114 = arith.addi %mul3A_112, %add3A_113 : i32
    %mul3A_115 = arith.constant 640 : i32
    %mul3A_116 = arith.muli %arg1, %mul3A_115 : i32
    %add3A_117 = arith.constant 0 : i32
    %add3A_118 = arith.addi %mul3A_116, %add3A_117 : i32
    %dma_wait3A_119 = arith.constant 0 : i32
    %dma_wait3A_120 = tpu.memref_slice %arg4[%arg0, %add3A_118, %dma_wait3A_119] : memref<2x10240x128xf32, #tpu.memory_space<hbm>> -> memref<1x80x128xf32, #tpu.memory_space<hbm>>
    %dma_wait3A_121 = tpu.memref_squeeze %dma_wait3A_120 : memref<1x80x128xf32, #tpu.memory_space<hbm>> -> memref<80x128xf32, #tpu.memory_space<hbm>>
    %dma_wait3A_122 = arith.constant 0 : i32
    %dma_wait3A_123 = tpu.memref_slice %arg4[%arg0, %add3A_118, %dma_wait3A_122] : memref<2x10240x128xf32, #tpu.memory_space<hbm>> -> memref<1x80x128xf32, #tpu.memory_space<hbm>>
    %dma_wait3A_124 = tpu.memref_squeeze %dma_wait3A_123 : memref<1x80x128xf32, #tpu.memory_space<hbm>> -> memref<80x128xf32, #tpu.memory_space<hbm>>
    tpu.wait_dma2 semaphore(%arg9 : memref<!tpu.dma_semaphore, #tpu.memory_space<semaphore_mem>>) src(%arg7 : memref<80x128xf32, #tpu.memory_space<vmem>>) dst(%dma_wait3A_124 : memref<80x128xf32, #tpu.memory_space<hbm>>)
    "tpu.region"() ({
      %run_scoped3A_251 = tpu.sem_alloc : memref<!tpu.dma_semaphore, #tpu.memory_space<semaphore_mem>>
      %dma_start3A_252 = arith.constant 0 : i32
      %dma_start3A_253 = tpu.memref_slice %arg11[%add3A_114, %dma_start3A_252] : memref<10240x128xf32, #tpu.memory_space<vmem_shared>> -> memref<80x128xf32, #tpu.memory_space<vmem_shared>>
      %dma_start3A_254 = arith.constant 0 : i32
      %dma_start3A_255 = tpu.memref_slice %arg11[%add3A_114, %dma_start3A_254] : memref<10240x128xf32, #tpu.memory_space<vmem_shared>> -> memref<80x128xf32, #tpu.memory_space<vmem_shared>>
      tpu.enqueue_dma source(%dma_start3A_255 : memref<80x128xf32, #tpu.memory_space<vmem_shared>>) target(%arg7 : memref<80x128xf32, #tpu.memory_space<vmem>>) target_semaphore(%run_scoped3A_251 : memref<!tpu.dma_semaphore, #tpu.memory_space<semaphore_mem>>)
      %dma_wait3A_256 = arith.constant 0 : i32
      %dma_wait3A_257 = tpu.memref_slice %arg11[%add3A_114, %dma_wait3A_256] : memref<10240x128xf32, #tpu.memory_space<vmem_shared>> -> memref<80x128xf32, #tpu.memory_space<vmem_shared>>
      %dma_wait3A_258 = arith.constant 0 : i32
      %dma_wait3A_259 = tpu.memref_slice %arg11[%add3A_114, %dma_wait3A_258] : memref<10240x128xf32, #tpu.memory_space<vmem_shared>> -> memref<80x128xf32, #tpu.memory_space<vmem_shared>>
      tpu.wait_dma2 semaphore(%run_scoped3A_251 : memref<!tpu.dma_semaphore, #tpu.memory_space<semaphore_mem>>) src(%dma_wait3A_259 : memref<80x128xf32, #tpu.memory_space<vmem_shared>>) dst(%arg7 : memref<80x128xf32, #tpu.memory_space<vmem>>)
      tpu.yield
    }) : () -> ()
    %dma_start3A_125 = arith.constant 0 : i32
    %dma_start3A_126 = tpu.memref_slice %arg4[%arg0, %add3A_114, %dma_start3A_125] : memref<2x10240x128xf32, #tpu.memory_space<hbm>> -> memref<1x80x128xf32, #tpu.memory_space<hbm>>
    %dma_start3A_127 = tpu.memref_squeeze %dma_start3A_126 : memref<1x80x128xf32, #tpu.memory_space<hbm>> -> memref<80x128xf32, #tpu.memory_space<hbm>>
    %dma_start3A_128 = arith.constant 0 : i32
    %dma_start3A_129 = tpu.memref_slice %arg4[%arg0, %add3A_114, %dma_start3A_128] : memref<2x10240x128xf32, #tpu.memory_space<hbm>> -> memref<1x80x128xf32, #tpu.memory_space<hbm>>
    %dma_start3A_130 = tpu.memref_squeeze %dma_start3A_129 : memref<1x80x128xf32, #tpu.memory_space<hbm>> -> memref<80x128xf32, #tpu.memory_space<hbm>>
    tpu.enqueue_dma source(%arg7 : memref<80x128xf32, #tpu.memory_space<vmem>>) target(%dma_start3A_130 : memref<80x128xf32, #tpu.memory_space<hbm>>) target_semaphore(%arg9 : memref<!tpu.dma_semaphore, #tpu.memory_space<semaphore_mem>>)
    %mul3A_131 = arith.constant 640 : i32
    %mul3A_132 = arith.muli %arg1, %mul3A_131 : i32
    %add3A_133 = arith.constant 240 : i32
    %add3A_134 = arith.addi %mul3A_132, %add3A_133 : i32
    %mul3A_135 = arith.constant 640 : i32
    %mul3A_136 = arith.muli %arg1, %mul3A_135 : i32
    %add3A_137 = arith.constant 80 : i32
    %add3A_138 = arith.addi %mul3A_136, %add3A_137 : i32
    %dma_wait3A_139 = arith.constant 0 : i32
    %dma_wait3A_140 = tpu.memref_slice %arg4[%arg0, %add3A_138, %dma_wait3A_139] : memref<2x10240x128xf32, #tpu.memory_space<hbm>> -> memref<1x80x128xf32, #tpu.memory_space<hbm>>
    %dma_wait3A_141 = tpu.memref_squeeze %dma_wait3A_140 : memref<1x80x128xf32, #tpu.memory_space<hbm>> -> memref<80x128xf32, #tpu.memory_space<hbm>>
    %dma_wait3A_142 = arith.constant 0 : i32
    %dma_wait3A_143 = tpu.memref_slice %arg4[%arg0, %add3A_138, %dma_wait3A_142] : memref<2x10240x128xf32, #tpu.memory_space<hbm>> -> memref<1x80x128xf32, #tpu.memory_space<hbm>>
    %dma_wait3A_144 = tpu.memref_squeeze %dma_wait3A_143 : memref<1x80x128xf32, #tpu.memory_space<hbm>> -> memref<80x128xf32, #tpu.memory_space<hbm>>
    tpu.wait_dma2 semaphore(%arg10 : memref<!tpu.dma_semaphore, #tpu.memory_space<semaphore_mem>>) src(%arg8 : memref<80x128xf32, #tpu.memory_space<vmem>>) dst(%dma_wait3A_144 : memref<80x128xf32, #tpu.memory_space<hbm>>)
    "tpu.region"() ({
      %run_scoped3A_251 = tpu.sem_alloc : memref<!tpu.dma_semaphore, #tpu.memory_space<semaphore_mem>>
      %dma_start3A_252 = arith.constant 0 : i32
      %dma_start3A_253 = tpu.memref_slice %arg11[%add3A_134, %dma_start3A_252] : memref<10240x128xf32, #tpu.memory_space<vmem_shared>> -> memref<80x128xf32, #tpu.memory_space<vmem_shared>>
      %dma_start3A_254 = arith.constant 0 : i32
      %dma_start3A_255 = tpu.memref_slice %arg11[%add3A_134, %dma_start3A_254] : memref<10240x128xf32, #tpu.memory_space<vmem_shared>> -> memref<80x128xf32, #tpu.memory_space<vmem_shared>>
      tpu.enqueue_dma source(%dma_start3A_255 : memref<80x128xf32, #tpu.memory_space<vmem_shared>>) target(%arg8 : memref<80x128xf32, #tpu.memory_space<vmem>>) target_semaphore(%run_scoped3A_251 : memref<!tpu.dma_semaphore, #tpu.memory_space<semaphore_mem>>)
      %dma_wait3A_256 = arith.constant 0 : i32
      %dma_wait3A_257 = tpu.memref_slice %arg11[%add3A_134, %dma_wait3A_256] : memref<10240x128xf32, #tpu.memory_space<vmem_shared>> -> memref<80x128xf32, #tpu.memory_space<vmem_shared>>
      %dma_wait3A_258 = arith.constant 0 : i32
      %dma_wait3A_259 = tpu.memref_slice %arg11[%add3A_134, %dma_wait3A_258] : memref<10240x128xf32, #tpu.memory_space<vmem_shared>> -> memref<80x128xf32, #tpu.memory_space<vmem_shared>>
      tpu.wait_dma2 semaphore(%run_scoped3A_251 : memref<!tpu.dma_semaphore, #tpu.memory_space<semaphore_mem>>) src(%dma_wait3A_259 : memref<80x128xf32, #tpu.memory_space<vmem_shared>>) dst(%arg8 : memref<80x128xf32, #tpu.memory_space<vmem>>)
      tpu.yield
    }) : () -> ()
    %dma_start3A_145 = arith.constant 0 : i32
    %dma_start3A_146 = tpu.memref_slice %arg4[%arg0, %add3A_134, %dma_start3A_145] : memref<2x10240x128xf32, #tpu.memory_space<hbm>> -> memref<1x80x128xf32, #tpu.memory_space<hbm>>
    %dma_start3A_147 = tpu.memref_squeeze %dma_start3A_146 : memref<1x80x128xf32, #tpu.memory_space<hbm>> -> memref<80x128xf32, #tpu.memory_space<hbm>>
    %dma_start3A_148 = arith.constant 0 : i32
    %dma_start3A_149 = tpu.memref_slice %arg4[%arg0, %add3A_134, %dma_start3A_148] : memref<2x10240x128xf32, #tpu.memory_space<hbm>> -> memref<1x80x128xf32, #tpu.memory_space<hbm>>
    %dma_start3A_150 = tpu.memref_squeeze %dma_start3A_149 : memref<1x80x128xf32, #tpu.memory_space<hbm>> -> memref<80x128xf32, #tpu.memory_space<hbm>>
    tpu.enqueue_dma source(%arg8 : memref<80x128xf32, #tpu.memory_space<vmem>>) target(%dma_start3A_150 : memref<80x128xf32, #tpu.memory_space<hbm>>) target_semaphore(%arg10 : memref<!tpu.dma_semaphore, #tpu.memory_space<semaphore_mem>>)
    %mul3A_151 = arith.constant 640 : i32
    %mul3A_152 = arith.muli %arg1, %mul3A_151 : i32
    %add3A_153 = arith.constant 320 : i32
    %add3A_154 = arith.addi %mul3A_152, %add3A_153 : i32
    %mul3A_155 = arith.constant 640 : i32
    %mul3A_156 = arith.muli %arg1, %mul3A_155 : i32
    %add3A_157 = arith.constant 160 : i32
    %add3A_158 = arith.addi %mul3A_156, %add3A_157 : i32
    %dma_wait3A_159 = arith.constant 0 : i32
    %dma_wait3A_160 = tpu.memref_slice %arg4[%arg0, %add3A_158, %dma_wait3A_159] : memref<2x10240x128xf32, #tpu.memory_space<hbm>> -> memref<1x80x128xf32, #tpu.memory_space<hbm>>
    %dma_wait3A_161 = tpu.memref_squeeze %dma_wait3A_160 : memref<1x80x128xf32, #tpu.memory_space<hbm>> -> memref<80x128xf32, #tpu.memory_space<hbm>>
    %dma_wait3A_162 = arith.constant 0 : i32
    %dma_wait3A_163 = tpu.memref_slice %arg4[%arg0, %add3A_158, %dma_wait3A_162] : memref<2x10240x128xf32, #tpu.memory_space<hbm>> -> memref<1x80x128xf32, #tpu.memory_space<hbm>>
    %dma_wait3A_164 = tpu.memref_squeeze %dma_wait3A_163 : memref<1x80x128xf32, #tpu.memory_space<hbm>> -> memref<80x128xf32, #tpu.memory_space<hbm>>
    tpu.wait_dma2 semaphore(%arg9 : memref<!tpu.dma_semaphore, #tpu.memory_space<semaphore_mem>>) src(%arg7 : memref<80x128xf32, #tpu.memory_space<vmem>>) dst(%dma_wait3A_164 : memref<80x128xf32, #tpu.memory_space<hbm>>)
    "tpu.region"() ({
      %run_scoped3A_251 = tpu.sem_alloc : memref<!tpu.dma_semaphore, #tpu.memory_space<semaphore_mem>>
      %dma_start3A_252 = arith.constant 0 : i32
      %dma_start3A_253 = tpu.memref_slice %arg11[%add3A_154, %dma_start3A_252] : memref<10240x128xf32, #tpu.memory_space<vmem_shared>> -> memref<80x128xf32, #tpu.memory_space<vmem_shared>>
      %dma_start3A_254 = arith.constant 0 : i32
      %dma_start3A_255 = tpu.memref_slice %arg11[%add3A_154, %dma_start3A_254] : memref<10240x128xf32, #tpu.memory_space<vmem_shared>> -> memref<80x128xf32, #tpu.memory_space<vmem_shared>>
      tpu.enqueue_dma source(%dma_start3A_255 : memref<80x128xf32, #tpu.memory_space<vmem_shared>>) target(%arg7 : memref<80x128xf32, #tpu.memory_space<vmem>>) target_semaphore(%run_scoped3A_251 : memref<!tpu.dma_semaphore, #tpu.memory_space<semaphore_mem>>)
      %dma_wait3A_256 = arith.constant 0 : i32
      %dma_wait3A_257 = tpu.memref_slice %arg11[%add3A_154, %dma_wait3A_256] : memref<10240x128xf32, #tpu.memory_space<vmem_shared>> -> memref<80x128xf32, #tpu.memory_space<vmem_shared>>
      %dma_wait3A_258 = arith.constant 0 : i32
      %dma_wait3A_259 = tpu.memref_slice %arg11[%add3A_154, %dma_wait3A_258] : memref<10240x128xf32, #tpu.memory_space<vmem_shared>> -> memref<80x128xf32, #tpu.memory_space<vmem_shared>>
      tpu.wait_dma2 semaphore(%run_scoped3A_251 : memref<!tpu.dma_semaphore, #tpu.memory_space<semaphore_mem>>) src(%dma_wait3A_259 : memref<80x128xf32, #tpu.memory_space<vmem_shared>>) dst(%arg7 : memref<80x128xf32, #tpu.memory_space<vmem>>)
      tpu.yield
    }) : () -> ()
    %dma_start3A_165 = arith.constant 0 : i32
    %dma_start3A_166 = tpu.memref_slice %arg4[%arg0, %add3A_154, %dma_start3A_165] : memref<2x10240x128xf32, #tpu.memory_space<hbm>> -> memref<1x80x128xf32, #tpu.memory_space<hbm>>
    %dma_start3A_167 = tpu.memref_squeeze %dma_start3A_166 : memref<1x80x128xf32, #tpu.memory_space<hbm>> -> memref<80x128xf32, #tpu.memory_space<hbm>>
    %dma_start3A_168 = arith.constant 0 : i32
    %dma_start3A_169 = tpu.memref_slice %arg4[%arg0, %add3A_154, %dma_start3A_168] : memref<2x10240x128xf32, #tpu.memory_space<hbm>> -> memref<1x80x128xf32, #tpu.memory_space<hbm>>
    %dma_start3A_170 = tpu.memref_squeeze %dma_start3A_169 : memref<1x80x128xf32, #tpu.memory_space<hbm>> -> memref<80x128xf32, #tpu.memory_space<hbm>>
    tpu.enqueue_dma source(%arg7 : memref<80x128xf32, #tpu.memory_space<vmem>>) target(%dma_start3A_170 : memref<80x128xf32, #tpu.memory_space<hbm>>) target_semaphore(%arg9 : memref<!tpu.dma_semaphore, #tpu.memory_space<semaphore_mem>>)
    %mul3A_171 = arith.constant 640 : i32
    %mul3A_172 = arith.muli %arg1, %mul3A_171 : i32
    %add3A_173 = arith.constant 400 : i32
    %add3A_174 = arith.addi %mul3A_172, %add3A_173 : i32
    %mul3A_175 = arith.constant 640 : i32
    %mul3A_176 = arith.muli %arg1, %mul3A_175 : i32
    %add3A_177 = arith.constant 240 : i32
    %add3A_178 = arith.addi %mul3A_176, %add3A_177 : i32
    %dma_wait3A_179 = arith.constant 0 : i32
    %dma_wait3A_180 = tpu.memref_slice %arg4[%arg0, %add3A_178, %dma_wait3A_179] : memref<2x10240x128xf32, #tpu.memory_space<hbm>> -> memref<1x80x128xf32, #tpu.memory_space<hbm>>
    %dma_wait3A_181 = tpu.memref_squeeze %dma_wait3A_180 : memref<1x80x128xf32, #tpu.memory_space<hbm>> -> memref<80x128xf32, #tpu.memory_space<hbm>>
    %dma_wait3A_182 = arith.constant 0 : i32
    %dma_wait3A_183 = tpu.memref_slice %arg4[%arg0, %add3A_178, %dma_wait3A_182] : memref<2x10240x128xf32, #tpu.memory_space<hbm>> -> memref<1x80x128xf32, #tpu.memory_space<hbm>>
    %dma_wait3A_184 = tpu.memref_squeeze %dma_wait3A_183 : memref<1x80x128xf32, #tpu.memory_space<hbm>> -> memref<80x128xf32, #tpu.memory_space<hbm>>
    tpu.wait_dma2 semaphore(%arg10 : memref<!tpu.dma_semaphore, #tpu.memory_space<semaphore_mem>>) src(%arg8 : memref<80x128xf32, #tpu.memory_space<vmem>>) dst(%dma_wait3A_184 : memref<80x128xf32, #tpu.memory_space<hbm>>)
    "tpu.region"() ({
      %run_scoped3A_251 = tpu.sem_alloc : memref<!tpu.dma_semaphore, #tpu.memory_space<semaphore_mem>>
      %dma_start3A_252 = arith.constant 0 : i32
      %dma_start3A_253 = tpu.memref_slice %arg11[%add3A_174, %dma_start3A_252] : memref<10240x128xf32, #tpu.memory_space<vmem_shared>> -> memref<80x128xf32, #tpu.memory_space<vmem_shared>>
      %dma_start3A_254 = arith.constant 0 : i32
      %dma_start3A_255 = tpu.memref_slice %arg11[%add3A_174, %dma_start3A_254] : memref<10240x128xf32, #tpu.memory_space<vmem_shared>> -> memref<80x128xf32, #tpu.memory_space<vmem_shared>>
      tpu.enqueue_dma source(%dma_start3A_255 : memref<80x128xf32, #tpu.memory_space<vmem_shared>>) target(%arg8 : memref<80x128xf32, #tpu.memory_space<vmem>>) target_semaphore(%run_scoped3A_251 : memref<!tpu.dma_semaphore, #tpu.memory_space<semaphore_mem>>)
      %dma_wait3A_256 = arith.constant 0 : i32
      %dma_wait3A_257 = tpu.memref_slice %arg11[%add3A_174, %dma_wait3A_256] : memref<10240x128xf32, #tpu.memory_space<vmem_shared>> -> memref<80x128xf32, #tpu.memory_space<vmem_shared>>
      %dma_wait3A_258 = arith.constant 0 : i32
      %dma_wait3A_259 = tpu.memref_slice %arg11[%add3A_174, %dma_wait3A_258] : memref<10240x128xf32, #tpu.memory_space<vmem_shared>> -> memref<80x128xf32, #tpu.memory_space<vmem_shared>>
      tpu.wait_dma2 semaphore(%run_scoped3A_251 : memref<!tpu.dma_semaphore, #tpu.memory_space<semaphore_mem>>) src(%dma_wait3A_259 : memref<80x128xf32, #tpu.memory_space<vmem_shared>>) dst(%arg8 : memref<80x128xf32, #tpu.memory_space<vmem>>)
      tpu.yield
    }) : () -> ()
    %dma_start3A_185 = arith.constant 0 : i32
    %dma_start3A_186 = tpu.memref_slice %arg4[%arg0, %add3A_174, %dma_start3A_185] : memref<2x10240x128xf32, #tpu.memory_space<hbm>> -> memref<1x80x128xf32, #tpu.memory_space<hbm>>
    %dma_start3A_187 = tpu.memref_squeeze %dma_start3A_186 : memref<1x80x128xf32, #tpu.memory_space<hbm>> -> memref<80x128xf32, #tpu.memory_space<hbm>>
    %dma_start3A_188 = arith.constant 0 : i32
    %dma_start3A_189 = tpu.memref_slice %arg4[%arg0, %add3A_174, %dma_start3A_188] : memref<2x10240x128xf32, #tpu.memory_space<hbm>> -> memref<1x80x128xf32, #tpu.memory_space<hbm>>
    %dma_start3A_190 = tpu.memref_squeeze %dma_start3A_189 : memref<1x80x128xf32, #tpu.memory_space<hbm>> -> memref<80x128xf32, #tpu.memory_space<hbm>>
    tpu.enqueue_dma source(%arg8 : memref<80x128xf32, #tpu.memory_space<vmem>>) target(%dma_start3A_190 : memref<80x128xf32, #tpu.memory_space<hbm>>) target_semaphore(%arg10 : memref<!tpu.dma_semaphore, #tpu.memory_space<semaphore_mem>>)
    %mul3A_191 = arith.constant 640 : i32
    %mul3A_192 = arith.muli %arg1, %mul3A_191 : i32
    %add3A_193 = arith.constant 480 : i32
    %add3A_194 = arith.addi %mul3A_192, %add3A_193 : i32
    %mul3A_195 = arith.constant 640 : i32
    %mul3A_196 = arith.muli %arg1, %mul3A_195 : i32
    %add3A_197 = arith.constant 320 : i32
    %add3A_198 = arith.addi %mul3A_196, %add3A_197 : i32
    %dma_wait3A_199 = arith.constant 0 : i32
    %dma_wait3A_200 = tpu.memref_slice %arg4[%arg0, %add3A_198, %dma_wait3A_199] : memref<2x10240x128xf32, #tpu.memory_space<hbm>> -> memref<1x80x128xf32, #tpu.memory_space<hbm>>
    %dma_wait3A_201 = tpu.memref_squeeze %dma_wait3A_200 : memref<1x80x128xf32, #tpu.memory_space<hbm>> -> memref<80x128xf32, #tpu.memory_space<hbm>>
    %dma_wait3A_202 = arith.constant 0 : i32
    %dma_wait3A_203 = tpu.memref_slice %arg4[%arg0, %add3A_198, %dma_wait3A_202] : memref<2x10240x128xf32, #tpu.memory_space<hbm>> -> memref<1x80x128xf32, #tpu.memory_space<hbm>>
    %dma_wait3A_204 = tpu.memref_squeeze %dma_wait3A_203 : memref<1x80x128xf32, #tpu.memory_space<hbm>> -> memref<80x128xf32, #tpu.memory_space<hbm>>
    tpu.wait_dma2 semaphore(%arg9 : memref<!tpu.dma_semaphore, #tpu.memory_space<semaphore_mem>>) src(%arg7 : memref<80x128xf32, #tpu.memory_space<vmem>>) dst(%dma_wait3A_204 : memref<80x128xf32, #tpu.memory_space<hbm>>)
    "tpu.region"() ({
      %run_scoped3A_251 = tpu.sem_alloc : memref<!tpu.dma_semaphore, #tpu.memory_space<semaphore_mem>>
      %dma_start3A_252 = arith.constant 0 : i32
      %dma_start3A_253 = tpu.memref_slice %arg11[%add3A_194, %dma_start3A_252] : memref<10240x128xf32, #tpu.memory_space<vmem_shared>> -> memref<80x128xf32, #tpu.memory_space<vmem_shared>>
      %dma_start3A_254 = arith.constant 0 : i32
      %dma_start3A_255 = tpu.memref_slice %arg11[%add3A_194, %dma_start3A_254] : memref<10240x128xf32, #tpu.memory_space<vmem_shared>> -> memref<80x128xf32, #tpu.memory_space<vmem_shared>>
      tpu.enqueue_dma source(%dma_start3A_255 : memref<80x128xf32, #tpu.memory_space<vmem_shared>>) target(%arg7 : memref<80x128xf32, #tpu.memory_space<vmem>>) target_semaphore(%run_scoped3A_251 : memref<!tpu.dma_semaphore, #tpu.memory_space<semaphore_mem>>)
      %dma_wait3A_256 = arith.constant 0 : i32
      %dma_wait3A_257 = tpu.memref_slice %arg11[%add3A_194, %dma_wait3A_256] : memref<10240x128xf32, #tpu.memory_space<vmem_shared>> -> memref<80x128xf32, #tpu.memory_space<vmem_shared>>
      %dma_wait3A_258 = arith.constant 0 : i32
      %dma_wait3A_259 = tpu.memref_slice %arg11[%add3A_194, %dma_wait3A_258] : memref<10240x128xf32, #tpu.memory_space<vmem_shared>> -> memref<80x128xf32, #tpu.memory_space<vmem_shared>>
      tpu.wait_dma2 semaphore(%run_scoped3A_251 : memref<!tpu.dma_semaphore, #tpu.memory_space<semaphore_mem>>) src(%dma_wait3A_259 : memref<80x128xf32, #tpu.memory_space<vmem_shared>>) dst(%arg7 : memref<80x128xf32, #tpu.memory_space<vmem>>)
      tpu.yield
    }) : () -> ()
    %dma_start3A_205 = arith.constant 0 : i32
    %dma_start3A_206 = tpu.memref_slice %arg4[%arg0, %add3A_194, %dma_start3A_205] : memref<2x10240x128xf32, #tpu.memory_space<hbm>> -> memref<1x80x128xf32, #tpu.memory_space<hbm>>
    %dma_start3A_207 = tpu.memref_squeeze %dma_start3A_206 : memref<1x80x128xf32, #tpu.memory_space<hbm>> -> memref<80x128xf32, #tpu.memory_space<hbm>>
    %dma_start3A_208 = arith.constant 0 : i32
    %dma_start3A_209 = tpu.memref_slice %arg4[%arg0, %add3A_194, %dma_start3A_208] : memref<2x10240x128xf32, #tpu.memory_space<hbm>> -> memref<1x80x128xf32, #tpu.memory_space<hbm>>
    %dma_start3A_210 = tpu.memref_squeeze %dma_start3A_209 : memref<1x80x128xf32, #tpu.memory_space<hbm>> -> memref<80x128xf32, #tpu.memory_space<hbm>>
    tpu.enqueue_dma source(%arg7 : memref<80x128xf32, #tpu.memory_space<vmem>>) target(%dma_start3A_210 : memref<80x128xf32, #tpu.memory_space<hbm>>) target_semaphore(%arg9 : memref<!tpu.dma_semaphore, #tpu.memory_space<semaphore_mem>>)
    %mul3A_211 = arith.constant 640 : i32
    %mul3A_212 = arith.muli %arg1, %mul3A_211 : i32
    %add3A_213 = arith.constant 560 : i32
    %add3A_214 = arith.addi %mul3A_212, %add3A_213 : i32
    %mul3A_215 = arith.constant 640 : i32
    %mul3A_216 = arith.muli %arg1, %mul3A_215 : i32
    %add3A_217 = arith.constant 400 : i32
    %add3A_218 = arith.addi %mul3A_216, %add3A_217 : i32
    %dma_wait3A_219 = arith.constant 0 : i32
    %dma_wait3A_220 = tpu.memref_slice %arg4[%arg0, %add3A_218, %dma_wait3A_219] : memref<2x10240x128xf32, #tpu.memory_space<hbm>> -> memref<1x80x128xf32, #tpu.memory_space<hbm>>
    %dma_wait3A_221 = tpu.memref_squeeze %dma_wait3A_220 : memref<1x80x128xf32, #tpu.memory_space<hbm>> -> memref<80x128xf32, #tpu.memory_space<hbm>>
    %dma_wait3A_222 = arith.constant 0 : i32
    %dma_wait3A_223 = tpu.memref_slice %arg4[%arg0, %add3A_218, %dma_wait3A_222] : memref<2x10240x128xf32, #tpu.memory_space<hbm>> -> memref<1x80x128xf32, #tpu.memory_space<hbm>>
    %dma_wait3A_224 = tpu.memref_squeeze %dma_wait3A_223 : memref<1x80x128xf32, #tpu.memory_space<hbm>> -> memref<80x128xf32, #tpu.memory_space<hbm>>
    tpu.wait_dma2 semaphore(%arg10 : memref<!tpu.dma_semaphore, #tpu.memory_space<semaphore_mem>>) src(%arg8 : memref<80x128xf32, #tpu.memory_space<vmem>>) dst(%dma_wait3A_224 : memref<80x128xf32, #tpu.memory_space<hbm>>)
    "tpu.region"() ({
      %run_scoped3A_251 = tpu.sem_alloc : memref<!tpu.dma_semaphore, #tpu.memory_space<semaphore_mem>>
      %dma_start3A_252 = arith.constant 0 : i32
      %dma_start3A_253 = tpu.memref_slice %arg11[%add3A_214, %dma_start3A_252] : memref<10240x128xf32, #tpu.memory_space<vmem_shared>> -> memref<80x128xf32, #tpu.memory_space<vmem_shared>>
      %dma_start3A_254 = arith.constant 0 : i32
      %dma_start3A_255 = tpu.memref_slice %arg11[%add3A_214, %dma_start3A_254] : memref<10240x128xf32, #tpu.memory_space<vmem_shared>> -> memref<80x128xf32, #tpu.memory_space<vmem_shared>>
      tpu.enqueue_dma source(%dma_start3A_255 : memref<80x128xf32, #tpu.memory_space<vmem_shared>>) target(%arg8 : memref<80x128xf32, #tpu.memory_space<vmem>>) target_semaphore(%run_scoped3A_251 : memref<!tpu.dma_semaphore, #tpu.memory_space<semaphore_mem>>)
      %dma_wait3A_256 = arith.constant 0 : i32
      %dma_wait3A_257 = tpu.memref_slice %arg11[%add3A_214, %dma_wait3A_256] : memref<10240x128xf32, #tpu.memory_space<vmem_shared>> -> memref<80x128xf32, #tpu.memory_space<vmem_shared>>
      %dma_wait3A_258 = arith.constant 0 : i32
      %dma_wait3A_259 = tpu.memref_slice %arg11[%add3A_214, %dma_wait3A_258] : memref<10240x128xf32, #tpu.memory_space<vmem_shared>> -> memref<80x128xf32, #tpu.memory_space<vmem_shared>>
      tpu.wait_dma2 semaphore(%run_scoped3A_251 : memref<!tpu.dma_semaphore, #tpu.memory_space<semaphore_mem>>) src(%dma_wait3A_259 : memref<80x128xf32, #tpu.memory_space<vmem_shared>>) dst(%arg8 : memref<80x128xf32, #tpu.memory_space<vmem>>)
      tpu.yield
    }) : () -> ()
    %dma_start3A_225 = arith.constant 0 : i32
    %dma_start3A_226 = tpu.memref_slice %arg4[%arg0, %add3A_214, %dma_start3A_225] : memref<2x10240x128xf32, #tpu.memory_space<hbm>> -> memref<1x80x128xf32, #tpu.memory_space<hbm>>
    %dma_start3A_227 = tpu.memref_squeeze %dma_start3A_226 : memref<1x80x128xf32, #tpu.memory_space<hbm>> -> memref<80x128xf32, #tpu.memory_space<hbm>>
    %dma_start3A_228 = arith.constant 0 : i32
    %dma_start3A_229 = tpu.memref_slice %arg4[%arg0, %add3A_214, %dma_start3A_228] : memref<2x10240x128xf32, #tpu.memory_space<hbm>> -> memref<1x80x128xf32, #tpu.memory_space<hbm>>
    %dma_start3A_230 = tpu.memref_squeeze %dma_start3A_229 : memref<1x80x128xf32, #tpu.memory_space<hbm>> -> memref<80x128xf32, #tpu.memory_space<hbm>>
    tpu.enqueue_dma source(%arg8 : memref<80x128xf32, #tpu.memory_space<vmem>>) target(%dma_start3A_230 : memref<80x128xf32, #tpu.memory_space<hbm>>) target_semaphore(%arg10 : memref<!tpu.dma_semaphore, #tpu.memory_space<semaphore_mem>>)
    %mul3A_231 = arith.constant 640 : i32
    %mul3A_232 = arith.muli %arg1, %mul3A_231 : i32
    %add3A_233 = arith.constant 480 : i32
    %add3A_234 = arith.addi %mul3A_232, %add3A_233 : i32
    %dma_wait3A_235 = arith.constant 0 : i32
    %dma_wait3A_236 = tpu.memref_slice %arg4[%arg0, %add3A_234, %dma_wait3A_235] : memref<2x10240x128xf32, #tpu.memory_space<hbm>> -> memref<1x80x128xf32, #tpu.memory_space<hbm>>
    %dma_wait3A_237 = tpu.memref_squeeze %dma_wait3A_236 : memref<1x80x128xf32, #tpu.memory_space<hbm>> -> memref<80x128xf32, #tpu.memory_space<hbm>>
    %dma_wait3A_238 = arith.constant 0 : i32
    %dma_wait3A_239 = tpu.memref_slice %arg4[%arg0, %add3A_234, %dma_wait3A_238] : memref<2x10240x128xf32, #tpu.memory_space<hbm>> -> memref<1x80x128xf32, #tpu.memory_space<hbm>>
    %dma_wait3A_240 = tpu.memref_squeeze %dma_wait3A_239 : memref<1x80x128xf32, #tpu.memory_space<hbm>> -> memref<80x128xf32, #tpu.memory_space<hbm>>
    tpu.wait_dma2 semaphore(%arg9 : memref<!tpu.dma_semaphore, #tpu.memory_space<semaphore_mem>>) src(%arg7 : memref<80x128xf32, #tpu.memory_space<vmem>>) dst(%dma_wait3A_240 : memref<80x128xf32, #tpu.memory_space<hbm>>)
    %mul3A_241 = arith.constant 640 : i32
    %mul3A_242 = arith.muli %arg1, %mul3A_241 : i32
    %add3A_243 = arith.constant 560 : i32
    %add3A_244 = arith.addi %mul3A_242, %add3A_243 : i32
    %dma_wait3A_245 = arith.constant 0 : i32
    %dma_wait3A_246 = tpu.memref_slice %arg4[%arg0, %add3A_244, %dma_wait3A_245] : memref<2x10240x128xf32, #tpu.memory_space<hbm>> -> memref<1x80x128xf32, #tpu.memory_space<hbm>>
    %dma_wait3A_247 = tpu.memref_squeeze %dma_wait3A_246 : memref<1x80x128xf32, #tpu.memory_space<hbm>> -> memref<80x128xf32, #tpu.memory_space<hbm>>
    %dma_wait3A_248 = arith.constant 0 : i32
    %dma_wait3A_249 = tpu.memref_slice %arg4[%arg0, %add3A_244, %dma_wait3A_248] : memref<2x10240x128xf32, #tpu.memory_space<hbm>> -> memref<1x80x128xf32, #tpu.memory_space<hbm>>
    %dma_wait3A_250 = tpu.memref_squeeze %dma_wait3A_249 : memref<1x80x128xf32, #tpu.memory_space<hbm>> -> memref<80x128xf32, #tpu.memory_space<hbm>>
    tpu.wait_dma2 semaphore(%arg10 : memref<!tpu.dma_semaphore, #tpu.memory_space<semaphore_mem>>) src(%arg8 : memref<80x128xf32, #tpu.memory_space<vmem>>) dst(%dma_wait3A_250 : memref<80x128xf32, #tpu.memory_space<hbm>>)
    return
  }
}

#map = affine_map<(d0, d1) -> (0, 0, 0, 0)>
module attributes {stable_mosaic.version = 14 : i64} {
  func.func @_sc_counts(%arg0: i32, %arg1: i32, %arg2: memref<2x32x125x80xi32, #tpu.memory_space<hbm>>, %arg3: memref<2x2x10240x16xf32, #tpu.memory_space<hbm>>, %arg4: memref<125x80xi32, #tpu.memory_space<vmem>>, %arg5: memref<125x80xi32, #tpu.memory_space<vmem>>, %arg6: memref<80x16xf32, #tpu.memory_space<vmem>>, %arg7: memref<640x16xf32, #tpu.memory_space<vmem>>, %arg8: memref<10240x16xf32, #tpu.memory_space<vmem_shared>>, %arg9: memref<10240x16xf32, #tpu.memory_space<vmem_shared>>) attributes {dimension_semantics = [#tpu.dimension_semantics<core_parallel>, #tpu.dimension_semantics<subcore_parallel>], iteration_bounds = array<i64: 2, 16>, scalar_prefetch = 0 : i64, scratch_operands = 6 : i64, tpu.core_type = #tpu.core_type<sc_vector_subcore>, window_params = [{transform_indices = #map}, {transform_indices = #map}]} {
    %mul3A = arith.constant 2 : i32
    %mul3A_0 = arith.muli %arg1, %mul3A : i32
    %add3A = arith.addi %mul3A_0, %arg0 : i32
    %run_scoped3A = arith.constant 0 : i32
    "tpu.region"() ({
      %run_scoped3A_31 = tpu.sem_alloc : memref<!tpu.dma_semaphore, #tpu.memory_space<semaphore_mem>>
      %dma_start3A = arith.constant 0 : i32
      %dma_start3A_32 = arith.constant 0 : i32
      %dma_start3A_33 = tpu.memref_slice %arg2[%run_scoped3A, %add3A, %dma_start3A, %dma_start3A_32] : memref<2x32x125x80xi32, #tpu.memory_space<hbm>> -> memref<1x1x125x80xi32, #tpu.memory_space<hbm>>
      %dma_start3A_34 = tpu.memref_squeeze %dma_start3A_33 : memref<1x1x125x80xi32, #tpu.memory_space<hbm>> -> memref<125x80xi32, #tpu.memory_space<hbm>>
      %dma_start3A_35 = arith.constant 0 : i32
      %dma_start3A_36 = arith.constant 0 : i32
      %dma_start3A_37 = tpu.memref_slice %arg2[%run_scoped3A, %add3A, %dma_start3A_35, %dma_start3A_36] : memref<2x32x125x80xi32, #tpu.memory_space<hbm>> -> memref<1x1x125x80xi32, #tpu.memory_space<hbm>>
      %dma_start3A_38 = tpu.memref_squeeze %dma_start3A_37 : memref<1x1x125x80xi32, #tpu.memory_space<hbm>> -> memref<125x80xi32, #tpu.memory_space<hbm>>
      tpu.enqueue_dma source(%dma_start3A_38 : memref<125x80xi32, #tpu.memory_space<hbm>>) target(%arg4 : memref<125x80xi32, #tpu.memory_space<vmem>>) target_semaphore(%run_scoped3A_31 : memref<!tpu.dma_semaphore, #tpu.memory_space<semaphore_mem>>)
      %dma_wait3A = arith.constant 0 : i32
      %dma_wait3A_39 = arith.constant 0 : i32
      %dma_wait3A_40 = tpu.memref_slice %arg2[%run_scoped3A, %add3A, %dma_wait3A, %dma_wait3A_39] : memref<2x32x125x80xi32, #tpu.memory_space<hbm>> -> memref<1x1x125x80xi32, #tpu.memory_space<hbm>>
      %dma_wait3A_41 = tpu.memref_squeeze %dma_wait3A_40 : memref<1x1x125x80xi32, #tpu.memory_space<hbm>> -> memref<125x80xi32, #tpu.memory_space<hbm>>
      %dma_wait3A_42 = arith.constant 0 : i32
      %dma_wait3A_43 = arith.constant 0 : i32
      %dma_wait3A_44 = tpu.memref_slice %arg2[%run_scoped3A, %add3A, %dma_wait3A_42, %dma_wait3A_43] : memref<2x32x125x80xi32, #tpu.memory_space<hbm>> -> memref<1x1x125x80xi32, #tpu.memory_space<hbm>>
      %dma_wait3A_45 = tpu.memref_squeeze %dma_wait3A_44 : memref<1x1x125x80xi32, #tpu.memory_space<hbm>> -> memref<125x80xi32, #tpu.memory_space<hbm>>
      tpu.wait_dma2 semaphore(%run_scoped3A_31 : memref<!tpu.dma_semaphore, #tpu.memory_space<semaphore_mem>>) src(%dma_wait3A_45 : memref<125x80xi32, #tpu.memory_space<hbm>>) dst(%arg4 : memref<125x80xi32, #tpu.memory_space<vmem>>)
      tpu.yield
    }) : () -> ()
    %run_scoped3A_1 = arith.constant 1 : i32
    "tpu.region"() ({
      %run_scoped3A_31 = tpu.sem_alloc : memref<!tpu.dma_semaphore, #tpu.memory_space<semaphore_mem>>
      %dma_start3A = arith.constant 0 : i32
      %dma_start3A_32 = arith.constant 0 : i32
      %dma_start3A_33 = tpu.memref_slice %arg2[%run_scoped3A_1, %add3A, %dma_start3A, %dma_start3A_32] : memref<2x32x125x80xi32, #tpu.memory_space<hbm>> -> memref<1x1x125x80xi32, #tpu.memory_space<hbm>>
      %dma_start3A_34 = tpu.memref_squeeze %dma_start3A_33 : memref<1x1x125x80xi32, #tpu.memory_space<hbm>> -> memref<125x80xi32, #tpu.memory_space<hbm>>
      %dma_start3A_35 = arith.constant 0 : i32
      %dma_start3A_36 = arith.constant 0 : i32
      %dma_start3A_37 = tpu.memref_slice %arg2[%run_scoped3A_1, %add3A, %dma_start3A_35, %dma_start3A_36] : memref<2x32x125x80xi32, #tpu.memory_space<hbm>> -> memref<1x1x125x80xi32, #tpu.memory_space<hbm>>
      %dma_start3A_38 = tpu.memref_squeeze %dma_start3A_37 : memref<1x1x125x80xi32, #tpu.memory_space<hbm>> -> memref<125x80xi32, #tpu.memory_space<hbm>>
      tpu.enqueue_dma source(%dma_start3A_38 : memref<125x80xi32, #tpu.memory_space<hbm>>) target(%arg5 : memref<125x80xi32, #tpu.memory_space<vmem>>) target_semaphore(%run_scoped3A_31 : memref<!tpu.dma_semaphore, #tpu.memory_space<semaphore_mem>>)
      %dma_wait3A = arith.constant 0 : i32
      %dma_wait3A_39 = arith.constant 0 : i32
      %dma_wait3A_40 = tpu.memref_slice %arg2[%run_scoped3A_1, %add3A, %dma_wait3A, %dma_wait3A_39] : memref<2x32x125x80xi32, #tpu.memory_space<hbm>> -> memref<1x1x125x80xi32, #tpu.memory_space<hbm>>
      %dma_wait3A_41 = tpu.memref_squeeze %dma_wait3A_40 : memref<1x1x125x80xi32, #tpu.memory_space<hbm>> -> memref<125x80xi32, #tpu.memory_space<hbm>>
      %dma_wait3A_42 = arith.constant 0 : i32
      %dma_wait3A_43 = arith.constant 0 : i32
      %dma_wait3A_44 = tpu.memref_slice %arg2[%run_scoped3A_1, %add3A, %dma_wait3A_42, %dma_wait3A_43] : memref<2x32x125x80xi32, #tpu.memory_space<hbm>> -> memref<1x1x125x80xi32, #tpu.memory_space<hbm>>
      %dma_wait3A_45 = tpu.memref_squeeze %dma_wait3A_44 : memref<1x1x125x80xi32, #tpu.memory_space<hbm>> -> memref<125x80xi32, #tpu.memory_space<hbm>>
      tpu.wait_dma2 semaphore(%run_scoped3A_31 : memref<!tpu.dma_semaphore, #tpu.memory_space<semaphore_mem>>) src(%dma_wait3A_45 : memref<125x80xi32, #tpu.memory_space<hbm>>) dst(%arg5 : memref<125x80xi32, #tpu.memory_space<vmem>>)
      tpu.yield
    }) : () -> ()
    %scan3A = arith.constant 0 : i32
    %scan3A_2 = arith.constant 80 : i32
    %scan3A_3 = arith.addi %scan3A, %scan3A_2 : i32
    %scan3A_4 = arith.constant 1 : i32
    scf.for %scan3A_31 = %scan3A to %scan3A_3 step %scan3A_4  : i32 {
      %mul3A_32 = arith.constant 1 : i32
      %mul3A_33 = arith.muli %scan3A_31, %mul3A_32 : i32
      %add3A_34 = arith.constant 0 : i32
      %add3A_35 = arith.addi %add3A_34, %mul3A_33 : i32
      %broadcast_in_dim3A = arith.constant 1.000000e+00 : f32
      %broadcast_in_dim3A_36 = vector.broadcast %broadcast_in_dim3A : f32 to vector<16xf32>
      %swap3A = arith.index_cast %add3A_35 : i32 to index
      %swap3A_37 = arith.constant 0 : index
      %swap3A_38 = tpu.vector_load %arg6[%swap3A, %swap3A_37] {strides = array<i32>} : memref<80x16xf32, #tpu.memory_space<vmem>>, vector<1x16xf32>,
      %swap3A_39 = vector.shape_cast %swap3A_38 : vector<1x16xf32> to vector<16xf32>
      %swap3A_40 = vector.shape_cast %broadcast_in_dim3A_36 : vector<16xf32> to vector<1x16xf32>
      tpu.vector_store %arg6[%swap3A, %swap3A_37], %swap3A_40 {strides = array<i32>} : memref<80x16xf32, #tpu.memory_space<vmem>>, vector<1x16xf32>,
    }
    %scan3A_5 = arith.constant 80 : i32
    %scan3A_6 = arith.constant 0 : i32
    %scan3A_7 = arith.constant 640 : i32
    %scan3A_8 = arith.addi %scan3A_6, %scan3A_7 : i32
    %scan3A_9 = arith.constant 1 : i32
    scf.for %scan3A_31 = %scan3A_6 to %scan3A_8 step %scan3A_9  : i32 {
      %mul3A_32 = arith.constant 1 : i32
      %mul3A_33 = arith.muli %scan3A_31, %mul3A_32 : i32
      %add3A_34 = arith.constant 0 : i32
      %add3A_35 = arith.addi %add3A_34, %mul3A_33 : i32
      %broadcast_in_dim3A = arith.constant 0.000000e+00 : f32
      %broadcast_in_dim3A_36 = vector.broadcast %broadcast_in_dim3A : f32 to vector<16xf32>
      %swap3A = arith.index_cast %add3A_35 : i32 to index
      %swap3A_37 = arith.constant 0 : index
      %swap3A_38 = tpu.vector_load %arg7[%swap3A, %swap3A_37] {strides = array<i32>} : memref<640x16xf32, #tpu.memory_space<vmem>>, vector<1x16xf32>,
      %swap3A_39 = vector.shape_cast %swap3A_38 : vector<1x16xf32> to vector<16xf32>
      %swap3A_40 = vector.shape_cast %broadcast_in_dim3A_36 : vector<16xf32> to vector<1x16xf32>
      tpu.vector_store %arg7[%swap3A, %swap3A_37], %swap3A_40 {strides = array<i32>} : memref<640x16xf32, #tpu.memory_space<vmem>>, vector<1x16xf32>,
    }
    %scan3A_10 = arith.constant 640 : i32
    %mul3A_11 = arith.constant 640 : i32
    %mul3A_12 = arith.muli %arg1, %mul3A_11 : i32
    "tpu.region"() ({
      %run_scoped3A_31 = tpu.sem_alloc : memref<!tpu.dma_semaphore, #tpu.memory_space<semaphore_mem>>
      %dma_start3A = arith.constant 0 : i32
      %dma_start3A_32 = tpu.memref_slice %arg8[%mul3A_12, %dma_start3A] : memref<10240x16xf32, #tpu.memory_space<vmem_shared>> -> memref<640x16xf32, #tpu.memory_space<vmem_shared>>
      %dma_start3A_33 = arith.constant 0 : i32
      %dma_start3A_34 = tpu.memref_slice %arg8[%mul3A_12, %dma_start3A_33] : memref<10240x16xf32, #tpu.memory_space<vmem_shared>> -> memref<640x16xf32, #tpu.memory_space<vmem_shared>>
      tpu.enqueue_dma source(%arg7 : memref<640x16xf32, #tpu.memory_space<vmem>>) target(%dma_start3A_34 : memref<640x16xf32, #tpu.memory_space<vmem_shared>>) target_semaphore(%run_scoped3A_31 : memref<!tpu.dma_semaphore, #tpu.memory_space<semaphore_mem>>)
      %dma_wait3A = arith.constant 0 : i32
      %dma_wait3A_35 = tpu.memref_slice %arg8[%mul3A_12, %dma_wait3A] : memref<10240x16xf32, #tpu.memory_space<vmem_shared>> -> memref<640x16xf32, #tpu.memory_space<vmem_shared>>
      %dma_wait3A_36 = arith.constant 0 : i32
      %dma_wait3A_37 = tpu.memref_slice %arg8[%mul3A_12, %dma_wait3A_36] : memref<10240x16xf32, #tpu.memory_space<vmem_shared>> -> memref<640x16xf32, #tpu.memory_space<vmem_shared>>
      tpu.wait_dma2 semaphore(%run_scoped3A_31 : memref<!tpu.dma_semaphore, #tpu.memory_space<semaphore_mem>>) src(%arg7 : memref<640x16xf32, #tpu.memory_space<vmem>>) dst(%dma_wait3A_37 : memref<640x16xf32, #tpu.memory_space<vmem_shared>>)
      tpu.yield
    }) : () -> ()
    %mul3A_13 = arith.constant 640 : i32
    %mul3A_14 = arith.muli %arg1, %mul3A_13 : i32
    "tpu.region"() ({
      %run_scoped3A_31 = tpu.sem_alloc : memref<!tpu.dma_semaphore, #tpu.memory_space<semaphore_mem>>
      %dma_start3A = arith.constant 0 : i32
      %dma_start3A_32 = tpu.memref_slice %arg9[%mul3A_14, %dma_start3A] : memref<10240x16xf32, #tpu.memory_space<vmem_shared>> -> memref<640x16xf32, #tpu.memory_space<vmem_shared>>
      %dma_start3A_33 = arith.constant 0 : i32
      %dma_start3A_34 = tpu.memref_slice %arg9[%mul3A_14, %dma_start3A_33] : memref<10240x16xf32, #tpu.memory_space<vmem_shared>> -> memref<640x16xf32, #tpu.memory_space<vmem_shared>>
      tpu.enqueue_dma source(%arg7 : memref<640x16xf32, #tpu.memory_space<vmem>>) target(%dma_start3A_34 : memref<640x16xf32, #tpu.memory_space<vmem_shared>>) target_semaphore(%run_scoped3A_31 : memref<!tpu.dma_semaphore, #tpu.memory_space<semaphore_mem>>)
      %dma_wait3A = arith.constant 0 : i32
      %dma_wait3A_35 = tpu.memref_slice %arg9[%mul3A_14, %dma_wait3A] : memref<10240x16xf32, #tpu.memory_space<vmem_shared>> -> memref<640x16xf32, #tpu.memory_space<vmem_shared>>
      %dma_wait3A_36 = arith.constant 0 : i32
      %dma_wait3A_37 = tpu.memref_slice %arg9[%mul3A_14, %dma_wait3A_36] : memref<10240x16xf32, #tpu.memory_space<vmem_shared>> -> memref<640x16xf32, #tpu.memory_space<vmem_shared>>
      tpu.wait_dma2 semaphore(%run_scoped3A_31 : memref<!tpu.dma_semaphore, #tpu.memory_space<semaphore_mem>>) src(%arg7 : memref<640x16xf32, #tpu.memory_space<vmem>>) dst(%dma_wait3A_37 : memref<640x16xf32, #tpu.memory_space<vmem_shared>>)
      tpu.yield
    }) : () -> ()
    %barrier3A = arith.constant 0 : index
    tpu.barrier barrier_id(%barrier3A)
    %scan3A_15 = arith.constant 0 : i32
    %scan3A_16 = arith.constant 125 : i32
    %scan3A_17 = arith.addi %scan3A_15, %scan3A_16 : i32
    %scan3A_18 = arith.constant 1 : i32
    scf.for %scan3A_31 = %scan3A_15 to %scan3A_17 step %scan3A_18  : i32 {
      %mul3A_32 = arith.constant 1 : i32
      %mul3A_33 = arith.muli %scan3A_31, %mul3A_32 : i32
      %add3A_34 = arith.constant 0 : i32
      %add3A_35 = arith.addi %add3A_34, %mul3A_33 : i32
      "tpu.region"() ({
        %run_scoped3A_36 = tpu.sem_alloc : memref<!tpu.dma_semaphore, #tpu.memory_space<semaphore_mem>>
        %dma_start3A = arith.constant 0 : i32
        %dma_start3A_37 = tpu.memref_slice %arg4[%add3A_35, %dma_start3A] : memref<125x80xi32, #tpu.memory_space<vmem>> -> memref<1x80xi32, #tpu.memory_space<vmem>>
        %dma_start3A_38 = tpu.memref_squeeze %dma_start3A_37 : memref<1x80xi32, #tpu.memory_space<vmem>> -> memref<80xi32, #tpu.memory_space<vmem>>
        %dma_start3A_39 = arith.constant 0 : i32
        %dma_start3A_40 = arith.constant 0 : i32
        %dma_start3A_41 = tpu.memref_slice %arg8[%dma_start3A_39, %dma_start3A_40] : memref<10240x16xf32, #tpu.memory_space<vmem_shared>> -> memref<10240x16xf32, #tpu.memory_space<vmem_shared>>
        tpu.enqueue_indirect_dma source(%arg6 : memref<80x16xf32, #tpu.memory_space<vmem>>) target(%dma_start3A_41 : memref<10240x16xf32, #tpu.memory_space<vmem_shared>>) offsets(%dma_start3A_38 : memref<80xi32, #tpu.memory_space<vmem>>) semaphore(%run_scoped3A_36 : memref<!tpu.dma_semaphore, #tpu.memory_space<semaphore_mem>>) {add = true}
        %dma_wait3A = arith.constant 0 : i32
        %dma_wait3A_42 = tpu.memref_slice %arg4[%add3A_35, %dma_wait3A] : memref<125x80xi32, #tpu.memory_space<vmem>> -> memref<1x80xi32, #tpu.memory_space<vmem>>
        %dma_wait3A_43 = tpu.memref_squeeze %dma_wait3A_42 : memref<1x80xi32, #tpu.memory_space<vmem>> -> memref<80xi32, #tpu.memory_space<vmem>>
        %dma_wait3A_44 = arith.constant 0 : i32
        %dma_wait3A_45 = arith.constant 0 : i32
        %dma_wait3A_46 = tpu.memref_slice %arg8[%dma_wait3A_44, %dma_wait3A_45] : memref<10240x16xf32, #tpu.memory_space<vmem_shared>> -> memref<10240x16xf32, #tpu.memory_space<vmem_shared>>
        tpu.wait_indirect_dma semaphore(%run_scoped3A_36 : memref<!tpu.dma_semaphore, #tpu.memory_space<semaphore_mem>>) src(%arg6 : memref<80x16xf32, #tpu.memory_space<vmem>>) dst(%dma_wait3A_46 : memref<10240x16xf32, #tpu.memory_space<vmem_shared>>)
        tpu.yield
      }) : () -> ()
      "tpu.region"() ({
        %run_scoped3A_36 = tpu.sem_alloc : memref<!tpu.dma_semaphore, #tpu.memory_space<semaphore_mem>>
        %dma_start3A = arith.constant 0 : i32
        %dma_start3A_37 = tpu.memref_slice %arg5[%add3A_35, %dma_start3A] : memref<125x80xi32, #tpu.memory_space<vmem>> -> memref<1x80xi32, #tpu.memory_space<vmem>>
        %dma_start3A_38 = tpu.memref_squeeze %dma_start3A_37 : memref<1x80xi32, #tpu.memory_space<vmem>> -> memref<80xi32, #tpu.memory_space<vmem>>
        %dma_start3A_39 = arith.constant 0 : i32
        %dma_start3A_40 = arith.constant 0 : i32
        %dma_start3A_41 = tpu.memref_slice %arg9[%dma_start3A_39, %dma_start3A_40] : memref<10240x16xf32, #tpu.memory_space<vmem_shared>> -> memref<10240x16xf32, #tpu.memory_space<vmem_shared>>
        tpu.enqueue_indirect_dma source(%arg6 : memref<80x16xf32, #tpu.memory_space<vmem>>) target(%dma_start3A_41 : memref<10240x16xf32, #tpu.memory_space<vmem_shared>>) offsets(%dma_start3A_38 : memref<80xi32, #tpu.memory_space<vmem>>) semaphore(%run_scoped3A_36 : memref<!tpu.dma_semaphore, #tpu.memory_space<semaphore_mem>>) {add = true}
        %dma_wait3A = arith.constant 0 : i32
        %dma_wait3A_42 = tpu.memref_slice %arg5[%add3A_35, %dma_wait3A] : memref<125x80xi32, #tpu.memory_space<vmem>> -> memref<1x80xi32, #tpu.memory_space<vmem>>
        %dma_wait3A_43 = tpu.memref_squeeze %dma_wait3A_42 : memref<1x80xi32, #tpu.memory_space<vmem>> -> memref<80xi32, #tpu.memory_space<vmem>>
        %dma_wait3A_44 = arith.constant 0 : i32
        %dma_wait3A_45 = arith.constant 0 : i32
        %dma_wait3A_46 = tpu.memref_slice %arg9[%dma_wait3A_44, %dma_wait3A_45] : memref<10240x16xf32, #tpu.memory_space<vmem_shared>> -> memref<10240x16xf32, #tpu.memory_space<vmem_shared>>
        tpu.wait_indirect_dma semaphore(%run_scoped3A_36 : memref<!tpu.dma_semaphore, #tpu.memory_space<semaphore_mem>>) src(%arg6 : memref<80x16xf32, #tpu.memory_space<vmem>>) dst(%dma_wait3A_46 : memref<10240x16xf32, #tpu.memory_space<vmem_shared>>)
        tpu.yield
      }) : () -> ()
    }
    %scan3A_19 = arith.constant 125 : i32
    %barrier3A_20 = arith.constant 0 : index
    tpu.barrier barrier_id(%barrier3A_20)
    %mul3A_21 = arith.constant 640 : i32
    %mul3A_22 = arith.muli %arg1, %mul3A_21 : i32
    "tpu.region"() ({
      %run_scoped3A_31 = tpu.sem_alloc : memref<!tpu.dma_semaphore, #tpu.memory_space<semaphore_mem>>
      %dma_start3A = arith.constant 0 : i32
      %dma_start3A_32 = tpu.memref_slice %arg8[%mul3A_22, %dma_start3A] : memref<10240x16xf32, #tpu.memory_space<vmem_shared>> -> memref<640x16xf32, #tpu.memory_space<vmem_shared>>
      %dma_start3A_33 = arith.constant 0 : i32
      %dma_start3A_34 = tpu.memref_slice %arg8[%mul3A_22, %dma_start3A_33] : memref<10240x16xf32, #tpu.memory_space<vmem_shared>> -> memref<640x16xf32, #tpu.memory_space<vmem_shared>>
      tpu.enqueue_dma source(%dma_start3A_34 : memref<640x16xf32, #tpu.memory_space<vmem_shared>>) target(%arg7 : memref<640x16xf32, #tpu.memory_space<vmem>>) target_semaphore(%run_scoped3A_31 : memref<!tpu.dma_semaphore, #tpu.memory_space<semaphore_mem>>)
      %dma_wait3A = arith.constant 0 : i32
      %dma_wait3A_35 = tpu.memref_slice %arg8[%mul3A_22, %dma_wait3A] : memref<10240x16xf32, #tpu.memory_space<vmem_shared>> -> memref<640x16xf32, #tpu.memory_space<vmem_shared>>
      %dma_wait3A_36 = arith.constant 0 : i32
      %dma_wait3A_37 = tpu.memref_slice %arg8[%mul3A_22, %dma_wait3A_36] : memref<10240x16xf32, #tpu.memory_space<vmem_shared>> -> memref<640x16xf32, #tpu.memory_space<vmem_shared>>
      tpu.wait_dma2 semaphore(%run_scoped3A_31 : memref<!tpu.dma_semaphore, #tpu.memory_space<semaphore_mem>>) src(%dma_wait3A_37 : memref<640x16xf32, #tpu.memory_space<vmem_shared>>) dst(%arg7 : memref<640x16xf32, #tpu.memory_space<vmem>>)
      tpu.yield
    }) : () -> ()
    %mul3A_23 = arith.constant 640 : i32
    %mul3A_24 = arith.muli %arg1, %mul3A_23 : i32
    %run_scoped3A_25 = arith.constant 0 : i32
    "tpu.region"() ({
      %run_scoped3A_31 = tpu.sem_alloc : memref<!tpu.dma_semaphore, #tpu.memory_space<semaphore_mem>>
      %dma_start3A = arith.constant 0 : i32
      %dma_start3A_32 = tpu.memref_slice %arg3[%arg0, %run_scoped3A_25, %mul3A_24, %dma_start3A] : memref<2x2x10240x16xf32, #tpu.memory_space<hbm>> -> memref<1x1x640x16xf32, #tpu.memory_space<hbm>>
      %dma_start3A_33 = tpu.memref_squeeze %dma_start3A_32 : memref<1x1x640x16xf32, #tpu.memory_space<hbm>> -> memref<640x16xf32, #tpu.memory_space<hbm>>
      %dma_start3A_34 = arith.constant 0 : i32
      %dma_start3A_35 = tpu.memref_slice %arg3[%arg0, %run_scoped3A_25, %mul3A_24, %dma_start3A_34] : memref<2x2x10240x16xf32, #tpu.memory_space<hbm>> -> memref<1x1x640x16xf32, #tpu.memory_space<hbm>>
      %dma_start3A_36 = tpu.memref_squeeze %dma_start3A_35 : memref<1x1x640x16xf32, #tpu.memory_space<hbm>> -> memref<640x16xf32, #tpu.memory_space<hbm>>
      tpu.enqueue_dma source(%arg7 : memref<640x16xf32, #tpu.memory_space<vmem>>) target(%dma_start3A_36 : memref<640x16xf32, #tpu.memory_space<hbm>>) target_semaphore(%run_scoped3A_31 : memref<!tpu.dma_semaphore, #tpu.memory_space<semaphore_mem>>)
      %dma_wait3A = arith.constant 0 : i32
      %dma_wait3A_37 = tpu.memref_slice %arg3[%arg0, %run_scoped3A_25, %mul3A_24, %dma_wait3A] : memref<2x2x10240x16xf32, #tpu.memory_space<hbm>> -> memref<1x1x640x16xf32, #tpu.memory_space<hbm>>
      %dma_wait3A_38 = tpu.memref_squeeze %dma_wait3A_37 : memref<1x1x640x16xf32, #tpu.memory_space<hbm>> -> memref<640x16xf32, #tpu.memory_space<hbm>>
      %dma_wait3A_39 = arith.constant 0 : i32
      %dma_wait3A_40 = tpu.memref_slice %arg3[%arg0, %run_scoped3A_25, %mul3A_24, %dma_wait3A_39] : memref<2x2x10240x16xf32, #tpu.memory_space<hbm>> -> memref<1x1x640x16xf32, #tpu.memory_space<hbm>>
      %dma_wait3A_41 = tpu.memref_squeeze %dma_wait3A_40 : memref<1x1x640x16xf32, #tpu.memory_space<hbm>> -> memref<640x16xf32, #tpu.memory_space<hbm>>
      tpu.wait_dma2 semaphore(%run_scoped3A_31 : memref<!tpu.dma_semaphore, #tpu.memory_space<semaphore_mem>>) src(%arg7 : memref<640x16xf32, #tpu.memory_space<vmem>>) dst(%dma_wait3A_41 : memref<640x16xf32, #tpu.memory_space<hbm>>)
      tpu.yield
    }) : () -> ()
    %mul3A_26 = arith.constant 640 : i32
    %mul3A_27 = arith.muli %arg1, %mul3A_26 : i32
    "tpu.region"() ({
      %run_scoped3A_31 = tpu.sem_alloc : memref<!tpu.dma_semaphore, #tpu.memory_space<semaphore_mem>>
      %dma_start3A = arith.constant 0 : i32
      %dma_start3A_32 = tpu.memref_slice %arg9[%mul3A_27, %dma_start3A] : memref<10240x16xf32, #tpu.memory_space<vmem_shared>> -> memref<640x16xf32, #tpu.memory_space<vmem_shared>>
      %dma_start3A_33 = arith.constant 0 : i32
      %dma_start3A_34 = tpu.memref_slice %arg9[%mul3A_27, %dma_start3A_33] : memref<10240x16xf32, #tpu.memory_space<vmem_shared>> -> memref<640x16xf32, #tpu.memory_space<vmem_shared>>
      tpu.enqueue_dma source(%dma_start3A_34 : memref<640x16xf32, #tpu.memory_space<vmem_shared>>) target(%arg7 : memref<640x16xf32, #tpu.memory_space<vmem>>) target_semaphore(%run_scoped3A_31 : memref<!tpu.dma_semaphore, #tpu.memory_space<semaphore_mem>>)
      %dma_wait3A = arith.constant 0 : i32
      %dma_wait3A_35 = tpu.memref_slice %arg9[%mul3A_27, %dma_wait3A] : memref<10240x16xf32, #tpu.memory_space<vmem_shared>> -> memref<640x16xf32, #tpu.memory_space<vmem_shared>>
      %dma_wait3A_36 = arith.constant 0 : i32
      %dma_wait3A_37 = tpu.memref_slice %arg9[%mul3A_27, %dma_wait3A_36] : memref<10240x16xf32, #tpu.memory_space<vmem_shared>> -> memref<640x16xf32, #tpu.memory_space<vmem_shared>>
      tpu.wait_dma2 semaphore(%run_scoped3A_31 : memref<!tpu.dma_semaphore, #tpu.memory_space<semaphore_mem>>) src(%dma_wait3A_37 : memref<640x16xf32, #tpu.memory_space<vmem_shared>>) dst(%arg7 : memref<640x16xf32, #tpu.memory_space<vmem>>)
      tpu.yield
    }) : () -> ()
    %mul3A_28 = arith.constant 640 : i32
    %mul3A_29 = arith.muli %arg1, %mul3A_28 : i32
    %run_scoped3A_30 = arith.constant 1 : i32
    "tpu.region"() ({
      %run_scoped3A_31 = tpu.sem_alloc : memref<!tpu.dma_semaphore, #tpu.memory_space<semaphore_mem>>
      %dma_start3A = arith.constant 0 : i32
      %dma_start3A_32 = tpu.memref_slice %arg3[%arg0, %run_scoped3A_30, %mul3A_29, %dma_start3A] : memref<2x2x10240x16xf32, #tpu.memory_space<hbm>> -> memref<1x1x640x16xf32, #tpu.memory_space<hbm>>
      %dma_start3A_33 = tpu.memref_squeeze %dma_start3A_32 : memref<1x1x640x16xf32, #tpu.memory_space<hbm>> -> memref<640x16xf32, #tpu.memory_space<hbm>>
      %dma_start3A_34 = arith.constant 0 : i32
      %dma_start3A_35 = tpu.memref_slice %arg3[%arg0, %run_scoped3A_30, %mul3A_29, %dma_start3A_34] : memref<2x2x10240x16xf32, #tpu.memory_space<hbm>> -> memref<1x1x640x16xf32, #tpu.memory_space<hbm>>
      %dma_start3A_36 = tpu.memref_squeeze %dma_start3A_35 : memref<1x1x640x16xf32, #tpu.memory_space<hbm>> -> memref<640x16xf32, #tpu.memory_space<hbm>>
      tpu.enqueue_dma source(%arg7 : memref<640x16xf32, #tpu.memory_space<vmem>>) target(%dma_start3A_36 : memref<640x16xf32, #tpu.memory_space<hbm>>) target_semaphore(%run_scoped3A_31 : memref<!tpu.dma_semaphore, #tpu.memory_space<semaphore_mem>>)
      %dma_wait3A = arith.constant 0 : i32
      %dma_wait3A_37 = tpu.memref_slice %arg3[%arg0, %run_scoped3A_30, %mul3A_29, %dma_wait3A] : memref<2x2x10240x16xf32, #tpu.memory_space<hbm>> -> memref<1x1x640x16xf32, #tpu.memory_space<hbm>>
      %dma_wait3A_38 = tpu.memref_squeeze %dma_wait3A_37 : memref<1x1x640x16xf32, #tpu.memory_space<hbm>> -> memref<640x16xf32, #tpu.memory_space<hbm>>
      %dma_wait3A_39 = arith.constant 0 : i32
      %dma_wait3A_40 = tpu.memref_slice %arg3[%arg0, %run_scoped3A_30, %mul3A_29, %dma_wait3A_39] : memref<2x2x10240x16xf32, #tpu.memory_space<hbm>> -> memref<1x1x640x16xf32, #tpu.memory_space<hbm>>
      %dma_wait3A_41 = tpu.memref_squeeze %dma_wait3A_40 : memref<1x1x640x16xf32, #tpu.memory_space<hbm>> -> memref<640x16xf32, #tpu.memory_space<hbm>>
      tpu.wait_dma2 semaphore(%run_scoped3A_31 : memref<!tpu.dma_semaphore, #tpu.memory_space<semaphore_mem>>) src(%arg7 : memref<640x16xf32, #tpu.memory_space<vmem>>) dst(%dma_wait3A_41 : memref<640x16xf32, #tpu.memory_space<hbm>>)
      tpu.yield
    }) : () -> ()
    return
  }
}

#map = affine_map<(d0, d1) -> (0, 0)>
#map1 = affine_map<(d0, d1) -> (0, 0, 0, 0)>
#map2 = affine_map<(d0, d1) -> (0, 0, 0)>
module attributes {stable_mosaic.version = 14 : i64} {
  func.func @_sc_scatter_pass(%arg0: i32, %arg1: i32, %arg2: memref<10240x128xf32, #tpu.memory_space<hbm>>, %arg3: memref<2x32x125x80xi32, #tpu.memory_space<hbm>>, %arg4: memref<2x10240x128xf32, #tpu.memory_space<hbm>>, %arg5: memref<125x80xi32, #tpu.memory_space<vmem>>, %arg6: memref<125x80xi32, #tpu.memory_space<vmem>>, %arg7: memref<80x128xf32, #tpu.memory_space<vmem>>, %arg8: memref<80x128xf32, #tpu.memory_space<vmem>>, %arg9: memref<!tpu.dma_semaphore, #tpu.memory_space<semaphore_mem>>, %arg10: memref<!tpu.dma_semaphore, #tpu.memory_space<semaphore_mem>>, %arg11: memref<10240x128xf32, #tpu.memory_space<vmem_shared>>) attributes {dimension_semantics = [#tpu.dimension_semantics<core_parallel>, #tpu.dimension_semantics<subcore_parallel>], iteration_bounds = array<i64: 2, 16>, scalar_prefetch = 0 : i64, scratch_operands = 7 : i64, tpu.core_type = #tpu.core_type<sc_vector_subcore>, window_params = [{transform_indices = #map}, {transform_indices = #map1}, {transform_indices = #map2}]} {
    %mul3A = arith.constant 2 : i32
    %mul3A_0 = arith.muli %arg1, %mul3A : i32
    %add3A = arith.addi %mul3A_0, %arg0 : i32
    %dma_start3A = arith.constant 0 : i32
    %dma_start3A_1 = arith.constant 0 : i32
    %dma_start3A_2 = arith.constant 0 : i32
    %dma_start3A_3 = tpu.memref_slice %arg3[%dma_start3A, %add3A, %dma_start3A_1, %dma_start3A_2] : memref<2x32x125x80xi32, #tpu.memory_space<hbm>> -> memref<1x1x125x80xi32, #tpu.memory_space<hbm>>
    %dma_start3A_4 = tpu.memref_squeeze %dma_start3A_3 : memref<1x1x125x80xi32, #tpu.memory_space<hbm>> -> memref<125x80xi32, #tpu.memory_space<hbm>>
    %dma_start3A_5 = arith.constant 0 : i32
    %dma_start3A_6 = arith.constant 0 : i32
    %dma_start3A_7 = tpu.memref_slice %arg3[%dma_start3A, %add3A, %dma_start3A_5, %dma_start3A_6] : memref<2x32x125x80xi32, #tpu.memory_space<hbm>> -> memref<1x1x125x80xi32, #tpu.memory_space<hbm>>
    %dma_start3A_8 = tpu.memref_squeeze %dma_start3A_7 : memref<1x1x125x80xi32, #tpu.memory_space<hbm>> -> memref<125x80xi32, #tpu.memory_space<hbm>>
    tpu.enqueue_dma source(%dma_start3A_8 : memref<125x80xi32, #tpu.memory_space<hbm>>) target(%arg5 : memref<125x80xi32, #tpu.memory_space<vmem>>) target_semaphore(%arg9 : memref<!tpu.dma_semaphore, #tpu.memory_space<semaphore_mem>>)
    %dma_start3A_9 = arith.constant 1 : i32
    %dma_start3A_10 = arith.constant 0 : i32
    %dma_start3A_11 = arith.constant 0 : i32
    %dma_start3A_12 = tpu.memref_slice %arg3[%dma_start3A_9, %add3A, %dma_start3A_10, %dma_start3A_11] : memref<2x32x125x80xi32, #tpu.memory_space<hbm>> -> memref<1x1x125x80xi32, #tpu.memory_space<hbm>>
    %dma_start3A_13 = tpu.memref_squeeze %dma_start3A_12 : memref<1x1x125x80xi32, #tpu.memory_space<hbm>> -> memref<125x80xi32, #tpu.memory_space<hbm>>
    %dma_start3A_14 = arith.constant 0 : i32
    %dma_start3A_15 = arith.constant 0 : i32
    %dma_start3A_16 = tpu.memref_slice %arg3[%dma_start3A_9, %add3A, %dma_start3A_14, %dma_start3A_15] : memref<2x32x125x80xi32, #tpu.memory_space<hbm>> -> memref<1x1x125x80xi32, #tpu.memory_space<hbm>>
    %dma_start3A_17 = tpu.memref_squeeze %dma_start3A_16 : memref<1x1x125x80xi32, #tpu.memory_space<hbm>> -> memref<125x80xi32, #tpu.memory_space<hbm>>
    tpu.enqueue_dma source(%dma_start3A_17 : memref<125x80xi32, #tpu.memory_space<hbm>>) target(%arg6 : memref<125x80xi32, #tpu.memory_space<vmem>>) target_semaphore(%arg10 : memref<!tpu.dma_semaphore, #tpu.memory_space<semaphore_mem>>)
    %scan3A = arith.constant 0 : i32
    %scan3A_18 = arith.constant 80 : i32
    %scan3A_19 = arith.addi %scan3A, %scan3A_18 : i32
    %scan3A_20 = arith.constant 1 : i32
    scf.for %scan3A_251 = %scan3A to %scan3A_19 step %scan3A_20  : i32 {
      %mul3A_252 = arith.constant 1 : i32
      %mul3A_253 = arith.muli %scan3A_251, %mul3A_252 : i32
      %add3A_254 = arith.constant 0 : i32
      %add3A_255 = arith.addi %add3A_254, %mul3A_253 : i32
      %broadcast_in_dim3A = arith.constant 0.000000e+00 : f32
      %broadcast_in_dim3A_256 = vector.broadcast %broadcast_in_dim3A : f32 to vector<16xf32>
      %swap3A = arith.index_cast %add3A_255 : i32 to index
      %swap3A_257 = arith.constant 0 : index
      %swap3A_258 = tpu.vector_load %arg8[%swap3A, %swap3A_257] {strides = array<i32>} : memref<80x128xf32, #tpu.memory_space<vmem>>, vector<1x16xf32>,
      %swap3A_259 = vector.shape_cast %swap3A_258 : vector<1x16xf32> to vector<16xf32>
      %swap3A_260 = vector.shape_cast %broadcast_in_dim3A_256 : vector<16xf32> to vector<1x16xf32>
      tpu.vector_store %arg8[%swap3A, %swap3A_257], %swap3A_260 {strides = array<i32>} : memref<80x128xf32, #tpu.memory_space<vmem>>, vector<1x16xf32>,
      %broadcast_in_dim3A_261 = arith.constant 0.000000e+00 : f32
      %broadcast_in_dim3A_262 = vector.broadcast %broadcast_in_dim3A_261 : f32 to vector<16xf32>
      %swap3A_263 = arith.index_cast %add3A_255 : i32 to index
      %swap3A_264 = arith.constant 16 : index
      %swap3A_265 = tpu.vector_load %arg8[%swap3A_263, %swap3A_264] {strides = array<i32>} : memref<80x128xf32, #tpu.memory_space<vmem>>, vector<1x16xf32>,
      %swap3A_266 = vector.shape_cast %swap3A_265 : vector<1x16xf32> to vector<16xf32>
      %swap3A_267 = vector.shape_cast %broadcast_in_dim3A_262 : vector<16xf32> to vector<1x16xf32>
      tpu.vector_store %arg8[%swap3A_263, %swap3A_264], %swap3A_267 {strides = array<i32>} : memref<80x128xf32, #tpu.memory_space<vmem>>, vector<1x16xf32>,
      %broadcast_in_dim3A_268 = arith.constant 0.000000e+00 : f32
      %broadcast_in_dim3A_269 = vector.broadcast %broadcast_in_dim3A_268 : f32 to vector<16xf32>
      %swap3A_270 = arith.index_cast %add3A_255 : i32 to index
      %swap3A_271 = arith.constant 32 : index
      %swap3A_272 = tpu.vector_load %arg8[%swap3A_270, %swap3A_271] {strides = array<i32>} : memref<80x128xf32, #tpu.memory_space<vmem>>, vector<1x16xf32>,
      %swap3A_273 = vector.shape_cast %swap3A_272 : vector<1x16xf32> to vector<16xf32>
      %swap3A_274 = vector.shape_cast %broadcast_in_dim3A_269 : vector<16xf32> to vector<1x16xf32>
      tpu.vector_store %arg8[%swap3A_270, %swap3A_271], %swap3A_274 {strides = array<i32>} : memref<80x128xf32, #tpu.memory_space<vmem>>, vector<1x16xf32>,
      %broadcast_in_dim3A_275 = arith.constant 0.000000e+00 : f32
      %broadcast_in_dim3A_276 = vector.broadcast %broadcast_in_dim3A_275 : f32 to vector<16xf32>
      %swap3A_277 = arith.index_cast %add3A_255 : i32 to index
      %swap3A_278 = arith.constant 48 : index
      %swap3A_279 = tpu.vector_load %arg8[%swap3A_277, %swap3A_278] {strides = array<i32>} : memref<80x128xf32, #tpu.memory_space<vmem>>, vector<1x16xf32>,
      %swap3A_280 = vector.shape_cast %swap3A_279 : vector<1x16xf32> to vector<16xf32>
      %swap3A_281 = vector.shape_cast %broadcast_in_dim3A_276 : vector<16xf32> to vector<1x16xf32>
      tpu.vector_store %arg8[%swap3A_277, %swap3A_278], %swap3A_281 {strides = array<i32>} : memref<80x128xf32, #tpu.memory_space<vmem>>, vector<1x16xf32>,
      %broadcast_in_dim3A_282 = arith.constant 0.000000e+00 : f32
      %broadcast_in_dim3A_283 = vector.broadcast %broadcast_in_dim3A_282 : f32 to vector<16xf32>
      %swap3A_284 = arith.index_cast %add3A_255 : i32 to index
      %swap3A_285 = arith.constant 64 : index
      %swap3A_286 = tpu.vector_load %arg8[%swap3A_284, %swap3A_285] {strides = array<i32>} : memref<80x128xf32, #tpu.memory_space<vmem>>, vector<1x16xf32>,
      %swap3A_287 = vector.shape_cast %swap3A_286 : vector<1x16xf32> to vector<16xf32>
      %swap3A_288 = vector.shape_cast %broadcast_in_dim3A_283 : vector<16xf32> to vector<1x16xf32>
      tpu.vector_store %arg8[%swap3A_284, %swap3A_285], %swap3A_288 {strides = array<i32>} : memref<80x128xf32, #tpu.memory_space<vmem>>, vector<1x16xf32>,
      %broadcast_in_dim3A_289 = arith.constant 0.000000e+00 : f32
      %broadcast_in_dim3A_290 = vector.broadcast %broadcast_in_dim3A_289 : f32 to vector<16xf32>
      %swap3A_291 = arith.index_cast %add3A_255 : i32 to index
      %swap3A_292 = arith.constant 80 : index
      %swap3A_293 = tpu.vector_load %arg8[%swap3A_291, %swap3A_292] {strides = array<i32>} : memref<80x128xf32, #tpu.memory_space<vmem>>, vector<1x16xf32>,
      %swap3A_294 = vector.shape_cast %swap3A_293 : vector<1x16xf32> to vector<16xf32>
      %swap3A_295 = vector.shape_cast %broadcast_in_dim3A_290 : vector<16xf32> to vector<1x16xf32>
      tpu.vector_store %arg8[%swap3A_291, %swap3A_292], %swap3A_295 {strides = array<i32>} : memref<80x128xf32, #tpu.memory_space<vmem>>, vector<1x16xf32>,
      %broadcast_in_dim3A_296 = arith.constant 0.000000e+00 : f32
      %broadcast_in_dim3A_297 = vector.broadcast %broadcast_in_dim3A_296 : f32 to vector<16xf32>
      %swap3A_298 = arith.index_cast %add3A_255 : i32 to index
      %swap3A_299 = arith.constant 96 : index
      %swap3A_300 = tpu.vector_load %arg8[%swap3A_298, %swap3A_299] {strides = array<i32>} : memref<80x128xf32, #tpu.memory_space<vmem>>, vector<1x16xf32>,
      %swap3A_301 = vector.shape_cast %swap3A_300 : vector<1x16xf32> to vector<16xf32>
      %swap3A_302 = vector.shape_cast %broadcast_in_dim3A_297 : vector<16xf32> to vector<1x16xf32>
      tpu.vector_store %arg8[%swap3A_298, %swap3A_299], %swap3A_302 {strides = array<i32>} : memref<80x128xf32, #tpu.memory_space<vmem>>, vector<1x16xf32>,
      %broadcast_in_dim3A_303 = arith.constant 0.000000e+00 : f32
      %broadcast_in_dim3A_304 = vector.broadcast %broadcast_in_dim3A_303 : f32 to vector<16xf32>
      %swap3A_305 = arith.index_cast %add3A_255 : i32 to index
      %swap3A_306 = arith.constant 112 : index
      %swap3A_307 = tpu.vector_load %arg8[%swap3A_305, %swap3A_306] {strides = array<i32>} : memref<80x128xf32, #tpu.memory_space<vmem>>, vector<1x16xf32>,
      %swap3A_308 = vector.shape_cast %swap3A_307 : vector<1x16xf32> to vector<16xf32>
      %swap3A_309 = vector.shape_cast %broadcast_in_dim3A_304 : vector<16xf32> to vector<1x16xf32>
      tpu.vector_store %arg8[%swap3A_305, %swap3A_306], %swap3A_309 {strides = array<i32>} : memref<80x128xf32, #tpu.memory_space<vmem>>, vector<1x16xf32>,
    }
    %scan3A_21 = arith.constant 80 : i32
    %mul3A_22 = arith.constant 640 : i32
    %mul3A_23 = arith.muli %arg1, %mul3A_22 : i32
    %add3A_24 = arith.constant 0 : i32
    %add3A_25 = arith.addi %mul3A_23, %add3A_24 : i32
    "tpu.region"() ({
      %run_scoped3A_251 = tpu.sem_alloc : memref<!tpu.dma_semaphore, #tpu.memory_space<semaphore_mem>>
      %dma_start3A_252 = arith.constant 0 : i32
      %dma_start3A_253 = tpu.memref_slice %arg11[%add3A_25, %dma_start3A_252] : memref<10240x128xf32, #tpu.memory_space<vmem_shared>> -> memref<80x128xf32, #tpu.memory_space<vmem_shared>>
      %dma_start3A_254 = arith.constant 0 : i32
      %dma_start3A_255 = tpu.memref_slice %arg11[%add3A_25, %dma_start3A_254] : memref<10240x128xf32, #tpu.memory_space<vmem_shared>> -> memref<80x128xf32, #tpu.memory_space<vmem_shared>>
      tpu.enqueue_dma source(%arg8 : memref<80x128xf32, #tpu.memory_space<vmem>>) target(%dma_start3A_255 : memref<80x128xf32, #tpu.memory_space<vmem_shared>>) target_semaphore(%run_scoped3A_251 : memref<!tpu.dma_semaphore, #tpu.memory_space<semaphore_mem>>)
      %dma_wait3A_256 = arith.constant 0 : i32
      %dma_wait3A_257 = tpu.memref_slice %arg11[%add3A_25, %dma_wait3A_256] : memref<10240x128xf32, #tpu.memory_space<vmem_shared>> -> memref<80x128xf32, #tpu.memory_space<vmem_shared>>
      %dma_wait3A_258 = arith.constant 0 : i32
      %dma_wait3A_259 = tpu.memref_slice %arg11[%add3A_25, %dma_wait3A_258] : memref<10240x128xf32, #tpu.memory_space<vmem_shared>> -> memref<80x128xf32, #tpu.memory_space<vmem_shared>>
      tpu.wait_dma2 semaphore(%run_scoped3A_251 : memref<!tpu.dma_semaphore, #tpu.memory_space<semaphore_mem>>) src(%arg8 : memref<80x128xf32, #tpu.memory_space<vmem>>) dst(%dma_wait3A_259 : memref<80x128xf32, #tpu.memory_space<vmem_shared>>)
      tpu.yield
    }) : () -> ()
    %mul3A_26 = arith.constant 640 : i32
    %mul3A_27 = arith.muli %arg1, %mul3A_26 : i32
    %add3A_28 = arith.constant 80 : i32
    %add3A_29 = arith.addi %mul3A_27, %add3A_28 : i32
    "tpu.region"() ({
      %run_scoped3A_251 = tpu.sem_alloc : memref<!tpu.dma_semaphore, #tpu.memory_space<semaphore_mem>>
      %dma_start3A_252 = arith.constant 0 : i32
      %dma_start3A_253 = tpu.memref_slice %arg11[%add3A_29, %dma_start3A_252] : memref<10240x128xf32, #tpu.memory_space<vmem_shared>> -> memref<80x128xf32, #tpu.memory_space<vmem_shared>>
      %dma_start3A_254 = arith.constant 0 : i32
      %dma_start3A_255 = tpu.memref_slice %arg11[%add3A_29, %dma_start3A_254] : memref<10240x128xf32, #tpu.memory_space<vmem_shared>> -> memref<80x128xf32, #tpu.memory_space<vmem_shared>>
      tpu.enqueue_dma source(%arg8 : memref<80x128xf32, #tpu.memory_space<vmem>>) target(%dma_start3A_255 : memref<80x128xf32, #tpu.memory_space<vmem_shared>>) target_semaphore(%run_scoped3A_251 : memref<!tpu.dma_semaphore, #tpu.memory_space<semaphore_mem>>)
      %dma_wait3A_256 = arith.constant 0 : i32
      %dma_wait3A_257 = tpu.memref_slice %arg11[%add3A_29, %dma_wait3A_256] : memref<10240x128xf32, #tpu.memory_space<vmem_shared>> -> memref<80x128xf32, #tpu.memory_space<vmem_shared>>
      %dma_wait3A_258 = arith.constant 0 : i32
      %dma_wait3A_259 = tpu.memref_slice %arg11[%add3A_29, %dma_wait3A_258] : memref<10240x128xf32, #tpu.memory_space<vmem_shared>> -> memref<80x128xf32, #tpu.memory_space<vmem_shared>>
      tpu.wait_dma2 semaphore(%run_scoped3A_251 : memref<!tpu.dma_semaphore, #tpu.memory_space<semaphore_mem>>) src(%arg8 : memref<80x128xf32, #tpu.memory_space<vmem>>) dst(%dma_wait3A_259 : memref<80x128xf32, #tpu.memory_space<vmem_shared>>)
      tpu.yield
    }) : () -> ()
    %mul3A_30 = arith.constant 640 : i32
    %mul3A_31 = arith.muli %arg1, %mul3A_30 : i32
    %add3A_32 = arith.constant 160 : i32
    %add3A_33 = arith.addi %mul3A_31, %add3A_32 : i32
    "tpu.region"() ({
      %run_scoped3A_251 = tpu.sem_alloc : memref<!tpu.dma_semaphore, #tpu.memory_space<semaphore_mem>>
      %dma_start3A_252 = arith.constant 0 : i32
      %dma_start3A_253 = tpu.memref_slice %arg11[%add3A_33, %dma_start3A_252] : memref<10240x128xf32, #tpu.memory_space<vmem_shared>> -> memref<80x128xf32, #tpu.memory_space<vmem_shared>>
      %dma_start3A_254 = arith.constant 0 : i32
      %dma_start3A_255 = tpu.memref_slice %arg11[%add3A_33, %dma_start3A_254] : memref<10240x128xf32, #tpu.memory_space<vmem_shared>> -> memref<80x128xf32, #tpu.memory_space<vmem_shared>>
      tpu.enqueue_dma source(%arg8 : memref<80x128xf32, #tpu.memory_space<vmem>>) target(%dma_start3A_255 : memref<80x128xf32, #tpu.memory_space<vmem_shared>>) target_semaphore(%run_scoped3A_251 : memref<!tpu.dma_semaphore, #tpu.memory_space<semaphore_mem>>)
      %dma_wait3A_256 = arith.constant 0 : i32
      %dma_wait3A_257 = tpu.memref_slice %arg11[%add3A_33, %dma_wait3A_256] : memref<10240x128xf32, #tpu.memory_space<vmem_shared>> -> memref<80x128xf32, #tpu.memory_space<vmem_shared>>
      %dma_wait3A_258 = arith.constant 0 : i32
      %dma_wait3A_259 = tpu.memref_slice %arg11[%add3A_33, %dma_wait3A_258] : memref<10240x128xf32, #tpu.memory_space<vmem_shared>> -> memref<80x128xf32, #tpu.memory_space<vmem_shared>>
      tpu.wait_dma2 semaphore(%run_scoped3A_251 : memref<!tpu.dma_semaphore, #tpu.memory_space<semaphore_mem>>) src(%arg8 : memref<80x128xf32, #tpu.memory_space<vmem>>) dst(%dma_wait3A_259 : memref<80x128xf32, #tpu.memory_space<vmem_shared>>)
      tpu.yield
    }) : () -> ()
    %mul3A_34 = arith.constant 640 : i32
    %mul3A_35 = arith.muli %arg1, %mul3A_34 : i32
    %add3A_36 = arith.constant 240 : i32
    %add3A_37 = arith.addi %mul3A_35, %add3A_36 : i32
    "tpu.region"() ({
      %run_scoped3A_251 = tpu.sem_alloc : memref<!tpu.dma_semaphore, #tpu.memory_space<semaphore_mem>>
      %dma_start3A_252 = arith.constant 0 : i32
      %dma_start3A_253 = tpu.memref_slice %arg11[%add3A_37, %dma_start3A_252] : memref<10240x128xf32, #tpu.memory_space<vmem_shared>> -> memref<80x128xf32, #tpu.memory_space<vmem_shared>>
      %dma_start3A_254 = arith.constant 0 : i32
      %dma_start3A_255 = tpu.memref_slice %arg11[%add3A_37, %dma_start3A_254] : memref<10240x128xf32, #tpu.memory_space<vmem_shared>> -> memref<80x128xf32, #tpu.memory_space<vmem_shared>>
      tpu.enqueue_dma source(%arg8 : memref<80x128xf32, #tpu.memory_space<vmem>>) target(%dma_start3A_255 : memref<80x128xf32, #tpu.memory_space<vmem_shared>>) target_semaphore(%run_scoped3A_251 : memref<!tpu.dma_semaphore, #tpu.memory_space<semaphore_mem>>)
      %dma_wait3A_256 = arith.constant 0 : i32
      %dma_wait3A_257 = tpu.memref_slice %arg11[%add3A_37, %dma_wait3A_256] : memref<10240x128xf32, #tpu.memory_space<vmem_shared>> -> memref<80x128xf32, #tpu.memory_space<vmem_shared>>
      %dma_wait3A_258 = arith.constant 0 : i32
      %dma_wait3A_259 = tpu.memref_slice %arg11[%add3A_37, %dma_wait3A_258] : memref<10240x128xf32, #tpu.memory_space<vmem_shared>> -> memref<80x128xf32, #tpu.memory_space<vmem_shared>>
      tpu.wait_dma2 semaphore(%run_scoped3A_251 : memref<!tpu.dma_semaphore, #tpu.memory_space<semaphore_mem>>) src(%arg8 : memref<80x128xf32, #tpu.memory_space<vmem>>) dst(%dma_wait3A_259 : memref<80x128xf32, #tpu.memory_space<vmem_shared>>)
      tpu.yield
    }) : () -> ()
    %mul3A_38 = arith.constant 640 : i32
    %mul3A_39 = arith.muli %arg1, %mul3A_38 : i32
    %add3A_40 = arith.constant 320 : i32
    %add3A_41 = arith.addi %mul3A_39, %add3A_40 : i32
    "tpu.region"() ({
      %run_scoped3A_251 = tpu.sem_alloc : memref<!tpu.dma_semaphore, #tpu.memory_space<semaphore_mem>>
      %dma_start3A_252 = arith.constant 0 : i32
      %dma_start3A_253 = tpu.memref_slice %arg11[%add3A_41, %dma_start3A_252] : memref<10240x128xf32, #tpu.memory_space<vmem_shared>> -> memref<80x128xf32, #tpu.memory_space<vmem_shared>>
      %dma_start3A_254 = arith.constant 0 : i32
      %dma_start3A_255 = tpu.memref_slice %arg11[%add3A_41, %dma_start3A_254] : memref<10240x128xf32, #tpu.memory_space<vmem_shared>> -> memref<80x128xf32, #tpu.memory_space<vmem_shared>>
      tpu.enqueue_dma source(%arg8 : memref<80x128xf32, #tpu.memory_space<vmem>>) target(%dma_start3A_255 : memref<80x128xf32, #tpu.memory_space<vmem_shared>>) target_semaphore(%run_scoped3A_251 : memref<!tpu.dma_semaphore, #tpu.memory_space<semaphore_mem>>)
      %dma_wait3A_256 = arith.constant 0 : i32
      %dma_wait3A_257 = tpu.memref_slice %arg11[%add3A_41, %dma_wait3A_256] : memref<10240x128xf32, #tpu.memory_space<vmem_shared>> -> memref<80x128xf32, #tpu.memory_space<vmem_shared>>
      %dma_wait3A_258 = arith.constant 0 : i32
      %dma_wait3A_259 = tpu.memref_slice %arg11[%add3A_41, %dma_wait3A_258] : memref<10240x128xf32, #tpu.memory_space<vmem_shared>> -> memref<80x128xf32, #tpu.memory_space<vmem_shared>>
      tpu.wait_dma2 semaphore(%run_scoped3A_251 : memref<!tpu.dma_semaphore, #tpu.memory_space<semaphore_mem>>) src(%arg8 : memref<80x128xf32, #tpu.memory_space<vmem>>) dst(%dma_wait3A_259 : memref<80x128xf32, #tpu.memory_space<vmem_shared>>)
      tpu.yield
    }) : () -> ()
    %mul3A_42 = arith.constant 640 : i32
    %mul3A_43 = arith.muli %arg1, %mul3A_42 : i32
    %add3A_44 = arith.constant 400 : i32
    %add3A_45 = arith.addi %mul3A_43, %add3A_44 : i32
    "tpu.region"() ({
      %run_scoped3A_251 = tpu.sem_alloc : memref<!tpu.dma_semaphore, #tpu.memory_space<semaphore_mem>>
      %dma_start3A_252 = arith.constant 0 : i32
      %dma_start3A_253 = tpu.memref_slice %arg11[%add3A_45, %dma_start3A_252] : memref<10240x128xf32, #tpu.memory_space<vmem_shared>> -> memref<80x128xf32, #tpu.memory_space<vmem_shared>>
      %dma_start3A_254 = arith.constant 0 : i32
      %dma_start3A_255 = tpu.memref_slice %arg11[%add3A_45, %dma_start3A_254] : memref<10240x128xf32, #tpu.memory_space<vmem_shared>> -> memref<80x128xf32, #tpu.memory_space<vmem_shared>>
      tpu.enqueue_dma source(%arg8 : memref<80x128xf32, #tpu.memory_space<vmem>>) target(%dma_start3A_255 : memref<80x128xf32, #tpu.memory_space<vmem_shared>>) target_semaphore(%run_scoped3A_251 : memref<!tpu.dma_semaphore, #tpu.memory_space<semaphore_mem>>)
      %dma_wait3A_256 = arith.constant 0 : i32
      %dma_wait3A_257 = tpu.memref_slice %arg11[%add3A_45, %dma_wait3A_256] : memref<10240x128xf32, #tpu.memory_space<vmem_shared>> -> memref<80x128xf32, #tpu.memory_space<vmem_shared>>
      %dma_wait3A_258 = arith.constant 0 : i32
      %dma_wait3A_259 = tpu.memref_slice %arg11[%add3A_45, %dma_wait3A_258] : memref<10240x128xf32, #tpu.memory_space<vmem_shared>> -> memref<80x128xf32, #tpu.memory_space<vmem_shared>>
      tpu.wait_dma2 semaphore(%run_scoped3A_251 : memref<!tpu.dma_semaphore, #tpu.memory_space<semaphore_mem>>) src(%arg8 : memref<80x128xf32, #tpu.memory_space<vmem>>) dst(%dma_wait3A_259 : memref<80x128xf32, #tpu.memory_space<vmem_shared>>)
      tpu.yield
    }) : () -> ()
    %mul3A_46 = arith.constant 640 : i32
    %mul3A_47 = arith.muli %arg1, %mul3A_46 : i32
    %add3A_48 = arith.constant 480 : i32
    %add3A_49 = arith.addi %mul3A_47, %add3A_48 : i32
    "tpu.region"() ({
      %run_scoped3A_251 = tpu.sem_alloc : memref<!tpu.dma_semaphore, #tpu.memory_space<semaphore_mem>>
      %dma_start3A_252 = arith.constant 0 : i32
      %dma_start3A_253 = tpu.memref_slice %arg11[%add3A_49, %dma_start3A_252] : memref<10240x128xf32, #tpu.memory_space<vmem_shared>> -> memref<80x128xf32, #tpu.memory_space<vmem_shared>>
      %dma_start3A_254 = arith.constant 0 : i32
      %dma_start3A_255 = tpu.memref_slice %arg11[%add3A_49, %dma_start3A_254] : memref<10240x128xf32, #tpu.memory_space<vmem_shared>> -> memref<80x128xf32, #tpu.memory_space<vmem_shared>>
      tpu.enqueue_dma source(%arg8 : memref<80x128xf32, #tpu.memory_space<vmem>>) target(%dma_start3A_255 : memref<80x128xf32, #tpu.memory_space<vmem_shared>>) target_semaphore(%run_scoped3A_251 : memref<!tpu.dma_semaphore, #tpu.memory_space<semaphore_mem>>)
      %dma_wait3A_256 = arith.constant 0 : i32
      %dma_wait3A_257 = tpu.memref_slice %arg11[%add3A_49, %dma_wait3A_256] : memref<10240x128xf32, #tpu.memory_space<vmem_shared>> -> memref<80x128xf32, #tpu.memory_space<vmem_shared>>
      %dma_wait3A_258 = arith.constant 0 : i32
      %dma_wait3A_259 = tpu.memref_slice %arg11[%add3A_49, %dma_wait3A_258] : memref<10240x128xf32, #tpu.memory_space<vmem_shared>> -> memref<80x128xf32, #tpu.memory_space<vmem_shared>>
      tpu.wait_dma2 semaphore(%run_scoped3A_251 : memref<!tpu.dma_semaphore, #tpu.memory_space<semaphore_mem>>) src(%arg8 : memref<80x128xf32, #tpu.memory_space<vmem>>) dst(%dma_wait3A_259 : memref<80x128xf32, #tpu.memory_space<vmem_shared>>)
      tpu.yield
    }) : () -> ()
    %mul3A_50 = arith.constant 640 : i32
    %mul3A_51 = arith.muli %arg1, %mul3A_50 : i32
    %add3A_52 = arith.constant 560 : i32
    %add3A_53 = arith.addi %mul3A_51, %add3A_52 : i32
    "tpu.region"() ({
      %run_scoped3A_251 = tpu.sem_alloc : memref<!tpu.dma_semaphore, #tpu.memory_space<semaphore_mem>>
      %dma_start3A_252 = arith.constant 0 : i32
      %dma_start3A_253 = tpu.memref_slice %arg11[%add3A_53, %dma_start3A_252] : memref<10240x128xf32, #tpu.memory_space<vmem_shared>> -> memref<80x128xf32, #tpu.memory_space<vmem_shared>>
      %dma_start3A_254 = arith.constant 0 : i32
      %dma_start3A_255 = tpu.memref_slice %arg11[%add3A_53, %dma_start3A_254] : memref<10240x128xf32, #tpu.memory_space<vmem_shared>> -> memref<80x128xf32, #tpu.memory_space<vmem_shared>>
      tpu.enqueue_dma source(%arg8 : memref<80x128xf32, #tpu.memory_space<vmem>>) target(%dma_start3A_255 : memref<80x128xf32, #tpu.memory_space<vmem_shared>>) target_semaphore(%run_scoped3A_251 : memref<!tpu.dma_semaphore, #tpu.memory_space<semaphore_mem>>)
      %dma_wait3A_256 = arith.constant 0 : i32
      %dma_wait3A_257 = tpu.memref_slice %arg11[%add3A_53, %dma_wait3A_256] : memref<10240x128xf32, #tpu.memory_space<vmem_shared>> -> memref<80x128xf32, #tpu.memory_space<vmem_shared>>
      %dma_wait3A_258 = arith.constant 0 : i32
      %dma_wait3A_259 = tpu.memref_slice %arg11[%add3A_53, %dma_wait3A_258] : memref<10240x128xf32, #tpu.memory_space<vmem_shared>> -> memref<80x128xf32, #tpu.memory_space<vmem_shared>>
      tpu.wait_dma2 semaphore(%run_scoped3A_251 : memref<!tpu.dma_semaphore, #tpu.memory_space<semaphore_mem>>) src(%arg8 : memref<80x128xf32, #tpu.memory_space<vmem>>) dst(%dma_wait3A_259 : memref<80x128xf32, #tpu.memory_space<vmem_shared>>)
      tpu.yield
    }) : () -> ()
    %dma_wait3A = arith.constant 0 : i32
    %dma_wait3A_54 = arith.constant 0 : i32
    %dma_wait3A_55 = arith.constant 0 : i32
    %dma_wait3A_56 = tpu.memref_slice %arg3[%dma_wait3A, %add3A, %dma_wait3A_54, %dma_wait3A_55] : memref<2x32x125x80xi32, #tpu.memory_space<hbm>> -> memref<1x1x125x80xi32, #tpu.memory_space<hbm>>
    %dma_wait3A_57 = tpu.memref_squeeze %dma_wait3A_56 : memref<1x1x125x80xi32, #tpu.memory_space<hbm>> -> memref<125x80xi32, #tpu.memory_space<hbm>>
    %dma_wait3A_58 = arith.constant 0 : i32
    %dma_wait3A_59 = arith.constant 0 : i32
    %dma_wait3A_60 = tpu.memref_slice %arg3[%dma_wait3A, %add3A, %dma_wait3A_58, %dma_wait3A_59] : memref<2x32x125x80xi32, #tpu.memory_space<hbm>> -> memref<1x1x125x80xi32, #tpu.memory_space<hbm>>
    %dma_wait3A_61 = tpu.memref_squeeze %dma_wait3A_60 : memref<1x1x125x80xi32, #tpu.memory_space<hbm>> -> memref<125x80xi32, #tpu.memory_space<hbm>>
    tpu.wait_dma2 semaphore(%arg9 : memref<!tpu.dma_semaphore, #tpu.memory_space<semaphore_mem>>) src(%dma_wait3A_61 : memref<125x80xi32, #tpu.memory_space<hbm>>) dst(%arg5 : memref<125x80xi32, #tpu.memory_space<vmem>>)
    %dma_wait3A_62 = arith.constant 1 : i32
    %dma_wait3A_63 = arith.constant 0 : i32
    %dma_wait3A_64 = arith.constant 0 : i32
    %dma_wait3A_65 = tpu.memref_slice %arg3[%dma_wait3A_62, %add3A, %dma_wait3A_63, %dma_wait3A_64] : memref<2x32x125x80xi32, #tpu.memory_space<hbm>> -> memref<1x1x125x80xi32, #tpu.memory_space<hbm>>
    %dma_wait3A_66 = tpu.memref_squeeze %dma_wait3A_65 : memref<1x1x125x80xi32, #tpu.memory_space<hbm>> -> memref<125x80xi32, #tpu.memory_space<hbm>>
    %dma_wait3A_67 = arith.constant 0 : i32
    %dma_wait3A_68 = arith.constant 0 : i32
    %dma_wait3A_69 = tpu.memref_slice %arg3[%dma_wait3A_62, %add3A, %dma_wait3A_67, %dma_wait3A_68] : memref<2x32x125x80xi32, #tpu.memory_space<hbm>> -> memref<1x1x125x80xi32, #tpu.memory_space<hbm>>
    %dma_wait3A_70 = tpu.memref_squeeze %dma_wait3A_69 : memref<1x1x125x80xi32, #tpu.memory_space<hbm>> -> memref<125x80xi32, #tpu.memory_space<hbm>>
    tpu.wait_dma2 semaphore(%arg10 : memref<!tpu.dma_semaphore, #tpu.memory_space<semaphore_mem>>) src(%dma_wait3A_70 : memref<125x80xi32, #tpu.memory_space<hbm>>) dst(%arg6 : memref<125x80xi32, #tpu.memory_space<vmem>>)
    %barrier3A = arith.constant 0 : index
    tpu.barrier barrier_id(%barrier3A)
    %dma_start3A_71 = arith.constant 0 : i32
    %dma_start3A_72 = arith.constant 0 : i32
    %dma_start3A_73 = tpu.memref_slice %arg5[%dma_start3A_71, %dma_start3A_72] : memref<125x80xi32, #tpu.memory_space<vmem>> -> memref<1x80xi32, #tpu.memory_space<vmem>>
    %dma_start3A_74 = tpu.memref_squeeze %dma_start3A_73 : memref<1x80xi32, #tpu.memory_space<vmem>> -> memref<80xi32, #tpu.memory_space<vmem>>
    %dma_start3A_75 = arith.constant 0 : i32
    %dma_start3A_76 = arith.constant 0 : i32
    %dma_start3A_77 = tpu.memref_slice %arg2[%dma_start3A_75, %dma_start3A_76] : memref<10240x128xf32, #tpu.memory_space<hbm>> -> memref<10240x128xf32, #tpu.memory_space<hbm>>
    tpu.enqueue_indirect_dma source(%dma_start3A_77 : memref<10240x128xf32, #tpu.memory_space<hbm>>) target(%arg7 : memref<80x128xf32, #tpu.memory_space<vmem>>) offsets(%dma_start3A_74 : memref<80xi32, #tpu.memory_space<vmem>>) semaphore(%arg9 : memref<!tpu.dma_semaphore, #tpu.memory_space<semaphore_mem>>)
    %scan3A_78 = arith.constant 0 : i32
    %scan3A_79 = arith.constant 62 : i32
    %scan3A_80 = arith.addi %scan3A_78, %scan3A_79 : i32
    %scan3A_81 = arith.constant 1 : i32
    scf.for %scan3A_251 = %scan3A_78 to %scan3A_80 step %scan3A_81  : i32 {
      %mul3A_252 = arith.constant 2 : i32
      %mul3A_253 = arith.muli %scan3A_251, %mul3A_252 : i32
      %add3A_254 = arith.constant 0 : i32
      %add3A_255 = arith.addi %add3A_254, %mul3A_253 : i32
      %add3A_256 = arith.constant 1 : i32
      %add3A_257 = arith.addi %add3A_255, %add3A_256 : i32
      %dma_start3A_258 = arith.constant 0 : i32
      %dma_start3A_259 = tpu.memref_slice %arg5[%add3A_257, %dma_start3A_258] : memref<125x80xi32, #tpu.memory_space<vmem>> -> memref<1x80xi32, #tpu.memory_space<vmem>>
      %dma_start3A_260 = tpu.memref_squeeze %dma_start3A_259 : memref<1x80xi32, #tpu.memory_space<vmem>> -> memref<80xi32, #tpu.memory_space<vmem>>
      %dma_start3A_261 = arith.constant 0 : i32
      %dma_start3A_262 = arith.constant 0 : i32
      %dma_start3A_263 = tpu.memref_slice %arg2[%dma_start3A_261, %dma_start3A_262] : memref<10240x128xf32, #tpu.memory_space<hbm>> -> memref<10240x128xf32, #tpu.memory_space<hbm>>
      tpu.enqueue_indirect_dma source(%dma_start3A_263 : memref<10240x128xf32, #tpu.memory_space<hbm>>) target(%arg8 : memref<80x128xf32, #tpu.memory_space<vmem>>) offsets(%dma_start3A_260 : memref<80xi32, #tpu.memory_space<vmem>>) semaphore(%arg10 : memref<!tpu.dma_semaphore, #tpu.memory_space<semaphore_mem>>)
      %dma_wait3A_264 = arith.constant 0 : i32
      %dma_wait3A_265 = tpu.memref_slice %arg5[%add3A_255, %dma_wait3A_264] : memref<125x80xi32, #tpu.memory_space<vmem>> -> memref<1x80xi32, #tpu.memory_space<vmem>>
      %dma_wait3A_266 = tpu.memref_squeeze %dma_wait3A_265 : memref<1x80xi32, #tpu.memory_space<vmem>> -> memref<80xi32, #tpu.memory_space<vmem>>
      %dma_wait3A_267 = arith.constant 0 : i32
      %dma_wait3A_268 = arith.constant 0 : i32
      %dma_wait3A_269 = tpu.memref_slice %arg2[%dma_wait3A_267, %dma_wait3A_268] : memref<10240x128xf32, #tpu.memory_space<hbm>> -> memref<10240x128xf32, #tpu.memory_space<hbm>>
      tpu.wait_indirect_dma semaphore(%arg9 : memref<!tpu.dma_semaphore, #tpu.memory_space<semaphore_mem>>) src(%dma_wait3A_269 : memref<10240x128xf32, #tpu.memory_space<hbm>>) dst(%arg7 : memref<80x128xf32, #tpu.memory_space<vmem>>)
      "tpu.region"() ({
        %run_scoped3A_288 = tpu.sem_alloc : memref<!tpu.dma_semaphore, #tpu.memory_space<semaphore_mem>>
        %dma_start3A_289 = arith.constant 0 : i32
        %dma_start3A_290 = tpu.memref_slice %arg6[%add3A_255, %dma_start3A_289] : memref<125x80xi32, #tpu.memory_space<vmem>> -> memref<1x80xi32, #tpu.memory_space<vmem>>
        %dma_start3A_291 = tpu.memref_squeeze %dma_start3A_290 : memref<1x80xi32, #tpu.memory_space<vmem>> -> memref<80xi32, #tpu.memory_space<vmem>>
        %dma_start3A_292 = arith.constant 0 : i32
        %dma_start3A_293 = arith.constant 0 : i32
        %dma_start3A_294 = tpu.memref_slice %arg11[%dma_start3A_292, %dma_start3A_293] : memref<10240x128xf32, #tpu.memory_space<vmem_shared>> -> memref<10240x128xf32, #tpu.memory_space<vmem_shared>>
        tpu.enqueue_indirect_dma source(%arg7 : memref<80x128xf32, #tpu.memory_space<vmem>>) target(%dma_start3A_294 : memref<10240x128xf32, #tpu.memory_space<vmem_shared>>) offsets(%dma_start3A_291 : memref<80xi32, #tpu.memory_space<vmem>>) semaphore(%run_scoped3A_288 : memref<!tpu.dma_semaphore, #tpu.memory_space<semaphore_mem>>) {add = true}
        %dma_wait3A_295 = arith.constant 0 : i32
        %dma_wait3A_296 = tpu.memref_slice %arg6[%add3A_255, %dma_wait3A_295] : memref<125x80xi32, #tpu.memory_space<vmem>> -> memref<1x80xi32, #tpu.memory_space<vmem>>
        %dma_wait3A_297 = tpu.memref_squeeze %dma_wait3A_296 : memref<1x80xi32, #tpu.memory_space<vmem>> -> memref<80xi32, #tpu.memory_space<vmem>>
        %dma_wait3A_298 = arith.constant 0 : i32
        %dma_wait3A_299 = arith.constant 0 : i32
        %dma_wait3A_300 = tpu.memref_slice %arg11[%dma_wait3A_298, %dma_wait3A_299] : memref<10240x128xf32, #tpu.memory_space<vmem_shared>> -> memref<10240x128xf32, #tpu.memory_space<vmem_shared>>
        tpu.wait_indirect_dma semaphore(%run_scoped3A_288 : memref<!tpu.dma_semaphore, #tpu.memory_space<semaphore_mem>>) src(%arg7 : memref<80x128xf32, #tpu.memory_space<vmem>>) dst(%dma_wait3A_300 : memref<10240x128xf32, #tpu.memory_space<vmem_shared>>)
        tpu.yield
      }) : () -> ()
      %add3A_270 = arith.constant 2 : i32
      %add3A_271 = arith.addi %add3A_255, %add3A_270 : i32
      %dma_start3A_272 = arith.constant 0 : i32
      %dma_start3A_273 = tpu.memref_slice %arg5[%add3A_271, %dma_start3A_272] : memref<125x80xi32, #tpu.memory_space<vmem>> -> memref<1x80xi32, #tpu.memory_space<vmem>>
      %dma_start3A_274 = tpu.memref_squeeze %dma_start3A_273 : memref<1x80xi32, #tpu.memory_space<vmem>> -> memref<80xi32, #tpu.memory_space<vmem>>
      %dma_start3A_275 = arith.constant 0 : i32
      %dma_start3A_276 = arith.constant 0 : i32
      %dma_start3A_277 = tpu.memref_slice %arg2[%dma_start3A_275, %dma_start3A_276] : memref<10240x128xf32, #tpu.memory_space<hbm>> -> memref<10240x128xf32, #tpu.memory_space<hbm>>
      tpu.enqueue_indirect_dma source(%dma_start3A_277 : memref<10240x128xf32, #tpu.memory_space<hbm>>) target(%arg7 : memref<80x128xf32, #tpu.memory_space<vmem>>) offsets(%dma_start3A_274 : memref<80xi32, #tpu.memory_space<vmem>>) semaphore(%arg9 : memref<!tpu.dma_semaphore, #tpu.memory_space<semaphore_mem>>)
      %add3A_278 = arith.constant 1 : i32
      %add3A_279 = arith.addi %add3A_255, %add3A_278 : i32
      %dma_wait3A_280 = arith.constant 0 : i32
      %dma_wait3A_281 = tpu.memref_slice %arg5[%add3A_279, %dma_wait3A_280] : memref<125x80xi32, #tpu.memory_space<vmem>> -> memref<1x80xi32, #tpu.memory_space<vmem>>
      %dma_wait3A_282 = tpu.memref_squeeze %dma_wait3A_281 : memref<1x80xi32, #tpu.memory_space<vmem>> -> memref<80xi32, #tpu.memory_space<vmem>>
      %dma_wait3A_283 = arith.constant 0 : i32
      %dma_wait3A_284 = arith.constant 0 : i32
      %dma_wait3A_285 = tpu.memref_slice %arg2[%dma_wait3A_283, %dma_wait3A_284] : memref<10240x128xf32, #tpu.memory_space<hbm>> -> memref<10240x128xf32, #tpu.memory_space<hbm>>
      tpu.wait_indirect_dma semaphore(%arg10 : memref<!tpu.dma_semaphore, #tpu.memory_space<semaphore_mem>>) src(%dma_wait3A_285 : memref<10240x128xf32, #tpu.memory_space<hbm>>) dst(%arg8 : memref<80x128xf32, #tpu.memory_space<vmem>>)
      %add3A_286 = arith.constant 1 : i32
      %add3A_287 = arith.addi %add3A_255, %add3A_286 : i32
      "tpu.region"() ({
        %run_scoped3A_288 = tpu.sem_alloc : memref<!tpu.dma_semaphore, #tpu.memory_space<semaphore_mem>>
        %dma_start3A_289 = arith.constant 0 : i32
        %dma_start3A_290 = tpu.memref_slice %arg6[%add3A_287, %dma_start3A_289] : memref<125x80xi32, #tpu.memory_space<vmem>> -> memref<1x80xi32, #tpu.memory_space<vmem>>
        %dma_start3A_291 = tpu.memref_squeeze %dma_start3A_290 : memref<1x80xi32, #tpu.memory_space<vmem>> -> memref<80xi32, #tpu.memory_space<vmem>>
        %dma_start3A_292 = arith.constant 0 : i32
        %dma_start3A_293 = arith.constant 0 : i32
        %dma_start3A_294 = tpu.memref_slice %arg11[%dma_start3A_292, %dma_start3A_293] : memref<10240x128xf32, #tpu.memory_space<vmem_shared>> -> memref<10240x128xf32, #tpu.memory_space<vmem_shared>>
        tpu.enqueue_indirect_dma source(%arg8 : memref<80x128xf32, #tpu.memory_space<vmem>>) target(%dma_start3A_294 : memref<10240x128xf32, #tpu.memory_space<vmem_shared>>) offsets(%dma_start3A_291 : memref<80xi32, #tpu.memory_space<vmem>>) semaphore(%run_scoped3A_288 : memref<!tpu.dma_semaphore, #tpu.memory_space<semaphore_mem>>) {add = true}
        %dma_wait3A_295 = arith.constant 0 : i32
        %dma_wait3A_296 = tpu.memref_slice %arg6[%add3A_287, %dma_wait3A_295] : memref<125x80xi32, #tpu.memory_space<vmem>> -> memref<1x80xi32, #tpu.memory_space<vmem>>
        %dma_wait3A_297 = tpu.memref_squeeze %dma_wait3A_296 : memref<1x80xi32, #tpu.memory_space<vmem>> -> memref<80xi32, #tpu.memory_space<vmem>>
        %dma_wait3A_298 = arith.constant 0 : i32
        %dma_wait3A_299 = arith.constant 0 : i32
        %dma_wait3A_300 = tpu.memref_slice %arg11[%dma_wait3A_298, %dma_wait3A_299] : memref<10240x128xf32, #tpu.memory_space<vmem_shared>> -> memref<10240x128xf32, #tpu.memory_space<vmem_shared>>
        tpu.wait_indirect_dma semaphore(%run_scoped3A_288 : memref<!tpu.dma_semaphore, #tpu.memory_space<semaphore_mem>>) src(%arg8 : memref<80x128xf32, #tpu.memory_space<vmem>>) dst(%dma_wait3A_300 : memref<10240x128xf32, #tpu.memory_space<vmem_shared>>)
        tpu.yield
      }) : () -> ()
    }
    %scan3A_82 = arith.constant 62 : i32
    %dma_wait3A_83 = arith.constant 124 : i32
    %dma_wait3A_84 = arith.constant 0 : i32
    %dma_wait3A_85 = tpu.memref_slice %arg5[%dma_wait3A_83, %dma_wait3A_84] : memref<125x80xi32, #tpu.memory_space<vmem>> -> memref<1x80xi32, #tpu.memory_space<vmem>>
    %dma_wait3A_86 = tpu.memref_squeeze %dma_wait3A_85 : memref<1x80xi32, #tpu.memory_space<vmem>> -> memref<80xi32, #tpu.memory_space<vmem>>
    %dma_wait3A_87 = arith.constant 0 : i32
    %dma_wait3A_88 = arith.constant 0 : i32
    %dma_wait3A_89 = tpu.memref_slice %arg2[%dma_wait3A_87, %dma_wait3A_88] : memref<10240x128xf32, #tpu.memory_space<hbm>> -> memref<10240x128xf32, #tpu.memory_space<hbm>>
    tpu.wait_indirect_dma semaphore(%arg9 : memref<!tpu.dma_semaphore, #tpu.memory_space<semaphore_mem>>) src(%dma_wait3A_89 : memref<10240x128xf32, #tpu.memory_space<hbm>>) dst(%arg7 : memref<80x128xf32, #tpu.memory_space<vmem>>)
    %run_scoped3A = arith.constant 124 : i32
    "tpu.region"() ({
      %run_scoped3A_251 = tpu.sem_alloc : memref<!tpu.dma_semaphore, #tpu.memory_space<semaphore_mem>>
      %dma_start3A_252 = arith.constant 0 : i32
      %dma_start3A_253 = tpu.memref_slice %arg6[%run_scoped3A, %dma_start3A_252] : memref<125x80xi32, #tpu.memory_space<vmem>> -> memref<1x80xi32, #tpu.memory_space<vmem>>
      %dma_start3A_254 = tpu.memref_squeeze %dma_start3A_253 : memref<1x80xi32, #tpu.memory_space<vmem>> -> memref<80xi32, #tpu.memory_space<vmem>>
      %dma_start3A_255 = arith.constant 0 : i32
      %dma_start3A_256 = arith.constant 0 : i32
      %dma_start3A_257 = tpu.memref_slice %arg11[%dma_start3A_255, %dma_start3A_256] : memref<10240x128xf32, #tpu.memory_space<vmem_shared>> -> memref<10240x128xf32, #tpu.memory_space<vmem_shared>>
      tpu.enqueue_indirect_dma source(%arg7 : memref<80x128xf32, #tpu.memory_space<vmem>>) target(%dma_start3A_257 : memref<10240x128xf32, #tpu.memory_space<vmem_shared>>) offsets(%dma_start3A_254 : memref<80xi32, #tpu.memory_space<vmem>>) semaphore(%run_scoped3A_251 : memref<!tpu.dma_semaphore, #tpu.memory_space<semaphore_mem>>) {add = true}
      %dma_wait3A_258 = arith.constant 0 : i32
      %dma_wait3A_259 = tpu.memref_slice %arg6[%run_scoped3A, %dma_wait3A_258] : memref<125x80xi32, #tpu.memory_space<vmem>> -> memref<1x80xi32, #tpu.memory_space<vmem>>
      %dma_wait3A_260 = tpu.memref_squeeze %dma_wait3A_259 : memref<1x80xi32, #tpu.memory_space<vmem>> -> memref<80xi32, #tpu.memory_space<vmem>>
      %dma_wait3A_261 = arith.constant 0 : i32
      %dma_wait3A_262 = arith.constant 0 : i32
      %dma_wait3A_263 = tpu.memref_slice %arg11[%dma_wait3A_261, %dma_wait3A_262] : memref<10240x128xf32, #tpu.memory_space<vmem_shared>> -> memref<10240x128xf32, #tpu.memory_space<vmem_shared>>
      tpu.wait_indirect_dma semaphore(%run_scoped3A_251 : memref<!tpu.dma_semaphore, #tpu.memory_space<semaphore_mem>>) src(%arg7 : memref<80x128xf32, #tpu.memory_space<vmem>>) dst(%dma_wait3A_263 : memref<10240x128xf32, #tpu.memory_space<vmem_shared>>)
      tpu.yield
    }) : () -> ()
    %barrier3A_90 = arith.constant 0 : index
    tpu.barrier barrier_id(%barrier3A_90)
    %mul3A_91 = arith.constant 640 : i32
    %mul3A_92 = arith.muli %arg1, %mul3A_91 : i32
    %add3A_93 = arith.constant 0 : i32
    %add3A_94 = arith.addi %mul3A_92, %add3A_93 : i32
    "tpu.region"() ({
      %run_scoped3A_251 = tpu.sem_alloc : memref<!tpu.dma_semaphore, #tpu.memory_space<semaphore_mem>>
      %dma_start3A_252 = arith.constant 0 : i32
      %dma_start3A_253 = tpu.memref_slice %arg11[%add3A_94, %dma_start3A_252] : memref<10240x128xf32, #tpu.memory_space<vmem_shared>> -> memref<80x128xf32, #tpu.memory_space<vmem_shared>>
      %dma_start3A_254 = arith.constant 0 : i32
      %dma_start3A_255 = tpu.memref_slice %arg11[%add3A_94, %dma_start3A_254] : memref<10240x128xf32, #tpu.memory_space<vmem_shared>> -> memref<80x128xf32, #tpu.memory_space<vmem_shared>>
      tpu.enqueue_dma source(%dma_start3A_255 : memref<80x128xf32, #tpu.memory_space<vmem_shared>>) target(%arg7 : memref<80x128xf32, #tpu.memory_space<vmem>>) target_semaphore(%run_scoped3A_251 : memref<!tpu.dma_semaphore, #tpu.memory_space<semaphore_mem>>)
      %dma_wait3A_256 = arith.constant 0 : i32
      %dma_wait3A_257 = tpu.memref_slice %arg11[%add3A_94, %dma_wait3A_256] : memref<10240x128xf32, #tpu.memory_space<vmem_shared>> -> memref<80x128xf32, #tpu.memory_space<vmem_shared>>
      %dma_wait3A_258 = arith.constant 0 : i32
      %dma_wait3A_259 = tpu.memref_slice %arg11[%add3A_94, %dma_wait3A_258] : memref<10240x128xf32, #tpu.memory_space<vmem_shared>> -> memref<80x128xf32, #tpu.memory_space<vmem_shared>>
      tpu.wait_dma2 semaphore(%run_scoped3A_251 : memref<!tpu.dma_semaphore, #tpu.memory_space<semaphore_mem>>) src(%dma_wait3A_259 : memref<80x128xf32, #tpu.memory_space<vmem_shared>>) dst(%arg7 : memref<80x128xf32, #tpu.memory_space<vmem>>)
      tpu.yield
    }) : () -> ()
    %dma_start3A_95 = arith.constant 0 : i32
    %dma_start3A_96 = tpu.memref_slice %arg4[%arg0, %add3A_94, %dma_start3A_95] : memref<2x10240x128xf32, #tpu.memory_space<hbm>> -> memref<1x80x128xf32, #tpu.memory_space<hbm>>
    %dma_start3A_97 = tpu.memref_squeeze %dma_start3A_96 : memref<1x80x128xf32, #tpu.memory_space<hbm>> -> memref<80x128xf32, #tpu.memory_space<hbm>>
    %dma_start3A_98 = arith.constant 0 : i32
    %dma_start3A_99 = tpu.memref_slice %arg4[%arg0, %add3A_94, %dma_start3A_98] : memref<2x10240x128xf32, #tpu.memory_space<hbm>> -> memref<1x80x128xf32, #tpu.memory_space<hbm>>
    %dma_start3A_100 = tpu.memref_squeeze %dma_start3A_99 : memref<1x80x128xf32, #tpu.memory_space<hbm>> -> memref<80x128xf32, #tpu.memory_space<hbm>>
    tpu.enqueue_dma source(%arg7 : memref<80x128xf32, #tpu.memory_space<vmem>>) target(%dma_start3A_100 : memref<80x128xf32, #tpu.memory_space<hbm>>) target_semaphore(%arg9 : memref<!tpu.dma_semaphore, #tpu.memory_space<semaphore_mem>>)
    %mul3A_101 = arith.constant 640 : i32
    %mul3A_102 = arith.muli %arg1, %mul3A_101 : i32
    %add3A_103 = arith.constant 80 : i32
    %add3A_104 = arith.addi %mul3A_102, %add3A_103 : i32
    "tpu.region"() ({
      %run_scoped3A_251 = tpu.sem_alloc : memref<!tpu.dma_semaphore, #tpu.memory_space<semaphore_mem>>
      %dma_start3A_252 = arith.constant 0 : i32
      %dma_start3A_253 = tpu.memref_slice %arg11[%add3A_104, %dma_start3A_252] : memref<10240x128xf32, #tpu.memory_space<vmem_shared>> -> memref<80x128xf32, #tpu.memory_space<vmem_shared>>
      %dma_start3A_254 = arith.constant 0 : i32
      %dma_start3A_255 = tpu.memref_slice %arg11[%add3A_104, %dma_start3A_254] : memref<10240x128xf32, #tpu.memory_space<vmem_shared>> -> memref<80x128xf32, #tpu.memory_space<vmem_shared>>
      tpu.enqueue_dma source(%dma_start3A_255 : memref<80x128xf32, #tpu.memory_space<vmem_shared>>) target(%arg8 : memref<80x128xf32, #tpu.memory_space<vmem>>) target_semaphore(%run_scoped3A_251 : memref<!tpu.dma_semaphore, #tpu.memory_space<semaphore_mem>>)
      %dma_wait3A_256 = arith.constant 0 : i32
      %dma_wait3A_257 = tpu.memref_slice %arg11[%add3A_104, %dma_wait3A_256] : memref<10240x128xf32, #tpu.memory_space<vmem_shared>> -> memref<80x128xf32, #tpu.memory_space<vmem_shared>>
      %dma_wait3A_258 = arith.constant 0 : i32
      %dma_wait3A_259 = tpu.memref_slice %arg11[%add3A_104, %dma_wait3A_258] : memref<10240x128xf32, #tpu.memory_space<vmem_shared>> -> memref<80x128xf32, #tpu.memory_space<vmem_shared>>
      tpu.wait_dma2 semaphore(%run_scoped3A_251 : memref<!tpu.dma_semaphore, #tpu.memory_space<semaphore_mem>>) src(%dma_wait3A_259 : memref<80x128xf32, #tpu.memory_space<vmem_shared>>) dst(%arg8 : memref<80x128xf32, #tpu.memory_space<vmem>>)
      tpu.yield
    }) : () -> ()
    %dma_start3A_105 = arith.constant 0 : i32
    %dma_start3A_106 = tpu.memref_slice %arg4[%arg0, %add3A_104, %dma_start3A_105] : memref<2x10240x128xf32, #tpu.memory_space<hbm>> -> memref<1x80x128xf32, #tpu.memory_space<hbm>>
    %dma_start3A_107 = tpu.memref_squeeze %dma_start3A_106 : memref<1x80x128xf32, #tpu.memory_space<hbm>> -> memref<80x128xf32, #tpu.memory_space<hbm>>
    %dma_start3A_108 = arith.constant 0 : i32
    %dma_start3A_109 = tpu.memref_slice %arg4[%arg0, %add3A_104, %dma_start3A_108] : memref<2x10240x128xf32, #tpu.memory_space<hbm>> -> memref<1x80x128xf32, #tpu.memory_space<hbm>>
    %dma_start3A_110 = tpu.memref_squeeze %dma_start3A_109 : memref<1x80x128xf32, #tpu.memory_space<hbm>> -> memref<80x128xf32, #tpu.memory_space<hbm>>
    tpu.enqueue_dma source(%arg8 : memref<80x128xf32, #tpu.memory_space<vmem>>) target(%dma_start3A_110 : memref<80x128xf32, #tpu.memory_space<hbm>>) target_semaphore(%arg10 : memref<!tpu.dma_semaphore, #tpu.memory_space<semaphore_mem>>)
    %mul3A_111 = arith.constant 640 : i32
    %mul3A_112 = arith.muli %arg1, %mul3A_111 : i32
    %add3A_113 = arith.constant 160 : i32
    %add3A_114 = arith.addi %mul3A_112, %add3A_113 : i32
    %mul3A_115 = arith.constant 640 : i32
    %mul3A_116 = arith.muli %arg1, %mul3A_115 : i32
    %add3A_117 = arith.constant 0 : i32
    %add3A_118 = arith.addi %mul3A_116, %add3A_117 : i32
    %dma_wait3A_119 = arith.constant 0 : i32
    %dma_wait3A_120 = tpu.memref_slice %arg4[%arg0, %add3A_118, %dma_wait3A_119] : memref<2x10240x128xf32, #tpu.memory_space<hbm>> -> memref<1x80x128xf32, #tpu.memory_space<hbm>>
    %dma_wait3A_121 = tpu.memref_squeeze %dma_wait3A_120 : memref<1x80x128xf32, #tpu.memory_space<hbm>> -> memref<80x128xf32, #tpu.memory_space<hbm>>
    %dma_wait3A_122 = arith.constant 0 : i32
    %dma_wait3A_123 = tpu.memref_slice %arg4[%arg0, %add3A_118, %dma_wait3A_122] : memref<2x10240x128xf32, #tpu.memory_space<hbm>> -> memref<1x80x128xf32, #tpu.memory_space<hbm>>
    %dma_wait3A_124 = tpu.memref_squeeze %dma_wait3A_123 : memref<1x80x128xf32, #tpu.memory_space<hbm>> -> memref<80x128xf32, #tpu.memory_space<hbm>>
    tpu.wait_dma2 semaphore(%arg9 : memref<!tpu.dma_semaphore, #tpu.memory_space<semaphore_mem>>) src(%arg7 : memref<80x128xf32, #tpu.memory_space<vmem>>) dst(%dma_wait3A_124 : memref<80x128xf32, #tpu.memory_space<hbm>>)
    "tpu.region"() ({
      %run_scoped3A_251 = tpu.sem_alloc : memref<!tpu.dma_semaphore, #tpu.memory_space<semaphore_mem>>
      %dma_start3A_252 = arith.constant 0 : i32
      %dma_start3A_253 = tpu.memref_slice %arg11[%add3A_114, %dma_start3A_252] : memref<10240x128xf32, #tpu.memory_space<vmem_shared>> -> memref<80x128xf32, #tpu.memory_space<vmem_shared>>
      %dma_start3A_254 = arith.constant 0 : i32
      %dma_start3A_255 = tpu.memref_slice %arg11[%add3A_114, %dma_start3A_254] : memref<10240x128xf32, #tpu.memory_space<vmem_shared>> -> memref<80x128xf32, #tpu.memory_space<vmem_shared>>
      tpu.enqueue_dma source(%dma_start3A_255 : memref<80x128xf32, #tpu.memory_space<vmem_shared>>) target(%arg7 : memref<80x128xf32, #tpu.memory_space<vmem>>) target_semaphore(%run_scoped3A_251 : memref<!tpu.dma_semaphore, #tpu.memory_space<semaphore_mem>>)
      %dma_wait3A_256 = arith.constant 0 : i32
      %dma_wait3A_257 = tpu.memref_slice %arg11[%add3A_114, %dma_wait3A_256] : memref<10240x128xf32, #tpu.memory_space<vmem_shared>> -> memref<80x128xf32, #tpu.memory_space<vmem_shared>>
      %dma_wait3A_258 = arith.constant 0 : i32
      %dma_wait3A_259 = tpu.memref_slice %arg11[%add3A_114, %dma_wait3A_258] : memref<10240x128xf32, #tpu.memory_space<vmem_shared>> -> memref<80x128xf32, #tpu.memory_space<vmem_shared>>
      tpu.wait_dma2 semaphore(%run_scoped3A_251 : memref<!tpu.dma_semaphore, #tpu.memory_space<semaphore_mem>>) src(%dma_wait3A_259 : memref<80x128xf32, #tpu.memory_space<vmem_shared>>) dst(%arg7 : memref<80x128xf32, #tpu.memory_space<vmem>>)
      tpu.yield
    }) : () -> ()
    %dma_start3A_125 = arith.constant 0 : i32
    %dma_start3A_126 = tpu.memref_slice %arg4[%arg0, %add3A_114, %dma_start3A_125] : memref<2x10240x128xf32, #tpu.memory_space<hbm>> -> memref<1x80x128xf32, #tpu.memory_space<hbm>>
    %dma_start3A_127 = tpu.memref_squeeze %dma_start3A_126 : memref<1x80x128xf32, #tpu.memory_space<hbm>> -> memref<80x128xf32, #tpu.memory_space<hbm>>
    %dma_start3A_128 = arith.constant 0 : i32
    %dma_start3A_129 = tpu.memref_slice %arg4[%arg0, %add3A_114, %dma_start3A_128] : memref<2x10240x128xf32, #tpu.memory_space<hbm>> -> memref<1x80x128xf32, #tpu.memory_space<hbm>>
    %dma_start3A_130 = tpu.memref_squeeze %dma_start3A_129 : memref<1x80x128xf32, #tpu.memory_space<hbm>> -> memref<80x128xf32, #tpu.memory_space<hbm>>
    tpu.enqueue_dma source(%arg7 : memref<80x128xf32, #tpu.memory_space<vmem>>) target(%dma_start3A_130 : memref<80x128xf32, #tpu.memory_space<hbm>>) target_semaphore(%arg9 : memref<!tpu.dma_semaphore, #tpu.memory_space<semaphore_mem>>)
    %mul3A_131 = arith.constant 640 : i32
    %mul3A_132 = arith.muli %arg1, %mul3A_131 : i32
    %add3A_133 = arith.constant 240 : i32
    %add3A_134 = arith.addi %mul3A_132, %add3A_133 : i32
    %mul3A_135 = arith.constant 640 : i32
    %mul3A_136 = arith.muli %arg1, %mul3A_135 : i32
    %add3A_137 = arith.constant 80 : i32
    %add3A_138 = arith.addi %mul3A_136, %add3A_137 : i32
    %dma_wait3A_139 = arith.constant 0 : i32
    %dma_wait3A_140 = tpu.memref_slice %arg4[%arg0, %add3A_138, %dma_wait3A_139] : memref<2x10240x128xf32, #tpu.memory_space<hbm>> -> memref<1x80x128xf32, #tpu.memory_space<hbm>>
    %dma_wait3A_141 = tpu.memref_squeeze %dma_wait3A_140 : memref<1x80x128xf32, #tpu.memory_space<hbm>> -> memref<80x128xf32, #tpu.memory_space<hbm>>
    %dma_wait3A_142 = arith.constant 0 : i32
    %dma_wait3A_143 = tpu.memref_slice %arg4[%arg0, %add3A_138, %dma_wait3A_142] : memref<2x10240x128xf32, #tpu.memory_space<hbm>> -> memref<1x80x128xf32, #tpu.memory_space<hbm>>
    %dma_wait3A_144 = tpu.memref_squeeze %dma_wait3A_143 : memref<1x80x128xf32, #tpu.memory_space<hbm>> -> memref<80x128xf32, #tpu.memory_space<hbm>>
    tpu.wait_dma2 semaphore(%arg10 : memref<!tpu.dma_semaphore, #tpu.memory_space<semaphore_mem>>) src(%arg8 : memref<80x128xf32, #tpu.memory_space<vmem>>) dst(%dma_wait3A_144 : memref<80x128xf32, #tpu.memory_space<hbm>>)
    "tpu.region"() ({
      %run_scoped3A_251 = tpu.sem_alloc : memref<!tpu.dma_semaphore, #tpu.memory_space<semaphore_mem>>
      %dma_start3A_252 = arith.constant 0 : i32
      %dma_start3A_253 = tpu.memref_slice %arg11[%add3A_134, %dma_start3A_252] : memref<10240x128xf32, #tpu.memory_space<vmem_shared>> -> memref<80x128xf32, #tpu.memory_space<vmem_shared>>
      %dma_start3A_254 = arith.constant 0 : i32
      %dma_start3A_255 = tpu.memref_slice %arg11[%add3A_134, %dma_start3A_254] : memref<10240x128xf32, #tpu.memory_space<vmem_shared>> -> memref<80x128xf32, #tpu.memory_space<vmem_shared>>
      tpu.enqueue_dma source(%dma_start3A_255 : memref<80x128xf32, #tpu.memory_space<vmem_shared>>) target(%arg8 : memref<80x128xf32, #tpu.memory_space<vmem>>) target_semaphore(%run_scoped3A_251 : memref<!tpu.dma_semaphore, #tpu.memory_space<semaphore_mem>>)
      %dma_wait3A_256 = arith.constant 0 : i32
      %dma_wait3A_257 = tpu.memref_slice %arg11[%add3A_134, %dma_wait3A_256] : memref<10240x128xf32, #tpu.memory_space<vmem_shared>> -> memref<80x128xf32, #tpu.memory_space<vmem_shared>>
      %dma_wait3A_258 = arith.constant 0 : i32
      %dma_wait3A_259 = tpu.memref_slice %arg11[%add3A_134, %dma_wait3A_258] : memref<10240x128xf32, #tpu.memory_space<vmem_shared>> -> memref<80x128xf32, #tpu.memory_space<vmem_shared>>
      tpu.wait_dma2 semaphore(%run_scoped3A_251 : memref<!tpu.dma_semaphore, #tpu.memory_space<semaphore_mem>>) src(%dma_wait3A_259 : memref<80x128xf32, #tpu.memory_space<vmem_shared>>) dst(%arg8 : memref<80x128xf32, #tpu.memory_space<vmem>>)
      tpu.yield
    }) : () -> ()
    %dma_start3A_145 = arith.constant 0 : i32
    %dma_start3A_146 = tpu.memref_slice %arg4[%arg0, %add3A_134, %dma_start3A_145] : memref<2x10240x128xf32, #tpu.memory_space<hbm>> -> memref<1x80x128xf32, #tpu.memory_space<hbm>>
    %dma_start3A_147 = tpu.memref_squeeze %dma_start3A_146 : memref<1x80x128xf32, #tpu.memory_space<hbm>> -> memref<80x128xf32, #tpu.memory_space<hbm>>
    %dma_start3A_148 = arith.constant 0 : i32
    %dma_start3A_149 = tpu.memref_slice %arg4[%arg0, %add3A_134, %dma_start3A_148] : memref<2x10240x128xf32, #tpu.memory_space<hbm>> -> memref<1x80x128xf32, #tpu.memory_space<hbm>>
    %dma_start3A_150 = tpu.memref_squeeze %dma_start3A_149 : memref<1x80x128xf32, #tpu.memory_space<hbm>> -> memref<80x128xf32, #tpu.memory_space<hbm>>
    tpu.enqueue_dma source(%arg8 : memref<80x128xf32, #tpu.memory_space<vmem>>) target(%dma_start3A_150 : memref<80x128xf32, #tpu.memory_space<hbm>>) target_semaphore(%arg10 : memref<!tpu.dma_semaphore, #tpu.memory_space<semaphore_mem>>)
    %mul3A_151 = arith.constant 640 : i32
    %mul3A_152 = arith.muli %arg1, %mul3A_151 : i32
    %add3A_153 = arith.constant 320 : i32
    %add3A_154 = arith.addi %mul3A_152, %add3A_153 : i32
    %mul3A_155 = arith.constant 640 : i32
    %mul3A_156 = arith.muli %arg1, %mul3A_155 : i32
    %add3A_157 = arith.constant 160 : i32
    %add3A_158 = arith.addi %mul3A_156, %add3A_157 : i32
    %dma_wait3A_159 = arith.constant 0 : i32
    %dma_wait3A_160 = tpu.memref_slice %arg4[%arg0, %add3A_158, %dma_wait3A_159] : memref<2x10240x128xf32, #tpu.memory_space<hbm>> -> memref<1x80x128xf32, #tpu.memory_space<hbm>>
    %dma_wait3A_161 = tpu.memref_squeeze %dma_wait3A_160 : memref<1x80x128xf32, #tpu.memory_space<hbm>> -> memref<80x128xf32, #tpu.memory_space<hbm>>
    %dma_wait3A_162 = arith.constant 0 : i32
    %dma_wait3A_163 = tpu.memref_slice %arg4[%arg0, %add3A_158, %dma_wait3A_162] : memref<2x10240x128xf32, #tpu.memory_space<hbm>> -> memref<1x80x128xf32, #tpu.memory_space<hbm>>
    %dma_wait3A_164 = tpu.memref_squeeze %dma_wait3A_163 : memref<1x80x128xf32, #tpu.memory_space<hbm>> -> memref<80x128xf32, #tpu.memory_space<hbm>>
    tpu.wait_dma2 semaphore(%arg9 : memref<!tpu.dma_semaphore, #tpu.memory_space<semaphore_mem>>) src(%arg7 : memref<80x128xf32, #tpu.memory_space<vmem>>) dst(%dma_wait3A_164 : memref<80x128xf32, #tpu.memory_space<hbm>>)
    "tpu.region"() ({
      %run_scoped3A_251 = tpu.sem_alloc : memref<!tpu.dma_semaphore, #tpu.memory_space<semaphore_mem>>
      %dma_start3A_252 = arith.constant 0 : i32
      %dma_start3A_253 = tpu.memref_slice %arg11[%add3A_154, %dma_start3A_252] : memref<10240x128xf32, #tpu.memory_space<vmem_shared>> -> memref<80x128xf32, #tpu.memory_space<vmem_shared>>
      %dma_start3A_254 = arith.constant 0 : i32
      %dma_start3A_255 = tpu.memref_slice %arg11[%add3A_154, %dma_start3A_254] : memref<10240x128xf32, #tpu.memory_space<vmem_shared>> -> memref<80x128xf32, #tpu.memory_space<vmem_shared>>
      tpu.enqueue_dma source(%dma_start3A_255 : memref<80x128xf32, #tpu.memory_space<vmem_shared>>) target(%arg7 : memref<80x128xf32, #tpu.memory_space<vmem>>) target_semaphore(%run_scoped3A_251 : memref<!tpu.dma_semaphore, #tpu.memory_space<semaphore_mem>>)
      %dma_wait3A_256 = arith.constant 0 : i32
      %dma_wait3A_257 = tpu.memref_slice %arg11[%add3A_154, %dma_wait3A_256] : memref<10240x128xf32, #tpu.memory_space<vmem_shared>> -> memref<80x128xf32, #tpu.memory_space<vmem_shared>>
      %dma_wait3A_258 = arith.constant 0 : i32
      %dma_wait3A_259 = tpu.memref_slice %arg11[%add3A_154, %dma_wait3A_258] : memref<10240x128xf32, #tpu.memory_space<vmem_shared>> -> memref<80x128xf32, #tpu.memory_space<vmem_shared>>
      tpu.wait_dma2 semaphore(%run_scoped3A_251 : memref<!tpu.dma_semaphore, #tpu.memory_space<semaphore_mem>>) src(%dma_wait3A_259 : memref<80x128xf32, #tpu.memory_space<vmem_shared>>) dst(%arg7 : memref<80x128xf32, #tpu.memory_space<vmem>>)
      tpu.yield
    }) : () -> ()
    %dma_start3A_165 = arith.constant 0 : i32
    %dma_start3A_166 = tpu.memref_slice %arg4[%arg0, %add3A_154, %dma_start3A_165] : memref<2x10240x128xf32, #tpu.memory_space<hbm>> -> memref<1x80x128xf32, #tpu.memory_space<hbm>>
    %dma_start3A_167 = tpu.memref_squeeze %dma_start3A_166 : memref<1x80x128xf32, #tpu.memory_space<hbm>> -> memref<80x128xf32, #tpu.memory_space<hbm>>
    %dma_start3A_168 = arith.constant 0 : i32
    %dma_start3A_169 = tpu.memref_slice %arg4[%arg0, %add3A_154, %dma_start3A_168] : memref<2x10240x128xf32, #tpu.memory_space<hbm>> -> memref<1x80x128xf32, #tpu.memory_space<hbm>>
    %dma_start3A_170 = tpu.memref_squeeze %dma_start3A_169 : memref<1x80x128xf32, #tpu.memory_space<hbm>> -> memref<80x128xf32, #tpu.memory_space<hbm>>
    tpu.enqueue_dma source(%arg7 : memref<80x128xf32, #tpu.memory_space<vmem>>) target(%dma_start3A_170 : memref<80x128xf32, #tpu.memory_space<hbm>>) target_semaphore(%arg9 : memref<!tpu.dma_semaphore, #tpu.memory_space<semaphore_mem>>)
    %mul3A_171 = arith.constant 640 : i32
    %mul3A_172 = arith.muli %arg1, %mul3A_171 : i32
    %add3A_173 = arith.constant 400 : i32
    %add3A_174 = arith.addi %mul3A_172, %add3A_173 : i32
    %mul3A_175 = arith.constant 640 : i32
    %mul3A_176 = arith.muli %arg1, %mul3A_175 : i32
    %add3A_177 = arith.constant 240 : i32
    %add3A_178 = arith.addi %mul3A_176, %add3A_177 : i32
    %dma_wait3A_179 = arith.constant 0 : i32
    %dma_wait3A_180 = tpu.memref_slice %arg4[%arg0, %add3A_178, %dma_wait3A_179] : memref<2x10240x128xf32, #tpu.memory_space<hbm>> -> memref<1x80x128xf32, #tpu.memory_space<hbm>>
    %dma_wait3A_181 = tpu.memref_squeeze %dma_wait3A_180 : memref<1x80x128xf32, #tpu.memory_space<hbm>> -> memref<80x128xf32, #tpu.memory_space<hbm>>
    %dma_wait3A_182 = arith.constant 0 : i32
    %dma_wait3A_183 = tpu.memref_slice %arg4[%arg0, %add3A_178, %dma_wait3A_182] : memref<2x10240x128xf32, #tpu.memory_space<hbm>> -> memref<1x80x128xf32, #tpu.memory_space<hbm>>
    %dma_wait3A_184 = tpu.memref_squeeze %dma_wait3A_183 : memref<1x80x128xf32, #tpu.memory_space<hbm>> -> memref<80x128xf32, #tpu.memory_space<hbm>>
    tpu.wait_dma2 semaphore(%arg10 : memref<!tpu.dma_semaphore, #tpu.memory_space<semaphore_mem>>) src(%arg8 : memref<80x128xf32, #tpu.memory_space<vmem>>) dst(%dma_wait3A_184 : memref<80x128xf32, #tpu.memory_space<hbm>>)
    "tpu.region"() ({
      %run_scoped3A_251 = tpu.sem_alloc : memref<!tpu.dma_semaphore, #tpu.memory_space<semaphore_mem>>
      %dma_start3A_252 = arith.constant 0 : i32
      %dma_start3A_253 = tpu.memref_slice %arg11[%add3A_174, %dma_start3A_252] : memref<10240x128xf32, #tpu.memory_space<vmem_shared>> -> memref<80x128xf32, #tpu.memory_space<vmem_shared>>
      %dma_start3A_254 = arith.constant 0 : i32
      %dma_start3A_255 = tpu.memref_slice %arg11[%add3A_174, %dma_start3A_254] : memref<10240x128xf32, #tpu.memory_space<vmem_shared>> -> memref<80x128xf32, #tpu.memory_space<vmem_shared>>
      tpu.enqueue_dma source(%dma_start3A_255 : memref<80x128xf32, #tpu.memory_space<vmem_shared>>) target(%arg8 : memref<80x128xf32, #tpu.memory_space<vmem>>) target_semaphore(%run_scoped3A_251 : memref<!tpu.dma_semaphore, #tpu.memory_space<semaphore_mem>>)
      %dma_wait3A_256 = arith.constant 0 : i32
      %dma_wait3A_257 = tpu.memref_slice %arg11[%add3A_174, %dma_wait3A_256] : memref<10240x128xf32, #tpu.memory_space<vmem_shared>> -> memref<80x128xf32, #tpu.memory_space<vmem_shared>>
      %dma_wait3A_258 = arith.constant 0 : i32
      %dma_wait3A_259 = tpu.memref_slice %arg11[%add3A_174, %dma_wait3A_258] : memref<10240x128xf32, #tpu.memory_space<vmem_shared>> -> memref<80x128xf32, #tpu.memory_space<vmem_shared>>
      tpu.wait_dma2 semaphore(%run_scoped3A_251 : memref<!tpu.dma_semaphore, #tpu.memory_space<semaphore_mem>>) src(%dma_wait3A_259 : memref<80x128xf32, #tpu.memory_space<vmem_shared>>) dst(%arg8 : memref<80x128xf32, #tpu.memory_space<vmem>>)
      tpu.yield
    }) : () -> ()
    %dma_start3A_185 = arith.constant 0 : i32
    %dma_start3A_186 = tpu.memref_slice %arg4[%arg0, %add3A_174, %dma_start3A_185] : memref<2x10240x128xf32, #tpu.memory_space<hbm>> -> memref<1x80x128xf32, #tpu.memory_space<hbm>>
    %dma_start3A_187 = tpu.memref_squeeze %dma_start3A_186 : memref<1x80x128xf32, #tpu.memory_space<hbm>> -> memref<80x128xf32, #tpu.memory_space<hbm>>
    %dma_start3A_188 = arith.constant 0 : i32
    %dma_start3A_189 = tpu.memref_slice %arg4[%arg0, %add3A_174, %dma_start3A_188] : memref<2x10240x128xf32, #tpu.memory_space<hbm>> -> memref<1x80x128xf32, #tpu.memory_space<hbm>>
    %dma_start3A_190 = tpu.memref_squeeze %dma_start3A_189 : memref<1x80x128xf32, #tpu.memory_space<hbm>> -> memref<80x128xf32, #tpu.memory_space<hbm>>
    tpu.enqueue_dma source(%arg8 : memref<80x128xf32, #tpu.memory_space<vmem>>) target(%dma_start3A_190 : memref<80x128xf32, #tpu.memory_space<hbm>>) target_semaphore(%arg10 : memref<!tpu.dma_semaphore, #tpu.memory_space<semaphore_mem>>)
    %mul3A_191 = arith.constant 640 : i32
    %mul3A_192 = arith.muli %arg1, %mul3A_191 : i32
    %add3A_193 = arith.constant 480 : i32
    %add3A_194 = arith.addi %mul3A_192, %add3A_193 : i32
    %mul3A_195 = arith.constant 640 : i32
    %mul3A_196 = arith.muli %arg1, %mul3A_195 : i32
    %add3A_197 = arith.constant 320 : i32
    %add3A_198 = arith.addi %mul3A_196, %add3A_197 : i32
    %dma_wait3A_199 = arith.constant 0 : i32
    %dma_wait3A_200 = tpu.memref_slice %arg4[%arg0, %add3A_198, %dma_wait3A_199] : memref<2x10240x128xf32, #tpu.memory_space<hbm>> -> memref<1x80x128xf32, #tpu.memory_space<hbm>>
    %dma_wait3A_201 = tpu.memref_squeeze %dma_wait3A_200 : memref<1x80x128xf32, #tpu.memory_space<hbm>> -> memref<80x128xf32, #tpu.memory_space<hbm>>
    %dma_wait3A_202 = arith.constant 0 : i32
    %dma_wait3A_203 = tpu.memref_slice %arg4[%arg0, %add3A_198, %dma_wait3A_202] : memref<2x10240x128xf32, #tpu.memory_space<hbm>> -> memref<1x80x128xf32, #tpu.memory_space<hbm>>
    %dma_wait3A_204 = tpu.memref_squeeze %dma_wait3A_203 : memref<1x80x128xf32, #tpu.memory_space<hbm>> -> memref<80x128xf32, #tpu.memory_space<hbm>>
    tpu.wait_dma2 semaphore(%arg9 : memref<!tpu.dma_semaphore, #tpu.memory_space<semaphore_mem>>) src(%arg7 : memref<80x128xf32, #tpu.memory_space<vmem>>) dst(%dma_wait3A_204 : memref<80x128xf32, #tpu.memory_space<hbm>>)
    "tpu.region"() ({
      %run_scoped3A_251 = tpu.sem_alloc : memref<!tpu.dma_semaphore, #tpu.memory_space<semaphore_mem>>
      %dma_start3A_252 = arith.constant 0 : i32
      %dma_start3A_253 = tpu.memref_slice %arg11[%add3A_194, %dma_start3A_252] : memref<10240x128xf32, #tpu.memory_space<vmem_shared>> -> memref<80x128xf32, #tpu.memory_space<vmem_shared>>
      %dma_start3A_254 = arith.constant 0 : i32
      %dma_start3A_255 = tpu.memref_slice %arg11[%add3A_194, %dma_start3A_254] : memref<10240x128xf32, #tpu.memory_space<vmem_shared>> -> memref<80x128xf32, #tpu.memory_space<vmem_shared>>
      tpu.enqueue_dma source(%dma_start3A_255 : memref<80x128xf32, #tpu.memory_space<vmem_shared>>) target(%arg7 : memref<80x128xf32, #tpu.memory_space<vmem>>) target_semaphore(%run_scoped3A_251 : memref<!tpu.dma_semaphore, #tpu.memory_space<semaphore_mem>>)
      %dma_wait3A_256 = arith.constant 0 : i32
      %dma_wait3A_257 = tpu.memref_slice %arg11[%add3A_194, %dma_wait3A_256] : memref<10240x128xf32, #tpu.memory_space<vmem_shared>> -> memref<80x128xf32, #tpu.memory_space<vmem_shared>>
      %dma_wait3A_258 = arith.constant 0 : i32
      %dma_wait3A_259 = tpu.memref_slice %arg11[%add3A_194, %dma_wait3A_258] : memref<10240x128xf32, #tpu.memory_space<vmem_shared>> -> memref<80x128xf32, #tpu.memory_space<vmem_shared>>
      tpu.wait_dma2 semaphore(%run_scoped3A_251 : memref<!tpu.dma_semaphore, #tpu.memory_space<semaphore_mem>>) src(%dma_wait3A_259 : memref<80x128xf32, #tpu.memory_space<vmem_shared>>) dst(%arg7 : memref<80x128xf32, #tpu.memory_space<vmem>>)
      tpu.yield
    }) : () -> ()
    %dma_start3A_205 = arith.constant 0 : i32
    %dma_start3A_206 = tpu.memref_slice %arg4[%arg0, %add3A_194, %dma_start3A_205] : memref<2x10240x128xf32, #tpu.memory_space<hbm>> -> memref<1x80x128xf32, #tpu.memory_space<hbm>>
    %dma_start3A_207 = tpu.memref_squeeze %dma_start3A_206 : memref<1x80x128xf32, #tpu.memory_space<hbm>> -> memref<80x128xf32, #tpu.memory_space<hbm>>
    %dma_start3A_208 = arith.constant 0 : i32
    %dma_start3A_209 = tpu.memref_slice %arg4[%arg0, %add3A_194, %dma_start3A_208] : memref<2x10240x128xf32, #tpu.memory_space<hbm>> -> memref<1x80x128xf32, #tpu.memory_space<hbm>>
    %dma_start3A_210 = tpu.memref_squeeze %dma_start3A_209 : memref<1x80x128xf32, #tpu.memory_space<hbm>> -> memref<80x128xf32, #tpu.memory_space<hbm>>
    tpu.enqueue_dma source(%arg7 : memref<80x128xf32, #tpu.memory_space<vmem>>) target(%dma_start3A_210 : memref<80x128xf32, #tpu.memory_space<hbm>>) target_semaphore(%arg9 : memref<!tpu.dma_semaphore, #tpu.memory_space<semaphore_mem>>)
    %mul3A_211 = arith.constant 640 : i32
    %mul3A_212 = arith.muli %arg1, %mul3A_211 : i32
    %add3A_213 = arith.constant 560 : i32
    %add3A_214 = arith.addi %mul3A_212, %add3A_213 : i32
    %mul3A_215 = arith.constant 640 : i32
    %mul3A_216 = arith.muli %arg1, %mul3A_215 : i32
    %add3A_217 = arith.constant 400 : i32
    %add3A_218 = arith.addi %mul3A_216, %add3A_217 : i32
    %dma_wait3A_219 = arith.constant 0 : i32
    %dma_wait3A_220 = tpu.memref_slice %arg4[%arg0, %add3A_218, %dma_wait3A_219] : memref<2x10240x128xf32, #tpu.memory_space<hbm>> -> memref<1x80x128xf32, #tpu.memory_space<hbm>>
    %dma_wait3A_221 = tpu.memref_squeeze %dma_wait3A_220 : memref<1x80x128xf32, #tpu.memory_space<hbm>> -> memref<80x128xf32, #tpu.memory_space<hbm>>
    %dma_wait3A_222 = arith.constant 0 : i32
    %dma_wait3A_223 = tpu.memref_slice %arg4[%arg0, %add3A_218, %dma_wait3A_222] : memref<2x10240x128xf32, #tpu.memory_space<hbm>> -> memref<1x80x128xf32, #tpu.memory_space<hbm>>
    %dma_wait3A_224 = tpu.memref_squeeze %dma_wait3A_223 : memref<1x80x128xf32, #tpu.memory_space<hbm>> -> memref<80x128xf32, #tpu.memory_space<hbm>>
    tpu.wait_dma2 semaphore(%arg10 : memref<!tpu.dma_semaphore, #tpu.memory_space<semaphore_mem>>) src(%arg8 : memref<80x128xf32, #tpu.memory_space<vmem>>) dst(%dma_wait3A_224 : memref<80x128xf32, #tpu.memory_space<hbm>>)
    "tpu.region"() ({
      %run_scoped3A_251 = tpu.sem_alloc : memref<!tpu.dma_semaphore, #tpu.memory_space<semaphore_mem>>
      %dma_start3A_252 = arith.constant 0 : i32
      %dma_start3A_253 = tpu.memref_slice %arg11[%add3A_214, %dma_start3A_252] : memref<10240x128xf32, #tpu.memory_space<vmem_shared>> -> memref<80x128xf32, #tpu.memory_space<vmem_shared>>
      %dma_start3A_254 = arith.constant 0 : i32
      %dma_start3A_255 = tpu.memref_slice %arg11[%add3A_214, %dma_start3A_254] : memref<10240x128xf32, #tpu.memory_space<vmem_shared>> -> memref<80x128xf32, #tpu.memory_space<vmem_shared>>
      tpu.enqueue_dma source(%dma_start3A_255 : memref<80x128xf32, #tpu.memory_space<vmem_shared>>) target(%arg8 : memref<80x128xf32, #tpu.memory_space<vmem>>) target_semaphore(%run_scoped3A_251 : memref<!tpu.dma_semaphore, #tpu.memory_space<semaphore_mem>>)
      %dma_wait3A_256 = arith.constant 0 : i32
      %dma_wait3A_257 = tpu.memref_slice %arg11[%add3A_214, %dma_wait3A_256] : memref<10240x128xf32, #tpu.memory_space<vmem_shared>> -> memref<80x128xf32, #tpu.memory_space<vmem_shared>>
      %dma_wait3A_258 = arith.constant 0 : i32
      %dma_wait3A_259 = tpu.memref_slice %arg11[%add3A_214, %dma_wait3A_258] : memref<10240x128xf32, #tpu.memory_space<vmem_shared>> -> memref<80x128xf32, #tpu.memory_space<vmem_shared>>
      tpu.wait_dma2 semaphore(%run_scoped3A_251 : memref<!tpu.dma_semaphore, #tpu.memory_space<semaphore_mem>>) src(%dma_wait3A_259 : memref<80x128xf32, #tpu.memory_space<vmem_shared>>) dst(%arg8 : memref<80x128xf32, #tpu.memory_space<vmem>>)
      tpu.yield
    }) : () -> ()
    %dma_start3A_225 = arith.constant 0 : i32
    %dma_start3A_226 = tpu.memref_slice %arg4[%arg0, %add3A_214, %dma_start3A_225] : memref<2x10240x128xf32, #tpu.memory_space<hbm>> -> memref<1x80x128xf32, #tpu.memory_space<hbm>>
    %dma_start3A_227 = tpu.memref_squeeze %dma_start3A_226 : memref<1x80x128xf32, #tpu.memory_space<hbm>> -> memref<80x128xf32, #tpu.memory_space<hbm>>
    %dma_start3A_228 = arith.constant 0 : i32
    %dma_start3A_229 = tpu.memref_slice %arg4[%arg0, %add3A_214, %dma_start3A_228] : memref<2x10240x128xf32, #tpu.memory_space<hbm>> -> memref<1x80x128xf32, #tpu.memory_space<hbm>>
    %dma_start3A_230 = tpu.memref_squeeze %dma_start3A_229 : memref<1x80x128xf32, #tpu.memory_space<hbm>> -> memref<80x128xf32, #tpu.memory_space<hbm>>
    tpu.enqueue_dma source(%arg8 : memref<80x128xf32, #tpu.memory_space<vmem>>) target(%dma_start3A_230 : memref<80x128xf32, #tpu.memory_space<hbm>>) target_semaphore(%arg10 : memref<!tpu.dma_semaphore, #tpu.memory_space<semaphore_mem>>)
    %mul3A_231 = arith.constant 640 : i32
    %mul3A_232 = arith.muli %arg1, %mul3A_231 : i32
    %add3A_233 = arith.constant 480 : i32
    %add3A_234 = arith.addi %mul3A_232, %add3A_233 : i32
    %dma_wait3A_235 = arith.constant 0 : i32
    %dma_wait3A_236 = tpu.memref_slice %arg4[%arg0, %add3A_234, %dma_wait3A_235] : memref<2x10240x128xf32, #tpu.memory_space<hbm>> -> memref<1x80x128xf32, #tpu.memory_space<hbm>>
    %dma_wait3A_237 = tpu.memref_squeeze %dma_wait3A_236 : memref<1x80x128xf32, #tpu.memory_space<hbm>> -> memref<80x128xf32, #tpu.memory_space<hbm>>
    %dma_wait3A_238 = arith.constant 0 : i32
    %dma_wait3A_239 = tpu.memref_slice %arg4[%arg0, %add3A_234, %dma_wait3A_238] : memref<2x10240x128xf32, #tpu.memory_space<hbm>> -> memref<1x80x128xf32, #tpu.memory_space<hbm>>
    %dma_wait3A_240 = tpu.memref_squeeze %dma_wait3A_239 : memref<1x80x128xf32, #tpu.memory_space<hbm>> -> memref<80x128xf32, #tpu.memory_space<hbm>>
    tpu.wait_dma2 semaphore(%arg9 : memref<!tpu.dma_semaphore, #tpu.memory_space<semaphore_mem>>) src(%arg7 : memref<80x128xf32, #tpu.memory_space<vmem>>) dst(%dma_wait3A_240 : memref<80x128xf32, #tpu.memory_space<hbm>>)
    %mul3A_241 = arith.constant 640 : i32
    %mul3A_242 = arith.muli %arg1, %mul3A_241 : i32
    %add3A_243 = arith.constant 560 : i32
    %add3A_244 = arith.addi %mul3A_242, %add3A_243 : i32
    %dma_wait3A_245 = arith.constant 0 : i32
    %dma_wait3A_246 = tpu.memref_slice %arg4[%arg0, %add3A_244, %dma_wait3A_245] : memref<2x10240x128xf32, #tpu.memory_space<hbm>> -> memref<1x80x128xf32, #tpu.memory_space<hbm>>
    %dma_wait3A_247 = tpu.memref_squeeze %dma_wait3A_246 : memref<1x80x128xf32, #tpu.memory_space<hbm>> -> memref<80x128xf32, #tpu.memory_space<hbm>>
    %dma_wait3A_248 = arith.constant 0 : i32
    %dma_wait3A_249 = tpu.memref_slice %arg4[%arg0, %add3A_244, %dma_wait3A_248] : memref<2x10240x128xf32, #tpu.memory_space<hbm>> -> memref<1x80x128xf32, #tpu.memory_space<hbm>>
    %dma_wait3A_250 = tpu.memref_squeeze %dma_wait3A_249 : memref<1x80x128xf32, #tpu.memory_space<hbm>> -> memref<80x128xf32, #tpu.memory_space<hbm>>
    tpu.wait_dma2 semaphore(%arg10 : memref<!tpu.dma_semaphore, #tpu.memory_space<semaphore_mem>>) src(%arg8 : memref<80x128xf32, #tpu.memory_space<vmem>>) dst(%dma_wait3A_250 : memref<80x128xf32, #tpu.memory_space<hbm>>)
    return
  }
}

#map = affine_map<(d0, d1) -> (0, 0)>
#map1 = affine_map<(d0, d1) -> (0, 0, 0, 0)>
#map2 = affine_map<(d0, d1) -> (0, 0, 0)>
module attributes {stable_mosaic.version = 14 : i64} {
  func.func @_sc_scatter_pass(%arg0: i32, %arg1: i32, %arg2: memref<10240x128xf32, #tpu.memory_space<hbm>>, %arg3: memref<2x32x125x80xi32, #tpu.memory_space<hbm>>, %arg4: memref<2x10240x128xf32, #tpu.memory_space<hbm>>, %arg5: memref<125x80xi32, #tpu.memory_space<vmem>>, %arg6: memref<125x80xi32, #tpu.memory_space<vmem>>, %arg7: memref<80x128xf32, #tpu.memory_space<vmem>>, %arg8: memref<80x128xf32, #tpu.memory_space<vmem>>, %arg9: memref<!tpu.dma_semaphore, #tpu.memory_space<semaphore_mem>>, %arg10: memref<!tpu.dma_semaphore, #tpu.memory_space<semaphore_mem>>, %arg11: memref<10240x128xf32, #tpu.memory_space<vmem_shared>>) attributes {dimension_semantics = [#tpu.dimension_semantics<core_parallel>, #tpu.dimension_semantics<subcore_parallel>], iteration_bounds = array<i64: 2, 16>, scalar_prefetch = 0 : i64, scratch_operands = 7 : i64, tpu.core_type = #tpu.core_type<sc_vector_subcore>, window_params = [{transform_indices = #map}, {transform_indices = #map1}, {transform_indices = #map2}]} {
    %mul3A = arith.constant 2 : i32
    %mul3A_0 = arith.muli %arg1, %mul3A : i32
    %add3A = arith.addi %mul3A_0, %arg0 : i32
    %dma_start3A = arith.constant 1 : i32
    %dma_start3A_1 = arith.constant 0 : i32
    %dma_start3A_2 = arith.constant 0 : i32
    %dma_start3A_3 = tpu.memref_slice %arg3[%dma_start3A, %add3A, %dma_start3A_1, %dma_start3A_2] : memref<2x32x125x80xi32, #tpu.memory_space<hbm>> -> memref<1x1x125x80xi32, #tpu.memory_space<hbm>>
    %dma_start3A_4 = tpu.memref_squeeze %dma_start3A_3 : memref<1x1x125x80xi32, #tpu.memory_space<hbm>> -> memref<125x80xi32, #tpu.memory_space<hbm>>
    %dma_start3A_5 = arith.constant 0 : i32
    %dma_start3A_6 = arith.constant 0 : i32
    %dma_start3A_7 = tpu.memref_slice %arg3[%dma_start3A, %add3A, %dma_start3A_5, %dma_start3A_6] : memref<2x32x125x80xi32, #tpu.memory_space<hbm>> -> memref<1x1x125x80xi32, #tpu.memory_space<hbm>>
    %dma_start3A_8 = tpu.memref_squeeze %dma_start3A_7 : memref<1x1x125x80xi32, #tpu.memory_space<hbm>> -> memref<125x80xi32, #tpu.memory_space<hbm>>
    tpu.enqueue_dma source(%dma_start3A_8 : memref<125x80xi32, #tpu.memory_space<hbm>>) target(%arg5 : memref<125x80xi32, #tpu.memory_space<vmem>>) target_semaphore(%arg9 : memref<!tpu.dma_semaphore, #tpu.memory_space<semaphore_mem>>)
    %dma_start3A_9 = arith.constant 0 : i32
    %dma_start3A_10 = arith.constant 0 : i32
    %dma_start3A_11 = arith.constant 0 : i32
    %dma_start3A_12 = tpu.memref_slice %arg3[%dma_start3A_9, %add3A, %dma_start3A_10, %dma_start3A_11] : memref<2x32x125x80xi32, #tpu.memory_space<hbm>> -> memref<1x1x125x80xi32, #tpu.memory_space<hbm>>
    %dma_start3A_13 = tpu.memref_squeeze %dma_start3A_12 : memref<1x1x125x80xi32, #tpu.memory_space<hbm>> -> memref<125x80xi32, #tpu.memory_space<hbm>>
    %dma_start3A_14 = arith.constant 0 : i32
    %dma_start3A_15 = arith.constant 0 : i32
    %dma_start3A_16 = tpu.memref_slice %arg3[%dma_start3A_9, %add3A, %dma_start3A_14, %dma_start3A_15] : memref<2x32x125x80xi32, #tpu.memory_space<hbm>> -> memref<1x1x125x80xi32, #tpu.memory_space<hbm>>
    %dma_start3A_17 = tpu.memref_squeeze %dma_start3A_16 : memref<1x1x125x80xi32, #tpu.memory_space<hbm>> -> memref<125x80xi32, #tpu.memory_space<hbm>>
    tpu.enqueue_dma source(%dma_start3A_17 : memref<125x80xi32, #tpu.memory_space<hbm>>) target(%arg6 : memref<125x80xi32, #tpu.memory_space<vmem>>) target_semaphore(%arg10 : memref<!tpu.dma_semaphore, #tpu.memory_space<semaphore_mem>>)
    %scan3A = arith.constant 0 : i32
    %scan3A_18 = arith.constant 80 : i32
    %scan3A_19 = arith.addi %scan3A, %scan3A_18 : i32
    %scan3A_20 = arith.constant 1 : i32
    scf.for %scan3A_251 = %scan3A to %scan3A_19 step %scan3A_20  : i32 {
      %mul3A_252 = arith.constant 1 : i32
      %mul3A_253 = arith.muli %scan3A_251, %mul3A_252 : i32
      %add3A_254 = arith.constant 0 : i32
      %add3A_255 = arith.addi %add3A_254, %mul3A_253 : i32
      %broadcast_in_dim3A = arith.constant 0.000000e+00 : f32
      %broadcast_in_dim3A_256 = vector.broadcast %broadcast_in_dim3A : f32 to vector<16xf32>
      %swap3A = arith.index_cast %add3A_255 : i32 to index
      %swap3A_257 = arith.constant 0 : index
      %swap3A_258 = tpu.vector_load %arg8[%swap3A, %swap3A_257] {strides = array<i32>} : memref<80x128xf32, #tpu.memory_space<vmem>>, vector<1x16xf32>,
      %swap3A_259 = vector.shape_cast %swap3A_258 : vector<1x16xf32> to vector<16xf32>
      %swap3A_260 = vector.shape_cast %broadcast_in_dim3A_256 : vector<16xf32> to vector<1x16xf32>
      tpu.vector_store %arg8[%swap3A, %swap3A_257], %swap3A_260 {strides = array<i32>} : memref<80x128xf32, #tpu.memory_space<vmem>>, vector<1x16xf32>,
      %broadcast_in_dim3A_261 = arith.constant 0.000000e+00 : f32
      %broadcast_in_dim3A_262 = vector.broadcast %broadcast_in_dim3A_261 : f32 to vector<16xf32>
      %swap3A_263 = arith.index_cast %add3A_255 : i32 to index
      %swap3A_264 = arith.constant 16 : index
      %swap3A_265 = tpu.vector_load %arg8[%swap3A_263, %swap3A_264] {strides = array<i32>} : memref<80x128xf32, #tpu.memory_space<vmem>>, vector<1x16xf32>,
      %swap3A_266 = vector.shape_cast %swap3A_265 : vector<1x16xf32> to vector<16xf32>
      %swap3A_267 = vector.shape_cast %broadcast_in_dim3A_262 : vector<16xf32> to vector<1x16xf32>
      tpu.vector_store %arg8[%swap3A_263, %swap3A_264], %swap3A_267 {strides = array<i32>} : memref<80x128xf32, #tpu.memory_space<vmem>>, vector<1x16xf32>,
      %broadcast_in_dim3A_268 = arith.constant 0.000000e+00 : f32
      %broadcast_in_dim3A_269 = vector.broadcast %broadcast_in_dim3A_268 : f32 to vector<16xf32>
      %swap3A_270 = arith.index_cast %add3A_255 : i32 to index
      %swap3A_271 = arith.constant 32 : index
      %swap3A_272 = tpu.vector_load %arg8[%swap3A_270, %swap3A_271] {strides = array<i32>} : memref<80x128xf32, #tpu.memory_space<vmem>>, vector<1x16xf32>,
      %swap3A_273 = vector.shape_cast %swap3A_272 : vector<1x16xf32> to vector<16xf32>
      %swap3A_274 = vector.shape_cast %broadcast_in_dim3A_269 : vector<16xf32> to vector<1x16xf32>
      tpu.vector_store %arg8[%swap3A_270, %swap3A_271], %swap3A_274 {strides = array<i32>} : memref<80x128xf32, #tpu.memory_space<vmem>>, vector<1x16xf32>,
      %broadcast_in_dim3A_275 = arith.constant 0.000000e+00 : f32
      %broadcast_in_dim3A_276 = vector.broadcast %broadcast_in_dim3A_275 : f32 to vector<16xf32>
      %swap3A_277 = arith.index_cast %add3A_255 : i32 to index
      %swap3A_278 = arith.constant 48 : index
      %swap3A_279 = tpu.vector_load %arg8[%swap3A_277, %swap3A_278] {strides = array<i32>} : memref<80x128xf32, #tpu.memory_space<vmem>>, vector<1x16xf32>,
      %swap3A_280 = vector.shape_cast %swap3A_279 : vector<1x16xf32> to vector<16xf32>
      %swap3A_281 = vector.shape_cast %broadcast_in_dim3A_276 : vector<16xf32> to vector<1x16xf32>
      tpu.vector_store %arg8[%swap3A_277, %swap3A_278], %swap3A_281 {strides = array<i32>} : memref<80x128xf32, #tpu.memory_space<vmem>>, vector<1x16xf32>,
      %broadcast_in_dim3A_282 = arith.constant 0.000000e+00 : f32
      %broadcast_in_dim3A_283 = vector.broadcast %broadcast_in_dim3A_282 : f32 to vector<16xf32>
      %swap3A_284 = arith.index_cast %add3A_255 : i32 to index
      %swap3A_285 = arith.constant 64 : index
      %swap3A_286 = tpu.vector_load %arg8[%swap3A_284, %swap3A_285] {strides = array<i32>} : memref<80x128xf32, #tpu.memory_space<vmem>>, vector<1x16xf32>,
      %swap3A_287 = vector.shape_cast %swap3A_286 : vector<1x16xf32> to vector<16xf32>
      %swap3A_288 = vector.shape_cast %broadcast_in_dim3A_283 : vector<16xf32> to vector<1x16xf32>
      tpu.vector_store %arg8[%swap3A_284, %swap3A_285], %swap3A_288 {strides = array<i32>} : memref<80x128xf32, #tpu.memory_space<vmem>>, vector<1x16xf32>,
      %broadcast_in_dim3A_289 = arith.constant 0.000000e+00 : f32
      %broadcast_in_dim3A_290 = vector.broadcast %broadcast_in_dim3A_289 : f32 to vector<16xf32>
      %swap3A_291 = arith.index_cast %add3A_255 : i32 to index
      %swap3A_292 = arith.constant 80 : index
      %swap3A_293 = tpu.vector_load %arg8[%swap3A_291, %swap3A_292] {strides = array<i32>} : memref<80x128xf32, #tpu.memory_space<vmem>>, vector<1x16xf32>,
      %swap3A_294 = vector.shape_cast %swap3A_293 : vector<1x16xf32> to vector<16xf32>
      %swap3A_295 = vector.shape_cast %broadcast_in_dim3A_290 : vector<16xf32> to vector<1x16xf32>
      tpu.vector_store %arg8[%swap3A_291, %swap3A_292], %swap3A_295 {strides = array<i32>} : memref<80x128xf32, #tpu.memory_space<vmem>>, vector<1x16xf32>,
      %broadcast_in_dim3A_296 = arith.constant 0.000000e+00 : f32
      %broadcast_in_dim3A_297 = vector.broadcast %broadcast_in_dim3A_296 : f32 to vector<16xf32>
      %swap3A_298 = arith.index_cast %add3A_255 : i32 to index
      %swap3A_299 = arith.constant 96 : index
      %swap3A_300 = tpu.vector_load %arg8[%swap3A_298, %swap3A_299] {strides = array<i32>} : memref<80x128xf32, #tpu.memory_space<vmem>>, vector<1x16xf32>,
      %swap3A_301 = vector.shape_cast %swap3A_300 : vector<1x16xf32> to vector<16xf32>
      %swap3A_302 = vector.shape_cast %broadcast_in_dim3A_297 : vector<16xf32> to vector<1x16xf32>
      tpu.vector_store %arg8[%swap3A_298, %swap3A_299], %swap3A_302 {strides = array<i32>} : memref<80x128xf32, #tpu.memory_space<vmem>>, vector<1x16xf32>,
      %broadcast_in_dim3A_303 = arith.constant 0.000000e+00 : f32
      %broadcast_in_dim3A_304 = vector.broadcast %broadcast_in_dim3A_303 : f32 to vector<16xf32>
      %swap3A_305 = arith.index_cast %add3A_255 : i32 to index
      %swap3A_306 = arith.constant 112 : index
      %swap3A_307 = tpu.vector_load %arg8[%swap3A_305, %swap3A_306] {strides = array<i32>} : memref<80x128xf32, #tpu.memory_space<vmem>>, vector<1x16xf32>,
      %swap3A_308 = vector.shape_cast %swap3A_307 : vector<1x16xf32> to vector<16xf32>
      %swap3A_309 = vector.shape_cast %broadcast_in_dim3A_304 : vector<16xf32> to vector<1x16xf32>
      tpu.vector_store %arg8[%swap3A_305, %swap3A_306], %swap3A_309 {strides = array<i32>} : memref<80x128xf32, #tpu.memory_space<vmem>>, vector<1x16xf32>,
    }
    %scan3A_21 = arith.constant 80 : i32
    %mul3A_22 = arith.constant 640 : i32
    %mul3A_23 = arith.muli %arg1, %mul3A_22 : i32
    %add3A_24 = arith.constant 0 : i32
    %add3A_25 = arith.addi %mul3A_23, %add3A_24 : i32
    "tpu.region"() ({
      %run_scoped3A_251 = tpu.sem_alloc : memref<!tpu.dma_semaphore, #tpu.memory_space<semaphore_mem>>
      %dma_start3A_252 = arith.constant 0 : i32
      %dma_start3A_253 = tpu.memref_slice %arg11[%add3A_25, %dma_start3A_252] : memref<10240x128xf32, #tpu.memory_space<vmem_shared>> -> memref<80x128xf32, #tpu.memory_space<vmem_shared>>
      %dma_start3A_254 = arith.constant 0 : i32
      %dma_start3A_255 = tpu.memref_slice %arg11[%add3A_25, %dma_start3A_254] : memref<10240x128xf32, #tpu.memory_space<vmem_shared>> -> memref<80x128xf32, #tpu.memory_space<vmem_shared>>
      tpu.enqueue_dma source(%arg8 : memref<80x128xf32, #tpu.memory_space<vmem>>) target(%dma_start3A_255 : memref<80x128xf32, #tpu.memory_space<vmem_shared>>) target_semaphore(%run_scoped3A_251 : memref<!tpu.dma_semaphore, #tpu.memory_space<semaphore_mem>>)
      %dma_wait3A_256 = arith.constant 0 : i32
      %dma_wait3A_257 = tpu.memref_slice %arg11[%add3A_25, %dma_wait3A_256] : memref<10240x128xf32, #tpu.memory_space<vmem_shared>> -> memref<80x128xf32, #tpu.memory_space<vmem_shared>>
      %dma_wait3A_258 = arith.constant 0 : i32
      %dma_wait3A_259 = tpu.memref_slice %arg11[%add3A_25, %dma_wait3A_258] : memref<10240x128xf32, #tpu.memory_space<vmem_shared>> -> memref<80x128xf32, #tpu.memory_space<vmem_shared>>
      tpu.wait_dma2 semaphore(%run_scoped3A_251 : memref<!tpu.dma_semaphore, #tpu.memory_space<semaphore_mem>>) src(%arg8 : memref<80x128xf32, #tpu.memory_space<vmem>>) dst(%dma_wait3A_259 : memref<80x128xf32, #tpu.memory_space<vmem_shared>>)
      tpu.yield
    }) : () -> ()
    %mul3A_26 = arith.constant 640 : i32
    %mul3A_27 = arith.muli %arg1, %mul3A_26 : i32
    %add3A_28 = arith.constant 80 : i32
    %add3A_29 = arith.addi %mul3A_27, %add3A_28 : i32
    "tpu.region"() ({
      %run_scoped3A_251 = tpu.sem_alloc : memref<!tpu.dma_semaphore, #tpu.memory_space<semaphore_mem>>
      %dma_start3A_252 = arith.constant 0 : i32
      %dma_start3A_253 = tpu.memref_slice %arg11[%add3A_29, %dma_start3A_252] : memref<10240x128xf32, #tpu.memory_space<vmem_shared>> -> memref<80x128xf32, #tpu.memory_space<vmem_shared>>
      %dma_start3A_254 = arith.constant 0 : i32
      %dma_start3A_255 = tpu.memref_slice %arg11[%add3A_29, %dma_start3A_254] : memref<10240x128xf32, #tpu.memory_space<vmem_shared>> -> memref<80x128xf32, #tpu.memory_space<vmem_shared>>
      tpu.enqueue_dma source(%arg8 : memref<80x128xf32, #tpu.memory_space<vmem>>) target(%dma_start3A_255 : memref<80x128xf32, #tpu.memory_space<vmem_shared>>) target_semaphore(%run_scoped3A_251 : memref<!tpu.dma_semaphore, #tpu.memory_space<semaphore_mem>>)
      %dma_wait3A_256 = arith.constant 0 : i32
      %dma_wait3A_257 = tpu.memref_slice %arg11[%add3A_29, %dma_wait3A_256] : memref<10240x128xf32, #tpu.memory_space<vmem_shared>> -> memref<80x128xf32, #tpu.memory_space<vmem_shared>>
      %dma_wait3A_258 = arith.constant 0 : i32
      %dma_wait3A_259 = tpu.memref_slice %arg11[%add3A_29, %dma_wait3A_258] : memref<10240x128xf32, #tpu.memory_space<vmem_shared>> -> memref<80x128xf32, #tpu.memory_space<vmem_shared>>
      tpu.wait_dma2 semaphore(%run_scoped3A_251 : memref<!tpu.dma_semaphore, #tpu.memory_space<semaphore_mem>>) src(%arg8 : memref<80x128xf32, #tpu.memory_space<vmem>>) dst(%dma_wait3A_259 : memref<80x128xf32, #tpu.memory_space<vmem_shared>>)
      tpu.yield
    }) : () -> ()
    %mul3A_30 = arith.constant 640 : i32
    %mul3A_31 = arith.muli %arg1, %mul3A_30 : i32
    %add3A_32 = arith.constant 160 : i32
    %add3A_33 = arith.addi %mul3A_31, %add3A_32 : i32
    "tpu.region"() ({
      %run_scoped3A_251 = tpu.sem_alloc : memref<!tpu.dma_semaphore, #tpu.memory_space<semaphore_mem>>
      %dma_start3A_252 = arith.constant 0 : i32
      %dma_start3A_253 = tpu.memref_slice %arg11[%add3A_33, %dma_start3A_252] : memref<10240x128xf32, #tpu.memory_space<vmem_shared>> -> memref<80x128xf32, #tpu.memory_space<vmem_shared>>
      %dma_start3A_254 = arith.constant 0 : i32
      %dma_start3A_255 = tpu.memref_slice %arg11[%add3A_33, %dma_start3A_254] : memref<10240x128xf32, #tpu.memory_space<vmem_shared>> -> memref<80x128xf32, #tpu.memory_space<vmem_shared>>
      tpu.enqueue_dma source(%arg8 : memref<80x128xf32, #tpu.memory_space<vmem>>) target(%dma_start3A_255 : memref<80x128xf32, #tpu.memory_space<vmem_shared>>) target_semaphore(%run_scoped3A_251 : memref<!tpu.dma_semaphore, #tpu.memory_space<semaphore_mem>>)
      %dma_wait3A_256 = arith.constant 0 : i32
      %dma_wait3A_257 = tpu.memref_slice %arg11[%add3A_33, %dma_wait3A_256] : memref<10240x128xf32, #tpu.memory_space<vmem_shared>> -> memref<80x128xf32, #tpu.memory_space<vmem_shared>>
      %dma_wait3A_258 = arith.constant 0 : i32
      %dma_wait3A_259 = tpu.memref_slice %arg11[%add3A_33, %dma_wait3A_258] : memref<10240x128xf32, #tpu.memory_space<vmem_shared>> -> memref<80x128xf32, #tpu.memory_space<vmem_shared>>
      tpu.wait_dma2 semaphore(%run_scoped3A_251 : memref<!tpu.dma_semaphore, #tpu.memory_space<semaphore_mem>>) src(%arg8 : memref<80x128xf32, #tpu.memory_space<vmem>>) dst(%dma_wait3A_259 : memref<80x128xf32, #tpu.memory_space<vmem_shared>>)
      tpu.yield
    }) : () -> ()
    %mul3A_34 = arith.constant 640 : i32
    %mul3A_35 = arith.muli %arg1, %mul3A_34 : i32
    %add3A_36 = arith.constant 240 : i32
    %add3A_37 = arith.addi %mul3A_35, %add3A_36 : i32
    "tpu.region"() ({
      %run_scoped3A_251 = tpu.sem_alloc : memref<!tpu.dma_semaphore, #tpu.memory_space<semaphore_mem>>
      %dma_start3A_252 = arith.constant 0 : i32
      %dma_start3A_253 = tpu.memref_slice %arg11[%add3A_37, %dma_start3A_252] : memref<10240x128xf32, #tpu.memory_space<vmem_shared>> -> memref<80x128xf32, #tpu.memory_space<vmem_shared>>
      %dma_start3A_254 = arith.constant 0 : i32
      %dma_start3A_255 = tpu.memref_slice %arg11[%add3A_37, %dma_start3A_254] : memref<10240x128xf32, #tpu.memory_space<vmem_shared>> -> memref<80x128xf32, #tpu.memory_space<vmem_shared>>
      tpu.enqueue_dma source(%arg8 : memref<80x128xf32, #tpu.memory_space<vmem>>) target(%dma_start3A_255 : memref<80x128xf32, #tpu.memory_space<vmem_shared>>) target_semaphore(%run_scoped3A_251 : memref<!tpu.dma_semaphore, #tpu.memory_space<semaphore_mem>>)
      %dma_wait3A_256 = arith.constant 0 : i32
      %dma_wait3A_257 = tpu.memref_slice %arg11[%add3A_37, %dma_wait3A_256] : memref<10240x128xf32, #tpu.memory_space<vmem_shared>> -> memref<80x128xf32, #tpu.memory_space<vmem_shared>>
      %dma_wait3A_258 = arith.constant 0 : i32
      %dma_wait3A_259 = tpu.memref_slice %arg11[%add3A_37, %dma_wait3A_258] : memref<10240x128xf32, #tpu.memory_space<vmem_shared>> -> memref<80x128xf32, #tpu.memory_space<vmem_shared>>
      tpu.wait_dma2 semaphore(%run_scoped3A_251 : memref<!tpu.dma_semaphore, #tpu.memory_space<semaphore_mem>>) src(%arg8 : memref<80x128xf32, #tpu.memory_space<vmem>>) dst(%dma_wait3A_259 : memref<80x128xf32, #tpu.memory_space<vmem_shared>>)
      tpu.yield
    }) : () -> ()
    %mul3A_38 = arith.constant 640 : i32
    %mul3A_39 = arith.muli %arg1, %mul3A_38 : i32
    %add3A_40 = arith.constant 320 : i32
    %add3A_41 = arith.addi %mul3A_39, %add3A_40 : i32
    "tpu.region"() ({
      %run_scoped3A_251 = tpu.sem_alloc : memref<!tpu.dma_semaphore, #tpu.memory_space<semaphore_mem>>
      %dma_start3A_252 = arith.constant 0 : i32
      %dma_start3A_253 = tpu.memref_slice %arg11[%add3A_41, %dma_start3A_252] : memref<10240x128xf32, #tpu.memory_space<vmem_shared>> -> memref<80x128xf32, #tpu.memory_space<vmem_shared>>
      %dma_start3A_254 = arith.constant 0 : i32
      %dma_start3A_255 = tpu.memref_slice %arg11[%add3A_41, %dma_start3A_254] : memref<10240x128xf32, #tpu.memory_space<vmem_shared>> -> memref<80x128xf32, #tpu.memory_space<vmem_shared>>
      tpu.enqueue_dma source(%arg8 : memref<80x128xf32, #tpu.memory_space<vmem>>) target(%dma_start3A_255 : memref<80x128xf32, #tpu.memory_space<vmem_shared>>) target_semaphore(%run_scoped3A_251 : memref<!tpu.dma_semaphore, #tpu.memory_space<semaphore_mem>>)
      %dma_wait3A_256 = arith.constant 0 : i32
      %dma_wait3A_257 = tpu.memref_slice %arg11[%add3A_41, %dma_wait3A_256] : memref<10240x128xf32, #tpu.memory_space<vmem_shared>> -> memref<80x128xf32, #tpu.memory_space<vmem_shared>>
      %dma_wait3A_258 = arith.constant 0 : i32
      %dma_wait3A_259 = tpu.memref_slice %arg11[%add3A_41, %dma_wait3A_258] : memref<10240x128xf32, #tpu.memory_space<vmem_shared>> -> memref<80x128xf32, #tpu.memory_space<vmem_shared>>
      tpu.wait_dma2 semaphore(%run_scoped3A_251 : memref<!tpu.dma_semaphore, #tpu.memory_space<semaphore_mem>>) src(%arg8 : memref<80x128xf32, #tpu.memory_space<vmem>>) dst(%dma_wait3A_259 : memref<80x128xf32, #tpu.memory_space<vmem_shared>>)
      tpu.yield
    }) : () -> ()
    %mul3A_42 = arith.constant 640 : i32
    %mul3A_43 = arith.muli %arg1, %mul3A_42 : i32
    %add3A_44 = arith.constant 400 : i32
    %add3A_45 = arith.addi %mul3A_43, %add3A_44 : i32
    "tpu.region"() ({
      %run_scoped3A_251 = tpu.sem_alloc : memref<!tpu.dma_semaphore, #tpu.memory_space<semaphore_mem>>
      %dma_start3A_252 = arith.constant 0 : i32
      %dma_start3A_253 = tpu.memref_slice %arg11[%add3A_45, %dma_start3A_252] : memref<10240x128xf32, #tpu.memory_space<vmem_shared>> -> memref<80x128xf32, #tpu.memory_space<vmem_shared>>
      %dma_start3A_254 = arith.constant 0 : i32
      %dma_start3A_255 = tpu.memref_slice %arg11[%add3A_45, %dma_start3A_254] : memref<10240x128xf32, #tpu.memory_space<vmem_shared>> -> memref<80x128xf32, #tpu.memory_space<vmem_shared>>
      tpu.enqueue_dma source(%arg8 : memref<80x128xf32, #tpu.memory_space<vmem>>) target(%dma_start3A_255 : memref<80x128xf32, #tpu.memory_space<vmem_shared>>) target_semaphore(%run_scoped3A_251 : memref<!tpu.dma_semaphore, #tpu.memory_space<semaphore_mem>>)
      %dma_wait3A_256 = arith.constant 0 : i32
      %dma_wait3A_257 = tpu.memref_slice %arg11[%add3A_45, %dma_wait3A_256] : memref<10240x128xf32, #tpu.memory_space<vmem_shared>> -> memref<80x128xf32, #tpu.memory_space<vmem_shared>>
      %dma_wait3A_258 = arith.constant 0 : i32
      %dma_wait3A_259 = tpu.memref_slice %arg11[%add3A_45, %dma_wait3A_258] : memref<10240x128xf32, #tpu.memory_space<vmem_shared>> -> memref<80x128xf32, #tpu.memory_space<vmem_shared>>
      tpu.wait_dma2 semaphore(%run_scoped3A_251 : memref<!tpu.dma_semaphore, #tpu.memory_space<semaphore_mem>>) src(%arg8 : memref<80x128xf32, #tpu.memory_space<vmem>>) dst(%dma_wait3A_259 : memref<80x128xf32, #tpu.memory_space<vmem_shared>>)
      tpu.yield
    }) : () -> ()
    %mul3A_46 = arith.constant 640 : i32
    %mul3A_47 = arith.muli %arg1, %mul3A_46 : i32
    %add3A_48 = arith.constant 480 : i32
    %add3A_49 = arith.addi %mul3A_47, %add3A_48 : i32
    "tpu.region"() ({
      %run_scoped3A_251 = tpu.sem_alloc : memref<!tpu.dma_semaphore, #tpu.memory_space<semaphore_mem>>
      %dma_start3A_252 = arith.constant 0 : i32
      %dma_start3A_253 = tpu.memref_slice %arg11[%add3A_49, %dma_start3A_252] : memref<10240x128xf32, #tpu.memory_space<vmem_shared>> -> memref<80x128xf32, #tpu.memory_space<vmem_shared>>
      %dma_start3A_254 = arith.constant 0 : i32
      %dma_start3A_255 = tpu.memref_slice %arg11[%add3A_49, %dma_start3A_254] : memref<10240x128xf32, #tpu.memory_space<vmem_shared>> -> memref<80x128xf32, #tpu.memory_space<vmem_shared>>
      tpu.enqueue_dma source(%arg8 : memref<80x128xf32, #tpu.memory_space<vmem>>) target(%dma_start3A_255 : memref<80x128xf32, #tpu.memory_space<vmem_shared>>) target_semaphore(%run_scoped3A_251 : memref<!tpu.dma_semaphore, #tpu.memory_space<semaphore_mem>>)
      %dma_wait3A_256 = arith.constant 0 : i32
      %dma_wait3A_257 = tpu.memref_slice %arg11[%add3A_49, %dma_wait3A_256] : memref<10240x128xf32, #tpu.memory_space<vmem_shared>> -> memref<80x128xf32, #tpu.memory_space<vmem_shared>>
      %dma_wait3A_258 = arith.constant 0 : i32
      %dma_wait3A_259 = tpu.memref_slice %arg11[%add3A_49, %dma_wait3A_258] : memref<10240x128xf32, #tpu.memory_space<vmem_shared>> -> memref<80x128xf32, #tpu.memory_space<vmem_shared>>
      tpu.wait_dma2 semaphore(%run_scoped3A_251 : memref<!tpu.dma_semaphore, #tpu.memory_space<semaphore_mem>>) src(%arg8 : memref<80x128xf32, #tpu.memory_space<vmem>>) dst(%dma_wait3A_259 : memref<80x128xf32, #tpu.memory_space<vmem_shared>>)
      tpu.yield
    }) : () -> ()
    %mul3A_50 = arith.constant 640 : i32
    %mul3A_51 = arith.muli %arg1, %mul3A_50 : i32
    %add3A_52 = arith.constant 560 : i32
    %add3A_53 = arith.addi %mul3A_51, %add3A_52 : i32
    "tpu.region"() ({
      %run_scoped3A_251 = tpu.sem_alloc : memref<!tpu.dma_semaphore, #tpu.memory_space<semaphore_mem>>
      %dma_start3A_252 = arith.constant 0 : i32
      %dma_start3A_253 = tpu.memref_slice %arg11[%add3A_53, %dma_start3A_252] : memref<10240x128xf32, #tpu.memory_space<vmem_shared>> -> memref<80x128xf32, #tpu.memory_space<vmem_shared>>
      %dma_start3A_254 = arith.constant 0 : i32
      %dma_start3A_255 = tpu.memref_slice %arg11[%add3A_53, %dma_start3A_254] : memref<10240x128xf32, #tpu.memory_space<vmem_shared>> -> memref<80x128xf32, #tpu.memory_space<vmem_shared>>
      tpu.enqueue_dma source(%arg8 : memref<80x128xf32, #tpu.memory_space<vmem>>) target(%dma_start3A_255 : memref<80x128xf32, #tpu.memory_space<vmem_shared>>) target_semaphore(%run_scoped3A_251 : memref<!tpu.dma_semaphore, #tpu.memory_space<semaphore_mem>>)
      %dma_wait3A_256 = arith.constant 0 : i32
      %dma_wait3A_257 = tpu.memref_slice %arg11[%add3A_53, %dma_wait3A_256] : memref<10240x128xf32, #tpu.memory_space<vmem_shared>> -> memref<80x128xf32, #tpu.memory_space<vmem_shared>>
      %dma_wait3A_258 = arith.constant 0 : i32
      %dma_wait3A_259 = tpu.memref_slice %arg11[%add3A_53, %dma_wait3A_258] : memref<10240x128xf32, #tpu.memory_space<vmem_shared>> -> memref<80x128xf32, #tpu.memory_space<vmem_shared>>
      tpu.wait_dma2 semaphore(%run_scoped3A_251 : memref<!tpu.dma_semaphore, #tpu.memory_space<semaphore_mem>>) src(%arg8 : memref<80x128xf32, #tpu.memory_space<vmem>>) dst(%dma_wait3A_259 : memref<80x128xf32, #tpu.memory_space<vmem_shared>>)
      tpu.yield
    }) : () -> ()
    %dma_wait3A = arith.constant 1 : i32
    %dma_wait3A_54 = arith.constant 0 : i32
    %dma_wait3A_55 = arith.constant 0 : i32
    %dma_wait3A_56 = tpu.memref_slice %arg3[%dma_wait3A, %add3A, %dma_wait3A_54, %dma_wait3A_55] : memref<2x32x125x80xi32, #tpu.memory_space<hbm>> -> memref<1x1x125x80xi32, #tpu.memory_space<hbm>>
    %dma_wait3A_57 = tpu.memref_squeeze %dma_wait3A_56 : memref<1x1x125x80xi32, #tpu.memory_space<hbm>> -> memref<125x80xi32, #tpu.memory_space<hbm>>
    %dma_wait3A_58 = arith.constant 0 : i32
    %dma_wait3A_59 = arith.constant 0 : i32
    %dma_wait3A_60 = tpu.memref_slice %arg3[%dma_wait3A, %add3A, %dma_wait3A_58, %dma_wait3A_59] : memref<2x32x125x80xi32, #tpu.memory_space<hbm>> -> memref<1x1x125x80xi32, #tpu.memory_space<hbm>>
    %dma_wait3A_61 = tpu.memref_squeeze %dma_wait3A_60 : memref<1x1x125x80xi32, #tpu.memory_space<hbm>> -> memref<125x80xi32, #tpu.memory_space<hbm>>
    tpu.wait_dma2 semaphore(%arg9 : memref<!tpu.dma_semaphore, #tpu.memory_space<semaphore_mem>>) src(%dma_wait3A_61 : memref<125x80xi32, #tpu.memory_space<hbm>>) dst(%arg5 : memref<125x80xi32, #tpu.memory_space<vmem>>)
    %dma_wait3A_62 = arith.constant 0 : i32
    %dma_wait3A_63 = arith.constant 0 : i32
    %dma_wait3A_64 = arith.constant 0 : i32
    %dma_wait3A_65 = tpu.memref_slice %arg3[%dma_wait3A_62, %add3A, %dma_wait3A_63, %dma_wait3A_64] : memref<2x32x125x80xi32, #tpu.memory_space<hbm>> -> memref<1x1x125x80xi32, #tpu.memory_space<hbm>>
    %dma_wait3A_66 = tpu.memref_squeeze %dma_wait3A_65 : memref<1x1x125x80xi32, #tpu.memory_space<hbm>> -> memref<125x80xi32, #tpu.memory_space<hbm>>
    %dma_wait3A_67 = arith.constant 0 : i32
    %dma_wait3A_68 = arith.constant 0 : i32
    %dma_wait3A_69 = tpu.memref_slice %arg3[%dma_wait3A_62, %add3A, %dma_wait3A_67, %dma_wait3A_68] : memref<2x32x125x80xi32, #tpu.memory_space<hbm>> -> memref<1x1x125x80xi32, #tpu.memory_space<hbm>>
    %dma_wait3A_70 = tpu.memref_squeeze %dma_wait3A_69 : memref<1x1x125x80xi32, #tpu.memory_space<hbm>> -> memref<125x80xi32, #tpu.memory_space<hbm>>
    tpu.wait_dma2 semaphore(%arg10 : memref<!tpu.dma_semaphore, #tpu.memory_space<semaphore_mem>>) src(%dma_wait3A_70 : memref<125x80xi32, #tpu.memory_space<hbm>>) dst(%arg6 : memref<125x80xi32, #tpu.memory_space<vmem>>)
    %barrier3A = arith.constant 0 : index
    tpu.barrier barrier_id(%barrier3A)
    %dma_start3A_71 = arith.constant 0 : i32
    %dma_start3A_72 = arith.constant 0 : i32
    %dma_start3A_73 = tpu.memref_slice %arg5[%dma_start3A_71, %dma_start3A_72] : memref<125x80xi32, #tpu.memory_space<vmem>> -> memref<1x80xi32, #tpu.memory_space<vmem>>
    %dma_start3A_74 = tpu.memref_squeeze %dma_start3A_73 : memref<1x80xi32, #tpu.memory_space<vmem>> -> memref<80xi32, #tpu.memory_space<vmem>>
    %dma_start3A_75 = arith.constant 0 : i32
    %dma_start3A_76 = arith.constant 0 : i32
    %dma_start3A_77 = tpu.memref_slice %arg2[%dma_start3A_75, %dma_start3A_76] : memref<10240x128xf32, #tpu.memory_space<hbm>> -> memref<10240x128xf32, #tpu.memory_space<hbm>>
    tpu.enqueue_indirect_dma source(%dma_start3A_77 : memref<10240x128xf32, #tpu.memory_space<hbm>>) target(%arg7 : memref<80x128xf32, #tpu.memory_space<vmem>>) offsets(%dma_start3A_74 : memref<80xi32, #tpu.memory_space<vmem>>) semaphore(%arg9 : memref<!tpu.dma_semaphore, #tpu.memory_space<semaphore_mem>>)
    %scan3A_78 = arith.constant 0 : i32
    %scan3A_79 = arith.constant 62 : i32
    %scan3A_80 = arith.addi %scan3A_78, %scan3A_79 : i32
    %scan3A_81 = arith.constant 1 : i32
    scf.for %scan3A_251 = %scan3A_78 to %scan3A_80 step %scan3A_81  : i32 {
      %mul3A_252 = arith.constant 2 : i32
      %mul3A_253 = arith.muli %scan3A_251, %mul3A_252 : i32
      %add3A_254 = arith.constant 0 : i32
      %add3A_255 = arith.addi %add3A_254, %mul3A_253 : i32
      %add3A_256 = arith.constant 1 : i32
      %add3A_257 = arith.addi %add3A_255, %add3A_256 : i32
      %dma_start3A_258 = arith.constant 0 : i32
      %dma_start3A_259 = tpu.memref_slice %arg5[%add3A_257, %dma_start3A_258] : memref<125x80xi32, #tpu.memory_space<vmem>> -> memref<1x80xi32, #tpu.memory_space<vmem>>
      %dma_start3A_260 = tpu.memref_squeeze %dma_start3A_259 : memref<1x80xi32, #tpu.memory_space<vmem>> -> memref<80xi32, #tpu.memory_space<vmem>>
      %dma_start3A_261 = arith.constant 0 : i32
      %dma_start3A_262 = arith.constant 0 : i32
      %dma_start3A_263 = tpu.memref_slice %arg2[%dma_start3A_261, %dma_start3A_262] : memref<10240x128xf32, #tpu.memory_space<hbm>> -> memref<10240x128xf32, #tpu.memory_space<hbm>>
      tpu.enqueue_indirect_dma source(%dma_start3A_263 : memref<10240x128xf32, #tpu.memory_space<hbm>>) target(%arg8 : memref<80x128xf32, #tpu.memory_space<vmem>>) offsets(%dma_start3A_260 : memref<80xi32, #tpu.memory_space<vmem>>) semaphore(%arg10 : memref<!tpu.dma_semaphore, #tpu.memory_space<semaphore_mem>>)
      %dma_wait3A_264 = arith.constant 0 : i32
      %dma_wait3A_265 = tpu.memref_slice %arg5[%add3A_255, %dma_wait3A_264] : memref<125x80xi32, #tpu.memory_space<vmem>> -> memref<1x80xi32, #tpu.memory_space<vmem>>
      %dma_wait3A_266 = tpu.memref_squeeze %dma_wait3A_265 : memref<1x80xi32, #tpu.memory_space<vmem>> -> memref<80xi32, #tpu.memory_space<vmem>>
      %dma_wait3A_267 = arith.constant 0 : i32
      %dma_wait3A_268 = arith.constant 0 : i32
      %dma_wait3A_269 = tpu.memref_slice %arg2[%dma_wait3A_267, %dma_wait3A_268] : memref<10240x128xf32, #tpu.memory_space<hbm>> -> memref<10240x128xf32, #tpu.memory_space<hbm>>
      tpu.wait_indirect_dma semaphore(%arg9 : memref<!tpu.dma_semaphore, #tpu.memory_space<semaphore_mem>>) src(%dma_wait3A_269 : memref<10240x128xf32, #tpu.memory_space<hbm>>) dst(%arg7 : memref<80x128xf32, #tpu.memory_space<vmem>>)
      "tpu.region"() ({
        %run_scoped3A_288 = tpu.sem_alloc : memref<!tpu.dma_semaphore, #tpu.memory_space<semaphore_mem>>
        %dma_start3A_289 = arith.constant 0 : i32
        %dma_start3A_290 = tpu.memref_slice %arg6[%add3A_255, %dma_start3A_289] : memref<125x80xi32, #tpu.memory_space<vmem>> -> memref<1x80xi32, #tpu.memory_space<vmem>>
        %dma_start3A_291 = tpu.memref_squeeze %dma_start3A_290 : memref<1x80xi32, #tpu.memory_space<vmem>> -> memref<80xi32, #tpu.memory_space<vmem>>
        %dma_start3A_292 = arith.constant 0 : i32
        %dma_start3A_293 = arith.constant 0 : i32
        %dma_start3A_294 = tpu.memref_slice %arg11[%dma_start3A_292, %dma_start3A_293] : memref<10240x128xf32, #tpu.memory_space<vmem_shared>> -> memref<10240x128xf32, #tpu.memory_space<vmem_shared>>
        tpu.enqueue_indirect_dma source(%arg7 : memref<80x128xf32, #tpu.memory_space<vmem>>) target(%dma_start3A_294 : memref<10240x128xf32, #tpu.memory_space<vmem_shared>>) offsets(%dma_start3A_291 : memref<80xi32, #tpu.memory_space<vmem>>) semaphore(%run_scoped3A_288 : memref<!tpu.dma_semaphore, #tpu.memory_space<semaphore_mem>>) {add = true}
        %dma_wait3A_295 = arith.constant 0 : i32
        %dma_wait3A_296 = tpu.memref_slice %arg6[%add3A_255, %dma_wait3A_295] : memref<125x80xi32, #tpu.memory_space<vmem>> -> memref<1x80xi32, #tpu.memory_space<vmem>>
        %dma_wait3A_297 = tpu.memref_squeeze %dma_wait3A_296 : memref<1x80xi32, #tpu.memory_space<vmem>> -> memref<80xi32, #tpu.memory_space<vmem>>
        %dma_wait3A_298 = arith.constant 0 : i32
        %dma_wait3A_299 = arith.constant 0 : i32
        %dma_wait3A_300 = tpu.memref_slice %arg11[%dma_wait3A_298, %dma_wait3A_299] : memref<10240x128xf32, #tpu.memory_space<vmem_shared>> -> memref<10240x128xf32, #tpu.memory_space<vmem_shared>>
        tpu.wait_indirect_dma semaphore(%run_scoped3A_288 : memref<!tpu.dma_semaphore, #tpu.memory_space<semaphore_mem>>) src(%arg7 : memref<80x128xf32, #tpu.memory_space<vmem>>) dst(%dma_wait3A_300 : memref<10240x128xf32, #tpu.memory_space<vmem_shared>>)
        tpu.yield
      }) : () -> ()
      %add3A_270 = arith.constant 2 : i32
      %add3A_271 = arith.addi %add3A_255, %add3A_270 : i32
      %dma_start3A_272 = arith.constant 0 : i32
      %dma_start3A_273 = tpu.memref_slice %arg5[%add3A_271, %dma_start3A_272] : memref<125x80xi32, #tpu.memory_space<vmem>> -> memref<1x80xi32, #tpu.memory_space<vmem>>
      %dma_start3A_274 = tpu.memref_squeeze %dma_start3A_273 : memref<1x80xi32, #tpu.memory_space<vmem>> -> memref<80xi32, #tpu.memory_space<vmem>>
      %dma_start3A_275 = arith.constant 0 : i32
      %dma_start3A_276 = arith.constant 0 : i32
      %dma_start3A_277 = tpu.memref_slice %arg2[%dma_start3A_275, %dma_start3A_276] : memref<10240x128xf32, #tpu.memory_space<hbm>> -> memref<10240x128xf32, #tpu.memory_space<hbm>>
      tpu.enqueue_indirect_dma source(%dma_start3A_277 : memref<10240x128xf32, #tpu.memory_space<hbm>>) target(%arg7 : memref<80x128xf32, #tpu.memory_space<vmem>>) offsets(%dma_start3A_274 : memref<80xi32, #tpu.memory_space<vmem>>) semaphore(%arg9 : memref<!tpu.dma_semaphore, #tpu.memory_space<semaphore_mem>>)
      %add3A_278 = arith.constant 1 : i32
      %add3A_279 = arith.addi %add3A_255, %add3A_278 : i32
      %dma_wait3A_280 = arith.constant 0 : i32
      %dma_wait3A_281 = tpu.memref_slice %arg5[%add3A_279, %dma_wait3A_280] : memref<125x80xi32, #tpu.memory_space<vmem>> -> memref<1x80xi32, #tpu.memory_space<vmem>>
      %dma_wait3A_282 = tpu.memref_squeeze %dma_wait3A_281 : memref<1x80xi32, #tpu.memory_space<vmem>> -> memref<80xi32, #tpu.memory_space<vmem>>
      %dma_wait3A_283 = arith.constant 0 : i32
      %dma_wait3A_284 = arith.constant 0 : i32
      %dma_wait3A_285 = tpu.memref_slice %arg2[%dma_wait3A_283, %dma_wait3A_284] : memref<10240x128xf32, #tpu.memory_space<hbm>> -> memref<10240x128xf32, #tpu.memory_space<hbm>>
      tpu.wait_indirect_dma semaphore(%arg10 : memref<!tpu.dma_semaphore, #tpu.memory_space<semaphore_mem>>) src(%dma_wait3A_285 : memref<10240x128xf32, #tpu.memory_space<hbm>>) dst(%arg8 : memref<80x128xf32, #tpu.memory_space<vmem>>)
      %add3A_286 = arith.constant 1 : i32
      %add3A_287 = arith.addi %add3A_255, %add3A_286 : i32
      "tpu.region"() ({
        %run_scoped3A_288 = tpu.sem_alloc : memref<!tpu.dma_semaphore, #tpu.memory_space<semaphore_mem>>
        %dma_start3A_289 = arith.constant 0 : i32
        %dma_start3A_290 = tpu.memref_slice %arg6[%add3A_287, %dma_start3A_289] : memref<125x80xi32, #tpu.memory_space<vmem>> -> memref<1x80xi32, #tpu.memory_space<vmem>>
        %dma_start3A_291 = tpu.memref_squeeze %dma_start3A_290 : memref<1x80xi32, #tpu.memory_space<vmem>> -> memref<80xi32, #tpu.memory_space<vmem>>
        %dma_start3A_292 = arith.constant 0 : i32
        %dma_start3A_293 = arith.constant 0 : i32
        %dma_start3A_294 = tpu.memref_slice %arg11[%dma_start3A_292, %dma_start3A_293] : memref<10240x128xf32, #tpu.memory_space<vmem_shared>> -> memref<10240x128xf32, #tpu.memory_space<vmem_shared>>
        tpu.enqueue_indirect_dma source(%arg8 : memref<80x128xf32, #tpu.memory_space<vmem>>) target(%dma_start3A_294 : memref<10240x128xf32, #tpu.memory_space<vmem_shared>>) offsets(%dma_start3A_291 : memref<80xi32, #tpu.memory_space<vmem>>) semaphore(%run_scoped3A_288 : memref<!tpu.dma_semaphore, #tpu.memory_space<semaphore_mem>>) {add = true}
        %dma_wait3A_295 = arith.constant 0 : i32
        %dma_wait3A_296 = tpu.memref_slice %arg6[%add3A_287, %dma_wait3A_295] : memref<125x80xi32, #tpu.memory_space<vmem>> -> memref<1x80xi32, #tpu.memory_space<vmem>>
        %dma_wait3A_297 = tpu.memref_squeeze %dma_wait3A_296 : memref<1x80xi32, #tpu.memory_space<vmem>> -> memref<80xi32, #tpu.memory_space<vmem>>
        %dma_wait3A_298 = arith.constant 0 : i32
        %dma_wait3A_299 = arith.constant 0 : i32
        %dma_wait3A_300 = tpu.memref_slice %arg11[%dma_wait3A_298, %dma_wait3A_299] : memref<10240x128xf32, #tpu.memory_space<vmem_shared>> -> memref<10240x128xf32, #tpu.memory_space<vmem_shared>>
        tpu.wait_indirect_dma semaphore(%run_scoped3A_288 : memref<!tpu.dma_semaphore, #tpu.memory_space<semaphore_mem>>) src(%arg8 : memref<80x128xf32, #tpu.memory_space<vmem>>) dst(%dma_wait3A_300 : memref<10240x128xf32, #tpu.memory_space<vmem_shared>>)
        tpu.yield
      }) : () -> ()
    }
    %scan3A_82 = arith.constant 62 : i32
    %dma_wait3A_83 = arith.constant 124 : i32
    %dma_wait3A_84 = arith.constant 0 : i32
    %dma_wait3A_85 = tpu.memref_slice %arg5[%dma_wait3A_83, %dma_wait3A_84] : memref<125x80xi32, #tpu.memory_space<vmem>> -> memref<1x80xi32, #tpu.memory_space<vmem>>
    %dma_wait3A_86 = tpu.memref_squeeze %dma_wait3A_85 : memref<1x80xi32, #tpu.memory_space<vmem>> -> memref<80xi32, #tpu.memory_space<vmem>>
    %dma_wait3A_87 = arith.constant 0 : i32
    %dma_wait3A_88 = arith.constant 0 : i32
    %dma_wait3A_89 = tpu.memref_slice %arg2[%dma_wait3A_87, %dma_wait3A_88] : memref<10240x128xf32, #tpu.memory_space<hbm>> -> memref<10240x128xf32, #tpu.memory_space<hbm>>
    tpu.wait_indirect_dma semaphore(%arg9 : memref<!tpu.dma_semaphore, #tpu.memory_space<semaphore_mem>>) src(%dma_wait3A_89 : memref<10240x128xf32, #tpu.memory_space<hbm>>) dst(%arg7 : memref<80x128xf32, #tpu.memory_space<vmem>>)
    %run_scoped3A = arith.constant 124 : i32
    "tpu.region"() ({
      %run_scoped3A_251 = tpu.sem_alloc : memref<!tpu.dma_semaphore, #tpu.memory_space<semaphore_mem>>
      %dma_start3A_252 = arith.constant 0 : i32
      %dma_start3A_253 = tpu.memref_slice %arg6[%run_scoped3A, %dma_start3A_252] : memref<125x80xi32, #tpu.memory_space<vmem>> -> memref<1x80xi32, #tpu.memory_space<vmem>>
      %dma_start3A_254 = tpu.memref_squeeze %dma_start3A_253 : memref<1x80xi32, #tpu.memory_space<vmem>> -> memref<80xi32, #tpu.memory_space<vmem>>
      %dma_start3A_255 = arith.constant 0 : i32
      %dma_start3A_256 = arith.constant 0 : i32
      %dma_start3A_257 = tpu.memref_slice %arg11[%dma_start3A_255, %dma_start3A_256] : memref<10240x128xf32, #tpu.memory_space<vmem_shared>> -> memref<10240x128xf32, #tpu.memory_space<vmem_shared>>
      tpu.enqueue_indirect_dma source(%arg7 : memref<80x128xf32, #tpu.memory_space<vmem>>) target(%dma_start3A_257 : memref<10240x128xf32, #tpu.memory_space<vmem_shared>>) offsets(%dma_start3A_254 : memref<80xi32, #tpu.memory_space<vmem>>) semaphore(%run_scoped3A_251 : memref<!tpu.dma_semaphore, #tpu.memory_space<semaphore_mem>>) {add = true}
      %dma_wait3A_258 = arith.constant 0 : i32
      %dma_wait3A_259 = tpu.memref_slice %arg6[%run_scoped3A, %dma_wait3A_258] : memref<125x80xi32, #tpu.memory_space<vmem>> -> memref<1x80xi32, #tpu.memory_space<vmem>>
      %dma_wait3A_260 = tpu.memref_squeeze %dma_wait3A_259 : memref<1x80xi32, #tpu.memory_space<vmem>> -> memref<80xi32, #tpu.memory_space<vmem>>
      %dma_wait3A_261 = arith.constant 0 : i32
      %dma_wait3A_262 = arith.constant 0 : i32
      %dma_wait3A_263 = tpu.memref_slice %arg11[%dma_wait3A_261, %dma_wait3A_262] : memref<10240x128xf32, #tpu.memory_space<vmem_shared>> -> memref<10240x128xf32, #tpu.memory_space<vmem_shared>>
      tpu.wait_indirect_dma semaphore(%run_scoped3A_251 : memref<!tpu.dma_semaphore, #tpu.memory_space<semaphore_mem>>) src(%arg7 : memref<80x128xf32, #tpu.memory_space<vmem>>) dst(%dma_wait3A_263 : memref<10240x128xf32, #tpu.memory_space<vmem_shared>>)
      tpu.yield
    }) : () -> ()
    %barrier3A_90 = arith.constant 0 : index
    tpu.barrier barrier_id(%barrier3A_90)
    %mul3A_91 = arith.constant 640 : i32
    %mul3A_92 = arith.muli %arg1, %mul3A_91 : i32
    %add3A_93 = arith.constant 0 : i32
    %add3A_94 = arith.addi %mul3A_92, %add3A_93 : i32
    "tpu.region"() ({
      %run_scoped3A_251 = tpu.sem_alloc : memref<!tpu.dma_semaphore, #tpu.memory_space<semaphore_mem>>
      %dma_start3A_252 = arith.constant 0 : i32
      %dma_start3A_253 = tpu.memref_slice %arg11[%add3A_94, %dma_start3A_252] : memref<10240x128xf32, #tpu.memory_space<vmem_shared>> -> memref<80x128xf32, #tpu.memory_space<vmem_shared>>
      %dma_start3A_254 = arith.constant 0 : i32
      %dma_start3A_255 = tpu.memref_slice %arg11[%add3A_94, %dma_start3A_254] : memref<10240x128xf32, #tpu.memory_space<vmem_shared>> -> memref<80x128xf32, #tpu.memory_space<vmem_shared>>
      tpu.enqueue_dma source(%dma_start3A_255 : memref<80x128xf32, #tpu.memory_space<vmem_shared>>) target(%arg7 : memref<80x128xf32, #tpu.memory_space<vmem>>) target_semaphore(%run_scoped3A_251 : memref<!tpu.dma_semaphore, #tpu.memory_space<semaphore_mem>>)
      %dma_wait3A_256 = arith.constant 0 : i32
      %dma_wait3A_257 = tpu.memref_slice %arg11[%add3A_94, %dma_wait3A_256] : memref<10240x128xf32, #tpu.memory_space<vmem_shared>> -> memref<80x128xf32, #tpu.memory_space<vmem_shared>>
      %dma_wait3A_258 = arith.constant 0 : i32
      %dma_wait3A_259 = tpu.memref_slice %arg11[%add3A_94, %dma_wait3A_258] : memref<10240x128xf32, #tpu.memory_space<vmem_shared>> -> memref<80x128xf32, #tpu.memory_space<vmem_shared>>
      tpu.wait_dma2 semaphore(%run_scoped3A_251 : memref<!tpu.dma_semaphore, #tpu.memory_space<semaphore_mem>>) src(%dma_wait3A_259 : memref<80x128xf32, #tpu.memory_space<vmem_shared>>) dst(%arg7 : memref<80x128xf32, #tpu.memory_space<vmem>>)
      tpu.yield
    }) : () -> ()
    %dma_start3A_95 = arith.constant 0 : i32
    %dma_start3A_96 = tpu.memref_slice %arg4[%arg0, %add3A_94, %dma_start3A_95] : memref<2x10240x128xf32, #tpu.memory_space<hbm>> -> memref<1x80x128xf32, #tpu.memory_space<hbm>>
    %dma_start3A_97 = tpu.memref_squeeze %dma_start3A_96 : memref<1x80x128xf32, #tpu.memory_space<hbm>> -> memref<80x128xf32, #tpu.memory_space<hbm>>
    %dma_start3A_98 = arith.constant 0 : i32
    %dma_start3A_99 = tpu.memref_slice %arg4[%arg0, %add3A_94, %dma_start3A_98] : memref<2x10240x128xf32, #tpu.memory_space<hbm>> -> memref<1x80x128xf32, #tpu.memory_space<hbm>>
    %dma_start3A_100 = tpu.memref_squeeze %dma_start3A_99 : memref<1x80x128xf32, #tpu.memory_space<hbm>> -> memref<80x128xf32, #tpu.memory_space<hbm>>
    tpu.enqueue_dma source(%arg7 : memref<80x128xf32, #tpu.memory_space<vmem>>) target(%dma_start3A_100 : memref<80x128xf32, #tpu.memory_space<hbm>>) target_semaphore(%arg9 : memref<!tpu.dma_semaphore, #tpu.memory_space<semaphore_mem>>)
    %mul3A_101 = arith.constant 640 : i32
    %mul3A_102 = arith.muli %arg1, %mul3A_101 : i32
    %add3A_103 = arith.constant 80 : i32
    %add3A_104 = arith.addi %mul3A_102, %add3A_103 : i32
    "tpu.region"() ({
      %run_scoped3A_251 = tpu.sem_alloc : memref<!tpu.dma_semaphore, #tpu.memory_space<semaphore_mem>>
      %dma_start3A_252 = arith.constant 0 : i32
      %dma_start3A_253 = tpu.memref_slice %arg11[%add3A_104, %dma_start3A_252] : memref<10240x128xf32, #tpu.memory_space<vmem_shared>> -> memref<80x128xf32, #tpu.memory_space<vmem_shared>>
      %dma_start3A_254 = arith.constant 0 : i32
      %dma_start3A_255 = tpu.memref_slice %arg11[%add3A_104, %dma_start3A_254] : memref<10240x128xf32, #tpu.memory_space<vmem_shared>> -> memref<80x128xf32, #tpu.memory_space<vmem_shared>>
      tpu.enqueue_dma source(%dma_start3A_255 : memref<80x128xf32, #tpu.memory_space<vmem_shared>>) target(%arg8 : memref<80x128xf32, #tpu.memory_space<vmem>>) target_semaphore(%run_scoped3A_251 : memref<!tpu.dma_semaphore, #tpu.memory_space<semaphore_mem>>)
      %dma_wait3A_256 = arith.constant 0 : i32
      %dma_wait3A_257 = tpu.memref_slice %arg11[%add3A_104, %dma_wait3A_256] : memref<10240x128xf32, #tpu.memory_space<vmem_shared>> -> memref<80x128xf32, #tpu.memory_space<vmem_shared>>
      %dma_wait3A_258 = arith.constant 0 : i32
      %dma_wait3A_259 = tpu.memref_slice %arg11[%add3A_104, %dma_wait3A_258] : memref<10240x128xf32, #tpu.memory_space<vmem_shared>> -> memref<80x128xf32, #tpu.memory_space<vmem_shared>>
      tpu.wait_dma2 semaphore(%run_scoped3A_251 : memref<!tpu.dma_semaphore, #tpu.memory_space<semaphore_mem>>) src(%dma_wait3A_259 : memref<80x128xf32, #tpu.memory_space<vmem_shared>>) dst(%arg8 : memref<80x128xf32, #tpu.memory_space<vmem>>)
      tpu.yield
    }) : () -> ()
    %dma_start3A_105 = arith.constant 0 : i32
    %dma_start3A_106 = tpu.memref_slice %arg4[%arg0, %add3A_104, %dma_start3A_105] : memref<2x10240x128xf32, #tpu.memory_space<hbm>> -> memref<1x80x128xf32, #tpu.memory_space<hbm>>
    %dma_start3A_107 = tpu.memref_squeeze %dma_start3A_106 : memref<1x80x128xf32, #tpu.memory_space<hbm>> -> memref<80x128xf32, #tpu.memory_space<hbm>>
    %dma_start3A_108 = arith.constant 0 : i32
    %dma_start3A_109 = tpu.memref_slice %arg4[%arg0, %add3A_104, %dma_start3A_108] : memref<2x10240x128xf32, #tpu.memory_space<hbm>> -> memref<1x80x128xf32, #tpu.memory_space<hbm>>
    %dma_start3A_110 = tpu.memref_squeeze %dma_start3A_109 : memref<1x80x128xf32, #tpu.memory_space<hbm>> -> memref<80x128xf32, #tpu.memory_space<hbm>>
    tpu.enqueue_dma source(%arg8 : memref<80x128xf32, #tpu.memory_space<vmem>>) target(%dma_start3A_110 : memref<80x128xf32, #tpu.memory_space<hbm>>) target_semaphore(%arg10 : memref<!tpu.dma_semaphore, #tpu.memory_space<semaphore_mem>>)
    %mul3A_111 = arith.constant 640 : i32
    %mul3A_112 = arith.muli %arg1, %mul3A_111 : i32
    %add3A_113 = arith.constant 160 : i32
    %add3A_114 = arith.addi %mul3A_112, %add3A_113 : i32
    %mul3A_115 = arith.constant 640 : i32
    %mul3A_116 = arith.muli %arg1, %mul3A_115 : i32
    %add3A_117 = arith.constant 0 : i32
    %add3A_118 = arith.addi %mul3A_116, %add3A_117 : i32
    %dma_wait3A_119 = arith.constant 0 : i32
    %dma_wait3A_120 = tpu.memref_slice %arg4[%arg0, %add3A_118, %dma_wait3A_119] : memref<2x10240x128xf32, #tpu.memory_space<hbm>> -> memref<1x80x128xf32, #tpu.memory_space<hbm>>
    %dma_wait3A_121 = tpu.memref_squeeze %dma_wait3A_120 : memref<1x80x128xf32, #tpu.memory_space<hbm>> -> memref<80x128xf32, #tpu.memory_space<hbm>>
    %dma_wait3A_122 = arith.constant 0 : i32
    %dma_wait3A_123 = tpu.memref_slice %arg4[%arg0, %add3A_118, %dma_wait3A_122] : memref<2x10240x128xf32, #tpu.memory_space<hbm>> -> memref<1x80x128xf32, #tpu.memory_space<hbm>>
    %dma_wait3A_124 = tpu.memref_squeeze %dma_wait3A_123 : memref<1x80x128xf32, #tpu.memory_space<hbm>> -> memref<80x128xf32, #tpu.memory_space<hbm>>
    tpu.wait_dma2 semaphore(%arg9 : memref<!tpu.dma_semaphore, #tpu.memory_space<semaphore_mem>>) src(%arg7 : memref<80x128xf32, #tpu.memory_space<vmem>>) dst(%dma_wait3A_124 : memref<80x128xf32, #tpu.memory_space<hbm>>)
    "tpu.region"() ({
      %run_scoped3A_251 = tpu.sem_alloc : memref<!tpu.dma_semaphore, #tpu.memory_space<semaphore_mem>>
      %dma_start3A_252 = arith.constant 0 : i32
      %dma_start3A_253 = tpu.memref_slice %arg11[%add3A_114, %dma_start3A_252] : memref<10240x128xf32, #tpu.memory_space<vmem_shared>> -> memref<80x128xf32, #tpu.memory_space<vmem_shared>>
      %dma_start3A_254 = arith.constant 0 : i32
      %dma_start3A_255 = tpu.memref_slice %arg11[%add3A_114, %dma_start3A_254] : memref<10240x128xf32, #tpu.memory_space<vmem_shared>> -> memref<80x128xf32, #tpu.memory_space<vmem_shared>>
      tpu.enqueue_dma source(%dma_start3A_255 : memref<80x128xf32, #tpu.memory_space<vmem_shared>>) target(%arg7 : memref<80x128xf32, #tpu.memory_space<vmem>>) target_semaphore(%run_scoped3A_251 : memref<!tpu.dma_semaphore, #tpu.memory_space<semaphore_mem>>)
      %dma_wait3A_256 = arith.constant 0 : i32
      %dma_wait3A_257 = tpu.memref_slice %arg11[%add3A_114, %dma_wait3A_256] : memref<10240x128xf32, #tpu.memory_space<vmem_shared>> -> memref<80x128xf32, #tpu.memory_space<vmem_shared>>
      %dma_wait3A_258 = arith.constant 0 : i32
      %dma_wait3A_259 = tpu.memref_slice %arg11[%add3A_114, %dma_wait3A_258] : memref<10240x128xf32, #tpu.memory_space<vmem_shared>> -> memref<80x128xf32, #tpu.memory_space<vmem_shared>>
      tpu.wait_dma2 semaphore(%run_scoped3A_251 : memref<!tpu.dma_semaphore, #tpu.memory_space<semaphore_mem>>) src(%dma_wait3A_259 : memref<80x128xf32, #tpu.memory_space<vmem_shared>>) dst(%arg7 : memref<80x128xf32, #tpu.memory_space<vmem>>)
      tpu.yield
    }) : () -> ()
    %dma_start3A_125 = arith.constant 0 : i32
    %dma_start3A_126 = tpu.memref_slice %arg4[%arg0, %add3A_114, %dma_start3A_125] : memref<2x10240x128xf32, #tpu.memory_space<hbm>> -> memref<1x80x128xf32, #tpu.memory_space<hbm>>
    %dma_start3A_127 = tpu.memref_squeeze %dma_start3A_126 : memref<1x80x128xf32, #tpu.memory_space<hbm>> -> memref<80x128xf32, #tpu.memory_space<hbm>>
    %dma_start3A_128 = arith.constant 0 : i32
    %dma_start3A_129 = tpu.memref_slice %arg4[%arg0, %add3A_114, %dma_start3A_128] : memref<2x10240x128xf32, #tpu.memory_space<hbm>> -> memref<1x80x128xf32, #tpu.memory_space<hbm>>
    %dma_start3A_130 = tpu.memref_squeeze %dma_start3A_129 : memref<1x80x128xf32, #tpu.memory_space<hbm>> -> memref<80x128xf32, #tpu.memory_space<hbm>>
    tpu.enqueue_dma source(%arg7 : memref<80x128xf32, #tpu.memory_space<vmem>>) target(%dma_start3A_130 : memref<80x128xf32, #tpu.memory_space<hbm>>) target_semaphore(%arg9 : memref<!tpu.dma_semaphore, #tpu.memory_space<semaphore_mem>>)
    %mul3A_131 = arith.constant 640 : i32
    %mul3A_132 = arith.muli %arg1, %mul3A_131 : i32
    %add3A_133 = arith.constant 240 : i32
    %add3A_134 = arith.addi %mul3A_132, %add3A_133 : i32
    %mul3A_135 = arith.constant 640 : i32
    %mul3A_136 = arith.muli %arg1, %mul3A_135 : i32
    %add3A_137 = arith.constant 80 : i32
    %add3A_138 = arith.addi %mul3A_136, %add3A_137 : i32
    %dma_wait3A_139 = arith.constant 0 : i32
    %dma_wait3A_140 = tpu.memref_slice %arg4[%arg0, %add3A_138, %dma_wait3A_139] : memref<2x10240x128xf32, #tpu.memory_space<hbm>> -> memref<1x80x128xf32, #tpu.memory_space<hbm>>
    %dma_wait3A_141 = tpu.memref_squeeze %dma_wait3A_140 : memref<1x80x128xf32, #tpu.memory_space<hbm>> -> memref<80x128xf32, #tpu.memory_space<hbm>>
    %dma_wait3A_142 = arith.constant 0 : i32
    %dma_wait3A_143 = tpu.memref_slice %arg4[%arg0, %add3A_138, %dma_wait3A_142] : memref<2x10240x128xf32, #tpu.memory_space<hbm>> -> memref<1x80x128xf32, #tpu.memory_space<hbm>>
    %dma_wait3A_144 = tpu.memref_squeeze %dma_wait3A_143 : memref<1x80x128xf32, #tpu.memory_space<hbm>> -> memref<80x128xf32, #tpu.memory_space<hbm>>
    tpu.wait_dma2 semaphore(%arg10 : memref<!tpu.dma_semaphore, #tpu.memory_space<semaphore_mem>>) src(%arg8 : memref<80x128xf32, #tpu.memory_space<vmem>>) dst(%dma_wait3A_144 : memref<80x128xf32, #tpu.memory_space<hbm>>)
    "tpu.region"() ({
      %run_scoped3A_251 = tpu.sem_alloc : memref<!tpu.dma_semaphore, #tpu.memory_space<semaphore_mem>>
      %dma_start3A_252 = arith.constant 0 : i32
      %dma_start3A_253 = tpu.memref_slice %arg11[%add3A_134, %dma_start3A_252] : memref<10240x128xf32, #tpu.memory_space<vmem_shared>> -> memref<80x128xf32, #tpu.memory_space<vmem_shared>>
      %dma_start3A_254 = arith.constant 0 : i32
      %dma_start3A_255 = tpu.memref_slice %arg11[%add3A_134, %dma_start3A_254] : memref<10240x128xf32, #tpu.memory_space<vmem_shared>> -> memref<80x128xf32, #tpu.memory_space<vmem_shared>>
      tpu.enqueue_dma source(%dma_start3A_255 : memref<80x128xf32, #tpu.memory_space<vmem_shared>>) target(%arg8 : memref<80x128xf32, #tpu.memory_space<vmem>>) target_semaphore(%run_scoped3A_251 : memref<!tpu.dma_semaphore, #tpu.memory_space<semaphore_mem>>)
      %dma_wait3A_256 = arith.constant 0 : i32
      %dma_wait3A_257 = tpu.memref_slice %arg11[%add3A_134, %dma_wait3A_256] : memref<10240x128xf32, #tpu.memory_space<vmem_shared>> -> memref<80x128xf32, #tpu.memory_space<vmem_shared>>
      %dma_wait3A_258 = arith.constant 0 : i32
      %dma_wait3A_259 = tpu.memref_slice %arg11[%add3A_134, %dma_wait3A_258] : memref<10240x128xf32, #tpu.memory_space<vmem_shared>> -> memref<80x128xf32, #tpu.memory_space<vmem_shared>>
      tpu.wait_dma2 semaphore(%run_scoped3A_251 : memref<!tpu.dma_semaphore, #tpu.memory_space<semaphore_mem>>) src(%dma_wait3A_259 : memref<80x128xf32, #tpu.memory_space<vmem_shared>>) dst(%arg8 : memref<80x128xf32, #tpu.memory_space<vmem>>)
      tpu.yield
    }) : () -> ()
    %dma_start3A_145 = arith.constant 0 : i32
    %dma_start3A_146 = tpu.memref_slice %arg4[%arg0, %add3A_134, %dma_start3A_145] : memref<2x10240x128xf32, #tpu.memory_space<hbm>> -> memref<1x80x128xf32, #tpu.memory_space<hbm>>
    %dma_start3A_147 = tpu.memref_squeeze %dma_start3A_146 : memref<1x80x128xf32, #tpu.memory_space<hbm>> -> memref<80x128xf32, #tpu.memory_space<hbm>>
    %dma_start3A_148 = arith.constant 0 : i32
    %dma_start3A_149 = tpu.memref_slice %arg4[%arg0, %add3A_134, %dma_start3A_148] : memref<2x10240x128xf32, #tpu.memory_space<hbm>> -> memref<1x80x128xf32, #tpu.memory_space<hbm>>
    %dma_start3A_150 = tpu.memref_squeeze %dma_start3A_149 : memref<1x80x128xf32, #tpu.memory_space<hbm>> -> memref<80x128xf32, #tpu.memory_space<hbm>>
    tpu.enqueue_dma source(%arg8 : memref<80x128xf32, #tpu.memory_space<vmem>>) target(%dma_start3A_150 : memref<80x128xf32, #tpu.memory_space<hbm>>) target_semaphore(%arg10 : memref<!tpu.dma_semaphore, #tpu.memory_space<semaphore_mem>>)
    %mul3A_151 = arith.constant 640 : i32
    %mul3A_152 = arith.muli %arg1, %mul3A_151 : i32
    %add3A_153 = arith.constant 320 : i32
    %add3A_154 = arith.addi %mul3A_152, %add3A_153 : i32
    %mul3A_155 = arith.constant 640 : i32
    %mul3A_156 = arith.muli %arg1, %mul3A_155 : i32
    %add3A_157 = arith.constant 160 : i32
    %add3A_158 = arith.addi %mul3A_156, %add3A_157 : i32
    %dma_wait3A_159 = arith.constant 0 : i32
    %dma_wait3A_160 = tpu.memref_slice %arg4[%arg0, %add3A_158, %dma_wait3A_159] : memref<2x10240x128xf32, #tpu.memory_space<hbm>> -> memref<1x80x128xf32, #tpu.memory_space<hbm>>
    %dma_wait3A_161 = tpu.memref_squeeze %dma_wait3A_160 : memref<1x80x128xf32, #tpu.memory_space<hbm>> -> memref<80x128xf32, #tpu.memory_space<hbm>>
    %dma_wait3A_162 = arith.constant 0 : i32
    %dma_wait3A_163 = tpu.memref_slice %arg4[%arg0, %add3A_158, %dma_wait3A_162] : memref<2x10240x128xf32, #tpu.memory_space<hbm>> -> memref<1x80x128xf32, #tpu.memory_space<hbm>>
    %dma_wait3A_164 = tpu.memref_squeeze %dma_wait3A_163 : memref<1x80x128xf32, #tpu.memory_space<hbm>> -> memref<80x128xf32, #tpu.memory_space<hbm>>
    tpu.wait_dma2 semaphore(%arg9 : memref<!tpu.dma_semaphore, #tpu.memory_space<semaphore_mem>>) src(%arg7 : memref<80x128xf32, #tpu.memory_space<vmem>>) dst(%dma_wait3A_164 : memref<80x128xf32, #tpu.memory_space<hbm>>)
    "tpu.region"() ({
      %run_scoped3A_251 = tpu.sem_alloc : memref<!tpu.dma_semaphore, #tpu.memory_space<semaphore_mem>>
      %dma_start3A_252 = arith.constant 0 : i32
      %dma_start3A_253 = tpu.memref_slice %arg11[%add3A_154, %dma_start3A_252] : memref<10240x128xf32, #tpu.memory_space<vmem_shared>> -> memref<80x128xf32, #tpu.memory_space<vmem_shared>>
      %dma_start3A_254 = arith.constant 0 : i32
      %dma_start3A_255 = tpu.memref_slice %arg11[%add3A_154, %dma_start3A_254] : memref<10240x128xf32, #tpu.memory_space<vmem_shared>> -> memref<80x128xf32, #tpu.memory_space<vmem_shared>>
      tpu.enqueue_dma source(%dma_start3A_255 : memref<80x128xf32, #tpu.memory_space<vmem_shared>>) target(%arg7 : memref<80x128xf32, #tpu.memory_space<vmem>>) target_semaphore(%run_scoped3A_251 : memref<!tpu.dma_semaphore, #tpu.memory_space<semaphore_mem>>)
      %dma_wait3A_256 = arith.constant 0 : i32
      %dma_wait3A_257 = tpu.memref_slice %arg11[%add3A_154, %dma_wait3A_256] : memref<10240x128xf32, #tpu.memory_space<vmem_shared>> -> memref<80x128xf32, #tpu.memory_space<vmem_shared>>
      %dma_wait3A_258 = arith.constant 0 : i32
      %dma_wait3A_259 = tpu.memref_slice %arg11[%add3A_154, %dma_wait3A_258] : memref<10240x128xf32, #tpu.memory_space<vmem_shared>> -> memref<80x128xf32, #tpu.memory_space<vmem_shared>>
      tpu.wait_dma2 semaphore(%run_scoped3A_251 : memref<!tpu.dma_semaphore, #tpu.memory_space<semaphore_mem>>) src(%dma_wait3A_259 : memref<80x128xf32, #tpu.memory_space<vmem_shared>>) dst(%arg7 : memref<80x128xf32, #tpu.memory_space<vmem>>)
      tpu.yield
    }) : () -> ()
    %dma_start3A_165 = arith.constant 0 : i32
    %dma_start3A_166 = tpu.memref_slice %arg4[%arg0, %add3A_154, %dma_start3A_165] : memref<2x10240x128xf32, #tpu.memory_space<hbm>> -> memref<1x80x128xf32, #tpu.memory_space<hbm>>
    %dma_start3A_167 = tpu.memref_squeeze %dma_start3A_166 : memref<1x80x128xf32, #tpu.memory_space<hbm>> -> memref<80x128xf32, #tpu.memory_space<hbm>>
    %dma_start3A_168 = arith.constant 0 : i32
    %dma_start3A_169 = tpu.memref_slice %arg4[%arg0, %add3A_154, %dma_start3A_168] : memref<2x10240x128xf32, #tpu.memory_space<hbm>> -> memref<1x80x128xf32, #tpu.memory_space<hbm>>
    %dma_start3A_170 = tpu.memref_squeeze %dma_start3A_169 : memref<1x80x128xf32, #tpu.memory_space<hbm>> -> memref<80x128xf32, #tpu.memory_space<hbm>>
    tpu.enqueue_dma source(%arg7 : memref<80x128xf32, #tpu.memory_space<vmem>>) target(%dma_start3A_170 : memref<80x128xf32, #tpu.memory_space<hbm>>) target_semaphore(%arg9 : memref<!tpu.dma_semaphore, #tpu.memory_space<semaphore_mem>>)
    %mul3A_171 = arith.constant 640 : i32
    %mul3A_172 = arith.muli %arg1, %mul3A_171 : i32
    %add3A_173 = arith.constant 400 : i32
    %add3A_174 = arith.addi %mul3A_172, %add3A_173 : i32
    %mul3A_175 = arith.constant 640 : i32
    %mul3A_176 = arith.muli %arg1, %mul3A_175 : i32
    %add3A_177 = arith.constant 240 : i32
    %add3A_178 = arith.addi %mul3A_176, %add3A_177 : i32
    %dma_wait3A_179 = arith.constant 0 : i32
    %dma_wait3A_180 = tpu.memref_slice %arg4[%arg0, %add3A_178, %dma_wait3A_179] : memref<2x10240x128xf32, #tpu.memory_space<hbm>> -> memref<1x80x128xf32, #tpu.memory_space<hbm>>
    %dma_wait3A_181 = tpu.memref_squeeze %dma_wait3A_180 : memref<1x80x128xf32, #tpu.memory_space<hbm>> -> memref<80x128xf32, #tpu.memory_space<hbm>>
    %dma_wait3A_182 = arith.constant 0 : i32
    %dma_wait3A_183 = tpu.memref_slice %arg4[%arg0, %add3A_178, %dma_wait3A_182] : memref<2x10240x128xf32, #tpu.memory_space<hbm>> -> memref<1x80x128xf32, #tpu.memory_space<hbm>>
    %dma_wait3A_184 = tpu.memref_squeeze %dma_wait3A_183 : memref<1x80x128xf32, #tpu.memory_space<hbm>> -> memref<80x128xf32, #tpu.memory_space<hbm>>
    tpu.wait_dma2 semaphore(%arg10 : memref<!tpu.dma_semaphore, #tpu.memory_space<semaphore_mem>>) src(%arg8 : memref<80x128xf32, #tpu.memory_space<vmem>>) dst(%dma_wait3A_184 : memref<80x128xf32, #tpu.memory_space<hbm>>)
    "tpu.region"() ({
      %run_scoped3A_251 = tpu.sem_alloc : memref<!tpu.dma_semaphore, #tpu.memory_space<semaphore_mem>>
      %dma_start3A_252 = arith.constant 0 : i32
      %dma_start3A_253 = tpu.memref_slice %arg11[%add3A_174, %dma_start3A_252] : memref<10240x128xf32, #tpu.memory_space<vmem_shared>> -> memref<80x128xf32, #tpu.memory_space<vmem_shared>>
      %dma_start3A_254 = arith.constant 0 : i32
      %dma_start3A_255 = tpu.memref_slice %arg11[%add3A_174, %dma_start3A_254] : memref<10240x128xf32, #tpu.memory_space<vmem_shared>> -> memref<80x128xf32, #tpu.memory_space<vmem_shared>>
      tpu.enqueue_dma source(%dma_start3A_255 : memref<80x128xf32, #tpu.memory_space<vmem_shared>>) target(%arg8 : memref<80x128xf32, #tpu.memory_space<vmem>>) target_semaphore(%run_scoped3A_251 : memref<!tpu.dma_semaphore, #tpu.memory_space<semaphore_mem>>)
      %dma_wait3A_256 = arith.constant 0 : i32
      %dma_wait3A_257 = tpu.memref_slice %arg11[%add3A_174, %dma_wait3A_256] : memref<10240x128xf32, #tpu.memory_space<vmem_shared>> -> memref<80x128xf32, #tpu.memory_space<vmem_shared>>
      %dma_wait3A_258 = arith.constant 0 : i32
      %dma_wait3A_259 = tpu.memref_slice %arg11[%add3A_174, %dma_wait3A_258] : memref<10240x128xf32, #tpu.memory_space<vmem_shared>> -> memref<80x128xf32, #tpu.memory_space<vmem_shared>>
      tpu.wait_dma2 semaphore(%run_scoped3A_251 : memref<!tpu.dma_semaphore, #tpu.memory_space<semaphore_mem>>) src(%dma_wait3A_259 : memref<80x128xf32, #tpu.memory_space<vmem_shared>>) dst(%arg8 : memref<80x128xf32, #tpu.memory_space<vmem>>)
      tpu.yield
    }) : () -> ()
    %dma_start3A_185 = arith.constant 0 : i32
    %dma_start3A_186 = tpu.memref_slice %arg4[%arg0, %add3A_174, %dma_start3A_185] : memref<2x10240x128xf32, #tpu.memory_space<hbm>> -> memref<1x80x128xf32, #tpu.memory_space<hbm>>
    %dma_start3A_187 = tpu.memref_squeeze %dma_start3A_186 : memref<1x80x128xf32, #tpu.memory_space<hbm>> -> memref<80x128xf32, #tpu.memory_space<hbm>>
    %dma_start3A_188 = arith.constant 0 : i32
    %dma_start3A_189 = tpu.memref_slice %arg4[%arg0, %add3A_174, %dma_start3A_188] : memref<2x10240x128xf32, #tpu.memory_space<hbm>> -> memref<1x80x128xf32, #tpu.memory_space<hbm>>
    %dma_start3A_190 = tpu.memref_squeeze %dma_start3A_189 : memref<1x80x128xf32, #tpu.memory_space<hbm>> -> memref<80x128xf32, #tpu.memory_space<hbm>>
    tpu.enqueue_dma source(%arg8 : memref<80x128xf32, #tpu.memory_space<vmem>>) target(%dma_start3A_190 : memref<80x128xf32, #tpu.memory_space<hbm>>) target_semaphore(%arg10 : memref<!tpu.dma_semaphore, #tpu.memory_space<semaphore_mem>>)
    %mul3A_191 = arith.constant 640 : i32
    %mul3A_192 = arith.muli %arg1, %mul3A_191 : i32
    %add3A_193 = arith.constant 480 : i32
    %add3A_194 = arith.addi %mul3A_192, %add3A_193 : i32
    %mul3A_195 = arith.constant 640 : i32
    %mul3A_196 = arith.muli %arg1, %mul3A_195 : i32
    %add3A_197 = arith.constant 320 : i32
    %add3A_198 = arith.addi %mul3A_196, %add3A_197 : i32
    %dma_wait3A_199 = arith.constant 0 : i32
    %dma_wait3A_200 = tpu.memref_slice %arg4[%arg0, %add3A_198, %dma_wait3A_199] : memref<2x10240x128xf32, #tpu.memory_space<hbm>> -> memref<1x80x128xf32, #tpu.memory_space<hbm>>
    %dma_wait3A_201 = tpu.memref_squeeze %dma_wait3A_200 : memref<1x80x128xf32, #tpu.memory_space<hbm>> -> memref<80x128xf32, #tpu.memory_space<hbm>>
    %dma_wait3A_202 = arith.constant 0 : i32
    %dma_wait3A_203 = tpu.memref_slice %arg4[%arg0, %add3A_198, %dma_wait3A_202] : memref<2x10240x128xf32, #tpu.memory_space<hbm>> -> memref<1x80x128xf32, #tpu.memory_space<hbm>>
    %dma_wait3A_204 = tpu.memref_squeeze %dma_wait3A_203 : memref<1x80x128xf32, #tpu.memory_space<hbm>> -> memref<80x128xf32, #tpu.memory_space<hbm>>
    tpu.wait_dma2 semaphore(%arg9 : memref<!tpu.dma_semaphore, #tpu.memory_space<semaphore_mem>>) src(%arg7 : memref<80x128xf32, #tpu.memory_space<vmem>>) dst(%dma_wait3A_204 : memref<80x128xf32, #tpu.memory_space<hbm>>)
    "tpu.region"() ({
      %run_scoped3A_251 = tpu.sem_alloc : memref<!tpu.dma_semaphore, #tpu.memory_space<semaphore_mem>>
      %dma_start3A_252 = arith.constant 0 : i32
      %dma_start3A_253 = tpu.memref_slice %arg11[%add3A_194, %dma_start3A_252] : memref<10240x128xf32, #tpu.memory_space<vmem_shared>> -> memref<80x128xf32, #tpu.memory_space<vmem_shared>>
      %dma_start3A_254 = arith.constant 0 : i32
      %dma_start3A_255 = tpu.memref_slice %arg11[%add3A_194, %dma_start3A_254] : memref<10240x128xf32, #tpu.memory_space<vmem_shared>> -> memref<80x128xf32, #tpu.memory_space<vmem_shared>>
      tpu.enqueue_dma source(%dma_start3A_255 : memref<80x128xf32, #tpu.memory_space<vmem_shared>>) target(%arg7 : memref<80x128xf32, #tpu.memory_space<vmem>>) target_semaphore(%run_scoped3A_251 : memref<!tpu.dma_semaphore, #tpu.memory_space<semaphore_mem>>)
      %dma_wait3A_256 = arith.constant 0 : i32
      %dma_wait3A_257 = tpu.memref_slice %arg11[%add3A_194, %dma_wait3A_256] : memref<10240x128xf32, #tpu.memory_space<vmem_shared>> -> memref<80x128xf32, #tpu.memory_space<vmem_shared>>
      %dma_wait3A_258 = arith.constant 0 : i32
      %dma_wait3A_259 = tpu.memref_slice %arg11[%add3A_194, %dma_wait3A_258] : memref<10240x128xf32, #tpu.memory_space<vmem_shared>> -> memref<80x128xf32, #tpu.memory_space<vmem_shared>>
      tpu.wait_dma2 semaphore(%run_scoped3A_251 : memref<!tpu.dma_semaphore, #tpu.memory_space<semaphore_mem>>) src(%dma_wait3A_259 : memref<80x128xf32, #tpu.memory_space<vmem_shared>>) dst(%arg7 : memref<80x128xf32, #tpu.memory_space<vmem>>)
      tpu.yield
    }) : () -> ()
    %dma_start3A_205 = arith.constant 0 : i32
    %dma_start3A_206 = tpu.memref_slice %arg4[%arg0, %add3A_194, %dma_start3A_205] : memref<2x10240x128xf32, #tpu.memory_space<hbm>> -> memref<1x80x128xf32, #tpu.memory_space<hbm>>
    %dma_start3A_207 = tpu.memref_squeeze %dma_start3A_206 : memref<1x80x128xf32, #tpu.memory_space<hbm>> -> memref<80x128xf32, #tpu.memory_space<hbm>>
    %dma_start3A_208 = arith.constant 0 : i32
    %dma_start3A_209 = tpu.memref_slice %arg4[%arg0, %add3A_194, %dma_start3A_208] : memref<2x10240x128xf32, #tpu.memory_space<hbm>> -> memref<1x80x128xf32, #tpu.memory_space<hbm>>
    %dma_start3A_210 = tpu.memref_squeeze %dma_start3A_209 : memref<1x80x128xf32, #tpu.memory_space<hbm>> -> memref<80x128xf32, #tpu.memory_space<hbm>>
    tpu.enqueue_dma source(%arg7 : memref<80x128xf32, #tpu.memory_space<vmem>>) target(%dma_start3A_210 : memref<80x128xf32, #tpu.memory_space<hbm>>) target_semaphore(%arg9 : memref<!tpu.dma_semaphore, #tpu.memory_space<semaphore_mem>>)
    %mul3A_211 = arith.constant 640 : i32
    %mul3A_212 = arith.muli %arg1, %mul3A_211 : i32
    %add3A_213 = arith.constant 560 : i32
    %add3A_214 = arith.addi %mul3A_212, %add3A_213 : i32
    %mul3A_215 = arith.constant 640 : i32
    %mul3A_216 = arith.muli %arg1, %mul3A_215 : i32
    %add3A_217 = arith.constant 400 : i32
    %add3A_218 = arith.addi %mul3A_216, %add3A_217 : i32
    %dma_wait3A_219 = arith.constant 0 : i32
    %dma_wait3A_220 = tpu.memref_slice %arg4[%arg0, %add3A_218, %dma_wait3A_219] : memref<2x10240x128xf32, #tpu.memory_space<hbm>> -> memref<1x80x128xf32, #tpu.memory_space<hbm>>
    %dma_wait3A_221 = tpu.memref_squeeze %dma_wait3A_220 : memref<1x80x128xf32, #tpu.memory_space<hbm>> -> memref<80x128xf32, #tpu.memory_space<hbm>>
    %dma_wait3A_222 = arith.constant 0 : i32
    %dma_wait3A_223 = tpu.memref_slice %arg4[%arg0, %add3A_218, %dma_wait3A_222] : memref<2x10240x128xf32, #tpu.memory_space<hbm>> -> memref<1x80x128xf32, #tpu.memory_space<hbm>>
    %dma_wait3A_224 = tpu.memref_squeeze %dma_wait3A_223 : memref<1x80x128xf32, #tpu.memory_space<hbm>> -> memref<80x128xf32, #tpu.memory_space<hbm>>
    tpu.wait_dma2 semaphore(%arg10 : memref<!tpu.dma_semaphore, #tpu.memory_space<semaphore_mem>>) src(%arg8 : memref<80x128xf32, #tpu.memory_space<vmem>>) dst(%dma_wait3A_224 : memref<80x128xf32, #tpu.memory_space<hbm>>)
    "tpu.region"() ({
      %run_scoped3A_251 = tpu.sem_alloc : memref<!tpu.dma_semaphore, #tpu.memory_space<semaphore_mem>>
      %dma_start3A_252 = arith.constant 0 : i32
      %dma_start3A_253 = tpu.memref_slice %arg11[%add3A_214, %dma_start3A_252] : memref<10240x128xf32, #tpu.memory_space<vmem_shared>> -> memref<80x128xf32, #tpu.memory_space<vmem_shared>>
      %dma_start3A_254 = arith.constant 0 : i32
      %dma_start3A_255 = tpu.memref_slice %arg11[%add3A_214, %dma_start3A_254] : memref<10240x128xf32, #tpu.memory_space<vmem_shared>> -> memref<80x128xf32, #tpu.memory_space<vmem_shared>>
      tpu.enqueue_dma source(%dma_start3A_255 : memref<80x128xf32, #tpu.memory_space<vmem_shared>>) target(%arg8 : memref<80x128xf32, #tpu.memory_space<vmem>>) target_semaphore(%run_scoped3A_251 : memref<!tpu.dma_semaphore, #tpu.memory_space<semaphore_mem>>)
      %dma_wait3A_256 = arith.constant 0 : i32
      %dma_wait3A_257 = tpu.memref_slice %arg11[%add3A_214, %dma_wait3A_256] : memref<10240x128xf32, #tpu.memory_space<vmem_shared>> -> memref<80x128xf32, #tpu.memory_space<vmem_shared>>
      %dma_wait3A_258 = arith.constant 0 : i32
      %dma_wait3A_259 = tpu.memref_slice %arg11[%add3A_214, %dma_wait3A_258] : memref<10240x128xf32, #tpu.memory_space<vmem_shared>> -> memref<80x128xf32, #tpu.memory_space<vmem_shared>>
      tpu.wait_dma2 semaphore(%run_scoped3A_251 : memref<!tpu.dma_semaphore, #tpu.memory_space<semaphore_mem>>) src(%dma_wait3A_259 : memref<80x128xf32, #tpu.memory_space<vmem_shared>>) dst(%arg8 : memref<80x128xf32, #tpu.memory_space<vmem>>)
      tpu.yield
    }) : () -> ()
    %dma_start3A_225 = arith.constant 0 : i32
    %dma_start3A_226 = tpu.memref_slice %arg4[%arg0, %add3A_214, %dma_start3A_225] : memref<2x10240x128xf32, #tpu.memory_space<hbm>> -> memref<1x80x128xf32, #tpu.memory_space<hbm>>
    %dma_start3A_227 = tpu.memref_squeeze %dma_start3A_226 : memref<1x80x128xf32, #tpu.memory_space<hbm>> -> memref<80x128xf32, #tpu.memory_space<hbm>>
    %dma_start3A_228 = arith.constant 0 : i32
    %dma_start3A_229 = tpu.memref_slice %arg4[%arg0, %add3A_214, %dma_start3A_228] : memref<2x10240x128xf32, #tpu.memory_space<hbm>> -> memref<1x80x128xf32, #tpu.memory_space<hbm>>
    %dma_start3A_230 = tpu.memref_squeeze %dma_start3A_229 : memref<1x80x128xf32, #tpu.memory_space<hbm>> -> memref<80x128xf32, #tpu.memory_space<hbm>>
    tpu.enqueue_dma source(%arg8 : memref<80x128xf32, #tpu.memory_space<vmem>>) target(%dma_start3A_230 : memref<80x128xf32, #tpu.memory_space<hbm>>) target_semaphore(%arg10 : memref<!tpu.dma_semaphore, #tpu.memory_space<semaphore_mem>>)
    %mul3A_231 = arith.constant 640 : i32
    %mul3A_232 = arith.muli %arg1, %mul3A_231 : i32
    %add3A_233 = arith.constant 480 : i32
    %add3A_234 = arith.addi %mul3A_232, %add3A_233 : i32
    %dma_wait3A_235 = arith.constant 0 : i32
    %dma_wait3A_236 = tpu.memref_slice %arg4[%arg0, %add3A_234, %dma_wait3A_235] : memref<2x10240x128xf32, #tpu.memory_space<hbm>> -> memref<1x80x128xf32, #tpu.memory_space<hbm>>
    %dma_wait3A_237 = tpu.memref_squeeze %dma_wait3A_236 : memref<1x80x128xf32, #tpu.memory_space<hbm>> -> memref<80x128xf32, #tpu.memory_space<hbm>>
    %dma_wait3A_238 = arith.constant 0 : i32
    %dma_wait3A_239 = tpu.memref_slice %arg4[%arg0, %add3A_234, %dma_wait3A_238] : memref<2x10240x128xf32, #tpu.memory_space<hbm>> -> memref<1x80x128xf32, #tpu.memory_space<hbm>>
    %dma_wait3A_240 = tpu.memref_squeeze %dma_wait3A_239 : memref<1x80x128xf32, #tpu.memory_space<hbm>> -> memref<80x128xf32, #tpu.memory_space<hbm>>
    tpu.wait_dma2 semaphore(%arg9 : memref<!tpu.dma_semaphore, #tpu.memory_space<semaphore_mem>>) src(%arg7 : memref<80x128xf32, #tpu.memory_space<vmem>>) dst(%dma_wait3A_240 : memref<80x128xf32, #tpu.memory_space<hbm>>)
    %mul3A_241 = arith.constant 640 : i32
    %mul3A_242 = arith.muli %arg1, %mul3A_241 : i32
    %add3A_243 = arith.constant 560 : i32
    %add3A_244 = arith.addi %mul3A_242, %add3A_243 : i32
    %dma_wait3A_245 = arith.constant 0 : i32
    %dma_wait3A_246 = tpu.memref_slice %arg4[%arg0, %add3A_244, %dma_wait3A_245] : memref<2x10240x128xf32, #tpu.memory_space<hbm>> -> memref<1x80x128xf32, #tpu.memory_space<hbm>>
    %dma_wait3A_247 = tpu.memref_squeeze %dma_wait3A_246 : memref<1x80x128xf32, #tpu.memory_space<hbm>> -> memref<80x128xf32, #tpu.memory_space<hbm>>
    %dma_wait3A_248 = arith.constant 0 : i32
    %dma_wait3A_249 = tpu.memref_slice %arg4[%arg0, %add3A_244, %dma_wait3A_248] : memref<2x10240x128xf32, #tpu.memory_space<hbm>> -> memref<1x80x128xf32, #tpu.memory_space<hbm>>
    %dma_wait3A_250 = tpu.memref_squeeze %dma_wait3A_249 : memref<1x80x128xf32, #tpu.memory_space<hbm>> -> memref<80x128xf32, #tpu.memory_space<hbm>>
    tpu.wait_dma2 semaphore(%arg10 : memref<!tpu.dma_semaphore, #tpu.memory_space<semaphore_mem>>) src(%arg8 : memref<80x128xf32, #tpu.memory_space<vmem>>) dst(%dma_wait3A_250 : memref<80x128xf32, #tpu.memory_space<hbm>>)
    return
  }
}

module attributes {stable_mosaic.version = 14 : i64} {
  func.func @_mm_body(%arg0: i32, %arg1: memref<1024x128xf32, #tpu.memory_space<vmem>>, %arg2: memref<128x128xf32, #tpu.memory_space<vmem>>, %arg3: memref<1024x128xf32, #tpu.memory_space<vmem>>) attributes {dimension_semantics = [#tpu.dimension_semantics<arbitrary>], iteration_bounds = array<i64: 10>, scalar_prefetch = 0 : i64, scratch_operands = 0 : i64, tpu.core_type = #tpu.core_type<tc>, window_params = [{transform_indices = @transform_0, window_bounds = array<i64: 1024, 128>}, {pipeline_mode = #tpu.pipeline_mode<synchronous>, transform_indices = @transform_1, window_bounds = array<i64: 128, 128>}, {transform_indices = @transform_2, window_bounds = array<i64: 1024, 128>}]} {
    %get3A = arith.constant 0 : index
    %get3A_0 = arith.constant 0 : index
    %get3A_1 = vector.load %arg1[%get3A, %get3A_0] : memref<1024x128xf32, #tpu.memory_space<vmem>>, vector<1024x128xf32>
    %get3A_2 = arith.constant 0 : index
    %get3A_3 = arith.constant 0 : index
    %get3A_4 = vector.load %arg2[%get3A_2, %get3A_3] : memref<128x128xf32, #tpu.memory_space<vmem>>, vector<128x128xf32>
    %dot_general3A = arith.constant dense<0.000000e+00> : vector<1024x128xf32>
    %dot_general3A_5 = tpu.matmul %get3A_1, %get3A_4, %dot_general3A {dimension_numbers = #tpu.dot_dimension_numbers<[1], [0], [0], [1], [0, 0, 1, 1], [], []>, transpose_lhs_hint = false} : vector<1024x128xf32>, vector<128x128xf32>, vector<1024x128xf32> -> vector<1024x128xf32>
    %swap3A = arith.constant 0 : index
    %swap3A_6 = arith.constant 0 : index
    %swap3A_7 = vector.load %arg3[%swap3A, %swap3A_6] : memref<1024x128xf32, #tpu.memory_space<vmem>>, vector<1024x128xf32>
    tpu.vector_store %arg3[%swap3A, %swap3A_6], %dot_general3A_5 {strides = array<i32>} : memref<1024x128xf32, #tpu.memory_space<vmem>>, vector<1024x128xf32>,
    return
  }
  func.func @transform_0(%arg0: i32) -> (i32, i32) {
    %c0_i32 = arith.constant 0 : i32
    %c0_i32_0 = arith.constant 0 : i32
    return %arg0, %c0_i32 : i32, i32
  }
  func.func @transform_1(%arg0: i32) -> (i32, i32) {
    %c0_i32 = arith.constant 0 : i32
    %c0_i32_0 = arith.constant 0 : i32
    %c0_i32_1 = arith.constant 0 : i32
    return %c0_i32, %c0_i32_0 : i32, i32
  }
  func.func @transform_2(%arg0: i32) -> (i32, i32) {
    %c0_i32 = arith.constant 0 : i32
    %c0_i32_0 = arith.constant 0 : i32
    return %arg0, %c0_i32 : i32, i32
  }
}

module attributes {stable_mosaic.version = 14 : i64} {
  func.func @_merge_b_body(%arg0: i32, %arg1: memref<2x1024x128xf32, #tpu.memory_space<vmem>>, %arg2: memref<2x1x1024x16xf32, #tpu.memory_space<vmem>>, %arg3: memref<1024x128xf32, #tpu.memory_space<vmem>>) attributes {dimension_semantics = [#tpu.dimension_semantics<arbitrary>], iteration_bounds = array<i64: 10>, scalar_prefetch = 0 : i64, scratch_operands = 0 : i64, tpu.core_type = #tpu.core_type<tc>, window_params = [{transform_indices = @transform_0, window_bounds = array<i64: 2, 1024, 128>}, {transform_indices = @transform_1, window_bounds = array<i64: 2, 1, 1024, 16>}, {transform_indices = @transform_2, window_bounds = array<i64: 1024, 128>}]} {
    %get3A = arith.constant 0 : index
    %get3A_0 = arith.constant 0 : index
    %get3A_1 = arith.constant 0 : index
    %get3A_2 = vector.load %arg1[%get3A, %get3A_0, %get3A_1] : memref<2x1024x128xf32, #tpu.memory_space<vmem>>, vector<1x1024x128xf32>
    %get3A_3 = vector.shape_cast %get3A_2 : vector<1x1024x128xf32> to vector<1024x128xf32>
    %get3A_4 = arith.constant 1 : index
    %get3A_5 = arith.constant 0 : index
    %get3A_6 = arith.constant 0 : index
    %get3A_7 = vector.load %arg1[%get3A_4, %get3A_5, %get3A_6] : memref<2x1024x128xf32, #tpu.memory_space<vmem>>, vector<1x1024x128xf32>
    %get3A_8 = vector.shape_cast %get3A_7 : vector<1x1024x128xf32> to vector<1024x128xf32>
    %add3A = arith.addf %get3A_3, %get3A_8 : vector<1024x128xf32>
    %get3A_9 = arith.constant 0 : index
    %get3A_10 = arith.constant 0 : index
    %get3A_11 = arith.constant 0 : index
    %get3A_12 = arith.constant 0 : index
    %get3A_13 = vector.load %arg2[%get3A_9, %get3A_10, %get3A_11, %get3A_12] : memref<2x1x1024x16xf32, #tpu.memory_space<vmem>>, vector<1x1x1024x1xf32>
    %get3A_14 = vector.shape_cast %get3A_13 : vector<1x1x1024x1xf32> to vector<1024x1xf32>
    %get3A_15 = arith.constant 1 : index
    %get3A_16 = arith.constant 0 : index
    %get3A_17 = arith.constant 0 : index
    %get3A_18 = arith.constant 0 : index
    %get3A_19 = vector.load %arg2[%get3A_15, %get3A_16, %get3A_17, %get3A_18] : memref<2x1x1024x16xf32, #tpu.memory_space<vmem>>, vector<1x1x1024x1xf32>
    %get3A_20 = vector.shape_cast %get3A_19 : vector<1x1x1024x1xf32> to vector<1024x1xf32>
    %add3A_21 = arith.addf %get3A_14, %get3A_20 : vector<1024x1xf32>
    %gt3A = arith.constant 0.000000e+00 : f32
    %gt3A_22 = vector.broadcast %gt3A : f32 to vector<1024x1xf32>
    %gt3A_23 = arith.cmpf ogt, %add3A_21, %gt3A_22 : vector<1024x1xf32>
    %div3A = arith.constant 1.000000e+00 : f32
    %div3A_24 = vector.broadcast %div3A : f32 to vector<1024x1xf32>
    %div3A_25 = arith.divf %div3A_24, %add3A_21 : vector<1024x1xf32>
    %jit3A = arith.constant 0.000000e+00 : f32
    %broadcast_in_dim3A = vector.broadcast %jit3A : f32 to vector<1024x1xf32>
    %select_n3A = arith.select %gt3A_23, %div3A_25, %broadcast_in_dim3A : vector<1024x1xi1>, vector<1024x1xf32>
    %mul3A = vector.broadcast %select_n3A : vector<1024x1xf32> to vector<1024x128xf32>
    %mul3A_26 = arith.mulf %add3A, %mul3A : vector<1024x128xf32>
    %swap3A = arith.constant 0 : index
    %swap3A_27 = arith.constant 0 : index
    %swap3A_28 = vector.load %arg3[%swap3A, %swap3A_27] : memref<1024x128xf32, #tpu.memory_space<vmem>>, vector<1024x128xf32>
    tpu.vector_store %arg3[%swap3A, %swap3A_27], %mul3A_26 {strides = array<i32>} : memref<1024x128xf32, #tpu.memory_space<vmem>>, vector<1024x128xf32>,
    return
  }
  func.func @transform_0(%arg0: i32) -> (i32, i32, i32) {
    %c0_i32 = arith.constant 0 : i32
    %c0_i32_0 = arith.constant 0 : i32
    %c0_i32_1 = arith.constant 0 : i32
    return %c0_i32, %arg0, %c0_i32_0 : i32, i32, i32
  }
  func.func @transform_1(%arg0: i32) -> (i32, i32, i32, i32) {
    %c0_i32 = arith.constant 0 : i32
    %c1_i32 = arith.constant 1 : i32
    %c0_i32_0 = arith.constant 0 : i32
    %c0_i32_1 = arith.constant 0 : i32
    return %c0_i32, %c1_i32, %arg0, %c0_i32_0 : i32, i32, i32, i32
  }
  func.func @transform_2(%arg0: i32) -> (i32, i32) {
    %c0_i32 = arith.constant 0 : i32
    %c0_i32_0 = arith.constant 0 : i32
    return %arg0, %c0_i32 : i32, i32
  }
}

module attributes {stable_mosaic.version = 14 : i64} {
  func.func @_merge_d_mm_body(%arg0: i32, %arg1: memref<2x1024x128xf32, #tpu.memory_space<vmem>>, %arg2: memref<2x1x1024x16xf32, #tpu.memory_space<vmem>>, %arg3: memref<1x128xf32, #tpu.memory_space<vmem>>, %arg4: memref<128x128xf32, #tpu.memory_space<vmem>>, %arg5: memref<1024x128xf32, #tpu.memory_space<vmem>>, %arg6: memref<1024x128xf32, #tpu.memory_space<vmem>>) attributes {dimension_semantics = [#tpu.dimension_semantics<arbitrary>], iteration_bounds = array<i64: 10>, scalar_prefetch = 0 : i64, scratch_operands = 0 : i64, tpu.core_type = #tpu.core_type<tc>, window_params = [{transform_indices = @transform_0, window_bounds = array<i64: 2, 1024, 128>}, {transform_indices = @transform_1, window_bounds = array<i64: 2, 1, 1024, 16>}, {pipeline_mode = #tpu.pipeline_mode<synchronous>, transform_indices = @transform_2, window_bounds = array<i64: 1, 128>}, {pipeline_mode = #tpu.pipeline_mode<synchronous>, transform_indices = @transform_3, window_bounds = array<i64: 128, 128>}, {transform_indices = @transform_4, window_bounds = array<i64: 1024, 128>}, {transform_indices = @transform_5, window_bounds = array<i64: 1024, 128>}]} {
    %get3A = arith.constant 0 : index
    %get3A_0 = arith.constant 0 : index
    %get3A_1 = arith.constant 0 : index
    %get3A_2 = vector.load %arg1[%get3A, %get3A_0, %get3A_1] : memref<2x1024x128xf32, #tpu.memory_space<vmem>>, vector<1x1024x128xf32>
    %get3A_3 = vector.shape_cast %get3A_2 : vector<1x1024x128xf32> to vector<1024x128xf32>
    %get3A_4 = arith.constant 1 : index
    %get3A_5 = arith.constant 0 : index
    %get3A_6 = arith.constant 0 : index
    %get3A_7 = vector.load %arg1[%get3A_4, %get3A_5, %get3A_6] : memref<2x1024x128xf32, #tpu.memory_space<vmem>>, vector<1x1024x128xf32>
    %get3A_8 = vector.shape_cast %get3A_7 : vector<1x1024x128xf32> to vector<1024x128xf32>
    %add3A = arith.addf %get3A_3, %get3A_8 : vector<1024x128xf32>
    %get3A_9 = arith.constant 0 : index
    %get3A_10 = arith.constant 0 : index
    %get3A_11 = arith.constant 0 : index
    %get3A_12 = arith.constant 0 : index
    %get3A_13 = vector.load %arg2[%get3A_9, %get3A_10, %get3A_11, %get3A_12] : memref<2x1x1024x16xf32, #tpu.memory_space<vmem>>, vector<1x1x1024x1xf32>
    %get3A_14 = vector.shape_cast %get3A_13 : vector<1x1x1024x1xf32> to vector<1024x1xf32>
    %get3A_15 = arith.constant 1 : index
    %get3A_16 = arith.constant 0 : index
    %get3A_17 = arith.constant 0 : index
    %get3A_18 = arith.constant 0 : index
    %get3A_19 = vector.load %arg2[%get3A_15, %get3A_16, %get3A_17, %get3A_18] : memref<2x1x1024x16xf32, #tpu.memory_space<vmem>>, vector<1x1x1024x1xf32>
    %get3A_20 = vector.shape_cast %get3A_19 : vector<1x1x1024x1xf32> to vector<1024x1xf32>
    %add3A_21 = arith.addf %get3A_14, %get3A_20 : vector<1024x1xf32>
    %gt3A = arith.constant 0.000000e+00 : f32
    %gt3A_22 = vector.broadcast %gt3A : f32 to vector<1024x1xf32>
    %gt3A_23 = arith.cmpf ogt, %add3A_21, %gt3A_22 : vector<1024x1xf32>
    %div3A = arith.constant 1.000000e+00 : f32
    %div3A_24 = vector.broadcast %div3A : f32 to vector<1024x1xf32>
    %div3A_25 = arith.divf %div3A_24, %add3A_21 : vector<1024x1xf32>
    %jit3A = arith.constant 0.000000e+00 : f32
    %broadcast_in_dim3A = vector.broadcast %jit3A : f32 to vector<1024x1xf32>
    %select_n3A = arith.select %gt3A_23, %div3A_25, %broadcast_in_dim3A : vector<1024x1xi1>, vector<1024x1xf32>
    %mul3A = vector.broadcast %select_n3A : vector<1024x1xf32> to vector<1024x128xf32>
    %mul3A_26 = arith.mulf %add3A, %mul3A : vector<1024x128xf32>
    %get3A_27 = arith.constant 0 : index
    %get3A_28 = arith.constant 0 : index
    %get3A_29 = vector.load %arg3[%get3A_27, %get3A_28] : memref<1x128xf32, #tpu.memory_space<vmem>>, vector<1x128xf32>
    %add3A_30 = vector.broadcast %get3A_29 : vector<1x128xf32> to vector<1024x128xf32>
    %add3A_31 = arith.addf %mul3A_26, %add3A_30 : vector<1024x128xf32>
    %max3A = arith.constant 0.000000e+00 : f32
    %max3A_32 = vector.broadcast %max3A : f32 to vector<1024x128xf32>
    %max3A_33 = arith.maximumf %add3A_31, %max3A_32 : vector<1024x128xf32>
    %swap3A = arith.constant 0 : index
    %swap3A_34 = arith.constant 0 : index
    %swap3A_35 = vector.load %arg5[%swap3A, %swap3A_34] : memref<1024x128xf32, #tpu.memory_space<vmem>>, vector<1024x128xf32>
    tpu.vector_store %arg5[%swap3A, %swap3A_34], %max3A_33 {strides = array<i32>} : memref<1024x128xf32, #tpu.memory_space<vmem>>, vector<1024x128xf32>,
    %get3A_36 = arith.constant 0 : index
    %get3A_37 = arith.constant 0 : index
    %get3A_38 = vector.load %arg4[%get3A_36, %get3A_37] : memref<128x128xf32, #tpu.memory_space<vmem>>, vector<128x128xf32>
    %dot_general3A = arith.constant dense<0.000000e+00> : vector<1024x128xf32>
    %dot_general3A_39 = tpu.matmul %max3A_33, %get3A_38, %dot_general3A {dimension_numbers = #tpu.dot_dimension_numbers<[1], [0], [0], [1], [0, 0, 1, 1], [], []>, transpose_lhs_hint = false} : vector<1024x128xf32>, vector<128x128xf32>, vector<1024x128xf32> -> vector<1024x128xf32>
    %swap3A_40 = arith.constant 0 : index
    %swap3A_41 = arith.constant 0 : index
    %swap3A_42 = vector.load %arg6[%swap3A_40, %swap3A_41] : memref<1024x128xf32, #tpu.memory_space<vmem>>, vector<1024x128xf32>
    tpu.vector_store %arg6[%swap3A_40, %swap3A_41], %dot_general3A_39 {strides = array<i32>} : memref<1024x128xf32, #tpu.memory_space<vmem>>, vector<1024x128xf32>,
    return
  }
  func.func @transform_0(%arg0: i32) -> (i32, i32, i32) {
    %c0_i32 = arith.constant 0 : i32
    %c0_i32_0 = arith.constant 0 : i32
    %c0_i32_1 = arith.constant 0 : i32
    return %c0_i32, %arg0, %c0_i32_0 : i32, i32, i32
  }
  func.func @transform_1(%arg0: i32) -> (i32, i32, i32, i32) {
    %c0_i32 = arith.constant 0 : i32
    %c0_i32_0 = arith.constant 0 : i32
    %c0_i32_1 = arith.constant 0 : i32
    %c0_i32_2 = arith.constant 0 : i32
    return %c0_i32, %c0_i32_0, %arg0, %c0_i32_1 : i32, i32, i32, i32
  }
  func.func @transform_2(%arg0: i32) -> (i32, i32) {
    %c0_i32 = arith.constant 0 : i32
    %c0_i32_0 = arith.constant 0 : i32
    %c0_i32_1 = arith.constant 0 : i32
    return %c0_i32, %c0_i32_0 : i32, i32
  }
  func.func @transform_3(%arg0: i32) -> (i32, i32) {
    %c0_i32 = arith.constant 0 : i32
    %c0_i32_0 = arith.constant 0 : i32
    %c0_i32_1 = arith.constant 0 : i32
    return %c0_i32, %c0_i32_0 : i32, i32
  }
  func.func @transform_4(%arg0: i32) -> (i32, i32) {
    %c0_i32 = arith.constant 0 : i32
    %c0_i32_0 = arith.constant 0 : i32
    return %arg0, %c0_i32 : i32, i32
  }
  func.func @transform_5(%arg0: i32) -> (i32, i32) {
    %c0_i32 = arith.constant 0 : i32
    %c0_i32_0 = arith.constant 0 : i32
    return %arg0, %c0_i32 : i32, i32
  }
}

module attributes {stable_mosaic.version = 14 : i64} {
  func.func @_pool_body(%arg0: i32, %arg1: memref<2x1024x128xf32, #tpu.memory_space<vmem>>, %arg2: memref<2x1x1024x16xf32, #tpu.memory_space<vmem>>, %arg3: memref<1x128xf32, #tpu.memory_space<vmem>>, %arg4: memref<1024x128xf32, #tpu.memory_space<vmem>>, %arg5: memref<1024x1xi32, #tpu.memory_space<vmem>>, %arg6: memref<384x64xf32, #tpu.memory_space<vmem>>, %arg7: memref<1x64xf32, #tpu.memory_space<vmem>>, %arg8: memref<16x64xf32, #tpu.memory_space<vmem>>, %arg9: memref<16x128xf32, #tpu.memory_space<vmem>>, %arg10: memref<16x128xf32, #tpu.memory_space<vmem>>, %arg11: memref<16x128xf32, #tpu.memory_space<vmem>>) attributes {dimension_semantics = [#tpu.dimension_semantics<arbitrary>], iteration_bounds = array<i64: 10>, scalar_prefetch = 0 : i64, scratch_operands = 3 : i64, tpu.core_type = #tpu.core_type<tc>, window_params = [{transform_indices = @transform_0, window_bounds = array<i64: 2, 1024, 128>}, {transform_indices = @transform_1, window_bounds = array<i64: 2, 1, 1024, 16>}, {pipeline_mode = #tpu.pipeline_mode<synchronous>, transform_indices = @transform_2, window_bounds = array<i64: 1, 128>}, {transform_indices = @transform_3, window_bounds = array<i64: 1024, 128>}, {transform_indices = @transform_4, window_bounds = array<i64: 1024, 1>}, {pipeline_mode = #tpu.pipeline_mode<synchronous>, transform_indices = @transform_5, window_bounds = array<i64: 384, 64>}, {pipeline_mode = #tpu.pipeline_mode<synchronous>, transform_indices = @transform_6, window_bounds = array<i64: 1, 64>}, {pipeline_mode = #tpu.pipeline_mode<synchronous>, transform_indices = @transform_7, window_bounds = array<i64: 16, 64>}]} {
    %eq3A = arith.constant 0 : i32
    %eq3A_0 = arith.cmpi eq, %arg0, %eq3A : i32
    %convert_element_type3A = arith.extui %eq3A_0 : i1 to i32
    %cond3A = arith.constant 0 : i32
    %cond3A_1 = arith.cmpi ne, %convert_element_type3A, %cond3A : i32
    scf.if %cond3A_1 {
      %broadcast_in_dim3A_197 = arith.constant 0.000000e+00 : f32
      %broadcast_in_dim3A_198 = vector.broadcast %broadcast_in_dim3A_197 : f32 to vector<16x128xf32>
      %swap3A_199 = arith.constant 0 : index
      %swap3A_200 = arith.constant 0 : index
      %swap3A_201 = vector.load %arg9[%swap3A_199, %swap3A_200] : memref<16x128xf32, #tpu.memory_space<vmem>>, vector<16x128xf32>
      tpu.vector_store %arg9[%swap3A_199, %swap3A_200], %broadcast_in_dim3A_198 {strides = array<i32>} : memref<16x128xf32, #tpu.memory_space<vmem>>, vector<16x128xf32>,
      %broadcast_in_dim3A_202 = arith.constant 0.000000e+00 : f32
      %broadcast_in_dim3A_203 = vector.broadcast %broadcast_in_dim3A_202 : f32 to vector<16x128xf32>
      %swap3A_204 = arith.constant 0 : index
      %swap3A_205 = arith.constant 0 : index
      %swap3A_206 = vector.load %arg11[%swap3A_204, %swap3A_205] : memref<16x128xf32, #tpu.memory_space<vmem>>, vector<16x128xf32>
      tpu.vector_store %arg11[%swap3A_204, %swap3A_205], %broadcast_in_dim3A_203 {strides = array<i32>} : memref<16x128xf32, #tpu.memory_space<vmem>>, vector<16x128xf32>,
      %broadcast_in_dim3A_207 = arith.constant 0xFF800000 : f32
      %broadcast_in_dim3A_208 = vector.broadcast %broadcast_in_dim3A_207 : f32 to vector<16x128xf32>
      %swap3A_209 = arith.constant 0 : index
      %swap3A_210 = arith.constant 0 : index
      %swap3A_211 = vector.load %arg10[%swap3A_209, %swap3A_210] : memref<16x128xf32, #tpu.memory_space<vmem>>, vector<16x128xf32>
      tpu.vector_store %arg10[%swap3A_209, %swap3A_210], %broadcast_in_dim3A_208 {strides = array<i32>} : memref<16x128xf32, #tpu.memory_space<vmem>>, vector<16x128xf32>,
    } else {
    }
    %get3A = arith.constant 0 : index
    %get3A_2 = arith.constant 0 : index
    %get3A_3 = arith.constant 0 : index
    %get3A_4 = vector.load %arg1[%get3A, %get3A_2, %get3A_3] : memref<2x1024x128xf32, #tpu.memory_space<vmem>>, vector<1x1024x128xf32>
    %get3A_5 = vector.shape_cast %get3A_4 : vector<1x1024x128xf32> to vector<1024x128xf32>
    %get3A_6 = arith.constant 1 : index
    %get3A_7 = arith.constant 0 : index
    %get3A_8 = arith.constant 0 : index
    %get3A_9 = vector.load %arg1[%get3A_6, %get3A_7, %get3A_8] : memref<2x1024x128xf32, #tpu.memory_space<vmem>>, vector<1x1024x128xf32>
    %get3A_10 = vector.shape_cast %get3A_9 : vector<1x1024x128xf32> to vector<1024x128xf32>
    %add3A = arith.addf %get3A_5, %get3A_10 : vector<1024x128xf32>
    %get3A_11 = arith.constant 0 : index
    %get3A_12 = arith.constant 0 : index
    %get3A_13 = arith.constant 0 : index
    %get3A_14 = arith.constant 0 : index
    %get3A_15 = vector.load %arg2[%get3A_11, %get3A_12, %get3A_13, %get3A_14] : memref<2x1x1024x16xf32, #tpu.memory_space<vmem>>, vector<1x1x1024x1xf32>
    %get3A_16 = vector.shape_cast %get3A_15 : vector<1x1x1024x1xf32> to vector<1024x1xf32>
    %get3A_17 = arith.constant 1 : index
    %get3A_18 = arith.constant 0 : index
    %get3A_19 = arith.constant 0 : index
    %get3A_20 = arith.constant 0 : index
    %get3A_21 = vector.load %arg2[%get3A_17, %get3A_18, %get3A_19, %get3A_20] : memref<2x1x1024x16xf32, #tpu.memory_space<vmem>>, vector<1x1x1024x1xf32>
    %get3A_22 = vector.shape_cast %get3A_21 : vector<1x1x1024x1xf32> to vector<1024x1xf32>
    %add3A_23 = arith.addf %get3A_16, %get3A_22 : vector<1024x1xf32>
    %gt3A = arith.constant 0.000000e+00 : f32
    %gt3A_24 = vector.broadcast %gt3A : f32 to vector<1024x1xf32>
    %gt3A_25 = arith.cmpf ogt, %add3A_23, %gt3A_24 : vector<1024x1xf32>
    %div3A = arith.constant 1.000000e+00 : f32
    %div3A_26 = vector.broadcast %div3A : f32 to vector<1024x1xf32>
    %div3A_27 = arith.divf %div3A_26, %add3A_23 : vector<1024x1xf32>
    %jit3A = arith.constant 0.000000e+00 : f32
    %broadcast_in_dim3A = vector.broadcast %jit3A : f32 to vector<1024x1xf32>
    %select_n3A = arith.select %gt3A_25, %div3A_27, %broadcast_in_dim3A : vector<1024x1xi1>, vector<1024x1xf32>
    %mul3A = vector.broadcast %select_n3A : vector<1024x1xf32> to vector<1024x128xf32>
    %mul3A_28 = arith.mulf %add3A, %mul3A : vector<1024x128xf32>
    %get3A_29 = arith.constant 0 : index
    %get3A_30 = arith.constant 0 : index
    %get3A_31 = vector.load %arg4[%get3A_29, %get3A_30] : memref<1024x128xf32, #tpu.memory_space<vmem>>, vector<1024x128xf32>
    %add3A_32 = arith.addf %get3A_31, %mul3A_28 : vector<1024x128xf32>
    %get3A_33 = arith.constant 0 : index
    %get3A_34 = arith.constant 0 : index
    %get3A_35 = vector.load %arg3[%get3A_33, %get3A_34] : memref<1x128xf32, #tpu.memory_space<vmem>>, vector<1x128xf32>
    %add3A_36 = vector.broadcast %get3A_35 : vector<1x128xf32> to vector<1024x128xf32>
    %add3A_37 = arith.addf %add3A_32, %add3A_36 : vector<1024x128xf32>
    %max3A = arith.constant 0.000000e+00 : f32
    %max3A_38 = vector.broadcast %max3A : f32 to vector<1024x128xf32>
    %max3A_39 = arith.maximumf %add3A_37, %max3A_38 : vector<1024x128xf32>
    %get3A_40 = arith.constant 0 : index
    %get3A_41 = arith.constant 0 : index
    %get3A_42 = vector.load %arg5[%get3A_40, %get3A_41] : memref<1024x1xi32, #tpu.memory_space<vmem>>, vector<1024x1xi32>
    %iota3A = tpu.iota {dimensions = array<i32: 1>} : vector<1024x16xi32>
    %eq3A_43 = vector.broadcast %get3A_42 : vector<1024x1xi32> to vector<1024x16xi32>
    %eq3A_44 = arith.cmpi eq, %eq3A_43, %iota3A : vector<1024x16xi32>
    %convert_element_type3A_45 = arith.extui %eq3A_44 : vector<1024x16xi1> to vector<1024x16xi32>
    %convert_element_type3A_46 = arith.sitofp %convert_element_type3A_45 : vector<1024x16xi32> to vector<1024x16xf32>
    %get3A_47 = arith.constant 0 : index
    %get3A_48 = arith.constant 0 : index
    %get3A_49 = vector.load %arg9[%get3A_47, %get3A_48] : memref<16x128xf32, #tpu.memory_space<vmem>>, vector<16x128xf32>
    %dot_general3A = arith.constant dense<0.000000e+00> : vector<16x128xf32>
    %dot_general3A_50 = tpu.matmul %convert_element_type3A_46, %max3A_39, %dot_general3A {dimension_numbers = #tpu.dot_dimension_numbers<[0], [0], [1], [1], [0, 1, 1, 1], [], []>, transpose_lhs_hint = false} : vector<1024x16xf32>, vector<1024x128xf32>, vector<16x128xf32> -> vector<16x128xf32>
    %add3A_51 = arith.addf %get3A_49, %dot_general3A_50 : vector<16x128xf32>
    %swap3A = arith.constant 0 : index
    %swap3A_52 = arith.constant 0 : index
    %swap3A_53 = vector.load %arg9[%swap3A, %swap3A_52] : memref<16x128xf32, #tpu.memory_space<vmem>>, vector<16x128xf32>
    tpu.vector_store %arg9[%swap3A, %swap3A_52], %add3A_51 {strides = array<i32>} : memref<16x128xf32, #tpu.memory_space<vmem>>, vector<16x128xf32>,
    %get3A_54 = arith.constant 0 : index
    %get3A_55 = arith.constant 0 : index
    %get3A_56 = vector.load %arg11[%get3A_54, %get3A_55] : memref<16x128xf32, #tpu.memory_space<vmem>>, vector<16x128xf32>
    %broadcast_in_dim3A_57 = arith.constant 1.000000e+00 : f32
    %broadcast_in_dim3A_58 = vector.broadcast %broadcast_in_dim3A_57 : f32 to vector<1024x128xf32>
    %dot_general3A_59 = arith.constant dense<0.000000e+00> : vector<16x128xf32>
    %dot_general3A_60 = tpu.matmul %convert_element_type3A_46, %broadcast_in_dim3A_58, %dot_general3A_59 {dimension_numbers = #tpu.dot_dimension_numbers<[0], [0], [1], [1], [0, 1, 1, 1], [], []>, transpose_lhs_hint = false} : vector<1024x16xf32>, vector<1024x128xf32>, vector<16x128xf32> -> vector<16x128xf32>
    %add3A_61 = arith.addf %get3A_56, %dot_general3A_60 : vector<16x128xf32>
    %swap3A_62 = arith.constant 0 : index
    %swap3A_63 = arith.constant 0 : index
    %swap3A_64 = vector.load %arg11[%swap3A_62, %swap3A_63] : memref<16x128xf32, #tpu.memory_space<vmem>>, vector<16x128xf32>
    tpu.vector_store %arg11[%swap3A_62, %swap3A_63], %add3A_61 {strides = array<i32>} : memref<16x128xf32, #tpu.memory_space<vmem>>, vector<16x128xf32>,
    %slice3A = vector.extract_strided_slice %get3A_42 {offsets = [0, 0], sizes = [1, 1], strides = [1, 1]} : vector<1024x1xi32> to vector<1x1xi32>
    %squeeze3A = vector.extract %slice3A[0, 0] : i32 from vector<1x1xi32>
    %slice3A_65 = vector.extract_strided_slice %get3A_42 {offsets = [1023, 0], sizes = [1, 1], strides = [1, 1]} : vector<1024x1xi32> to vector<1x1xi32>
    %squeeze3A_66 = vector.extract %slice3A_65[0, 0] : i32 from vector<1x1xi32>
    %le3A = arith.constant 0 : i32
    %le3A_67 = arith.cmpi sle, %squeeze3A, %le3A : i32
    %ge3A = arith.constant 0 : i32
    %ge3A_68 = arith.cmpi sge, %squeeze3A_66, %ge3A : i32
    %and3A = arith.andi %le3A_67, %ge3A_68 : i1
    %convert_element_type3A_69 = arith.extui %and3A : i1 to i32
    %cond3A_70 = arith.constant 0 : i32
    %cond3A_71 = arith.cmpi ne, %convert_element_type3A_69, %cond3A_70 : i32
    scf.if %cond3A_71 {
      %eq3A_197 = arith.constant 0 : i32
      %eq3A_198 = vector.broadcast %eq3A_197 : i32 to vector<1024x1xi32>
      %eq3A_199 = arith.cmpi eq, %get3A_42, %eq3A_198 : vector<1024x1xi32>
      %jit3A_200 = arith.constant 0xFF800000 : f32
      %broadcast_in_dim3A_201 = vector.shape_cast %eq3A_199 : vector<1024x1xi1> to vector<1024x1xi1>
      %broadcast_in_dim3A_202 = vector.broadcast %broadcast_in_dim3A_201 : vector<1024x1xi1> to vector<1024x128xi1>
      %broadcast_in_dim3A_203 = vector.broadcast %jit3A_200 : f32 to vector<1024x128xf32>
      %select_n3A_204 = arith.select %broadcast_in_dim3A_202, %max3A_39, %broadcast_in_dim3A_203 : vector<1024x128xi1>, vector<1024x128xf32>
      %reduce_max3A = arith.constant dense<0xFF800000> : vector<128xf32>
      %reduce_max3A_205 = vector.multi_reduction <maximumf>, %select_n3A_204, %reduce_max3A [0] : vector<1024x128xf32> to vector<128xf32>
      %broadcast_in_dim3A_206 = vector.shape_cast %reduce_max3A_205 : vector<128xf32> to vector<1x128xf32>
      %get3A_207 = arith.constant 0 : index
      %get3A_208 = arith.constant 0 : index
      %get3A_209 = vector.load %arg10[%get3A_207, %get3A_208] : memref<16x128xf32, #tpu.memory_space<vmem>>, vector<1x128xf32>
      %max3A_210 = arith.maximumf %get3A_209, %broadcast_in_dim3A_206 : vector<1x128xf32>
      %swap3A_211 = arith.constant 0 : index
      %swap3A_212 = arith.constant 0 : index
      %swap3A_213 = vector.load %arg10[%swap3A_211, %swap3A_212] : memref<16x128xf32, #tpu.memory_space<vmem>>, vector<1x128xf32>
      tpu.vector_store %arg10[%swap3A_211, %swap3A_212], %max3A_210 {strides = array<i32>} : memref<16x128xf32, #tpu.memory_space<vmem>>, vector<1x128xf32>,
    } else {
    }
    %le3A_72 = arith.constant 1 : i32
    %le3A_73 = arith.cmpi sle, %squeeze3A, %le3A_72 : i32
    %ge3A_74 = arith.constant 1 : i32
    %ge3A_75 = arith.cmpi sge, %squeeze3A_66, %ge3A_74 : i32
    %and3A_76 = arith.andi %le3A_73, %ge3A_75 : i1
    %convert_element_type3A_77 = arith.extui %and3A_76 : i1 to i32
    %cond3A_78 = arith.constant 0 : i32
    %cond3A_79 = arith.cmpi ne, %convert_element_type3A_77, %cond3A_78 : i32
    scf.if %cond3A_79 {
      %eq3A_197 = arith.constant 1 : i32
      %eq3A_198 = vector.broadcast %eq3A_197 : i32 to vector<1024x1xi32>
      %eq3A_199 = arith.cmpi eq, %get3A_42, %eq3A_198 : vector<1024x1xi32>
      %jit3A_200 = arith.constant 0xFF800000 : f32
      %broadcast_in_dim3A_201 = vector.shape_cast %eq3A_199 : vector<1024x1xi1> to vector<1024x1xi1>
      %broadcast_in_dim3A_202 = vector.broadcast %broadcast_in_dim3A_201 : vector<1024x1xi1> to vector<1024x128xi1>
      %broadcast_in_dim3A_203 = vector.broadcast %jit3A_200 : f32 to vector<1024x128xf32>
      %select_n3A_204 = arith.select %broadcast_in_dim3A_202, %max3A_39, %broadcast_in_dim3A_203 : vector<1024x128xi1>, vector<1024x128xf32>
      %reduce_max3A = arith.constant dense<0xFF800000> : vector<128xf32>
      %reduce_max3A_205 = vector.multi_reduction <maximumf>, %select_n3A_204, %reduce_max3A [0] : vector<1024x128xf32> to vector<128xf32>
      %broadcast_in_dim3A_206 = vector.shape_cast %reduce_max3A_205 : vector<128xf32> to vector<1x128xf32>
      %get3A_207 = arith.constant 1 : index
      %get3A_208 = arith.constant 0 : index
      %get3A_209 = vector.load %arg10[%get3A_207, %get3A_208] : memref<16x128xf32, #tpu.memory_space<vmem>>, vector<1x128xf32>
      %max3A_210 = arith.maximumf %get3A_209, %broadcast_in_dim3A_206 : vector<1x128xf32>
      %swap3A_211 = arith.constant 1 : index
      %swap3A_212 = arith.constant 0 : index
      %swap3A_213 = vector.load %arg10[%swap3A_211, %swap3A_212] : memref<16x128xf32, #tpu.memory_space<vmem>>, vector<1x128xf32>
      tpu.vector_store %arg10[%swap3A_211, %swap3A_212], %max3A_210 {strides = array<i32>} : memref<16x128xf32, #tpu.memory_space<vmem>>, vector<1x128xf32>,
    } else {
    }
    %le3A_80 = arith.constant 2 : i32
    %le3A_81 = arith.cmpi sle, %squeeze3A, %le3A_80 : i32
    %ge3A_82 = arith.constant 2 : i32
    %ge3A_83 = arith.cmpi sge, %squeeze3A_66, %ge3A_82 : i32
    %and3A_84 = arith.andi %le3A_81, %ge3A_83 : i1
    %convert_element_type3A_85 = arith.extui %and3A_84 : i1 to i32
    %cond3A_86 = arith.constant 0 : i32
    %cond3A_87 = arith.cmpi ne, %convert_element_type3A_85, %cond3A_86 : i32
    scf.if %cond3A_87 {
      %eq3A_197 = arith.constant 2 : i32
      %eq3A_198 = vector.broadcast %eq3A_197 : i32 to vector<1024x1xi32>
      %eq3A_199 = arith.cmpi eq, %get3A_42, %eq3A_198 : vector<1024x1xi32>
      %jit3A_200 = arith.constant 0xFF800000 : f32
      %broadcast_in_dim3A_201 = vector.shape_cast %eq3A_199 : vector<1024x1xi1> to vector<1024x1xi1>
      %broadcast_in_dim3A_202 = vector.broadcast %broadcast_in_dim3A_201 : vector<1024x1xi1> to vector<1024x128xi1>
      %broadcast_in_dim3A_203 = vector.broadcast %jit3A_200 : f32 to vector<1024x128xf32>
      %select_n3A_204 = arith.select %broadcast_in_dim3A_202, %max3A_39, %broadcast_in_dim3A_203 : vector<1024x128xi1>, vector<1024x128xf32>
      %reduce_max3A = arith.constant dense<0xFF800000> : vector<128xf32>
      %reduce_max3A_205 = vector.multi_reduction <maximumf>, %select_n3A_204, %reduce_max3A [0] : vector<1024x128xf32> to vector<128xf32>
      %broadcast_in_dim3A_206 = vector.shape_cast %reduce_max3A_205 : vector<128xf32> to vector<1x128xf32>
      %get3A_207 = arith.constant 2 : index
      %get3A_208 = arith.constant 0 : index
      %get3A_209 = vector.load %arg10[%get3A_207, %get3A_208] : memref<16x128xf32, #tpu.memory_space<vmem>>, vector<1x128xf32>
      %max3A_210 = arith.maximumf %get3A_209, %broadcast_in_dim3A_206 : vector<1x128xf32>
      %swap3A_211 = arith.constant 2 : index
      %swap3A_212 = arith.constant 0 : index
      %swap3A_213 = vector.load %arg10[%swap3A_211, %swap3A_212] : memref<16x128xf32, #tpu.memory_space<vmem>>, vector<1x128xf32>
      tpu.vector_store %arg10[%swap3A_211, %swap3A_212], %max3A_210 {strides = array<i32>} : memref<16x128xf32, #tpu.memory_space<vmem>>, vector<1x128xf32>,
    } else {
    }
    %le3A_88 = arith.constant 3 : i32
    %le3A_89 = arith.cmpi sle, %squeeze3A, %le3A_88 : i32
    %ge3A_90 = arith.constant 3 : i32
    %ge3A_91 = arith.cmpi sge, %squeeze3A_66, %ge3A_90 : i32
    %and3A_92 = arith.andi %le3A_89, %ge3A_91 : i1
    %convert_element_type3A_93 = arith.extui %and3A_92 : i1 to i32
    %cond3A_94 = arith.constant 0 : i32
    %cond3A_95 = arith.cmpi ne, %convert_element_type3A_93, %cond3A_94 : i32
    scf.if %cond3A_95 {
      %eq3A_197 = arith.constant 3 : i32
      %eq3A_198 = vector.broadcast %eq3A_197 : i32 to vector<1024x1xi32>
      %eq3A_199 = arith.cmpi eq, %get3A_42, %eq3A_198 : vector<1024x1xi32>
      %jit3A_200 = arith.constant 0xFF800000 : f32
      %broadcast_in_dim3A_201 = vector.shape_cast %eq3A_199 : vector<1024x1xi1> to vector<1024x1xi1>
      %broadcast_in_dim3A_202 = vector.broadcast %broadcast_in_dim3A_201 : vector<1024x1xi1> to vector<1024x128xi1>
      %broadcast_in_dim3A_203 = vector.broadcast %jit3A_200 : f32 to vector<1024x128xf32>
      %select_n3A_204 = arith.select %broadcast_in_dim3A_202, %max3A_39, %broadcast_in_dim3A_203 : vector<1024x128xi1>, vector<1024x128xf32>
      %reduce_max3A = arith.constant dense<0xFF800000> : vector<128xf32>
      %reduce_max3A_205 = vector.multi_reduction <maximumf>, %select_n3A_204, %reduce_max3A [0] : vector<1024x128xf32> to vector<128xf32>
      %broadcast_in_dim3A_206 = vector.shape_cast %reduce_max3A_205 : vector<128xf32> to vector<1x128xf32>
      %get3A_207 = arith.constant 3 : index
      %get3A_208 = arith.constant 0 : index
      %get3A_209 = vector.load %arg10[%get3A_207, %get3A_208] : memref<16x128xf32, #tpu.memory_space<vmem>>, vector<1x128xf32>
      %max3A_210 = arith.maximumf %get3A_209, %broadcast_in_dim3A_206 : vector<1x128xf32>
      %swap3A_211 = arith.constant 3 : index
      %swap3A_212 = arith.constant 0 : index
      %swap3A_213 = vector.load %arg10[%swap3A_211, %swap3A_212] : memref<16x128xf32, #tpu.memory_space<vmem>>, vector<1x128xf32>
      tpu.vector_store %arg10[%swap3A_211, %swap3A_212], %max3A_210 {strides = array<i32>} : memref<16x128xf32, #tpu.memory_space<vmem>>, vector<1x128xf32>,
    } else {
    }
    %le3A_96 = arith.constant 4 : i32
    %le3A_97 = arith.cmpi sle, %squeeze3A, %le3A_96 : i32
    %ge3A_98 = arith.constant 4 : i32
    %ge3A_99 = arith.cmpi sge, %squeeze3A_66, %ge3A_98 : i32
    %and3A_100 = arith.andi %le3A_97, %ge3A_99 : i1
    %convert_element_type3A_101 = arith.extui %and3A_100 : i1 to i32
    %cond3A_102 = arith.constant 0 : i32
    %cond3A_103 = arith.cmpi ne, %convert_element_type3A_101, %cond3A_102 : i32
    scf.if %cond3A_103 {
      %eq3A_197 = arith.constant 4 : i32
      %eq3A_198 = vector.broadcast %eq3A_197 : i32 to vector<1024x1xi32>
      %eq3A_199 = arith.cmpi eq, %get3A_42, %eq3A_198 : vector<1024x1xi32>
      %jit3A_200 = arith.constant 0xFF800000 : f32
      %broadcast_in_dim3A_201 = vector.shape_cast %eq3A_199 : vector<1024x1xi1> to vector<1024x1xi1>
      %broadcast_in_dim3A_202 = vector.broadcast %broadcast_in_dim3A_201 : vector<1024x1xi1> to vector<1024x128xi1>
      %broadcast_in_dim3A_203 = vector.broadcast %jit3A_200 : f32 to vector<1024x128xf32>
      %select_n3A_204 = arith.select %broadcast_in_dim3A_202, %max3A_39, %broadcast_in_dim3A_203 : vector<1024x128xi1>, vector<1024x128xf32>
      %reduce_max3A = arith.constant dense<0xFF800000> : vector<128xf32>
      %reduce_max3A_205 = vector.multi_reduction <maximumf>, %select_n3A_204, %reduce_max3A [0] : vector<1024x128xf32> to vector<128xf32>
      %broadcast_in_dim3A_206 = vector.shape_cast %reduce_max3A_205 : vector<128xf32> to vector<1x128xf32>
      %get3A_207 = arith.constant 4 : index
      %get3A_208 = arith.constant 0 : index
      %get3A_209 = vector.load %arg10[%get3A_207, %get3A_208] : memref<16x128xf32, #tpu.memory_space<vmem>>, vector<1x128xf32>
      %max3A_210 = arith.maximumf %get3A_209, %broadcast_in_dim3A_206 : vector<1x128xf32>
      %swap3A_211 = arith.constant 4 : index
      %swap3A_212 = arith.constant 0 : index
      %swap3A_213 = vector.load %arg10[%swap3A_211, %swap3A_212] : memref<16x128xf32, #tpu.memory_space<vmem>>, vector<1x128xf32>
      tpu.vector_store %arg10[%swap3A_211, %swap3A_212], %max3A_210 {strides = array<i32>} : memref<16x128xf32, #tpu.memory_space<vmem>>, vector<1x128xf32>,
    } else {
    }
    %le3A_104 = arith.constant 5 : i32
    %le3A_105 = arith.cmpi sle, %squeeze3A, %le3A_104 : i32
    %ge3A_106 = arith.constant 5 : i32
    %ge3A_107 = arith.cmpi sge, %squeeze3A_66, %ge3A_106 : i32
    %and3A_108 = arith.andi %le3A_105, %ge3A_107 : i1
    %convert_element_type3A_109 = arith.extui %and3A_108 : i1 to i32
    %cond3A_110 = arith.constant 0 : i32
    %cond3A_111 = arith.cmpi ne, %convert_element_type3A_109, %cond3A_110 : i32
    scf.if %cond3A_111 {
      %eq3A_197 = arith.constant 5 : i32
      %eq3A_198 = vector.broadcast %eq3A_197 : i32 to vector<1024x1xi32>
      %eq3A_199 = arith.cmpi eq, %get3A_42, %eq3A_198 : vector<1024x1xi32>
      %jit3A_200 = arith.constant 0xFF800000 : f32
      %broadcast_in_dim3A_201 = vector.shape_cast %eq3A_199 : vector<1024x1xi1> to vector<1024x1xi1>
      %broadcast_in_dim3A_202 = vector.broadcast %broadcast_in_dim3A_201 : vector<1024x1xi1> to vector<1024x128xi1>
      %broadcast_in_dim3A_203 = vector.broadcast %jit3A_200 : f32 to vector<1024x128xf32>
      %select_n3A_204 = arith.select %broadcast_in_dim3A_202, %max3A_39, %broadcast_in_dim3A_203 : vector<1024x128xi1>, vector<1024x128xf32>
      %reduce_max3A = arith.constant dense<0xFF800000> : vector<128xf32>
      %reduce_max3A_205 = vector.multi_reduction <maximumf>, %select_n3A_204, %reduce_max3A [0] : vector<1024x128xf32> to vector<128xf32>
      %broadcast_in_dim3A_206 = vector.shape_cast %reduce_max3A_205 : vector<128xf32> to vector<1x128xf32>
      %get3A_207 = arith.constant 5 : index
      %get3A_208 = arith.constant 0 : index
      %get3A_209 = vector.load %arg10[%get3A_207, %get3A_208] : memref<16x128xf32, #tpu.memory_space<vmem>>, vector<1x128xf32>
      %max3A_210 = arith.maximumf %get3A_209, %broadcast_in_dim3A_206 : vector<1x128xf32>
      %swap3A_211 = arith.constant 5 : index
      %swap3A_212 = arith.constant 0 : index
      %swap3A_213 = vector.load %arg10[%swap3A_211, %swap3A_212] : memref<16x128xf32, #tpu.memory_space<vmem>>, vector<1x128xf32>
      tpu.vector_store %arg10[%swap3A_211, %swap3A_212], %max3A_210 {strides = array<i32>} : memref<16x128xf32, #tpu.memory_space<vmem>>, vector<1x128xf32>,
    } else {
    }
    %le3A_112 = arith.constant 6 : i32
    %le3A_113 = arith.cmpi sle, %squeeze3A, %le3A_112 : i32
    %ge3A_114 = arith.constant 6 : i32
    %ge3A_115 = arith.cmpi sge, %squeeze3A_66, %ge3A_114 : i32
    %and3A_116 = arith.andi %le3A_113, %ge3A_115 : i1
    %convert_element_type3A_117 = arith.extui %and3A_116 : i1 to i32
    %cond3A_118 = arith.constant 0 : i32
    %cond3A_119 = arith.cmpi ne, %convert_element_type3A_117, %cond3A_118 : i32
    scf.if %cond3A_119 {
      %eq3A_197 = arith.constant 6 : i32
      %eq3A_198 = vector.broadcast %eq3A_197 : i32 to vector<1024x1xi32>
      %eq3A_199 = arith.cmpi eq, %get3A_42, %eq3A_198 : vector<1024x1xi32>
      %jit3A_200 = arith.constant 0xFF800000 : f32
      %broadcast_in_dim3A_201 = vector.shape_cast %eq3A_199 : vector<1024x1xi1> to vector<1024x1xi1>
      %broadcast_in_dim3A_202 = vector.broadcast %broadcast_in_dim3A_201 : vector<1024x1xi1> to vector<1024x128xi1>
      %broadcast_in_dim3A_203 = vector.broadcast %jit3A_200 : f32 to vector<1024x128xf32>
      %select_n3A_204 = arith.select %broadcast_in_dim3A_202, %max3A_39, %broadcast_in_dim3A_203 : vector<1024x128xi1>, vector<1024x128xf32>
      %reduce_max3A = arith.constant dense<0xFF800000> : vector<128xf32>
      %reduce_max3A_205 = vector.multi_reduction <maximumf>, %select_n3A_204, %reduce_max3A [0] : vector<1024x128xf32> to vector<128xf32>
      %broadcast_in_dim3A_206 = vector.shape_cast %reduce_max3A_205 : vector<128xf32> to vector<1x128xf32>
      %get3A_207 = arith.constant 6 : index
      %get3A_208 = arith.constant 0 : index
      %get3A_209 = vector.load %arg10[%get3A_207, %get3A_208] : memref<16x128xf32, #tpu.memory_space<vmem>>, vector<1x128xf32>
      %max3A_210 = arith.maximumf %get3A_209, %broadcast_in_dim3A_206 : vector<1x128xf32>
      %swap3A_211 = arith.constant 6 : index
      %swap3A_212 = arith.constant 0 : index
      %swap3A_213 = vector.load %arg10[%swap3A_211, %swap3A_212] : memref<16x128xf32, #tpu.memory_space<vmem>>, vector<1x128xf32>
      tpu.vector_store %arg10[%swap3A_211, %swap3A_212], %max3A_210 {strides = array<i32>} : memref<16x128xf32, #tpu.memory_space<vmem>>, vector<1x128xf32>,
    } else {
    }
    %le3A_120 = arith.constant 7 : i32
    %le3A_121 = arith.cmpi sle, %squeeze3A, %le3A_120 : i32
    %ge3A_122 = arith.constant 7 : i32
    %ge3A_123 = arith.cmpi sge, %squeeze3A_66, %ge3A_122 : i32
    %and3A_124 = arith.andi %le3A_121, %ge3A_123 : i1
    %convert_element_type3A_125 = arith.extui %and3A_124 : i1 to i32
    %cond3A_126 = arith.constant 0 : i32
    %cond3A_127 = arith.cmpi ne, %convert_element_type3A_125, %cond3A_126 : i32
    scf.if %cond3A_127 {
      %eq3A_197 = arith.constant 7 : i32
      %eq3A_198 = vector.broadcast %eq3A_197 : i32 to vector<1024x1xi32>
      %eq3A_199 = arith.cmpi eq, %get3A_42, %eq3A_198 : vector<1024x1xi32>
      %jit3A_200 = arith.constant 0xFF800000 : f32
      %broadcast_in_dim3A_201 = vector.shape_cast %eq3A_199 : vector<1024x1xi1> to vector<1024x1xi1>
      %broadcast_in_dim3A_202 = vector.broadcast %broadcast_in_dim3A_201 : vector<1024x1xi1> to vector<1024x128xi1>
      %broadcast_in_dim3A_203 = vector.broadcast %jit3A_200 : f32 to vector<1024x128xf32>
      %select_n3A_204 = arith.select %broadcast_in_dim3A_202, %max3A_39, %broadcast_in_dim3A_203 : vector<1024x128xi1>, vector<1024x128xf32>
      %reduce_max3A = arith.constant dense<0xFF800000> : vector<128xf32>
      %reduce_max3A_205 = vector.multi_reduction <maximumf>, %select_n3A_204, %reduce_max3A [0] : vector<1024x128xf32> to vector<128xf32>
      %broadcast_in_dim3A_206 = vector.shape_cast %reduce_max3A_205 : vector<128xf32> to vector<1x128xf32>
      %get3A_207 = arith.constant 7 : index
      %get3A_208 = arith.constant 0 : index
      %get3A_209 = vector.load %arg10[%get3A_207, %get3A_208] : memref<16x128xf32, #tpu.memory_space<vmem>>, vector<1x128xf32>
      %max3A_210 = arith.maximumf %get3A_209, %broadcast_in_dim3A_206 : vector<1x128xf32>
      %swap3A_211 = arith.constant 7 : index
      %swap3A_212 = arith.constant 0 : index
      %swap3A_213 = vector.load %arg10[%swap3A_211, %swap3A_212] : memref<16x128xf32, #tpu.memory_space<vmem>>, vector<1x128xf32>
      tpu.vector_store %arg10[%swap3A_211, %swap3A_212], %max3A_210 {strides = array<i32>} : memref<16x128xf32, #tpu.memory_space<vmem>>, vector<1x128xf32>,
    } else {
    }
    %le3A_128 = arith.constant 8 : i32
    %le3A_129 = arith.cmpi sle, %squeeze3A, %le3A_128 : i32
    %ge3A_130 = arith.constant 8 : i32
    %ge3A_131 = arith.cmpi sge, %squeeze3A_66, %ge3A_130 : i32
    %and3A_132 = arith.andi %le3A_129, %ge3A_131 : i1
    %convert_element_type3A_133 = arith.extui %and3A_132 : i1 to i32
    %cond3A_134 = arith.constant 0 : i32
    %cond3A_135 = arith.cmpi ne, %convert_element_type3A_133, %cond3A_134 : i32
    scf.if %cond3A_135 {
      %eq3A_197 = arith.constant 8 : i32
      %eq3A_198 = vector.broadcast %eq3A_197 : i32 to vector<1024x1xi32>
      %eq3A_199 = arith.cmpi eq, %get3A_42, %eq3A_198 : vector<1024x1xi32>
      %jit3A_200 = arith.constant 0xFF800000 : f32
      %broadcast_in_dim3A_201 = vector.shape_cast %eq3A_199 : vector<1024x1xi1> to vector<1024x1xi1>
      %broadcast_in_dim3A_202 = vector.broadcast %broadcast_in_dim3A_201 : vector<1024x1xi1> to vector<1024x128xi1>
      %broadcast_in_dim3A_203 = vector.broadcast %jit3A_200 : f32 to vector<1024x128xf32>
      %select_n3A_204 = arith.select %broadcast_in_dim3A_202, %max3A_39, %broadcast_in_dim3A_203 : vector<1024x128xi1>, vector<1024x128xf32>
      %reduce_max3A = arith.constant dense<0xFF800000> : vector<128xf32>
      %reduce_max3A_205 = vector.multi_reduction <maximumf>, %select_n3A_204, %reduce_max3A [0] : vector<1024x128xf32> to vector<128xf32>
      %broadcast_in_dim3A_206 = vector.shape_cast %reduce_max3A_205 : vector<128xf32> to vector<1x128xf32>
      %get3A_207 = arith.constant 8 : index
      %get3A_208 = arith.constant 0 : index
      %get3A_209 = vector.load %arg10[%get3A_207, %get3A_208] : memref<16x128xf32, #tpu.memory_space<vmem>>, vector<1x128xf32>
      %max3A_210 = arith.maximumf %get3A_209, %broadcast_in_dim3A_206 : vector<1x128xf32>
      %swap3A_211 = arith.constant 8 : index
      %swap3A_212 = arith.constant 0 : index
      %swap3A_213 = vector.load %arg10[%swap3A_211, %swap3A_212] : memref<16x128xf32, #tpu.memory_space<vmem>>, vector<1x128xf32>
      tpu.vector_store %arg10[%swap3A_211, %swap3A_212], %max3A_210 {strides = array<i32>} : memref<16x128xf32, #tpu.memory_space<vmem>>, vector<1x128xf32>,
    } else {
    }
    %le3A_136 = arith.constant 9 : i32
    %le3A_137 = arith.cmpi sle, %squeeze3A, %le3A_136 : i32
    %ge3A_138 = arith.constant 9 : i32
    %ge3A_139 = arith.cmpi sge, %squeeze3A_66, %ge3A_138 : i32
    %and3A_140 = arith.andi %le3A_137, %ge3A_139 : i1
    %convert_element_type3A_141 = arith.extui %and3A_140 : i1 to i32
    %cond3A_142 = arith.constant 0 : i32
    %cond3A_143 = arith.cmpi ne, %convert_element_type3A_141, %cond3A_142 : i32
    scf.if %cond3A_143 {
      %eq3A_197 = arith.constant 9 : i32
      %eq3A_198 = vector.broadcast %eq3A_197 : i32 to vector<1024x1xi32>
      %eq3A_199 = arith.cmpi eq, %get3A_42, %eq3A_198 : vector<1024x1xi32>
      %jit3A_200 = arith.constant 0xFF800000 : f32
      %broadcast_in_dim3A_201 = vector.shape_cast %eq3A_199 : vector<1024x1xi1> to vector<1024x1xi1>
      %broadcast_in_dim3A_202 = vector.broadcast %broadcast_in_dim3A_201 : vector<1024x1xi1> to vector<1024x128xi1>
      %broadcast_in_dim3A_203 = vector.broadcast %jit3A_200 : f32 to vector<1024x128xf32>
      %select_n3A_204 = arith.select %broadcast_in_dim3A_202, %max3A_39, %broadcast_in_dim3A_203 : vector<1024x128xi1>, vector<1024x128xf32>
      %reduce_max3A = arith.constant dense<0xFF800000> : vector<128xf32>
      %reduce_max3A_205 = vector.multi_reduction <maximumf>, %select_n3A_204, %reduce_max3A [0] : vector<1024x128xf32> to vector<128xf32>
      %broadcast_in_dim3A_206 = vector.shape_cast %reduce_max3A_205 : vector<128xf32> to vector<1x128xf32>
      %get3A_207 = arith.constant 9 : index
      %get3A_208 = arith.constant 0 : index
      %get3A_209 = vector.load %arg10[%get3A_207, %get3A_208] : memref<16x128xf32, #tpu.memory_space<vmem>>, vector<1x128xf32>
      %max3A_210 = arith.maximumf %get3A_209, %broadcast_in_dim3A_206 : vector<1x128xf32>
      %swap3A_211 = arith.constant 9 : index
      %swap3A_212 = arith.constant 0 : index
      %swap3A_213 = vector.load %arg10[%swap3A_211, %swap3A_212] : memref<16x128xf32, #tpu.memory_space<vmem>>, vector<1x128xf32>
      tpu.vector_store %arg10[%swap3A_211, %swap3A_212], %max3A_210 {strides = array<i32>} : memref<16x128xf32, #tpu.memory_space<vmem>>, vector<1x128xf32>,
    } else {
    }
    %le3A_144 = arith.constant 10 : i32
    %le3A_145 = arith.cmpi sle, %squeeze3A, %le3A_144 : i32
    %ge3A_146 = arith.constant 10 : i32
    %ge3A_147 = arith.cmpi sge, %squeeze3A_66, %ge3A_146 : i32
    %and3A_148 = arith.andi %le3A_145, %ge3A_147 : i1
    %convert_element_type3A_149 = arith.extui %and3A_148 : i1 to i32
    %cond3A_150 = arith.constant 0 : i32
    %cond3A_151 = arith.cmpi ne, %convert_element_type3A_149, %cond3A_150 : i32
    scf.if %cond3A_151 {
      %eq3A_197 = arith.constant 10 : i32
      %eq3A_198 = vector.broadcast %eq3A_197 : i32 to vector<1024x1xi32>
      %eq3A_199 = arith.cmpi eq, %get3A_42, %eq3A_198 : vector<1024x1xi32>
      %jit3A_200 = arith.constant 0xFF800000 : f32
      %broadcast_in_dim3A_201 = vector.shape_cast %eq3A_199 : vector<1024x1xi1> to vector<1024x1xi1>
      %broadcast_in_dim3A_202 = vector.broadcast %broadcast_in_dim3A_201 : vector<1024x1xi1> to vector<1024x128xi1>
      %broadcast_in_dim3A_203 = vector.broadcast %jit3A_200 : f32 to vector<1024x128xf32>
      %select_n3A_204 = arith.select %broadcast_in_dim3A_202, %max3A_39, %broadcast_in_dim3A_203 : vector<1024x128xi1>, vector<1024x128xf32>
      %reduce_max3A = arith.constant dense<0xFF800000> : vector<128xf32>
      %reduce_max3A_205 = vector.multi_reduction <maximumf>, %select_n3A_204, %reduce_max3A [0] : vector<1024x128xf32> to vector<128xf32>
      %broadcast_in_dim3A_206 = vector.shape_cast %reduce_max3A_205 : vector<128xf32> to vector<1x128xf32>
      %get3A_207 = arith.constant 10 : index
      %get3A_208 = arith.constant 0 : index
      %get3A_209 = vector.load %arg10[%get3A_207, %get3A_208] : memref<16x128xf32, #tpu.memory_space<vmem>>, vector<1x128xf32>
      %max3A_210 = arith.maximumf %get3A_209, %broadcast_in_dim3A_206 : vector<1x128xf32>
      %swap3A_211 = arith.constant 10 : index
      %swap3A_212 = arith.constant 0 : index
      %swap3A_213 = vector.load %arg10[%swap3A_211, %swap3A_212] : memref<16x128xf32, #tpu.memory_space<vmem>>, vector<1x128xf32>
      tpu.vector_store %arg10[%swap3A_211, %swap3A_212], %max3A_210 {strides = array<i32>} : memref<16x128xf32, #tpu.memory_space<vmem>>, vector<1x128xf32>,
    } else {
    }
    %le3A_152 = arith.constant 11 : i32
    %le3A_153 = arith.cmpi sle, %squeeze3A, %le3A_152 : i32
    %ge3A_154 = arith.constant 11 : i32
    %ge3A_155 = arith.cmpi sge, %squeeze3A_66, %ge3A_154 : i32
    %and3A_156 = arith.andi %le3A_153, %ge3A_155 : i1
    %convert_element_type3A_157 = arith.extui %and3A_156 : i1 to i32
    %cond3A_158 = arith.constant 0 : i32
    %cond3A_159 = arith.cmpi ne, %convert_element_type3A_157, %cond3A_158 : i32
    scf.if %cond3A_159 {
      %eq3A_197 = arith.constant 11 : i32
      %eq3A_198 = vector.broadcast %eq3A_197 : i32 to vector<1024x1xi32>
      %eq3A_199 = arith.cmpi eq, %get3A_42, %eq3A_198 : vector<1024x1xi32>
      %jit3A_200 = arith.constant 0xFF800000 : f32
      %broadcast_in_dim3A_201 = vector.shape_cast %eq3A_199 : vector<1024x1xi1> to vector<1024x1xi1>
      %broadcast_in_dim3A_202 = vector.broadcast %broadcast_in_dim3A_201 : vector<1024x1xi1> to vector<1024x128xi1>
      %broadcast_in_dim3A_203 = vector.broadcast %jit3A_200 : f32 to vector<1024x128xf32>
      %select_n3A_204 = arith.select %broadcast_in_dim3A_202, %max3A_39, %broadcast_in_dim3A_203 : vector<1024x128xi1>, vector<1024x128xf32>
      %reduce_max3A = arith.constant dense<0xFF800000> : vector<128xf32>
      %reduce_max3A_205 = vector.multi_reduction <maximumf>, %select_n3A_204, %reduce_max3A [0] : vector<1024x128xf32> to vector<128xf32>
      %broadcast_in_dim3A_206 = vector.shape_cast %reduce_max3A_205 : vector<128xf32> to vector<1x128xf32>
      %get3A_207 = arith.constant 11 : index
      %get3A_208 = arith.constant 0 : index
      %get3A_209 = vector.load %arg10[%get3A_207, %get3A_208] : memref<16x128xf32, #tpu.memory_space<vmem>>, vector<1x128xf32>
      %max3A_210 = arith.maximumf %get3A_209, %broadcast_in_dim3A_206 : vector<1x128xf32>
      %swap3A_211 = arith.constant 11 : index
      %swap3A_212 = arith.constant 0 : index
      %swap3A_213 = vector.load %arg10[%swap3A_211, %swap3A_212] : memref<16x128xf32, #tpu.memory_space<vmem>>, vector<1x128xf32>
      tpu.vector_store %arg10[%swap3A_211, %swap3A_212], %max3A_210 {strides = array<i32>} : memref<16x128xf32, #tpu.memory_space<vmem>>, vector<1x128xf32>,
    } else {
    }
    %le3A_160 = arith.constant 12 : i32
    %le3A_161 = arith.cmpi sle, %squeeze3A, %le3A_160 : i32
    %ge3A_162 = arith.constant 12 : i32
    %ge3A_163 = arith.cmpi sge, %squeeze3A_66, %ge3A_162 : i32
    %and3A_164 = arith.andi %le3A_161, %ge3A_163 : i1
    %convert_element_type3A_165 = arith.extui %and3A_164 : i1 to i32
    %cond3A_166 = arith.constant 0 : i32
    %cond3A_167 = arith.cmpi ne, %convert_element_type3A_165, %cond3A_166 : i32
    scf.if %cond3A_167 {
      %eq3A_197 = arith.constant 12 : i32
      %eq3A_198 = vector.broadcast %eq3A_197 : i32 to vector<1024x1xi32>
      %eq3A_199 = arith.cmpi eq, %get3A_42, %eq3A_198 : vector<1024x1xi32>
      %jit3A_200 = arith.constant 0xFF800000 : f32
      %broadcast_in_dim3A_201 = vector.shape_cast %eq3A_199 : vector<1024x1xi1> to vector<1024x1xi1>
      %broadcast_in_dim3A_202 = vector.broadcast %broadcast_in_dim3A_201 : vector<1024x1xi1> to vector<1024x128xi1>
      %broadcast_in_dim3A_203 = vector.broadcast %jit3A_200 : f32 to vector<1024x128xf32>
      %select_n3A_204 = arith.select %broadcast_in_dim3A_202, %max3A_39, %broadcast_in_dim3A_203 : vector<1024x128xi1>, vector<1024x128xf32>
      %reduce_max3A = arith.constant dense<0xFF800000> : vector<128xf32>
      %reduce_max3A_205 = vector.multi_reduction <maximumf>, %select_n3A_204, %reduce_max3A [0] : vector<1024x128xf32> to vector<128xf32>
      %broadcast_in_dim3A_206 = vector.shape_cast %reduce_max3A_205 : vector<128xf32> to vector<1x128xf32>
      %get3A_207 = arith.constant 12 : index
      %get3A_208 = arith.constant 0 : index
      %get3A_209 = vector.load %arg10[%get3A_207, %get3A_208] : memref<16x128xf32, #tpu.memory_space<vmem>>, vector<1x128xf32>
      %max3A_210 = arith.maximumf %get3A_209, %broadcast_in_dim3A_206 : vector<1x128xf32>
      %swap3A_211 = arith.constant 12 : index
      %swap3A_212 = arith.constant 0 : index
      %swap3A_213 = vector.load %arg10[%swap3A_211, %swap3A_212] : memref<16x128xf32, #tpu.memory_space<vmem>>, vector<1x128xf32>
      tpu.vector_store %arg10[%swap3A_211, %swap3A_212], %max3A_210 {strides = array<i32>} : memref<16x128xf32, #tpu.memory_space<vmem>>, vector<1x128xf32>,
    } else {
    }
    %le3A_168 = arith.constant 13 : i32
    %le3A_169 = arith.cmpi sle, %squeeze3A, %le3A_168 : i32
    %ge3A_170 = arith.constant 13 : i32
    %ge3A_171 = arith.cmpi sge, %squeeze3A_66, %ge3A_170 : i32
    %and3A_172 = arith.andi %le3A_169, %ge3A_171 : i1
    %convert_element_type3A_173 = arith.extui %and3A_172 : i1 to i32
    %cond3A_174 = arith.constant 0 : i32
    %cond3A_175 = arith.cmpi ne, %convert_element_type3A_173, %cond3A_174 : i32
    scf.if %cond3A_175 {
      %eq3A_197 = arith.constant 13 : i32
      %eq3A_198 = vector.broadcast %eq3A_197 : i32 to vector<1024x1xi32>
      %eq3A_199 = arith.cmpi eq, %get3A_42, %eq3A_198 : vector<1024x1xi32>
      %jit3A_200 = arith.constant 0xFF800000 : f32
      %broadcast_in_dim3A_201 = vector.shape_cast %eq3A_199 : vector<1024x1xi1> to vector<1024x1xi1>
      %broadcast_in_dim3A_202 = vector.broadcast %broadcast_in_dim3A_201 : vector<1024x1xi1> to vector<1024x128xi1>
      %broadcast_in_dim3A_203 = vector.broadcast %jit3A_200 : f32 to vector<1024x128xf32>
      %select_n3A_204 = arith.select %broadcast_in_dim3A_202, %max3A_39, %broadcast_in_dim3A_203 : vector<1024x128xi1>, vector<1024x128xf32>
      %reduce_max3A = arith.constant dense<0xFF800000> : vector<128xf32>
      %reduce_max3A_205 = vector.multi_reduction <maximumf>, %select_n3A_204, %reduce_max3A [0] : vector<1024x128xf32> to vector<128xf32>
      %broadcast_in_dim3A_206 = vector.shape_cast %reduce_max3A_205 : vector<128xf32> to vector<1x128xf32>
      %get3A_207 = arith.constant 13 : index
      %get3A_208 = arith.constant 0 : index
      %get3A_209 = vector.load %arg10[%get3A_207, %get3A_208] : memref<16x128xf32, #tpu.memory_space<vmem>>, vector<1x128xf32>
      %max3A_210 = arith.maximumf %get3A_209, %broadcast_in_dim3A_206 : vector<1x128xf32>
      %swap3A_211 = arith.constant 13 : index
      %swap3A_212 = arith.constant 0 : index
      %swap3A_213 = vector.load %arg10[%swap3A_211, %swap3A_212] : memref<16x128xf32, #tpu.memory_space<vmem>>, vector<1x128xf32>
      tpu.vector_store %arg10[%swap3A_211, %swap3A_212], %max3A_210 {strides = array<i32>} : memref<16x128xf32, #tpu.memory_space<vmem>>, vector<1x128xf32>,
    } else {
    }
    %le3A_176 = arith.constant 14 : i32
    %le3A_177 = arith.cmpi sle, %squeeze3A, %le3A_176 : i32
    %ge3A_178 = arith.constant 14 : i32
    %ge3A_179 = arith.cmpi sge, %squeeze3A_66, %ge3A_178 : i32
    %and3A_180 = arith.andi %le3A_177, %ge3A_179 : i1
    %convert_element_type3A_181 = arith.extui %and3A_180 : i1 to i32
    %cond3A_182 = arith.constant 0 : i32
    %cond3A_183 = arith.cmpi ne, %convert_element_type3A_181, %cond3A_182 : i32
    scf.if %cond3A_183 {
      %eq3A_197 = arith.constant 14 : i32
      %eq3A_198 = vector.broadcast %eq3A_197 : i32 to vector<1024x1xi32>
      %eq3A_199 = arith.cmpi eq, %get3A_42, %eq3A_198 : vector<1024x1xi32>
      %jit3A_200 = arith.constant 0xFF800000 : f32
      %broadcast_in_dim3A_201 = vector.shape_cast %eq3A_199 : vector<1024x1xi1> to vector<1024x1xi1>
      %broadcast_in_dim3A_202 = vector.broadcast %broadcast_in_dim3A_201 : vector<1024x1xi1> to vector<1024x128xi1>
      %broadcast_in_dim3A_203 = vector.broadcast %jit3A_200 : f32 to vector<1024x128xf32>
      %select_n3A_204 = arith.select %broadcast_in_dim3A_202, %max3A_39, %broadcast_in_dim3A_203 : vector<1024x128xi1>, vector<1024x128xf32>
      %reduce_max3A = arith.constant dense<0xFF800000> : vector<128xf32>
      %reduce_max3A_205 = vector.multi_reduction <maximumf>, %select_n3A_204, %reduce_max3A [0] : vector<1024x128xf32> to vector<128xf32>
      %broadcast_in_dim3A_206 = vector.shape_cast %reduce_max3A_205 : vector<128xf32> to vector<1x128xf32>
      %get3A_207 = arith.constant 14 : index
      %get3A_208 = arith.constant 0 : index
      %get3A_209 = vector.load %arg10[%get3A_207, %get3A_208] : memref<16x128xf32, #tpu.memory_space<vmem>>, vector<1x128xf32>
      %max3A_210 = arith.maximumf %get3A_209, %broadcast_in_dim3A_206 : vector<1x128xf32>
      %swap3A_211 = arith.constant 14 : index
      %swap3A_212 = arith.constant 0 : index
      %swap3A_213 = vector.load %arg10[%swap3A_211, %swap3A_212] : memref<16x128xf32, #tpu.memory_space<vmem>>, vector<1x128xf32>
      tpu.vector_store %arg10[%swap3A_211, %swap3A_212], %max3A_210 {strides = array<i32>} : memref<16x128xf32, #tpu.memory_space<vmem>>, vector<1x128xf32>,
    } else {
    }
    %le3A_184 = arith.constant 15 : i32
    %le3A_185 = arith.cmpi sle, %squeeze3A, %le3A_184 : i32
    %ge3A_186 = arith.constant 15 : i32
    %ge3A_187 = arith.cmpi sge, %squeeze3A_66, %ge3A_186 : i32
    %and3A_188 = arith.andi %le3A_185, %ge3A_187 : i1
    %convert_element_type3A_189 = arith.extui %and3A_188 : i1 to i32
    %cond3A_190 = arith.constant 0 : i32
    %cond3A_191 = arith.cmpi ne, %convert_element_type3A_189, %cond3A_190 : i32
    scf.if %cond3A_191 {
      %eq3A_197 = arith.constant 15 : i32
      %eq3A_198 = vector.broadcast %eq3A_197 : i32 to vector<1024x1xi32>
      %eq3A_199 = arith.cmpi eq, %get3A_42, %eq3A_198 : vector<1024x1xi32>
      %jit3A_200 = arith.constant 0xFF800000 : f32
      %broadcast_in_dim3A_201 = vector.shape_cast %eq3A_199 : vector<1024x1xi1> to vector<1024x1xi1>
      %broadcast_in_dim3A_202 = vector.broadcast %broadcast_in_dim3A_201 : vector<1024x1xi1> to vector<1024x128xi1>
      %broadcast_in_dim3A_203 = vector.broadcast %jit3A_200 : f32 to vector<1024x128xf32>
      %select_n3A_204 = arith.select %broadcast_in_dim3A_202, %max3A_39, %broadcast_in_dim3A_203 : vector<1024x128xi1>, vector<1024x128xf32>
      %reduce_max3A = arith.constant dense<0xFF800000> : vector<128xf32>
      %reduce_max3A_205 = vector.multi_reduction <maximumf>, %select_n3A_204, %reduce_max3A [0] : vector<1024x128xf32> to vector<128xf32>
      %broadcast_in_dim3A_206 = vector.shape_cast %reduce_max3A_205 : vector<128xf32> to vector<1x128xf32>
      %get3A_207 = arith.constant 15 : index
      %get3A_208 = arith.constant 0 : index
      %get3A_209 = vector.load %arg10[%get3A_207, %get3A_208] : memref<16x128xf32, #tpu.memory_space<vmem>>, vector<1x128xf32>
      %max3A_210 = arith.maximumf %get3A_209, %broadcast_in_dim3A_206 : vector<1x128xf32>
      %swap3A_211 = arith.constant 15 : index
      %swap3A_212 = arith.constant 0 : index
      %swap3A_213 = vector.load %arg10[%swap3A_211, %swap3A_212] : memref<16x128xf32, #tpu.memory_space<vmem>>, vector<1x128xf32>
      tpu.vector_store %arg10[%swap3A_211, %swap3A_212], %max3A_210 {strides = array<i32>} : memref<16x128xf32, #tpu.memory_space<vmem>>, vector<1x128xf32>,
    } else {
    }
    %eq3A_192 = arith.constant 9 : i32
    %eq3A_193 = arith.cmpi eq, %arg0, %eq3A_192 : i32
    %convert_element_type3A_194 = arith.extui %eq3A_193 : i1 to i32
    %cond3A_195 = arith.constant 0 : i32
    %cond3A_196 = arith.cmpi ne, %convert_element_type3A_194, %cond3A_195 : i32
    scf.if %cond3A_196 {
      %get3A_197 = arith.constant 0 : index
      %get3A_198 = arith.constant 0 : index
      %get3A_199 = vector.load %arg9[%get3A_197, %get3A_198] : memref<16x128xf32, #tpu.memory_space<vmem>>, vector<16x128xf32>
      %get3A_200 = arith.constant 0 : index
      %get3A_201 = arith.constant 0 : index
      %get3A_202 = vector.load %arg11[%get3A_200, %get3A_201] : memref<16x128xf32, #tpu.memory_space<vmem>>, vector<16x128xf32>
      %max3A_203 = arith.constant 1.000000e+00 : f32
      %max3A_204 = vector.broadcast %max3A_203 : f32 to vector<16x128xf32>
      %max3A_205 = arith.maximumf %get3A_202, %max3A_204 : vector<16x128xf32>
      %div3A_206 = arith.divf %get3A_199, %max3A_205 : vector<16x128xf32>
      %get3A_207 = arith.constant 0 : index
      %get3A_208 = arith.constant 0 : index
      %get3A_209 = vector.load %arg10[%get3A_207, %get3A_208] : memref<16x128xf32, #tpu.memory_space<vmem>>, vector<16x128xf32>
      %concatenate3A = tpu.concatenate %div3A_206, %get3A_209, %get3A_199 in 1 : vector<16x128xf32>, vector<16x128xf32>, vector<16x128xf32> -> vector<16x384xf32>
      %get3A_210 = arith.constant 0 : index
      %get3A_211 = arith.constant 0 : index
      %get3A_212 = vector.load %arg6[%get3A_210, %get3A_211] : memref<384x64xf32, #tpu.memory_space<vmem>>, vector<384x64xf32>
      %dot_general3A_213 = arith.constant dense<0.000000e+00> : vector<16x64xf32>
      %dot_general3A_214 = tpu.matmul %concatenate3A, %get3A_212, %dot_general3A_213 {dimension_numbers = #tpu.dot_dimension_numbers<[1], [0], [0], [1], [0, 0, 1, 1], [], []>, transpose_lhs_hint = false} : vector<16x384xf32>, vector<384x64xf32>, vector<16x64xf32> -> vector<16x64xf32>
      %get3A_215 = arith.constant 0 : index
      %get3A_216 = arith.constant 0 : index
      %get3A_217 = vector.load %arg7[%get3A_215, %get3A_216] : memref<1x64xf32, #tpu.memory_space<vmem>>, vector<1x64xf32>
      %add3A_218 = vector.broadcast %get3A_217 : vector<1x64xf32> to vector<16x64xf32>
      %add3A_219 = arith.addf %dot_general3A_214, %add3A_218 : vector<16x64xf32>
      %swap3A_220 = arith.constant 0 : index
      %swap3A_221 = arith.constant 0 : index
      %swap3A_222 = vector.load %arg8[%swap3A_220, %swap3A_221] : memref<16x64xf32, #tpu.memory_space<vmem>>, vector<16x64xf32>
      tpu.vector_store %arg8[%swap3A_220, %swap3A_221], %add3A_219 {strides = array<i32>} : memref<16x64xf32, #tpu.memory_space<vmem>>, vector<16x64xf32>,
    } else {
    }
    return
  }
  func.func @transform_0(%arg0: i32) -> (i32, i32, i32) {
    %c0_i32 = arith.constant 0 : i32
    %c0_i32_0 = arith.constant 0 : i32
    %c0_i32_1 = arith.constant 0 : i32
    return %c0_i32, %arg0, %c0_i32_0 : i32, i32, i32
  }
  func.func @transform_1(%arg0: i32) -> (i32, i32, i32, i32) {
    %c0_i32 = arith.constant 0 : i32
    %c0_i32_0 = arith.constant 0 : i32
    %c0_i32_1 = arith.constant 0 : i32
    %c0_i32_2 = arith.constant 0 : i32
    return %c0_i32, %c0_i32_0, %arg0, %c0_i32_1 : i32, i32, i32, i32
  }
  func.func @transform_2(%arg0: i32) -> (i32, i32) {
    %c0_i32 = arith.constant 0 : i32
    %c0_i32_0 = arith.constant 0 : i32
    %c0_i32_1 = arith.constant 0 : i32
    return %c0_i32, %c0_i32_0 : i32, i32
  }
  func.func @transform_3(%arg0: i32) -> (i32, i32) {
    %c0_i32 = arith.constant 0 : i32
    %c0_i32_0 = arith.constant 0 : i32
    return %arg0, %c0_i32 : i32, i32
  }
  func.func @transform_4(%arg0: i32) -> (i32, i32) {
    %c0_i32 = arith.constant 0 : i32
    %c0_i32_0 = arith.constant 0 : i32
    return %arg0, %c0_i32 : i32, i32
  }
  func.func @transform_5(%arg0: i32) -> (i32, i32) {
    %c0_i32 = arith.constant 0 : i32
    %c0_i32_0 = arith.constant 0 : i32
    %c0_i32_1 = arith.constant 0 : i32
    return %c0_i32, %c0_i32_0 : i32, i32
  }
  func.func @transform_6(%arg0: i32) -> (i32, i32) {
    %c0_i32 = arith.constant 0 : i32
    %c0_i32_0 = arith.constant 0 : i32
    %c0_i32_1 = arith.constant 0 : i32
    return %c0_i32, %c0_i32_0 : i32, i32
  }
  func.func @transform_7(%arg0: i32) -> (i32, i32) {
    %c0_i32 = arith.constant 0 : i32
    %c0_i32_0 = arith.constant 0 : i32
    %c0_i32_1 = arith.constant 0 : i32
    return %c0_i32, %c0_i32_0 : i32, i32
  }
}

</mosaic_0001>

<sc_bundles>
// kernel: kernel.12.cloned.1.call-start
scs
__scs_entry_jumppad:
0x0: {  	(pc) =	sbr.rel $0x88, $3  }
0x1: {  	(tag) =	ssettag $0x0;
	lr =	simm.s32 $0x1  }
0x2: {  	[smem:$0x3F98] =	sst lr;
	_ =	strace $0xD0000000  }
0x3: {  	_ = 	snop  }
0x4: {  	_ = 	snop  }
0x5: {  	_ = 	snop  }
0x6: {  	_ = 	snop  }
0x7: {  	_ = 	snop  }
__scs_overlays_trampoline_lowered:
0x8: {  	[smem:$0x3FA7] =	sst s0  }
0x9: {  	[smem:$0x3FA8] =	sst s1  }
0xa: {  	[smem:$0x3FA9] =	sst s2  }
0xb: {  	[smem:$0x3FAA] =	sst s3  }
0xc: {  	[smem:$0x3FAB] =	sst s4  }
0xd: {  	[smem:$0x3FAC] =	sst s5  }
0xe: {  	[smem:$0x3FAD] =	sst s6  }
0xf: {  	[smem:$0x3FAE] =	sst s7  }
0x10: {  	[smem:$0x3FAF] =	sst s8  }
0x11: {  	[smem:$0x3FB0] =	sst s9;
	s0 =	simm.s32 @!p0 $0x0  }
0x12: {  	s1 =	sld [smem:$0x3F96];
	s0 =	simm.s32 @p0 $0x1  }
0x13: {  	[smem:$0x3FB1] =	sst s0;
	s0 =	simm.s32 @!p1 $0x0  }
0x14: {  	s2 =	sld [smem:$0x3F95];
	s0 =	simm.s32 @p1 $0x1  }
0x15: {  	[smem:$0x3FB2] =	sst s0;
	s0 =	simm.s32 @!p2 $0x0  }
0x16: {  	s3 =	sld [smem:$0x3FDB];
	s0 =	simm.s32 @p2 $0x1  }
0x17: {  	s4 =	simm.s32 $0x1BF5;
	[smem:$0x3FB4] =	sst s0  }
0x18: {  	s0 =	sld [smem:$0x3F97];
	_ =	swait.ge [sflag:s4], $0x0  }
0x19: {  	s7 =	sld [smem:$0x3F98]  }
0x1a: {  	s8 =	sadd.s32 $0xFFFFE003, lr  }
0x1b: {  	s9 =	sadd.s32 $0xFFFFFEF7, lr;
	s5 =	simm.s32 $0xFFFFFFFF;
	p2 =	slt.u32 s8, $0xFFFFF086  }
0x1c: {  	p1 =	slt.u32 s9, $0xF7A;
	s5 =	simm.s32 @!p2 $0x0  }
0x1d: {  	s5 =	simm.s32 @p1 $0x1;
	p0 =	seq.s32 s7, s2  }
0x1e: {  	s7 =	smul.u32 @!p0 $0xF7A, s2;
	p2 =	seq.s32 @!p0 s5, $0x0  }
0x1f: {  	s9 =	smul.u32 $0xF7A, s1;
	s8 =	simm.s32 @!p0 $0x1BF5;
	p2 =	por !p2, p0  }
0x20: {  	[sflag:s8] =	ssyncset.s32 @!p0 $0xFFFFF086;
	s6 =	sadd.s32 @!p0 s3, s7;
	s7 =	simm.s32 @!p0 $0x108  }
0x21: {  	s3 =	sadd.s32 s3, s9;
	s6 =	sadd.s32 @!p0 $0x88, s6;
	s7 =	simm.s32 @p2 $0x1082  }
0x22: {  	[simem:s7], [sflag:s8] =	dma.local @!p0 [hbm:s6], $0xF7A  }
0x23: {  	s9 =	sor.u32 $0xD0000000, s2;
	s6 =	simm.s32 $0x108;
	_ =	swait.ge @!p0 [sflag:s8], $0x0  }
0x24: {  	s3 =	sadd.s32 $0x88, s3;
	s6 =	simm.s32 @!p1 $0x1082;
	[sflag:s4] =	ssyncset.s32 $0xFFFFF086  }
0x25: {  	[simem:s6], [sflag:s4] =	dma.local [hbm:s3], $0xF7A  }
0x26: {  	[smem:$0x3F98] =	sst s1;
	(tag) =	ssettag s2;
	_ =	strace s9  }
0x27: {  	s1 =	sld [smem:$0x3FA8]  }
0x28: {  	s2 =	sld [smem:$0x3FA9]  }
0x29: {  	s4 =	sld [smem:$0x3FAB]  }
0x2a: {  	p0 =	seq.s32 s5, $0x0;
	s5 =	sld [smem:$0x3FAC]  }
0x2b: {  	s6 =	sld [smem:$0x3FAD]  }
0x2c: {  	s7 =	sld [smem:$0x3FAE]  }
0x2d: {  	s3 =	simm.s32 $0x108;
	s8 =	sld [smem:$0x3FAF]  }
0x2e: {  	s3 =	simm.s32 @!p0 $0x1082;
	s9 =	sld [smem:$0x3FB0]  }
0x2f: {  	lr =	sadd.s32 s0, s3;
	s0 =	sld [smem:$0x3FA7]  }
0x30: {  	s3 =	sld [smem:$0x3FAA]  }
0x31: {  	[smem:$0x3FB3] =	sst s10  }
0x32: {  	s10 =	sld [smem:$0x3FB1];
	_ =	sdelay $0x3  }
0x33: {  	p0 =	seq.s32 s10, $0x1;
	s10 =	sld [smem:$0x3FB3];
	_ =	sdelay $0x3  }
0x34: {  	[smem:$0x3FB3] =	sst s10  }
0x35: {  	s10 =	sld [smem:$0x3FB2];
	_ =	sdelay $0x3  }
0x36: {  	p1 =	seq.s32 s10, $0x1;
	s10 =	sld [smem:$0x3FB3];
	_ =	sdelay $0x3  }
0x37: {  	[smem:$0x3FB3] =	sst s10  }
0x38: {  	s10 =	sld [smem:$0x3FB4]  }
0x39: {  	_ = 	snop;
	(pc) =	sbr.ind lr, $3  }
0x3a: {  	_ = 	snop  }
0x3b: {  	_ = 	snop  }
0x3c: {  	p2 =	seq.s32 s10, $0x1;
	s10 =	sld [smem:$0x3FB3]  }
0x3d: {  	_ =	shalt  }
0x3e: {  	_ =	shalt  }
0x3f: {  	_ =	shalt  }
0x40: {  	_ =	shalt  }
0x41: {  	_ =	shalt  }
0x42: {  	_ =	shalt  }
0x43: {  	_ =	shalt  }
0x44: {  	_ =	shalt  }
0x45: {  	_ =	shalt  }
0x46: {  	_ =	shalt  }
0x47: {  	_ =	shalt  }
0x48: {  	_ =	shalt  }
0x49: {  	_ =	shalt  }
0x4a: {  	_ =	shalt  }
0x4b: {  	_ =	shalt  }
0x4c: {  	_ =	shalt  }
0x4d: {  	_ =	shalt  }
0x4e: {  	_ =	shalt  }
0x4f: {  	_ =	shalt  }
0x50: {  	_ =	shalt  }
0x51: {  	_ =	shalt  }
0x52: {  	_ =	shalt  }
0x53: {  	_ =	shalt  }
0x54: {  	_ =	shalt  }
0x55: {  	_ =	shalt  }
0x56: {  	_ =	shalt  }
0x57: {  	_ =	shalt  }
0x58: {  	_ =	shalt  }
0x59: {  	_ =	shalt  }
0x5a: {  	_ =	shalt  }
0x5b: {  	_ =	shalt  }
0x5c: {  	_ =	shalt  }
0x5d: {  	_ =	shalt  }
0x5e: {  	_ =	shalt  }
0x5f: {  	_ =	shalt  }
0x60: {  	_ =	shalt  }
0x61: {  	_ =	shalt  }
0x62: {  	_ =	shalt  }
0x63: {  	_ =	shalt  }
0x64: {  	_ =	shalt  }
0x65: {  	_ =	shalt  }
0x66: {  	_ =	shalt  }
0x67: {  	_ =	shalt  }
0x68: {  	_ =	shalt  }
0x69: {  	_ =	shalt  }
0x6a: {  	_ =	shalt  }
0x6b: {  	_ =	shalt  }
0x6c: {  	_ =	shalt  }
0x6d: {  	_ =	shalt  }
0x6e: {  	_ =	shalt  }
0x6f: {  	_ =	shalt  }
0x70: {  	_ =	shalt  }
0x71: {  	_ =	shalt  }
0x72: {  	_ =	shalt  }
0x73: {  	_ =	shalt  }
0x74: {  	_ =	shalt  }
0x75: {  	_ =	shalt  }
0x76: {  	_ =	shalt  }
0x77: {  	_ =	shalt  }
0x78: {  	_ =	shalt  }
0x79: {  	_ =	shalt  }
0x7a: {  	_ =	shalt  }
0x7b: {  	_ =	shalt  }
0x7c: {  	_ =	shalt  }
0x7d: {  	_ =	shalt  }
0x7e: {  	_ =	shalt  }
0x7f: {  	_ =	shalt  }
0x80: {  	_ =	shalt  }
0x81: {  	_ =	shalt  }
0x82: {  	_ =	shalt  }
0x83: {  	_ =	shalt  }
0x84: {  	_ =	shalt  }
0x85: {  	_ =	shalt  }
0x86: {  	_ =	shalt  }
0x87: {  	_ =	shalt  }
.Lfunc_end0:
.L_simem_size_0:
called_computation_lowered:
.L_overlay_start_0:
0x88: {  	s2 =	sld [smem:$0x3FD9]  }
0x89: {  	s3 =	sld [smem:$0x3FFE];
	_ =	sdelay $0x1  }
0x8a: {  	s1 =	srdreg.scid  }
0x8b: {  	s0 =	sand.u32 $0x1, s1  }
0x8c: {  	s17 =	sshll.u32 s0, $0xA;
	s2 =	sadd.s32 s3, s2  }
0x8d: {  	s2 =	sadd.s32 s2, s17  }
0x8e: {  	[smem:$0x3FBF] =	sst s2  }
0x8f: {  	_ = 	snop  }
0x90: {  	(tm) =	ssettm $0x1  }
0x91: {  	s18 =	sld [smem:$0x3FFB];
	_ =	sdelay $0x3  }
0x92: {  	_ =	strace s18  }
0x93: {  	s2 =	sld [smem:$0x3FFC];
	_ =	sdelay $0x3  }
0x94: {  	_ =	strace s2  }
0x95: {  	s2 =	sld [smem:$0x3FFD];
	_ =	sdelay $0x3  }
0x96: {  	_ =	strace s2  }
0x97: {  	_ =	strace $0x8FFFFFFF  }
0x98: {  	s19 =	sld [smem:$0x3FDB];
	_ =	sdelay $0x1  }
0x99: {  	s20 =	simm.s32 $_scs_section_size  }
0x9a: {  	s4 =	simm.s32 $_size__tile_overlayer_lowered;
	s5 =	simm.s32 $_tile_overlayer_lowered  }
0x9b: {  	s6 =	simm.s32 $0x1BFF;
	s21 =	sshll.u32 s5, $0x1;
	s3 =	sadd.s32 s20, s19  }
0x9c: {  	s22 =	simm.s32 $0x0;
	s4 =	sshll.u32 s4, $0x1;
	s5 =	sadd.s32 s21, s3  }
0x9d: {  	[timem:s22], [sflag:s6] =	dma.local [hbm:s5], s4  }
0x9e: {  	_ =	swait.ge [sflag:s6], s4  }
0x9f: {  	s4 =	ssub.s32 $0x0, s4;
	[sflag:s6] =	ssyncset.done $0x0  }
0xa0: {  	[sflag:s6] =	ssyncadd.s32 s4;
	_ =	sdelay $0x1  }
0xa1: {  	s23 =	simm.s32 $0x1B8B  }
0xa2: {  	_ =	swait.ge [sflag:s23], $0x1  }
0xa3: {  	[sflag:s23] =	ssyncset.done $0x0  }
0xa4: {  	[sflag:s23] =	ssyncadd.s32 $0xFFFFFFFF  }
0xa5: {  	s4 =	sld [smem:$0x0]  }
0xa6: {  	s5 =	sand.u32 $0xFFFFFFFE, s1  }
0xa7: {  	p0 =	sne.s32 s1, s5  }
0xa8: {  	s5 =	sshll.u32 @p0 s5, $0xE  }
0xa9: {  	s5 =	sadd.s32 @p0 $0x11B8D, s5;
	s6 =	sshll.u32 @p0 s4, $0x11  }
0xaa: {  	s5 =	sor.u32 @p0 s6, s5  }
0xab: {  	[sflag:s5] =	ssyncadd.remote.s32 @p0 $0x1;
	_ =	sdelay $0x1  }
0xac: {  	s5 =	simm.s32 @p0 $0x1B8D  }
0xad: {  	_ =	swait.eq @p0 [sflag:s5], $0x1  }
0xae: {  	[sflag:s5] =	ssyncadd.s32 @p0 $0xFFFFFFFF  }
0xaf: {  	s6 =	sshll.u32 @!p0 s1, $0xE  }
0xb0: {  	s6 =	sor.u32 @!p0 $0x4000, s6;
	s5 =	simm.s32 @!p0 $0x1B8D  }
0xb1: {  	s4 =	sshll.u32 @!p0 s4, $0x11;
	s6 =	sadd.s32 @!p0 $0x11B8D, s6;
	_ =	swait.eq @!p0 [sflag:s5], $0x1  }
0xb2: {  	s4 =	sor.u32 @!p0 s4, s6;
	[sflag:s5] =	ssyncadd.s32 @!p0 $0xFFFFFFFF  }
0xb3: {  	s25 =	simm.s32 $0x1B8E;
	s24 =	sld [smem:$0x3FFE];
	[sflag:s4] =	ssyncadd.remote.s32 @!p0 $0x1  }
0xb4: {  	s26 =	simm.s32 $execute0_lowered;
	[smem:$0x3FD2] =	sst s25  }
0xb5: {  	s5 =	sshll.u32 s26, $0x1;
	_ =	strace $0x80000049;
	[dreg:$0x1] =	wrdreg $0xFFFFFFFF  }
0xb6: {  	s28 =	simm.s32 $_size_execute0_lowered;
	s3 =	sadd.s32 s3, s5;
	[dreg:$0x0] =	wrdreg $0x0  }
0xb7: {  	s5 =	sshll.u32 s28, $0x1;
	[dreg:$0x2] =	wrdreg s3  }
0xb8: {  	[dreg:$0x3] =	wrdreg s5  }
0xb9: {  	[dreg:$0x4] =	wrdreg $0xC0  }
0xba: {  	_ =	task [dreg:s22], $0x5FFFF  }
0xbb: {  	[dreg:$0x1] =	wrdreg $0xFFFFFFFF  }
0xbc: {  	[dreg:$0x0] =	wrdreg $0x60  }
0xbd: {  	[dreg:$0x2] =	wrdreg s24  }
0xbe: {  	[dreg:$0x3] =	wrdreg $0x9E200  }
0xbf: {  	[dreg:$0x4] =	wrdreg $0x9  }
0xc0: {  	_ =	task.clear_ibuf [dreg:s22], $0x5FFFF;
	_ =	strace $0x90000049  }
0xc1: {  	s29 =	simm.s32 $0x9;
	_ =	strace $0x8000004B  }
0xc2: {  	_ =	swait.ge [sflag:s29], $0x1  }
0xc3: {  	[sflag:s29] =	ssyncadd.s32 $0xFFFFFFFF  }
0xc4: {  	_ =	strace $0x9000004B  }
0xc5: {  	_ =	sfence  }
0xc6: {  	s30 =	sld [smem:$0x0];
	_ =	sdelay $0x2  }
0xc7: {  	s31 =	sshll.u32 s1, $0xD;
	s1 =	sshrl.u32 s1, $0x2  }
0xc8: {  	s4 =	sand.u32 $0x4000, s31;
	s1 =	sadd.s32 s1, s30  }
0xc9: {  	s0 =	sor.u32 s4, s0;
	s1 =	sshll.u32 s1, $0x11  }
0xca: {  	s0 =	sor.u32 s1, s0  }
0xcb: {  	s0 =	sadd.s32 $0x8F2B, s0  }
0xcc: {  	[sflag:s0] =	ssyncadd.remote.s32 $0x1  }
0xcd: {  	_ =	sfence.sel $0xFFFF  }
0xce: {  	[dreg:$0x0] =	wrdreg $0xFFFFFFFF;
	(pc) =	sbr.abs _section_cstart, $3  }
0xcf: {  	[dreg:$0x1] =	wrdreg $0xFFFFFFFF  }
0xd0: {  	_ =	task.clear_ibuf [dreg:s22], $0x2FFFF;
	_ =	strace $0x9FFFFFFF  }
0xd1: {  	(tm) =	ssettm $0x7FFFFFFF  }
tec
execute0_lowered:
.L_overlay_start_1:
0x0: {  	(tag) =	ssettag $0x1  }
0x1: {  	s0 =	rddreg [dreg:$0x0]  }
0x2: {  	s1 =	srdreg.scid;
	s8 =	stileid.u32  }
0x3: {  	s2 =	rddreg [dreg:$0x1];
	s3 =	simm.s32 $0x0;
	s28 =	simm.s32 $0x1  }
0x4: {  	s29 =	simm.s32 $0x2;
	s30 =	simm.s32 $0x50;
	s1 =	sand.u32 $0x1, s1  }
0x5: {  	s4 =	sshll.u32 s8, $0x1;
	[smem:$0x7FF] =	sst s3;
	s14 =	smul.u32 $0x14000, s8  }
0x6: {  	s4 =	sor.u32 s1, s4;
	s6 =	ssub.s32 $0x2, s1;
	s1 =	smul.u32 $0x140000, s1  }
0x7: {  	s31 =	simm.s32 $0x4E20;
	_ =	strace $0x8000004A;
	s5 =	smul.u32 $0x2710, s4  }
0x8: {  	s4 =	sadd.s32 $0x2B600, s0;
	s23 =	sshrl.u32 s6, $0x1;
	s15 =	sor.u32 $0x2800, s14  }
0x9: {  	s17 =	sadd.s32 $0x5000, s14;
	s18 =	sadd.s32 $0x7800, s14;
	s19 =	sadd.s32 $0xA000, s14  }
0xa: {  	s20 =	sadd.s32 $0xC800, s14;
	s21 =	sadd.s32 $0xF000, s14;
	s22 =	sadd.s32 $0x11800, s14  }
0xb: {  	s23 =	ssub.s32 s6, s23;
	s8 =	sadd.s32 s15, s2;
	s9 =	sadd.s32 s17, s2  }
0xc: {  	s10 =	sadd.s32 s18, s2;
	s11 =	sadd.s32 s19, s2;
	s12 =	sadd.s32 s20, s2  }
0xd: {  	s13 =	sadd.s32 s21, s2;
	s16 =	sadd.s32 s14, s1;
	s15 =	sadd.s32 s1, s15  }
0xe: {  	s17 =	sadd.s32 s1, s17;
	s18 =	sadd.s32 s1, s18;
	s19 =	sadd.s32 s1, s19  }
0xf: {  	s20 =	sadd.s32 s1, s20;
	s21 =	sadd.s32 s1, s21;
	s1 =	sadd.s32 s1, s22  }
0x10: {  	s5 =	sshrl.u32 s5, $0x3;
	s16 =	sshrl.u32 s16, $0x3;
	s17 =	sshrl.u32 s17, $0x3  }
0x11: {  	s18 =	sshrl.u32 s18, $0x3;
	s19 =	sshrl.u32 s19, $0x3;
	s20 =	sshrl.u32 s20, $0x3  }
0x12: {  	s21 =	sshrl.u32 s21, $0x3;
	s1 =	sshrl.u32 s1, $0x3;
	s7 =	sadd.s32 s5, s0  }
0x13: {  	s23 =	smax.u32 s23, $0x1;
	s0 =	sadd.s32 $0x53600, s0;
	s24 =	sadd.s32 $0x3C00, s7  }
0x14: {  	s25 =	sadd.s32 $0xD840, s7;
	s7 =	sadd.s32 s14, s2;
	s14 =	sadd.s32 s22, s2  }
0x15: {  	s26 =	sadd.s32 s0, s16;
	s17 =	sadd.s32 s0, s17;
	s18 =	sadd.s32 s0, s18  }
0x16: {  	s19 =	sadd.s32 s0, s19;
	s20 =	sadd.s32 s0, s20;
	[dreg:$0x3] =	wrdreg s24  }
0x17: {  	s21 =	sadd.s32 s0, s21;
	s22 =	sadd.s32 s0, s1;
	[dreg:$0x4] =	wrdreg s25  }
0x18: {  	s24 =	sshrl.u32 s15, $0x3;
	[dreg:$0x5] =	wrdreg s26;
	s25 =	simm.s32 $0x7620  }
0x19: {  	v0 =	vimm.f32 $0.0e+00;
	s26 =	simm.s32 $0x3;
	s16 =	sadd.s32 s0, s24;
	s0 =	simm.s32 $0x0  }
.LBB2_1:
0x1a: {  	s1 =	rddreg [dreg:$0x3]  }
0x1b: {  	[tilespmem:s3], [sflag:$0x1] =	stream.linear.gather [hbm4b:s1+s3], $0x2710, $0x38;
	[tilespmem:$0x1DE20] =	vst v63  }
0x1c: {  	s24 =	rddreg [dreg:$0x4];
	s5 =	simm.s32 $0x2710  }
0x1d: {  	[tilespmem:s5], [sflag:$0x2] =	stream.linear.gather [hbm4b:s24+s3], $0x2710, $0x38;
	[tilespmem:$0x1DE20] =	vst v63  }
0x1e: {  	s1 =	simm.s32 $0x200;
	s24 =	simm.s32 $0x0  }
.LBB2_2:
0x1f: {  	p0 =	sne.s32 s1, $0x9E00;
	[tilespmem:s24+$0x7690] =	vst v0  }
0x20: {  	[tilespmem:s24+$0x7620] =	vst v0  }
0x21: {  	[tilespmem:s24+$0x7630] =	vst v0  }
.Ltmp0:
0x22: {  	[tilespmem:s24+$0x7640] =	vst v0;
	(pc) =	sbr.rel @p0 .LBB2_2-.Ltmp0, $4  }
0x23: {  	[tilespmem:s24+$0x7650] =	vst v0  }
0x24: {  	[tilespmem:s24+$0x7660] =	vst v0  }
0x25: {  	[tilespmem:s24+$0x7670] =	vst v0  }
0x26: {  	[tilespmem:s24+$0x7680] =	vst v0;
	s24 =	sshra.s32 s1, $0x2;
	s1 =	sadd.s32 $0x200, s1  }
0x27: {  	[tilespmem:s24+$0x7690] =	vst v0  }
0x28: {  	[tilespmem:s24+$0x7620] =	vst v0  }
0x29: {  	[tilespmem:s24+$0x7630] =	vst v0  }
0x2a: {  	[tilespmem:s24+$0x7640] =	vst v0  }
0x2b: {  	[tilespmem:s24+$0x7650] =	vst v0  }
0x2c: {  	[tilespmem:s24+$0x7660] =	vst v0  }
0x2d: {  	[tilespmem:s24+$0x7670] =	vst v0  }
0x2e: {  	[tilespmem:s24+$0x7680] =	vst v0  }
0x2f: {  	[spmem:s7] =	stream.linear.scatter [tilespmem:s25], [sflag:$0x3], $0x2800, $0x38;
	[tilespmem:$0x1DE20] =	vst v63  }
0x30: {  	_ =	swait.ge [sflag:s26], $0x2800  }
0x31: {  	[sflag:s26] =	ssyncset.done $0x0  }
0x32: {  	[sflag:s26] =	ssyncadd.s32 $0xFFFFD800  }
0x33: {  	[spmem:s8] =	stream.linear.scatter [tilespmem:s25], [sflag:$0x3], $0x2800, $0x38;
	[tilespmem:$0x1DE20] =	vst v63  }
0x34: {  	_ =	swait.ge [sflag:s26], $0x2800  }
0x35: {  	[sflag:s26] =	ssyncset.done $0x0  }
0x36: {  	[sflag:s26] =	ssyncadd.s32 $0xFFFFD800  }
0x37: {  	[spmem:s9] =	stream.linear.scatter [tilespmem:s25], [sflag:$0x3], $0x2800, $0x38;
	[tilespmem:$0x1DE20] =	vst v63  }
0x38: {  	_ =	swait.ge [sflag:s26], $0x2800  }
0x39: {  	[sflag:s26] =	ssyncset.done $0x0  }
0x3a: {  	[sflag:s26] =	ssyncadd.s32 $0xFFFFD800  }
0x3b: {  	[spmem:s10] =	stream.linear.scatter [tilespmem:s25], [sflag:$0x3], $0x2800, $0x38;
	[tilespmem:$0x1DE20] =	vst v63  }
0x3c: {  	_ =	swait.ge [sflag:s26], $0x2800  }
0x3d: {  	[sflag:s26] =	ssyncset.done $0x0  }
0x3e: {  	[sflag:s26] =	ssyncadd.s32 $0xFFFFD800  }
0x3f: {  	[spmem:s11] =	stream.linear.scatter [tilespmem:s25], [sflag:$0x3], $0x2800, $0x38;
	[tilespmem:$0x1DE20] =	vst v63  }
0x40: {  	_ =	swait.ge [sflag:s26], $0x2800  }
0x41: {  	[sflag:s26] =	ssyncset.done $0x0  }
0x42: {  	[sflag:s26] =	ssyncadd.s32 $0xFFFFD800  }
0x43: {  	[spmem:s12] =	stream.linear.scatter [tilespmem:s25], [sflag:$0x3], $0x2800, $0x38;
	[tilespmem:$0x1DE20] =	vst v63  }
0x44: {  	_ =	swait.ge [sflag:s26], $0x2800  }
0x45: {  	[sflag:s26] =	ssyncset.done $0x0  }
0x46: {  	[sflag:s26] =	ssyncadd.s32 $0xFFFFD800  }
0x47: {  	[spmem:s13] =	stream.linear.scatter [tilespmem:s25], [sflag:$0x3], $0x2800, $0x38;
	[tilespmem:$0x1DE20] =	vst v63  }
0x48: {  	_ =	swait.ge [sflag:s26], $0x2800  }
0x49: {  	[sflag:s26] =	ssyncset.done $0x0  }
0x4a: {  	[sflag:s26] =	ssyncadd.s32 $0xFFFFD800  }
0x4b: {  	[spmem:s14] =	stream.linear.scatter [tilespmem:s25], [sflag:$0x3], $0x2800, $0x38;
	[tilespmem:$0x1DE20] =	vst v63  }
0x4c: {  	_ =	swait.ge [sflag:s26], $0x2800  }
0x4d: {  	[sflag:s26] =	ssyncset.done $0x0  }
0x4e: {  	[sflag:s26] =	ssyncadd.s32 $0xFFFFD800  }
0x4f: {  	_ =	swait.ge [sflag:s28], $0x2710  }
0x50: {  	[sflag:s28] =	ssyncset.done $0x0  }
0x51: {  	[sflag:s28] =	ssyncadd.s32 $0xFFFFD8F0  }
0x52: {  	_ =	swait.ge [sflag:s29], $0x2710  }
0x53: {  	[sflag:s29] =	ssyncset.done $0x0  }
0x54: {  	[sflag:s29] =	ssyncadd.s32 $0xFFFFD8F0  }
0x55: {  	s1 =	simm.s32 $0x0;
	[bflag:$0x0] =	sbarrier.arrive $0xFFFF  }
0x56: {  	[tilespmem:s31], [sflag:$0x1] =	stream.indirect.gather [hbm4b:s4+s30], $0x80, s1, s30, $0xb8;
	[tilespmem:$0x1DE20] =	vst v63  }
0x57: {  	s5 =	simm.s32 $0x50  }
0x58: {  	[tilespmem:s25], [sflag:$0x2] =	stream.indirect.gather [hbm4b:s4+s30], $0x80, s5, s30, $0xb8;
	[tilespmem:$0x1DE20] =	vst v63  }
0x59: {  	_ =	swait.ge [sflag:s28], $0x2800  }
0x5a: {  	[sflag:s28] =	ssyncset.done $0x0  }
0x5b: {  	s6 =	simm.s32 $0x2710;
	[sflag:s28] =	ssyncadd.s32 $0xFFFFD800  }
0x5c: {  	[spmem:s2] =	stream.indirect.scatter.add.f32 [tilespmem:s31], [sflag:$0x3], $0x80, s6, s30, $0xb8;
	[tilespmem:$0x1DE20] =	vst v63  }
0x5d: {  	_ =	swait.ge [sflag:s26], $0x2800  }
0x5e: {  	[sflag:s26] =	ssyncset.done $0x0  }
0x5f: {  	s15 =	simm.s32 $0xA0;
	[sflag:s26] =	ssyncadd.s32 $0xFFFFD800  }
0x60: {  	[tilespmem:s31], [sflag:$0x1] =	stream.indirect.gather [hbm4b:s4+s30], $0x80, s15, s30, $0xb8;
	[tilespmem:$0x1DE20] =	vst v63  }
0x61: {  	_ =	swait.ge [sflag:s29], $0x2800  }
0x62: {  	[sflag:s29] =	ssyncset.done $0x0  }
0x63: {  	s24 =	simm.s32 $0x2760;
	[sflag:s29] =	ssyncadd.s32 $0xFFFFD800  }
0x64: {  	[spmem:s2] =	stream.indirect.scatter.add.f32 [tilespmem:s25], [sflag:$0x3], $0x80, s24, s30, $0xb8;
	[tilespmem:$0x1DE20] =	vst v63  }
0x65: {  	_ =	swait.ge [sflag:s26], $0x2800  }
0x66: {  	s1 =	simm.s32 $0x500;
	s24 =	simm.s32 $0xA0;
	[sflag:s26] =	ssyncset.done $0x0  }
.LBB2_4:
0x67: {  	s5 =	sadd.s32 $0x50, s24  }
0x68: {  	[sflag:s26] =	ssyncadd.s32 $0xFFFFD800;
	s6 =	smov.u32 s1;
	s15 =	sadd.s32 $0x280, s1  }
0x69: {  	[tilespmem:s25], [sflag:$0x2] =	stream.indirect.gather [hbm4b:s4+s30], $0x80, s5, s30, $0xb8;
	[tilespmem:$0x1DE20] =	vst v63  }
0x6a: {  	p0 =	sne.s32 s1, $0x9880;
	_ =	swait.ge [sflag:s28], $0x2800  }
0x6b: {  	[sflag:s28] =	ssyncset.done $0x0  }
0x6c: {  	s1 =	sadd.s32 $0x2710, s24;
	[sflag:s28] =	ssyncadd.s32 $0xFFFFD800  }
0x6d: {  	[spmem:s2] =	stream.indirect.scatter.add.f32 [tilespmem:s31], [sflag:$0x3], $0x80, s1, s30, $0xb8;
	[tilespmem:$0x1DE20] =	vst v63  }
0x6e: {  	_ =	swait.ge [sflag:s26], $0x2800  }
0x6f: {  	[sflag:s26] =	ssyncset.done $0x0  }
0x70: {  	s1 =	sadd.s32 $0xA0, s24;
	[sflag:s26] =	ssyncadd.s32 $0xFFFFD800  }
0x71: {  	[tilespmem:s31], [sflag:$0x1] =	stream.indirect.gather [hbm4b:s4+s30], $0x80, s1, s30, $0xb8;
	[tilespmem:$0x1DE20] =	vst v63  }
0x72: {  	_ =	swait.ge [sflag:s29], $0x2800  }
.Ltmp1:
0x73: {  	[sflag:s29] =	ssyncset.done $0x0;
	(pc) =	sbr.rel @p0 .LBB2_4-.Ltmp1, $4  }
0x74: {  	s1 =	sadd.s32 $0x2760, s24;
	[sflag:s29] =	ssyncadd.s32 $0xFFFFD800  }
0x75: {  	[spmem:s2] =	stream.indirect.scatter.add.f32 [tilespmem:s25], [sflag:$0x3], $0x80, s1, s30, $0xb8;
	[tilespmem:$0x1DE20] =	vst v63  }
0x76: {  	_ =	swait.ge [sflag:s26], $0x2800  }
0x77: {  	s24 =	sshra.s32 s6, $0x2;
	s1 =	smov.u32 s15;
	[sflag:s26] =	ssyncset.done $0x0  }
0x78: {  	s1 =	sadd.s32 $0x50, s24;
	[sflag:s26] =	ssyncadd.s32 $0xFFFFD800  }
0x79: {  	[tilespmem:s25], [sflag:$0x2] =	stream.indirect.gather [hbm4b:s4+s30], $0x80, s1, s30, $0xb8;
	[tilespmem:$0x1DE20] =	vst v63  }
0x7a: {  	_ =	swait.ge [sflag:s28], $0x2800  }
0x7b: {  	[sflag:s28] =	ssyncset.done $0x0  }
0x7c: {  	s15 =	sadd.s32 $0x2710, s24;
	[sflag:s28] =	ssyncadd.s32 $0xFFFFD800  }
0x7d: {  	[spmem:s2] =	stream.indirect.scatter.add.f32 [tilespmem:s31], [sflag:$0x3], $0x80, s15, s30, $0xb8;
	[tilespmem:$0x1DE20] =	vst v63  }
0x7e: {  	_ =	swait.ge [sflag:s26], $0x2800  }
0x7f: {  	[sflag:s26] =	ssyncset.done $0x0  }
0x80: {  	s5 =	sadd.s32 $0xA0, s24;
	[sflag:s26] =	ssyncadd.s32 $0xFFFFD800  }
0x81: {  	[tilespmem:s31], [sflag:$0x1] =	stream.indirect.gather [hbm4b:s4+s30], $0x80, s5, s30, $0xb8;
	[tilespmem:$0x1DE20] =	vst v63  }
0x82: {  	_ =	swait.ge [sflag:s29], $0x2800  }
0x83: {  	[sflag:s29] =	ssyncset.done $0x0  }
0x84: {  	s6 =	sadd.s32 $0x2760, s24;
	[sflag:s29] =	ssyncadd.s32 $0xFFFFD800  }
0x85: {  	[spmem:s2] =	stream.indirect.scatter.add.f32 [tilespmem:s25], [sflag:$0x3], $0x80, s6, s30, $0xb8;
	[tilespmem:$0x1DE20] =	vst v63  }
0x86: {  	_ =	swait.ge [sflag:s26], $0x2800  }
0x87: {  	[sflag:s26] =	ssyncset.done $0x0  }
0x88: {  	[sflag:s26] =	ssyncadd.s32 $0xFFFFD800  }
0x89: {  	_ =	swait.ge [sflag:s28], $0x2800  }
0x8a: {  	[sflag:s28] =	ssyncset.done $0x0  }
0x8b: {  	s15 =	simm.s32 $0x4DD0;
	[sflag:s28] =	ssyncadd.s32 $0xFFFFD800  }
0x8c: {  	[spmem:s2] =	stream.indirect.scatter.add.f32 [tilespmem:s31], [sflag:$0x3], $0x80, s15, s30, $0xb8;
	[tilespmem:$0x1DE20] =	vst v63  }
0x8d: {  	_ =	swait.ge [sflag:s26], $0x2800  }
0x8e: {  	[sflag:s26] =	ssyncset.done $0x0  }
0x8f: {  	[sflag:s26] =	ssyncadd.s32 $0xFFFFD800  }
0x90: {  	[bflag:$0x0] =	sbarrier.arrive $0xFFFF  }
0x91: {  	[tilespmem:s31], [sflag:$0x3] =	stream.linear.gather [spmem:s7], $0x2800, $0x38;
	[tilespmem:$0x1DE20] =	vst v63  }
0x92: {  	_ =	swait.ge [sflag:s26], $0x2800  }
0x93: {  	[sflag:s26] =	ssyncset.done $0x0  }
0x94: {  	s24 =	rddreg [dreg:$0x5];
	[sflag:s26] =	ssyncadd.s32 $0xFFFFD800  }
0x95: {  	[hbm4b:s24+s3] =	stream.linear.scatter [tilespmem:s31], [sflag:$0x1], $0x2800, $0x38;
	[tilespmem:$0x1DE20] =	vst v63  }
0x96: {  	_ = 	snop  }
0x97: {  	[tilespmem:s25], [sflag:$0x3] =	stream.linear.gather [spmem:s8], $0x2800, $0x38;
	[tilespmem:$0x1DE20] =	vst v63  }
0x98: {  	_ =	swait.ge [sflag:s26], $0x2800  }
0x99: {  	[sflag:s26] =	ssyncset.done $0x0  }
0x9a: {  	[sflag:s26] =	ssyncadd.s32 $0xFFFFD800  }
0x9b: {  	[hbm4b:s16+s3] =	stream.linear.scatter [tilespmem:s25], [sflag:$0x2], $0x2800, $0x38;
	[tilespmem:$0x1DE20] =	vst v63  }
0x9c: {  	_ =	swait.ge [sflag:s28], $0x2800  }
0x9d: {  	[sflag:s28] =	ssyncset.done $0x0  }
0x9e: {  	[sflag:s28] =	ssyncadd.s32 $0xFFFFD800  }
0x9f: {  	[tilespmem:s31], [sflag:$0x3] =	stream.linear.gather [spmem:s9], $0x2800, $0x38;
	[tilespmem:$0x1DE20] =	vst v63  }
0xa0: {  	_ =	swait.ge [sflag:s26], $0x2800  }
0xa1: {  	[sflag:s26] =	ssyncset.done $0x0  }
0xa2: {  	[sflag:s26] =	ssyncadd.s32 $0xFFFFD800  }
0xa3: {  	[hbm4b:s17+s3] =	stream.linear.scatter [tilespmem:s31], [sflag:$0x1], $0x2800, $0x38;
	[tilespmem:$0x1DE20] =	vst v63  }
0xa4: {  	_ =	swait.ge [sflag:s29], $0x2800  }
0xa5: {  	[sflag:s29] =	ssyncset.done $0x0  }
0xa6: {  	[sflag:s29] =	ssyncadd.s32 $0xFFFFD800  }
0xa7: {  	[tilespmem:s25], [sflag:$0x3] =	stream.linear.gather [spmem:s10], $0x2800, $0x38;
	[tilespmem:$0x1DE20] =	vst v63  }
0xa8: {  	_ =	swait.ge [sflag:s26], $0x2800  }
0xa9: {  	[sflag:s26] =	ssyncset.done $0x0  }
0xaa: {  	[sflag:s26] =	ssyncadd.s32 $0xFFFFD800  }
0xab: {  	[hbm4b:s18+s3] =	stream.linear.scatter [tilespmem:s25], [sflag:$0x2], $0x2800, $0x38;
	[tilespmem:$0x1DE20] =	vst v63  }
0xac: {  	_ =	swait.ge [sflag:s28], $0x2800  }
0xad: {  	[sflag:s28] =	ssyncset.done $0x0  }
0xae: {  	[sflag:s28] =	ssyncadd.s32 $0xFFFFD800  }
0xaf: {  	[tilespmem:s31], [sflag:$0x3] =	stream.linear.gather [spmem:s11], $0x2800, $0x38;
	[tilespmem:$0x1DE20] =	vst v63  }
0xb0: {  	_ =	swait.ge [sflag:s26], $0x2800  }
0xb1: {  	[sflag:s26] =	ssyncset.done $0x0  }
0xb2: {  	[sflag:s26] =	ssyncadd.s32 $0xFFFFD800  }
0xb3: {  	[hbm4b:s19+s3] =	stream.linear.scatter [tilespmem:s31], [sflag:$0x1], $0x2800, $0x38;
	[tilespmem:$0x1DE20] =	vst v63  }
0xb4: {  	_ =	swait.ge [sflag:s29], $0x2800  }
0xb5: {  	[sflag:s29] =	ssyncset.done $0x0  }
0xb6: {  	[sflag:s29] =	ssyncadd.s32 $0xFFFFD800  }
0xb7: {  	[tilespmem:s25], [sflag:$0x3] =	stream.linear.gather [spmem:s12], $0x2800, $0x38;
	[tilespmem:$0x1DE20] =	vst v63  }
0xb8: {  	_ =	swait.ge [sflag:s26], $0x2800  }
0xb9: {  	[sflag:s26] =	ssyncset.done $0x0  }
0xba: {  	[sflag:s26] =	ssyncadd.s32 $0xFFFFD800  }
0xbb: {  	[hbm4b:s20+s3] =	stream.linear.scatter [tilespmem:s25], [sflag:$0x2], $0x2800, $0x38;
	[tilespmem:$0x1DE20] =	vst v63  }
0xbc: {  	_ =	swait.ge [sflag:s28], $0x2800  }
0xbd: {  	[sflag:s28] =	ssyncset.done $0x0  }
0xbe: {  	[sflag:s28] =	ssyncadd.s32 $0xFFFFD800  }
0xbf: {  	[tilespmem:s31], [sflag:$0x3] =	stream.linear.gather [spmem:s13], $0x2800, $0x38;
	[tilespmem:$0x1DE20] =	vst v63  }
0xc0: {  	_ =	swait.ge [sflag:s26], $0x2800  }
0xc1: {  	[sflag:s26] =	ssyncset.done $0x0  }
0xc2: {  	[sflag:s26] =	ssyncadd.s32 $0xFFFFD800  }
0xc3: {  	[hbm4b:s21+s3] =	stream.linear.scatter [tilespmem:s31], [sflag:$0x1], $0x2800, $0x38;
	[tilespmem:$0x1DE20] =	vst v63  }
0xc4: {  	_ =	swait.ge [sflag:s29], $0x2800  }
0xc5: {  	[sflag:s29] =	ssyncset.done $0x0  }
0xc6: {  	[sflag:s29] =	ssyncadd.s32 $0xFFFFD800  }
0xc7: {  	[tilespmem:s25], [sflag:$0x3] =	stream.linear.gather [spmem:s14], $0x2800, $0x38;
	[tilespmem:$0x1DE20] =	vst v63  }
0xc8: {  	_ =	swait.ge [sflag:s26], $0x2800  }
0xc9: {  	[sflag:s26] =	ssyncset.done $0x0  }
0xca: {  	s0 =	sadd.s32 $0x1, s0;
	[sflag:s26] =	ssyncadd.s32 $0xFFFFD800  }
0xcb: {  	[hbm4b:s22+s3] =	stream.linear.scatter [tilespmem:s25], [sflag:$0x2], $0x2800, $0x38;
	[tilespmem:$0x1DE20] =	vst v63  }
0xcc: {  	p0 =	sne.s32 s0, s23;
	_ =	swait.ge [sflag:s28], $0x2800  }
.Ltmp2:
0xcd: {  	[sflag:s28] =	ssyncset.done $0x0;
	(pc) =	sbr.rel @p0 .LBB2_1-.Ltmp2, $4  }
0xce: {  	[sflag:s28] =	ssyncadd.s32 $0xFFFFD800  }
0xcf: {  	_ =	swait.ge [sflag:s29], $0x2800  }
0xd0: {  	[sflag:s29] =	ssyncset.done $0x0  }
0xd1: {  	[sflag:s29] =	ssyncadd.s32 $0xFFFFD800  }
0xd2: {  	_ =	sfence.sel $0x180000  }
0xd3: {  	[bflag:$0x0] =	sbarrier.arrive $0xFFFF  }
0xd4: {  	_ =	strace $0x9000004A  }
0xd5: {  	s0 =	stileid.u32;
	[bflag:$0x2] =	sbarrier.arrive $0xFFFF  }
0xd6: {  	p0 =	sne.s32 s0, $0x0;
	s0 =	rddreg [dreg:$0x2]  }
0xd7: {  	s0 =	sadd.s32 @!p0 $0x100000, s0  }
0xd8: {  	[sflag:s0] =	ssyncadd.tile.s32 @!p0 $0x1;
	_ =	shalt  }
.Lfunc_end2:
_tile_overlayer_lowered:
.L_overlay_start_2:
0xd9: {  	(tag) =	ssettag $0x2  }
0xda: {  	s0 =	rddreg [dreg:$0x0];
	s2 =	stileid.u32  }
0xdb: {  	s1 =	rddreg [dreg:$0x1];
	p0 =	sne.s32 s2, $0x0  }
0xdc: {  	s3 =	rddreg [dreg:$0x2];
	[bflag:$0x3] =	sbarrier.arrive $0xFFFF;
	s2 =	simm.s32 @!p0 $0x1C03  }
0xdd: {  	[timem:s3], [sflag:s2] =	dma.local @!p0 [hbm:s0], s1  }
0xde: {  	s0 =	simm.s32 @!p0 $0x3  }
0xdf: {  	_ =	swait.ge @!p0 [sflag:s0], s1  }
0xe0: {  	s1 =	ssub.s32 @!p0 $0x0, s1;
	[sflag:s0] =	ssyncset.done @!p0 $0x0  }
0xe1: {  	[sflag:s0] =	ssyncadd.s32 @!p0 s1  }
0xe2: {  	[bflag:$0x3] =	sbarrier.arrive $0xFFFF  }
0xe3: {  	_ =	shalt  }

// kernel: kernel.15.cloned.1.call-start
scs
__scs_entry_jumppad:
0x0: {  	(pc) =	sbr.rel $0x88, $3  }
0x1: {  	(tag) =	ssettag $0x0;
	lr =	simm.s32 $0x1  }
0x2: {  	[smem:$0x3F98] =	sst lr;
	_ =	strace $0xD0000000  }
0x3: {  	_ = 	snop  }
0x4: {  	_ = 	snop  }
0x5: {  	_ = 	snop  }
0x6: {  	_ = 	snop  }
0x7: {  	_ = 	snop  }
__scs_overlays_trampoline_lowered:
0x8: {  	[smem:$0x3FA7] =	sst s0  }
0x9: {  	[smem:$0x3FA8] =	sst s1  }
0xa: {  	[smem:$0x3FA9] =	sst s2  }
0xb: {  	[smem:$0x3FAA] =	sst s3  }
0xc: {  	[smem:$0x3FAB] =	sst s4  }
0xd: {  	[smem:$0x3FAC] =	sst s5  }
0xe: {  	[smem:$0x3FAD] =	sst s6  }
0xf: {  	[smem:$0x3FAE] =	sst s7  }
0x10: {  	[smem:$0x3FAF] =	sst s8  }
0x11: {  	[smem:$0x3FB0] =	sst s9;
	s0 =	simm.s32 @!p0 $0x0  }
0x12: {  	s1 =	sld [smem:$0x3F96];
	s0 =	simm.s32 @p0 $0x1  }
0x13: {  	[smem:$0x3FB1] =	sst s0;
	s0 =	simm.s32 @!p1 $0x0  }
0x14: {  	s2 =	sld [smem:$0x3F95];
	s0 =	simm.s32 @p1 $0x1  }
0x15: {  	[smem:$0x3FB2] =	sst s0;
	s0 =	simm.s32 @!p2 $0x0  }
0x16: {  	s3 =	sld [smem:$0x3FDB];
	s0 =	simm.s32 @p2 $0x1  }
0x17: {  	s4 =	simm.s32 $0x1BF5;
	[smem:$0x3FB4] =	sst s0  }
0x18: {  	s0 =	sld [smem:$0x3F97];
	_ =	swait.ge [sflag:s4], $0x0  }
0x19: {  	s7 =	sld [smem:$0x3F98]  }
0x1a: {  	s8 =	sadd.s32 $0xFFFFE003, lr  }
0x1b: {  	s9 =	sadd.s32 $0xFFFFFEF7, lr;
	s5 =	simm.s32 $0xFFFFFFFF;
	p2 =	slt.u32 s8, $0xFFFFF086  }
0x1c: {  	p1 =	slt.u32 s9, $0xF7A;
	s5 =	simm.s32 @!p2 $0x0  }
0x1d: {  	s5 =	simm.s32 @p1 $0x1;
	p0 =	seq.s32 s7, s2  }
0x1e: {  	s7 =	smul.u32 @!p0 $0xF7A, s2;
	p2 =	seq.s32 @!p0 s5, $0x0  }
0x1f: {  	s9 =	smul.u32 $0xF7A, s1;
	s8 =	simm.s32 @!p0 $0x1BF5;
	p2 =	por !p2, p0  }
0x20: {  	[sflag:s8] =	ssyncset.s32 @!p0 $0xFFFFF086;
	s6 =	sadd.s32 @!p0 s3, s7;
	s7 =	simm.s32 @!p0 $0x108  }
0x21: {  	s3 =	sadd.s32 s3, s9;
	s6 =	sadd.s32 @!p0 $0x88, s6;
	s7 =	simm.s32 @p2 $0x1082  }
0x22: {  	[simem:s7], [sflag:s8] =	dma.local @!p0 [hbm:s6], $0xF7A  }
0x23: {  	s9 =	sor.u32 $0xD0000000, s2;
	s6 =	simm.s32 $0x108;
	_ =	swait.ge @!p0 [sflag:s8], $0x0  }
0x24: {  	s3 =	sadd.s32 $0x88, s3;
	s6 =	simm.s32 @!p1 $0x1082;
	[sflag:s4] =	ssyncset.s32 $0xFFFFF086  }
0x25: {  	[simem:s6], [sflag:s4] =	dma.local [hbm:s3], $0xF7A  }
0x26: {  	[smem:$0x3F98] =	sst s1;
	(tag) =	ssettag s2;
	_ =	strace s9  }
0x27: {  	s1 =	sld [smem:$0x3FA8]  }
0x28: {  	s2 =	sld [smem:$0x3FA9]  }
0x29: {  	s4 =	sld [smem:$0x3FAB]  }
0x2a: {  	p0 =	seq.s32 s5, $0x0;
	s5 =	sld [smem:$0x3FAC]  }
0x2b: {  	s6 =	sld [smem:$0x3FAD]  }
0x2c: {  	s7 =	sld [smem:$0x3FAE]  }
0x2d: {  	s3 =	simm.s32 $0x108;
	s8 =	sld [smem:$0x3FAF]  }
0x2e: {  	s3 =	simm.s32 @!p0 $0x1082;
	s9 =	sld [smem:$0x3FB0]  }
0x2f: {  	lr =	sadd.s32 s0, s3;
	s0 =	sld [smem:$0x3FA7]  }
0x30: {  	s3 =	sld [smem:$0x3FAA]  }
0x31: {  	[smem:$0x3FB3] =	sst s10  }
0x32: {  	s10 =	sld [smem:$0x3FB1];
	_ =	sdelay $0x3  }
0x33: {  	p0 =	seq.s32 s10, $0x1;
	s10 =	sld [smem:$0x3FB3];
	_ =	sdelay $0x3  }
0x34: {  	[smem:$0x3FB3] =	sst s10  }
0x35: {  	s10 =	sld [smem:$0x3FB2];
	_ =	sdelay $0x3  }
0x36: {  	p1 =	seq.s32 s10, $0x1;
	s10 =	sld [smem:$0x3FB3];
	_ =	sdelay $0x3  }
0x37: {  	[smem:$0x3FB3] =	sst s10  }
0x38: {  	s10 =	sld [smem:$0x3FB4]  }
0x39: {  	_ = 	snop;
	(pc) =	sbr.ind lr, $3  }
0x3a: {  	_ = 	snop  }
0x3b: {  	_ = 	snop  }
0x3c: {  	p2 =	seq.s32 s10, $0x1;
	s10 =	sld [smem:$0x3FB3]  }
0x3d: {  	_ =	shalt  }
0x3e: {  	_ =	shalt  }
0x3f: {  	_ =	shalt  }
0x40: {  	_ =	shalt  }
0x41: {  	_ =	shalt  }
0x42: {  	_ =	shalt  }
0x43: {  	_ =	shalt  }
0x44: {  	_ =	shalt  }
0x45: {  	_ =	shalt  }
0x46: {  	_ =	shalt  }
0x47: {  	_ =	shalt  }
0x48: {  	_ =	shalt  }
0x49: {  	_ =	shalt  }
0x4a: {  	_ =	shalt  }
0x4b: {  	_ =	shalt  }
0x4c: {  	_ =	shalt  }
0x4d: {  	_ =	shalt  }
0x4e: {  	_ =	shalt  }
0x4f: {  	_ =	shalt  }
0x50: {  	_ =	shalt  }
0x51: {  	_ =	shalt  }
0x52: {  	_ =	shalt  }
0x53: {  	_ =	shalt  }
0x54: {  	_ =	shalt  }
0x55: {  	_ =	shalt  }
0x56: {  	_ =	shalt  }
0x57: {  	_ =	shalt  }
0x58: {  	_ =	shalt  }
0x59: {  	_ =	shalt  }
0x5a: {  	_ =	shalt  }
0x5b: {  	_ =	shalt  }
0x5c: {  	_ =	shalt  }
0x5d: {  	_ =	shalt  }
0x5e: {  	_ =	shalt  }
0x5f: {  	_ =	shalt  }
0x60: {  	_ =	shalt  }
0x61: {  	_ =	shalt  }
0x62: {  	_ =	shalt  }
0x63: {  	_ =	shalt  }
0x64: {  	_ =	shalt  }
0x65: {  	_ =	shalt  }
0x66: {  	_ =	shalt  }
0x67: {  	_ =	shalt  }
0x68: {  	_ =	shalt  }
0x69: {  	_ =	shalt  }
0x6a: {  	_ =	shalt  }
0x6b: {  	_ =	shalt  }
0x6c: {  	_ =	shalt  }
0x6d: {  	_ =	shalt  }
0x6e: {  	_ =	shalt  }
0x6f: {  	_ =	shalt  }
0x70: {  	_ =	shalt  }
0x71: {  	_ =	shalt  }
0x72: {  	_ =	shalt  }
0x73: {  	_ =	shalt  }
0x74: {  	_ =	shalt  }
0x75: {  	_ =	shalt  }
0x76: {  	_ =	shalt  }
0x77: {  	_ =	shalt  }
0x78: {  	_ =	shalt  }
0x79: {  	_ =	shalt  }
0x7a: {  	_ =	shalt  }
0x7b: {  	_ =	shalt  }
0x7c: {  	_ =	shalt  }
0x7d: {  	_ =	shalt  }
0x7e: {  	_ =	shalt  }
0x7f: {  	_ =	shalt  }
0x80: {  	_ =	shalt  }
0x81: {  	_ =	shalt  }
0x82: {  	_ =	shalt  }
0x83: {  	_ =	shalt  }
0x84: {  	_ =	shalt  }
0x85: {  	_ =	shalt  }
0x86: {  	_ =	shalt  }
0x87: {  	_ =	shalt  }
.Lfunc_end0:
.L_simem_size_0:
called_computation.1_lowered:
.L_overlay_start_0:
0x88: {  	s2 =	sld [smem:$0x3FD9]  }
0x89: {  	s3 =	sld [smem:$0x3FFE];
	_ =	sdelay $0x1  }
0x8a: {  	s1 =	srdreg.scid  }
0x8b: {  	s0 =	sand.u32 $0x1, s1  }
0x8c: {  	s16 =	sshll.u32 s0, $0xA;
	s2 =	sadd.s32 s3, s2  }
0x8d: {  	s2 =	sadd.s32 s2, s16  }
0x8e: {  	[smem:$0x3FBF] =	sst s2  }
0x8f: {  	_ = 	snop  }
0x90: {  	(tm) =	ssettm $0x1  }
0x91: {  	s17 =	sld [smem:$0x3FFB];
	_ =	sdelay $0x3  }
0x92: {  	_ =	strace s17  }
0x93: {  	s2 =	sld [smem:$0x3FFC];
	_ =	sdelay $0x3  }
0x94: {  	_ =	strace s2  }
0x95: {  	s2 =	sld [smem:$0x3FFD];
	_ =	sdelay $0x3  }
0x96: {  	_ =	strace s2  }
0x97: {  	_ =	strace $0x8FFFFFFF  }
0x98: {  	s18 =	sld [smem:$0x3FDB];
	_ =	sdelay $0x1  }
0x99: {  	s19 =	simm.s32 $_scs_section_size  }
0x9a: {  	s4 =	simm.s32 $_size__tile_overlayer_lowered;
	s5 =	simm.s32 $_tile_overlayer_lowered  }
0x9b: {  	s22 =	simm.s32 $0x1BFF;
	s21 =	sshll.u32 s5, $0x1;
	s2 =	sadd.s32 s19, s18  }
0x9c: {  	s6 =	simm.s32 $0x0;
	s20 =	sshll.u32 s4, $0x1;
	s4 =	sadd.s32 s21, s2  }
0x9d: {  	[timem:s6], [sflag:s22] =	dma.local [hbm:s4], s20  }
0x9e: {  	_ =	swait.ge [sflag:s22], s20  }
0x9f: {  	s3 =	ssub.s32 $0x0, s20;
	[sflag:s22] =	ssyncset.done $0x0  }
0xa0: {  	[sflag:s22] =	ssyncadd.s32 s3;
	_ =	sdelay $0x1  }
0xa1: {  	s23 =	simm.s32 $0x1B8B  }
0xa2: {  	_ =	swait.ge [sflag:s23], $0x1  }
0xa3: {  	[sflag:s23] =	ssyncset.done $0x0  }
0xa4: {  	s25 =	simm.s32 $0x1B8E;
	s24 =	sld [smem:$0x3FFE];
	[sflag:s23] =	ssyncadd.s32 $0xFFFFFFFF  }
0xa5: {  	s26 =	simm.s32 $execute0_lowered;
	[smem:$0x3FD2] =	sst s25  }
0xa6: {  	s4 =	sshll.u32 s26, $0x1;
	_ =	strace $0x80000046;
	[dreg:$0x1] =	wrdreg $0xFFFFFFFF  }
0xa7: {  	s28 =	simm.s32 $_size_execute0_lowered;
	s2 =	sadd.s32 s2, s4;
	[dreg:$0x0] =	wrdreg $0x0  }
0xa8: {  	s4 =	sshll.u32 s28, $0x1;
	[dreg:$0x2] =	wrdreg s2  }
0xa9: {  	[dreg:$0x3] =	wrdreg s4  }
0xaa: {  	[dreg:$0x4] =	wrdreg $0xC0  }
0xab: {  	_ =	task [dreg:s6], $0x5FFFF  }
0xac: {  	[dreg:$0x1] =	wrdreg $0xFFFFFFFF  }
0xad: {  	[dreg:$0x0] =	wrdreg $0x60  }
0xae: {  	[dreg:$0x2] =	wrdreg s24  }
0xaf: {  	[dreg:$0x3] =	wrdreg $0x7B200  }
0xb0: {  	[dreg:$0x4] =	wrdreg $0xA3200  }
0xb1: {  	[dreg:$0x5] =	wrdreg $0xA  }
0xb2: {  	_ =	task.clear_ibuf [dreg:s6], $0x6FFFF;
	_ =	strace $0x90000046  }
0xb3: {  	s29 =	simm.s32 $0xA;
	_ =	strace $0x80000048  }
0xb4: {  	_ =	swait.ge [sflag:s29], $0x1  }
0xb5: {  	[sflag:s29] =	ssyncadd.s32 $0xFFFFFFFF  }
0xb6: {  	_ =	strace $0x90000048  }
0xb7: {  	_ =	sfence  }
0xb8: {  	s30 =	sld [smem:$0x0];
	_ =	sdelay $0x2  }
0xb9: {  	s31 =	sshll.u32 s1, $0xD;
	s1 =	sshrl.u32 s1, $0x2  }
0xba: {  	s3 =	sand.u32 $0x4000, s31;
	s1 =	sadd.s32 s1, s30  }
0xbb: {  	s0 =	sor.u32 s3, s0;
	s1 =	sshll.u32 s1, $0x11  }
0xbc: {  	s0 =	sor.u32 s1, s0  }
0xbd: {  	s0 =	sadd.s32 $0x8F2B, s0  }
0xbe: {  	[sflag:s0] =	ssyncadd.remote.s32 $0x1  }
0xbf: {  	_ =	sfence.sel $0xFFFF  }
0xc0: {  	[dreg:$0x0] =	wrdreg $0xFFFFFFFF;
	(pc) =	sbr.abs _section_cstart, $3  }
0xc1: {  	[dreg:$0x1] =	wrdreg $0xFFFFFFFF  }
0xc2: {  	_ =	task.clear_ibuf [dreg:s6], $0x2FFFF;
	_ =	strace $0x9FFFFFFF  }
0xc3: {  	(tm) =	ssettm $0x7FFFFFFF  }
tec
execute0_lowered:
.L_overlay_start_1:
0x0: {  	(tag) =	ssettag $0x1  }
0x1: {  	s5 =	rddreg [dreg:$0x0]  }
0x2: {  	s1 =	srdreg.scid;
	s2 =	rddreg [dreg:$0x1]  }
0x3: {  	s0 =	stileid.u32;
	s3 =	rddreg [dreg:$0x2];
	s4 =	simm.s32 $0x0  }
0x4: {  	s13 =	simm.s32 $0x2710;
	s14 =	simm.s32 $0x5320;
	s15 =	simm.s32 $0x50  }
0x5: {  	s6 =	sand.u32 $0x1, s1;
	s31 =	sshll.u32 s0, $0x1;
	s8 =	smul.u32 $0x2800, s0  }
0x6: {  	s16 =	simm.s32 $0x4E20;
	s1 =	sor.u32 s6, s31;
	s9 =	smul.u32 $0x50000, s6  }
0x7: {  	s17 =	simm.s32 $0x0;
	[smem:$0x7FF] =	sst s4;
	s7 =	smul.u32 $0x2710, s1  }
0x8: {  	s6 =	ssub.s32 $0x2, s6;
	s1 =	rddreg [dreg:$0x3];
	_ =	strace $0x80000047  }
0x9: {  	s10 =	sshrl.u32 s6, $0x1;
	s9 =	sadd.s32 s8, s9;
	s7 =	sshrl.u32 s7, $0x3  }
0xa: {  	s12 =	ssub.s32 s6, s10;
	s9 =	sshrl.u32 s9, $0x3;
	s7 =	sadd.s32 s7, s5  }
0xb: {  	s11 =	sadd.s32 s9, s5;
	s5 =	sadd.s32 $0x3C00, s7;
	s6 =	sadd.s32 $0xD840, s7  }
0xc: {  	s7 =	sadd.s32 s8, s2;
	s8 =	sadd.s32 s8, s3;
	s9 =	sadd.s32 $0x17600, s11  }
0xd: {  	v0 =	vimm.f32 $1.000000000e+00;
	v1 =	vimm.f32 $0.0e+00;
	s10 =	sadd.s32 $0x1C600, s11;
	s11 =	smax.u32 s12, $0x1;
	s12 =	simm.s32 $0x1  }
.LBB2_1:
0xe: {  	[tilespmem:s4], [sflag:$0x1] =	stream.linear.gather [hbm4b:s5+s4], $0x2710, $0x38;
	[tilespmem:$0xCB20] =	vst v63  }
0xf: {  	_ =	swait.ge [sflag:s12], $0x2710  }
0x10: {  	[sflag:s12] =	ssyncset.done $0x0  }
0x11: {  	[sflag:s12] =	ssyncadd.s32 $0xFFFFD8F0  }
0x12: {  	[tilespmem:s13], [sflag:$0x1] =	stream.linear.gather [hbm4b:s6+s4], $0x2710, $0x38;
	[tilespmem:$0xCB20] =	vst v63  }
0x13: {  	_ =	swait.ge [sflag:s12], $0x2710  }
0x14: {  	[sflag:s12] =	ssyncset.done $0x0  }
0x15: {  	s18 =	simm.s32 $0x0;
	[sflag:s12] =	ssyncadd.s32 $0xFFFFD8F0  }
.LBB2_2:
0x16: {  	p0 =	sne.s32 s18, $0x13C0  }
.Ltmp0:
0x17: {  	_ = 	snop;
	(pc) =	sbr.rel @p0 .LBB2_2-.Ltmp0, $3  }
0x18: {  	_ =	sdelay $0x1  }
0x19: {  	s19 =	sshra.s32 s18, $0x2  }
0x1a: {  	s18 =	sadd.s32 $0x40, s18;
	[tilespmem:s19+$0x4E20] =	vst v0  }
0x1b: {  	s18 =	simm.s32 $0x40;
	s19 =	simm.s32 $0x0  }
.LBB2_4:
0x1c: {  	p0 =	sne.s32 s18, $0x9FC0;
	[tilespmem:s19+$0x5320] =	vst v1;
	s19 =	smov.u32 s18;
	s18 =	sadd.s32 $0x40, s18  }
.Ltmp1:
0x1d: {  	(pc) =	sbr.rel @p0 .LBB2_4-.Ltmp1, $2  }
0x1e: {  	_ =	sdelay $0x2  }
0x1f: {  	s19 =	sshra.s32 s19, $0x2  }
0x20: {  	[tilespmem:s19+$0x5320] =	vst v1  }
0x21: {  	[spmem:s7] =	stream.linear.scatter [tilespmem:s14], [sflag:$0x1], $0x2800, $0x38;
	[tilespmem:$0xCB20] =	vst v63  }
0x22: {  	_ =	swait.ge [sflag:s12], $0x2800  }
0x23: {  	[sflag:s12] =	ssyncset.done $0x0  }
0x24: {  	[sflag:s12] =	ssyncadd.s32 $0xFFFFD800  }
0x25: {  	[spmem:s8] =	stream.linear.scatter [tilespmem:s14], [sflag:$0x1], $0x2800, $0x38;
	[tilespmem:$0xCB20] =	vst v63  }
0x26: {  	_ =	swait.ge [sflag:s12], $0x2800  }
0x27: {  	[sflag:s12] =	ssyncset.done $0x0  }
0x28: {  	[sflag:s12] =	ssyncadd.s32 $0xFFFFD800  }
0x29: {  	s18 =	simm.s32 $0x0;
	[bflag:$0x0] =	sbarrier.arrive $0xFFFF  }
0x2a: {  	[spmem:s2] =	stream.indirect.scatter.add.f32 [tilespmem:s16], [sflag:$0x1], $0x10, s18, s15, $0xb8;
	[tilespmem:$0xCB20] =	vst v63  }
0x2b: {  	_ =	swait.ge [sflag:s12], $0x500  }
0x2c: {  	[sflag:s12] =	ssyncset.done $0x0  }
0x2d: {  	s31 =	simm.s32 $0x2710;
	[sflag:s12] =	ssyncadd.s32 $0xFFFFFB00  }
0x2e: {  	[spmem:s3] =	stream.indirect.scatter.add.f32 [tilespmem:s16], [sflag:$0x1], $0x10, s31, s15, $0xb8;
	[tilespmem:$0xCB20] =	vst v63  }
0x2f: {  	_ =	swait.ge [sflag:s12], $0x500  }
0x30: {  	s19 =	simm.s32 $0x280;
	s18 =	simm.s32 $0x140;
	[sflag:s12] =	ssyncset.done $0x0  }
.LBB2_6:
0x31: {  	s20 =	sshra.s32 s18, $0x2  }
0x32: {  	[sflag:s12] =	ssyncadd.s32 $0xFFFFFB00;
	s18 =	smov.u32 s19;
	s21 =	sadd.s32 $0x140, s19  }
0x33: {  	[spmem:s2] =	stream.indirect.scatter.add.f32 [tilespmem:s16], [sflag:$0x1], $0x10, s20, s15, $0xb8;
	[tilespmem:$0xCB20] =	vst v63  }
0x34: {  	p0 =	sne.s32 s19, $0x9B00;
	_ =	swait.ge [sflag:s12], $0x500  }
.Ltmp2:
0x35: {  	[sflag:s12] =	ssyncset.done $0x0;
	(pc) =	sbr.rel @p0 .LBB2_6-.Ltmp2, $4  }
0x36: {  	s19 =	sadd.s32 $0x2710, s20;
	[sflag:s12] =	ssyncadd.s32 $0xFFFFFB00  }
0x37: {  	[spmem:s3] =	stream.indirect.scatter.add.f32 [tilespmem:s16], [sflag:$0x1], $0x10, s19, s15, $0xb8;
	[tilespmem:$0xCB20] =	vst v63  }
0x38: {  	_ =	swait.ge [sflag:s12], $0x500  }
0x39: {  	s19 =	smov.u32 s21;
	[sflag:s12] =	ssyncset.done $0x0  }
0x3a: {  	s18 =	sshra.s32 s18, $0x2;
	[sflag:s12] =	ssyncadd.s32 $0xFFFFFB00  }
0x3b: {  	[spmem:s2] =	stream.indirect.scatter.add.f32 [tilespmem:s16], [sflag:$0x1], $0x10, s18, s15, $0xb8;
	[tilespmem:$0xCB20] =	vst v63  }
0x3c: {  	_ =	swait.ge [sflag:s12], $0x500  }
0x3d: {  	[sflag:s12] =	ssyncset.done $0x0  }
0x3e: {  	s18 =	sadd.s32 $0x2710, s18;
	[sflag:s12] =	ssyncadd.s32 $0xFFFFFB00  }
0x3f: {  	[spmem:s3] =	stream.indirect.scatter.add.f32 [tilespmem:s16], [sflag:$0x1], $0x10, s18, s15, $0xb8;
	[tilespmem:$0xCB20] =	vst v63  }
0x40: {  	_ =	swait.ge [sflag:s12], $0x500  }
0x41: {  	[sflag:s12] =	ssyncset.done $0x0  }
0x42: {  	[sflag:s12] =	ssyncadd.s32 $0xFFFFFB00  }
0x43: {  	[bflag:$0x0] =	sbarrier.arrive $0xFFFF  }
0x44: {  	[tilespmem:s14], [sflag:$0x1] =	stream.linear.gather [spmem:s7], $0x2800, $0x38;
	[tilespmem:$0xCB20] =	vst v63  }
0x45: {  	_ =	swait.ge [sflag:s12], $0x2800  }
0x46: {  	[sflag:s12] =	ssyncset.done $0x0  }
0x47: {  	[sflag:s12] =	ssyncadd.s32 $0xFFFFD800  }
0x48: {  	[hbm4b:s9+s4] =	stream.linear.scatter [tilespmem:s14], [sflag:$0x1], $0x2800, $0x38;
	[tilespmem:$0xCB20] =	vst v63  }
0x49: {  	_ =	swait.ge [sflag:s12], $0x2800  }
0x4a: {  	[sflag:s12] =	ssyncset.done $0x0  }
0x4b: {  	[sflag:s12] =	ssyncadd.s32 $0xFFFFD800  }
0x4c: {  	[tilespmem:s14], [sflag:$0x1] =	stream.linear.gather [spmem:s8], $0x2800, $0x38;
	[tilespmem:$0xCB20] =	vst v63  }
0x4d: {  	s17 =	sadd.s32 $0x1, s17;
	_ =	swait.ge [sflag:s12], $0x2800  }
0x4e: {  	p0 =	sne.s32 s17, s11;
	[sflag:s12] =	ssyncset.done $0x0  }
.Ltmp3:
0x4f: {  	[sflag:s12] =	ssyncadd.s32 $0xFFFFD800;
	(pc) =	sbr.rel @p0 .LBB2_1-.Ltmp3, $4  }
0x50: {  	[hbm4b:s10+s4] =	stream.linear.scatter [tilespmem:s14], [sflag:$0x1], $0x2800, $0x38;
	[tilespmem:$0xCB20] =	vst v63  }
0x51: {  	_ =	swait.ge [sflag:s12], $0x2800  }
0x52: {  	[sflag:s12] =	ssyncset.done $0x0  }
0x53: {  	[sflag:s12] =	ssyncadd.s32 $0xFFFFD800  }
0x54: {  	_ =	sfence.sel $0x180000  }
0x55: {  	[bflag:$0x0] =	sbarrier.arrive $0xFFFF  }
0x56: {  	p0 =	sne.s32 s0, $0x0;
	_ =	strace $0x90000047  }
0x57: {  	s0 =	sadd.s32 @!p0 $0x100000, s1;
	[bflag:$0x2] =	sbarrier.arrive $0xFFFF  }
0x58: {  	[sflag:s0] =	ssyncadd.tile.s32 @!p0 $0x1;
	_ =	shalt  }
.Lfunc_end2:
_tile_overlayer_lowered:
.L_overlay_start_2:
0x59: {  	(tag) =	ssettag $0x2  }
0x5a: {  	s0 =	rddreg [dreg:$0x0];
	s2 =	stileid.u32  }
0x5b: {  	s1 =	rddreg [dreg:$0x1];
	p0 =	sne.s32 s2, $0x0  }
0x5c: {  	s3 =	rddreg [dreg:$0x2];
	[bflag:$0x3] =	sbarrier.arrive $0xFFFF;
	s2 =	simm.s32 @!p0 $0x1C01  }
0x5d: {  	[timem:s3], [sflag:s2] =	dma.local @!p0 [hbm:s0], s1  }
0x5e: {  	s0 =	simm.s32 @!p0 $0x1  }
0x5f: {  	_ =	swait.ge @!p0 [sflag:s0], s1  }
0x60: {  	s1 =	ssub.s32 @!p0 $0x0, s1;
	[sflag:s0] =	ssyncset.done @!p0 $0x0  }
0x61: {  	[sflag:s0] =	ssyncadd.s32 @!p0 s1  }
0x62: {  	[bflag:$0x3] =	sbarrier.arrive $0xFFFF  }
0x63: {  	_ =	shalt  }

// kernel: kernel.18.cloned.1.call-start
scs
__scs_entry_jumppad:
0x0: {  	(pc) =	sbr.rel $0x88, $3  }
0x1: {  	(tag) =	ssettag $0x0;
	lr =	simm.s32 $0x1  }
0x2: {  	[smem:$0x3F98] =	sst lr;
	_ =	strace $0xD0000000  }
0x3: {  	_ = 	snop  }
0x4: {  	_ = 	snop  }
0x5: {  	_ = 	snop  }
0x6: {  	_ = 	snop  }
0x7: {  	_ = 	snop  }
__scs_overlays_trampoline_lowered:
0x8: {  	[smem:$0x3FA7] =	sst s0  }
0x9: {  	[smem:$0x3FA8] =	sst s1  }
0xa: {  	[smem:$0x3FA9] =	sst s2  }
0xb: {  	[smem:$0x3FAA] =	sst s3  }
0xc: {  	[smem:$0x3FAB] =	sst s4  }
0xd: {  	[smem:$0x3FAC] =	sst s5  }
0xe: {  	[smem:$0x3FAD] =	sst s6  }
0xf: {  	[smem:$0x3FAE] =	sst s7  }
0x10: {  	[smem:$0x3FAF] =	sst s8  }
0x11: {  	[smem:$0x3FB0] =	sst s9;
	s0 =	simm.s32 @!p0 $0x0  }
0x12: {  	s1 =	sld [smem:$0x3F96];
	s0 =	simm.s32 @p0 $0x1  }
0x13: {  	[smem:$0x3FB1] =	sst s0;
	s0 =	simm.s32 @!p1 $0x0  }
0x14: {  	s2 =	sld [smem:$0x3F95];
	s0 =	simm.s32 @p1 $0x1  }
0x15: {  	[smem:$0x3FB2] =	sst s0;
	s0 =	simm.s32 @!p2 $0x0  }
0x16: {  	s3 =	sld [smem:$0x3FDB];
	s0 =	simm.s32 @p2 $0x1  }
0x17: {  	s4 =	simm.s32 $0x1BF5;
	[smem:$0x3FB4] =	sst s0  }
0x18: {  	s0 =	sld [smem:$0x3F97];
	_ =	swait.ge [sflag:s4], $0x0  }
0x19: {  	s7 =	sld [smem:$0x3F98]  }
0x1a: {  	s8 =	sadd.s32 $0xFFFFE003, lr  }
0x1b: {  	s9 =	sadd.s32 $0xFFFFFEF7, lr;
	s5 =	simm.s32 $0xFFFFFFFF;
	p2 =	slt.u32 s8, $0xFFFFF086  }
0x1c: {  	p1 =	slt.u32 s9, $0xF7A;
	s5 =	simm.s32 @!p2 $0x0  }
0x1d: {  	s5 =	simm.s32 @p1 $0x1;
	p0 =	seq.s32 s7, s2  }
0x1e: {  	s7 =	smul.u32 @!p0 $0xF7A, s2;
	p2 =	seq.s32 @!p0 s5, $0x0  }
0x1f: {  	s9 =	smul.u32 $0xF7A, s1;
	s8 =	simm.s32 @!p0 $0x1BF5;
	p2 =	por !p2, p0  }
0x20: {  	[sflag:s8] =	ssyncset.s32 @!p0 $0xFFFFF086;
	s6 =	sadd.s32 @!p0 s3, s7;
	s7 =	simm.s32 @!p0 $0x108  }
0x21: {  	s3 =	sadd.s32 s3, s9;
	s6 =	sadd.s32 @!p0 $0x88, s6;
	s7 =	simm.s32 @p2 $0x1082  }
0x22: {  	[simem:s7], [sflag:s8] =	dma.local @!p0 [hbm:s6], $0xF7A  }
0x23: {  	s9 =	sor.u32 $0xD0000000, s2;
	s6 =	simm.s32 $0x108;
	_ =	swait.ge @!p0 [sflag:s8], $0x0  }
0x24: {  	s3 =	sadd.s32 $0x88, s3;
	s6 =	simm.s32 @!p1 $0x1082;
	[sflag:s4] =	ssyncset.s32 $0xFFFFF086  }
0x25: {  	[simem:s6], [sflag:s4] =	dma.local [hbm:s3], $0xF7A  }
0x26: {  	[smem:$0x3F98] =	sst s1;
	(tag) =	ssettag s2;
	_ =	strace s9  }
0x27: {  	s1 =	sld [smem:$0x3FA8]  }
0x28: {  	s2 =	sld [smem:$0x3FA9]  }
0x29: {  	s4 =	sld [smem:$0x3FAB]  }
0x2a: {  	p0 =	seq.s32 s5, $0x0;
	s5 =	sld [smem:$0x3FAC]  }
0x2b: {  	s6 =	sld [smem:$0x3FAD]  }
0x2c: {  	s7 =	sld [smem:$0x3FAE]  }
0x2d: {  	s3 =	simm.s32 $0x108;
	s8 =	sld [smem:$0x3FAF]  }
0x2e: {  	s3 =	simm.s32 @!p0 $0x1082;
	s9 =	sld [smem:$0x3FB0]  }
0x2f: {  	lr =	sadd.s32 s0, s3;
	s0 =	sld [smem:$0x3FA7]  }
0x30: {  	s3 =	sld [smem:$0x3FAA]  }
0x31: {  	[smem:$0x3FB3] =	sst s10  }
0x32: {  	s10 =	sld [smem:$0x3FB1];
	_ =	sdelay $0x3  }
0x33: {  	p0 =	seq.s32 s10, $0x1;
	s10 =	sld [smem:$0x3FB3];
	_ =	sdelay $0x3  }
0x34: {  	[smem:$0x3FB3] =	sst s10  }
0x35: {  	s10 =	sld [smem:$0x3FB2];
	_ =	sdelay $0x3  }
0x36: {  	p1 =	seq.s32 s10, $0x1;
	s10 =	sld [smem:$0x3FB3];
	_ =	sdelay $0x3  }
0x37: {  	[smem:$0x3FB3] =	sst s10  }
0x38: {  	s10 =	sld [smem:$0x3FB4]  }
0x39: {  	_ = 	snop;
	(pc) =	sbr.ind lr, $3  }
0x3a: {  	_ = 	snop  }
0x3b: {  	_ = 	snop  }
0x3c: {  	p2 =	seq.s32 s10, $0x1;
	s10 =	sld [smem:$0x3FB3]  }
0x3d: {  	_ =	shalt  }
0x3e: {  	_ =	shalt  }
0x3f: {  	_ =	shalt  }
0x40: {  	_ =	shalt  }
0x41: {  	_ =	shalt  }
0x42: {  	_ =	shalt  }
0x43: {  	_ =	shalt  }
0x44: {  	_ =	shalt  }
0x45: {  	_ =	shalt  }
0x46: {  	_ =	shalt  }
0x47: {  	_ =	shalt  }
0x48: {  	_ =	shalt  }
0x49: {  	_ =	shalt  }
0x4a: {  	_ =	shalt  }
0x4b: {  	_ =	shalt  }
0x4c: {  	_ =	shalt  }
0x4d: {  	_ =	shalt  }
0x4e: {  	_ =	shalt  }
0x4f: {  	_ =	shalt  }
0x50: {  	_ =	shalt  }
0x51: {  	_ =	shalt  }
0x52: {  	_ =	shalt  }
0x53: {  	_ =	shalt  }
0x54: {  	_ =	shalt  }
0x55: {  	_ =	shalt  }
0x56: {  	_ =	shalt  }
0x57: {  	_ =	shalt  }
0x58: {  	_ =	shalt  }
0x59: {  	_ =	shalt  }
0x5a: {  	_ =	shalt  }
0x5b: {  	_ =	shalt  }
0x5c: {  	_ =	shalt  }
0x5d: {  	_ =	shalt  }
0x5e: {  	_ =	shalt  }
0x5f: {  	_ =	shalt  }
0x60: {  	_ =	shalt  }
0x61: {  	_ =	shalt  }
0x62: {  	_ =	shalt  }
0x63: {  	_ =	shalt  }
0x64: {  	_ =	shalt  }
0x65: {  	_ =	shalt  }
0x66: {  	_ =	shalt  }
0x67: {  	_ =	shalt  }
0x68: {  	_ =	shalt  }
0x69: {  	_ =	shalt  }
0x6a: {  	_ =	shalt  }
0x6b: {  	_ =	shalt  }
0x6c: {  	_ =	shalt  }
0x6d: {  	_ =	shalt  }
0x6e: {  	_ =	shalt  }
0x6f: {  	_ =	shalt  }
0x70: {  	_ =	shalt  }
0x71: {  	_ =	shalt  }
0x72: {  	_ =	shalt  }
0x73: {  	_ =	shalt  }
0x74: {  	_ =	shalt  }
0x75: {  	_ =	shalt  }
0x76: {  	_ =	shalt  }
0x77: {  	_ =	shalt  }
0x78: {  	_ =	shalt  }
0x79: {  	_ =	shalt  }
0x7a: {  	_ =	shalt  }
0x7b: {  	_ =	shalt  }
0x7c: {  	_ =	shalt  }
0x7d: {  	_ =	shalt  }
0x7e: {  	_ =	shalt  }
0x7f: {  	_ =	shalt  }
0x80: {  	_ =	shalt  }
0x81: {  	_ =	shalt  }
0x82: {  	_ =	shalt  }
0x83: {  	_ =	shalt  }
0x84: {  	_ =	shalt  }
0x85: {  	_ =	shalt  }
0x86: {  	_ =	shalt  }
0x87: {  	_ =	shalt  }
.Lfunc_end0:
.L_simem_size_0:
called_computation.2_lowered:
.L_overlay_start_0:
0x88: {  	s2 =	sld [smem:$0x3FD9]  }
0x89: {  	s3 =	sld [smem:$0x3FFE];
	_ =	sdelay $0x1  }
0x8a: {  	s1 =	srdreg.scid  }
0x8b: {  	s0 =	sand.u32 $0x1, s1  }
0x8c: {  	s16 =	sshll.u32 s0, $0xA;
	s2 =	sadd.s32 s3, s2  }
0x8d: {  	s2 =	sadd.s32 s2, s16  }
0x8e: {  	[smem:$0x3FBF] =	sst s2  }
0x8f: {  	_ = 	snop  }
0x90: {  	(tm) =	ssettm $0x1  }
0x91: {  	s17 =	sld [smem:$0x3FFB];
	_ =	sdelay $0x3  }
0x92: {  	_ =	strace s17  }
0x93: {  	s2 =	sld [smem:$0x3FFC];
	_ =	sdelay $0x3  }
0x94: {  	_ =	strace s2  }
0x95: {  	s2 =	sld [smem:$0x3FFD];
	_ =	sdelay $0x3  }
0x96: {  	_ =	strace s2  }
0x97: {  	_ =	strace $0x8FFFFFFF  }
0x98: {  	s18 =	sld [smem:$0x3FDB];
	_ =	sdelay $0x1  }
0x99: {  	s19 =	simm.s32 $_scs_section_size  }
0x9a: {  	s4 =	simm.s32 $_size__tile_overlayer_lowered;
	s5 =	simm.s32 $_tile_overlayer_lowered  }
0x9b: {  	s22 =	simm.s32 $0x1BFF;
	s21 =	sshll.u32 s5, $0x1;
	s2 =	sadd.s32 s19, s18  }
0x9c: {  	s6 =	simm.s32 $0x0;
	s20 =	sshll.u32 s4, $0x1;
	s4 =	sadd.s32 s21, s2  }
0x9d: {  	[timem:s6], [sflag:s22] =	dma.local [hbm:s4], s20  }
0x9e: {  	_ =	swait.ge [sflag:s22], s20  }
0x9f: {  	s3 =	ssub.s32 $0x0, s20;
	[sflag:s22] =	ssyncset.done $0x0  }
0xa0: {  	[sflag:s22] =	ssyncadd.s32 s3;
	_ =	sdelay $0x1  }
0xa1: {  	s23 =	simm.s32 $0x1B8B  }
0xa2: {  	_ =	swait.ge [sflag:s23], $0x1  }
0xa3: {  	[sflag:s23] =	ssyncset.done $0x0  }
0xa4: {  	s25 =	simm.s32 $0x1B8E;
	s24 =	sld [smem:$0x3FFE];
	[sflag:s23] =	ssyncadd.s32 $0xFFFFFFFF  }
0xa5: {  	s26 =	simm.s32 $execute0_lowered;
	[smem:$0x3FD2] =	sst s25  }
0xa6: {  	s4 =	sshll.u32 s26, $0x1;
	_ =	strace $0x8000004C;
	[dreg:$0x1] =	wrdreg $0xFFFFFFFF  }
0xa7: {  	s28 =	simm.s32 $_size_execute0_lowered;
	s2 =	sadd.s32 s2, s4;
	[dreg:$0x0] =	wrdreg $0x0  }
0xa8: {  	s4 =	sshll.u32 s28, $0x1;
	[dreg:$0x2] =	wrdreg s2  }
0xa9: {  	[dreg:$0x3] =	wrdreg s4  }
0xaa: {  	[dreg:$0x4] =	wrdreg $0xC0  }
0xab: {  	_ =	task [dreg:s6], $0x5FFFF  }
0xac: {  	[dreg:$0x1] =	wrdreg $0xFFFFFFFF  }
0xad: {  	[dreg:$0x0] =	wrdreg $0x60  }
0xae: {  	[dreg:$0x2] =	wrdreg s24  }
0xaf: {  	[dreg:$0x3] =	wrdreg $0x9E200  }
0xb0: {  	[dreg:$0x4] =	wrdreg $0x9  }
0xb1: {  	_ =	task.clear_ibuf [dreg:s6], $0x5FFFF;
	_ =	strace $0x9000004C  }
0xb2: {  	s29 =	simm.s32 $0x9;
	_ =	strace $0x8000004E  }
0xb3: {  	_ =	swait.ge [sflag:s29], $0x1  }
0xb4: {  	[sflag:s29] =	ssyncadd.s32 $0xFFFFFFFF  }
0xb5: {  	_ =	strace $0x9000004E  }
0xb6: {  	_ =	sfence  }
0xb7: {  	s30 =	sld [smem:$0x0];
	_ =	sdelay $0x2  }
0xb8: {  	s31 =	sshll.u32 s1, $0xD;
	s1 =	sshrl.u32 s1, $0x2  }
0xb9: {  	s3 =	sand.u32 $0x4000, s31;
	s1 =	sadd.s32 s1, s30  }
0xba: {  	s0 =	sor.u32 s3, s0;
	s1 =	sshll.u32 s1, $0x11  }
0xbb: {  	s0 =	sor.u32 s1, s0  }
0xbc: {  	s0 =	sadd.s32 $0x8F2B, s0  }
0xbd: {  	[sflag:s0] =	ssyncadd.remote.s32 $0x1  }
0xbe: {  	_ =	sfence.sel $0xFFFF  }
0xbf: {  	[dreg:$0x0] =	wrdreg $0xFFFFFFFF;
	(pc) =	sbr.abs _section_cstart, $3  }
0xc0: {  	[dreg:$0x1] =	wrdreg $0xFFFFFFFF  }
0xc1: {  	_ =	task.clear_ibuf [dreg:s6], $0x2FFFF;
	_ =	strace $0x9FFFFFFF  }
0xc2: {  	(tm) =	ssettm $0x7FFFFFFF  }
0xc3: {  	_ =	shalt  }
tec
execute0_lowered:
.L_overlay_start_1:
0x0: {  	(tag) =	ssettag $0x1  }
0x1: {  	s0 =	rddreg [dreg:$0x0]  }
0x2: {  	s1 =	srdreg.scid;
	s8 =	stileid.u32  }
0x3: {  	s2 =	rddreg [dreg:$0x1];
	s3 =	simm.s32 $0x0;
	s28 =	simm.s32 $0x1  }
0x4: {  	s29 =	simm.s32 $0x2;
	s30 =	simm.s32 $0x50;
	s1 =	sand.u32 $0x1, s1  }
0x5: {  	s4 =	sshll.u32 s8, $0x1;
	[smem:$0x7FF] =	sst s3;
	s14 =	smul.u32 $0x14000, s8  }
0x6: {  	s4 =	sor.u32 s1, s4;
	s6 =	ssub.s32 $0x2, s1;
	s1 =	smul.u32 $0x140000, s1  }
0x7: {  	s31 =	simm.s32 $0x4E20;
	_ =	strace $0x8000004D;
	s5 =	smul.u32 $0x2710, s4  }
0x8: {  	s4 =	sadd.s32 $0x17600, s0;
	s23 =	sshrl.u32 s6, $0x1;
	s15 =	sor.u32 $0x2800, s14  }
0x9: {  	s17 =	sadd.s32 $0x5000, s14;
	s18 =	sadd.s32 $0x7800, s14;
	s19 =	sadd.s32 $0xA000, s14  }
0xa: {  	s20 =	sadd.s32 $0xC800, s14;
	s21 =	sadd.s32 $0xF000, s14;
	s22 =	sadd.s32 $0x11800, s14  }
0xb: {  	s23 =	ssub.s32 s6, s23;
	s8 =	sadd.s32 s15, s2;
	s9 =	sadd.s32 s17, s2  }
0xc: {  	s10 =	sadd.s32 s18, s2;
	s11 =	sadd.s32 s19, s2;
	s12 =	sadd.s32 s20, s2  }
0xd: {  	s13 =	sadd.s32 s21, s2;
	s16 =	sadd.s32 s14, s1;
	s15 =	sadd.s32 s1, s15  }
0xe: {  	s17 =	sadd.s32 s1, s17;
	s18 =	sadd.s32 s1, s18;
	s19 =	sadd.s32 s1, s19  }
0xf: {  	s20 =	sadd.s32 s1, s20;
	s21 =	sadd.s32 s1, s21;
	s1 =	sadd.s32 s1, s22  }
0x10: {  	s5 =	sshrl.u32 s5, $0x3;
	s16 =	sshrl.u32 s16, $0x3;
	s17 =	sshrl.u32 s17, $0x3  }
0x11: {  	s18 =	sshrl.u32 s18, $0x3;
	s19 =	sshrl.u32 s19, $0x3;
	s20 =	sshrl.u32 s20, $0x3  }
0x12: {  	s21 =	sshrl.u32 s21, $0x3;
	s1 =	sshrl.u32 s1, $0x3;
	s7 =	sadd.s32 s5, s0  }
0x13: {  	s23 =	smax.u32 s23, $0x1;
	s0 =	sadd.s32 $0x3F600, s0;
	s24 =	sadd.s32 $0xD840, s7  }
0x14: {  	s25 =	sadd.s32 $0x3C00, s7;
	s7 =	sadd.s32 s14, s2;
	s14 =	sadd.s32 s22, s2  }
0x15: {  	s26 =	sadd.s32 s0, s16;
	s17 =	sadd.s32 s0, s17;
	s18 =	sadd.s32 s0, s18  }
0x16: {  	s19 =	sadd.s32 s0, s19;
	s20 =	sadd.s32 s0, s20;
	[dreg:$0x3] =	wrdreg s24  }
0x17: {  	s21 =	sadd.s32 s0, s21;
	s22 =	sadd.s32 s0, s1;
	[dreg:$0x4] =	wrdreg s25  }
0x18: {  	s24 =	sshrl.u32 s15, $0x3;
	[dreg:$0x5] =	wrdreg s26;
	s25 =	simm.s32 $0x7620  }
0x19: {  	v0 =	vimm.f32 $0.0e+00;
	s26 =	simm.s32 $0x3;
	s16 =	sadd.s32 s0, s24;
	s0 =	simm.s32 $0x0  }
.LBB2_1:
0x1a: {  	s1 =	rddreg [dreg:$0x3]  }
0x1b: {  	[tilespmem:s3], [sflag:$0x1] =	stream.linear.gather [hbm4b:s1+s3], $0x2710, $0x38;
	[tilespmem:$0x1DE20] =	vst v63  }
0x1c: {  	s24 =	rddreg [dreg:$0x4];
	s5 =	simm.s32 $0x2710  }
0x1d: {  	[tilespmem:s5], [sflag:$0x2] =	stream.linear.gather [hbm4b:s24+s3], $0x2710, $0x38;
	[tilespmem:$0x1DE20] =	vst v63  }
0x1e: {  	s1 =	simm.s32 $0x200;
	s24 =	simm.s32 $0x0  }
.LBB2_2:
0x1f: {  	p0 =	sne.s32 s1, $0x9E00;
	[tilespmem:s24+$0x7690] =	vst v0  }
0x20: {  	[tilespmem:s24+$0x7620] =	vst v0  }
0x21: {  	[tilespmem:s24+$0x7630] =	vst v0  }
.Ltmp0:
0x22: {  	[tilespmem:s24+$0x7640] =	vst v0;
	(pc) =	sbr.rel @p0 .LBB2_2-.Ltmp0, $4  }
0x23: {  	[tilespmem:s24+$0x7650] =	vst v0  }
0x24: {  	[tilespmem:s24+$0x7660] =	vst v0  }
0x25: {  	[tilespmem:s24+$0x7670] =	vst v0  }
0x26: {  	[tilespmem:s24+$0x7680] =	vst v0;
	s24 =	sshra.s32 s1, $0x2;
	s1 =	sadd.s32 $0x200, s1  }
0x27: {  	[tilespmem:s24+$0x7690] =	vst v0  }
0x28: {  	[tilespmem:s24+$0x7620] =	vst v0  }
0x29: {  	[tilespmem:s24+$0x7630] =	vst v0  }
0x2a: {  	[tilespmem:s24+$0x7640] =	vst v0  }
0x2b: {  	[tilespmem:s24+$0x7650] =	vst v0  }
0x2c: {  	[tilespmem:s24+$0x7660] =	vst v0  }
0x2d: {  	[tilespmem:s24+$0x7670] =	vst v0  }
0x2e: {  	[tilespmem:s24+$0x7680] =	vst v0  }
0x2f: {  	[spmem:s7] =	stream.linear.scatter [tilespmem:s25], [sflag:$0x3], $0x2800, $0x38;
	[tilespmem:$0x1DE20] =	vst v63  }
0x30: {  	_ =	swait.ge [sflag:s26], $0x2800  }
0x31: {  	[sflag:s26] =	ssyncset.done $0x0  }
0x32: {  	[sflag:s26] =	ssyncadd.s32 $0xFFFFD800  }
0x33: {  	[spmem:s8] =	stream.linear.scatter [tilespmem:s25], [sflag:$0x3], $0x2800, $0x38;
	[tilespmem:$0x1DE20] =	vst v63  }
0x34: {  	_ =	swait.ge [sflag:s26], $0x2800  }
0x35: {  	[sflag:s26] =	ssyncset.done $0x0  }
0x36: {  	[sflag:s26] =	ssyncadd.s32 $0xFFFFD800  }
0x37: {  	[spmem:s9] =	stream.linear.scatter [tilespmem:s25], [sflag:$0x3], $0x2800, $0x38;
	[tilespmem:$0x1DE20] =	vst v63  }
0x38: {  	_ =	swait.ge [sflag:s26], $0x2800  }
0x39: {  	[sflag:s26] =	ssyncset.done $0x0  }
0x3a: {  	[sflag:s26] =	ssyncadd.s32 $0xFFFFD800  }
0x3b: {  	[spmem:s10] =	stream.linear.scatter [tilespmem:s25], [sflag:$0x3], $0x2800, $0x38;
	[tilespmem:$0x1DE20] =	vst v63  }
0x3c: {  	_ =	swait.ge [sflag:s26], $0x2800  }
0x3d: {  	[sflag:s26] =	ssyncset.done $0x0  }
0x3e: {  	[sflag:s26] =	ssyncadd.s32 $0xFFFFD800  }
0x3f: {  	[spmem:s11] =	stream.linear.scatter [tilespmem:s25], [sflag:$0x3], $0x2800, $0x38;
	[tilespmem:$0x1DE20] =	vst v63  }
0x40: {  	_ =	swait.ge [sflag:s26], $0x2800  }
0x41: {  	[sflag:s26] =	ssyncset.done $0x0  }
0x42: {  	[sflag:s26] =	ssyncadd.s32 $0xFFFFD800  }
0x43: {  	[spmem:s12] =	stream.linear.scatter [tilespmem:s25], [sflag:$0x3], $0x2800, $0x38;
	[tilespmem:$0x1DE20] =	vst v63  }
0x44: {  	_ =	swait.ge [sflag:s26], $0x2800  }
0x45: {  	[sflag:s26] =	ssyncset.done $0x0  }
0x46: {  	[sflag:s26] =	ssyncadd.s32 $0xFFFFD800  }
0x47: {  	[spmem:s13] =	stream.linear.scatter [tilespmem:s25], [sflag:$0x3], $0x2800, $0x38;
	[tilespmem:$0x1DE20] =	vst v63  }
0x48: {  	_ =	swait.ge [sflag:s26], $0x2800  }
0x49: {  	[sflag:s26] =	ssyncset.done $0x0  }
0x4a: {  	[sflag:s26] =	ssyncadd.s32 $0xFFFFD800  }
0x4b: {  	[spmem:s14] =	stream.linear.scatter [tilespmem:s25], [sflag:$0x3], $0x2800, $0x38;
	[tilespmem:$0x1DE20] =	vst v63  }
0x4c: {  	_ =	swait.ge [sflag:s26], $0x2800  }
0x4d: {  	[sflag:s26] =	ssyncset.done $0x0  }
0x4e: {  	[sflag:s26] =	ssyncadd.s32 $0xFFFFD800  }
0x4f: {  	_ =	swait.ge [sflag:s28], $0x2710  }
0x50: {  	[sflag:s28] =	ssyncset.done $0x0  }
0x51: {  	[sflag:s28] =	ssyncadd.s32 $0xFFFFD8F0  }
0x52: {  	_ =	swait.ge [sflag:s29], $0x2710  }
0x53: {  	[sflag:s29] =	ssyncset.done $0x0  }
0x54: {  	[sflag:s29] =	ssyncadd.s32 $0xFFFFD8F0  }
0x55: {  	s1 =	simm.s32 $0x0;
	[bflag:$0x0] =	sbarrier.arrive $0xFFFF  }
0x56: {  	[tilespmem:s31], [sflag:$0x1] =	stream.indirect.gather [hbm4b:s4+s30], $0x80, s1, s30, $0xb8;
	[tilespmem:$0x1DE20] =	vst v63  }
0x57: {  	s5 =	simm.s32 $0x50  }
0x58: {  	[tilespmem:s25], [sflag:$0x2] =	stream.indirect.gather [hbm4b:s4+s30], $0x80, s5, s30, $0xb8;
	[tilespmem:$0x1DE20] =	vst v63  }
0x59: {  	_ =	swait.ge [sflag:s28], $0x2800  }
0x5a: {  	[sflag:s28] =	ssyncset.done $0x0  }
0x5b: {  	s6 =	simm.s32 $0x2710;
	[sflag:s28] =	ssyncadd.s32 $0xFFFFD800  }
0x5c: {  	[spmem:s2] =	stream.indirect.scatter.add.f32 [tilespmem:s31], [sflag:$0x3], $0x80, s6, s30, $0xb8;
	[tilespmem:$0x1DE20] =	vst v63  }
0x5d: {  	_ =	swait.ge [sflag:s26], $0x2800  }
0x5e: {  	[sflag:s26] =	ssyncset.done $0x0  }
0x5f: {  	s15 =	simm.s32 $0xA0;
	[sflag:s26] =	ssyncadd.s32 $0xFFFFD800  }
0x60: {  	[tilespmem:s31], [sflag:$0x1] =	stream.indirect.gather [hbm4b:s4+s30], $0x80, s15, s30, $0xb8;
	[tilespmem:$0x1DE20] =	vst v63  }
0x61: {  	_ =	swait.ge [sflag:s29], $0x2800  }
0x62: {  	[sflag:s29] =	ssyncset.done $0x0  }
0x63: {  	s24 =	simm.s32 $0x2760;
	[sflag:s29] =	ssyncadd.s32 $0xFFFFD800  }
0x64: {  	[spmem:s2] =	stream.indirect.scatter.add.f32 [tilespmem:s25], [sflag:$0x3], $0x80, s24, s30, $0xb8;
	[tilespmem:$0x1DE20] =	vst v63  }
0x65: {  	_ =	swait.ge [sflag:s26], $0x2800  }
0x66: {  	s1 =	simm.s32 $0x500;
	s24 =	simm.s32 $0xA0;
	[sflag:s26] =	ssyncset.done $0x0  }
.LBB2_4:
0x67: {  	s5 =	sadd.s32 $0x50, s24  }
0x68: {  	[sflag:s26] =	ssyncadd.s32 $0xFFFFD800;
	s6 =	smov.u32 s1;
	s15 =	sadd.s32 $0x280, s1  }
0x69: {  	[tilespmem:s25], [sflag:$0x2] =	stream.indirect.gather [hbm4b:s4+s30], $0x80, s5, s30, $0xb8;
	[tilespmem:$0x1DE20] =	vst v63  }
0x6a: {  	p0 =	sne.s32 s1, $0x9880;
	_ =	swait.ge [sflag:s28], $0x2800  }
0x6b: {  	[sflag:s28] =	ssyncset.done $0x0  }
0x6c: {  	s1 =	sadd.s32 $0x2710, s24;
	[sflag:s28] =	ssyncadd.s32 $0xFFFFD800  }
0x6d: {  	[spmem:s2] =	stream.indirect.scatter.add.f32 [tilespmem:s31], [sflag:$0x3], $0x80, s1, s30, $0xb8;
	[tilespmem:$0x1DE20] =	vst v63  }
0x6e: {  	_ =	swait.ge [sflag:s26], $0x2800  }
0x6f: {  	[sflag:s26] =	ssyncset.done $0x0  }
0x70: {  	s1 =	sadd.s32 $0xA0, s24;
	[sflag:s26] =	ssyncadd.s32 $0xFFFFD800  }
0x71: {  	[tilespmem:s31], [sflag:$0x1] =	stream.indirect.gather [hbm4b:s4+s30], $0x80, s1, s30, $0xb8;
	[tilespmem:$0x1DE20] =	vst v63  }
0x72: {  	_ =	swait.ge [sflag:s29], $0x2800  }
.Ltmp1:
0x73: {  	[sflag:s29] =	ssyncset.done $0x0;
	(pc) =	sbr.rel @p0 .LBB2_4-.Ltmp1, $4  }
0x74: {  	s1 =	sadd.s32 $0x2760, s24;
	[sflag:s29] =	ssyncadd.s32 $0xFFFFD800  }
0x75: {  	[spmem:s2] =	stream.indirect.scatter.add.f32 [tilespmem:s25], [sflag:$0x3], $0x80, s1, s30, $0xb8;
	[tilespmem:$0x1DE20] =	vst v63  }
0x76: {  	_ =	swait.ge [sflag:s26], $0x2800  }
0x77: {  	s24 =	sshra.s32 s6, $0x2;
	s1 =	smov.u32 s15;
	[sflag:s26] =	ssyncset.done $0x0  }
0x78: {  	s1 =	sadd.s32 $0x50, s24;
	[sflag:s26] =	ssyncadd.s32 $0xFFFFD800  }
0x79: {  	[tilespmem:s25], [sflag:$0x2] =	stream.indirect.gather [hbm4b:s4+s30], $0x80, s1, s30, $0xb8;
	[tilespmem:$0x1DE20] =	vst v63  }
0x7a: {  	_ =	swait.ge [sflag:s28], $0x2800  }
0x7b: {  	[sflag:s28] =	ssyncset.done $0x0  }
0x7c: {  	s15 =	sadd.s32 $0x2710, s24;
	[sflag:s28] =	ssyncadd.s32 $0xFFFFD800  }
0x7d: {  	[spmem:s2] =	stream.indirect.scatter.add.f32 [tilespmem:s31], [sflag:$0x3], $0x80, s15, s30, $0xb8;
	[tilespmem:$0x1DE20] =	vst v63  }
0x7e: {  	_ =	swait.ge [sflag:s26], $0x2800  }
0x7f: {  	[sflag:s26] =	ssyncset.done $0x0  }
0x80: {  	s5 =	sadd.s32 $0xA0, s24;
	[sflag:s26] =	ssyncadd.s32 $0xFFFFD800  }
0x81: {  	[tilespmem:s31], [sflag:$0x1] =	stream.indirect.gather [hbm4b:s4+s30], $0x80, s5, s30, $0xb8;
	[tilespmem:$0x1DE20] =	vst v63  }
0x82: {  	_ =	swait.ge [sflag:s29], $0x2800  }
0x83: {  	[sflag:s29] =	ssyncset.done $0x0  }
0x84: {  	s6 =	sadd.s32 $0x2760, s24;
	[sflag:s29] =	ssyncadd.s32 $0xFFFFD800  }
0x85: {  	[spmem:s2] =	stream.indirect.scatter.add.f32 [tilespmem:s25], [sflag:$0x3], $0x80, s6, s30, $0xb8;
	[tilespmem:$0x1DE20] =	vst v63  }
0x86: {  	_ =	swait.ge [sflag:s26], $0x2800  }
0x87: {  	[sflag:s26] =	ssyncset.done $0x0  }
0x88: {  	[sflag:s26] =	ssyncadd.s32 $0xFFFFD800  }
0x89: {  	_ =	swait.ge [sflag:s28], $0x2800  }
0x8a: {  	[sflag:s28] =	ssyncset.done $0x0  }
0x8b: {  	s15 =	simm.s32 $0x4DD0;
	[sflag:s28] =	ssyncadd.s32 $0xFFFFD800  }
0x8c: {  	[spmem:s2] =	stream.indirect.scatter.add.f32 [tilespmem:s31], [sflag:$0x3], $0x80, s15, s30, $0xb8;
	[tilespmem:$0x1DE20] =	vst v63  }
0x8d: {  	_ =	swait.ge [sflag:s26], $0x2800  }
0x8e: {  	[sflag:s26] =	ssyncset.done $0x0  }
0x8f: {  	[sflag:s26] =	ssyncadd.s32 $0xFFFFD800  }
0x90: {  	[bflag:$0x0] =	sbarrier.arrive $0xFFFF  }
0x91: {  	[tilespmem:s31], [sflag:$0x3] =	stream.linear.gather [spmem:s7], $0x2800, $0x38;
	[tilespmem:$0x1DE20] =	vst v63  }
0x92: {  	_ =	swait.ge [sflag:s26], $0x2800  }
0x93: {  	[sflag:s26] =	ssyncset.done $0x0  }
0x94: {  	s24 =	rddreg [dreg:$0x5];
	[sflag:s26] =	ssyncadd.s32 $0xFFFFD800  }
0x95: {  	[hbm4b:s24+s3] =	stream.linear.scatter [tilespmem:s31], [sflag:$0x1], $0x2800, $0x38;
	[tilespmem:$0x1DE20] =	vst v63  }
0x96: {  	_ = 	snop  }
0x97: {  	[tilespmem:s25], [sflag:$0x3] =	stream.linear.gather [spmem:s8], $0x2800, $0x38;
	[tilespmem:$0x1DE20] =	vst v63  }
0x98: {  	_ =	swait.ge [sflag:s26], $0x2800  }
0x99: {  	[sflag:s26] =	ssyncset.done $0x0  }
0x9a: {  	[sflag:s26] =	ssyncadd.s32 $0xFFFFD800  }
0x9b: {  	[hbm4b:s16+s3] =	stream.linear.scatter [tilespmem:s25], [sflag:$0x2], $0x2800, $0x38;
	[tilespmem:$0x1DE20] =	vst v63  }
0x9c: {  	_ =	swait.ge [sflag:s28], $0x2800  }
0x9d: {  	[sflag:s28] =	ssyncset.done $0x0  }
0x9e: {  	[sflag:s28] =	ssyncadd.s32 $0xFFFFD800  }
0x9f: {  	[tilespmem:s31], [sflag:$0x3] =	stream.linear.gather [spmem:s9], $0x2800, $0x38;
	[tilespmem:$0x1DE20] =	vst v63  }
0xa0: {  	_ =	swait.ge [sflag:s26], $0x2800  }
0xa1: {  	[sflag:s26] =	ssyncset.done $0x0  }
0xa2: {  	[sflag:s26] =	ssyncadd.s32 $0xFFFFD800  }
0xa3: {  	[hbm4b:s17+s3] =	stream.linear.scatter [tilespmem:s31], [sflag:$0x1], $0x2800, $0x38;
	[tilespmem:$0x1DE20] =	vst v63  }
0xa4: {  	_ =	swait.ge [sflag:s29], $0x2800  }
0xa5: {  	[sflag:s29] =	ssyncset.done $0x0  }
0xa6: {  	[sflag:s29] =	ssyncadd.s32 $0xFFFFD800  }
0xa7: {  	[tilespmem:s25], [sflag:$0x3] =	stream.linear.gather [spmem:s10], $0x2800, $0x38;
	[tilespmem:$0x1DE20] =	vst v63  }
0xa8: {  	_ =	swait.ge [sflag:s26], $0x2800  }
0xa9: {  	[sflag:s26] =	ssyncset.done $0x0  }
0xaa: {  	[sflag:s26] =	ssyncadd.s32 $0xFFFFD800  }
0xab: {  	[hbm4b:s18+s3] =	stream.linear.scatter [tilespmem:s25], [sflag:$0x2], $0x2800, $0x38;
	[tilespmem:$0x1DE20] =	vst v63  }
0xac: {  	_ =	swait.ge [sflag:s28], $0x2800  }
0xad: {  	[sflag:s28] =	ssyncset.done $0x0  }
0xae: {  	[sflag:s28] =	ssyncadd.s32 $0xFFFFD800  }
0xaf: {  	[tilespmem:s31], [sflag:$0x3] =	stream.linear.gather [spmem:s11], $0x2800, $0x38;
	[tilespmem:$0x1DE20] =	vst v63  }
0xb0: {  	_ =	swait.ge [sflag:s26], $0x2800  }
0xb1: {  	[sflag:s26] =	ssyncset.done $0x0  }
0xb2: {  	[sflag:s26] =	ssyncadd.s32 $0xFFFFD800  }
0xb3: {  	[hbm4b:s19+s3] =	stream.linear.scatter [tilespmem:s31], [sflag:$0x1], $0x2800, $0x38;
	[tilespmem:$0x1DE20] =	vst v63  }
0xb4: {  	_ =	swait.ge [sflag:s29], $0x2800  }
0xb5: {  	[sflag:s29] =	ssyncset.done $0x0  }
0xb6: {  	[sflag:s29] =	ssyncadd.s32 $0xFFFFD800  }
0xb7: {  	[tilespmem:s25], [sflag:$0x3] =	stream.linear.gather [spmem:s12], $0x2800, $0x38;
	[tilespmem:$0x1DE20] =	vst v63  }
0xb8: {  	_ =	swait.ge [sflag:s26], $0x2800  }
0xb9: {  	[sflag:s26] =	ssyncset.done $0x0  }
0xba: {  	[sflag:s26] =	ssyncadd.s32 $0xFFFFD800  }
0xbb: {  	[hbm4b:s20+s3] =	stream.linear.scatter [tilespmem:s25], [sflag:$0x2], $0x2800, $0x38;
	[tilespmem:$0x1DE20] =	vst v63  }
0xbc: {  	_ =	swait.ge [sflag:s28], $0x2800  }
0xbd: {  	[sflag:s28] =	ssyncset.done $0x0  }
0xbe: {  	[sflag:s28] =	ssyncadd.s32 $0xFFFFD800  }
0xbf: {  	[tilespmem:s31], [sflag:$0x3] =	stream.linear.gather [spmem:s13], $0x2800, $0x38;
	[tilespmem:$0x1DE20] =	vst v63  }
0xc0: {  	_ =	swait.ge [sflag:s26], $0x2800  }
0xc1: {  	[sflag:s26] =	ssyncset.done $0x0  }
0xc2: {  	[sflag:s26] =	ssyncadd.s32 $0xFFFFD800  }
0xc3: {  	[hbm4b:s21+s3] =	stream.linear.scatter [tilespmem:s31], [sflag:$0x1], $0x2800, $0x38;
	[tilespmem:$0x1DE20] =	vst v63  }
0xc4: {  	_ =	swait.ge [sflag:s29], $0x2800  }
0xc5: {  	[sflag:s29] =	ssyncset.done $0x0  }
0xc6: {  	[sflag:s29] =	ssyncadd.s32 $0xFFFFD800  }
0xc7: {  	[tilespmem:s25], [sflag:$0x3] =	stream.linear.gather [spmem:s14], $0x2800, $0x38;
	[tilespmem:$0x1DE20] =	vst v63  }
0xc8: {  	_ =	swait.ge [sflag:s26], $0x2800  }
0xc9: {  	[sflag:s26] =	ssyncset.done $0x0  }
0xca: {  	s0 =	sadd.s32 $0x1, s0;
	[sflag:s26] =	ssyncadd.s32 $0xFFFFD800  }
0xcb: {  	[hbm4b:s22+s3] =	stream.linear.scatter [tilespmem:s25], [sflag:$0x2], $0x2800, $0x38;
	[tilespmem:$0x1DE20] =	vst v63  }
0xcc: {  	p0 =	sne.s32 s0, s23;
	_ =	swait.ge [sflag:s28], $0x2800  }
.Ltmp2:
0xcd: {  	[sflag:s28] =	ssyncset.done $0x0;
	(pc) =	sbr.rel @p0 .LBB2_1-.Ltmp2, $4  }
0xce: {  	[sflag:s28] =	ssyncadd.s32 $0xFFFFD800  }
0xcf: {  	_ =	swait.ge [sflag:s29], $0x2800  }
0xd0: {  	[sflag:s29] =	ssyncset.done $0x0  }
0xd1: {  	[sflag:s29] =	ssyncadd.s32 $0xFFFFD800  }
0xd2: {  	_ =	sfence.sel $0x180000  }
0xd3: {  	[bflag:$0x0] =	sbarrier.arrive $0xFFFF  }
0xd4: {  	_ =	strace $0x9000004D  }
0xd5: {  	s0 =	stileid.u32;
	[bflag:$0x2] =	sbarrier.arrive $0xFFFF  }
0xd6: {  	p0 =	sne.s32 s0, $0x0;
	s0 =	rddreg [dreg:$0x2]  }
0xd7: {  	s0 =	sadd.s32 @!p0 $0x100000, s0  }
0xd8: {  	[sflag:s0] =	ssyncadd.tile.s32 @!p0 $0x1;
	_ =	shalt  }
.Lfunc_end2:
_tile_overlayer_lowered:
.L_overlay_start_2:
0xd9: {  	(tag) =	ssettag $0x2  }
0xda: {  	s0 =	rddreg [dreg:$0x0];
	s2 =	stileid.u32  }
0xdb: {  	s1 =	rddreg [dreg:$0x1];
	p0 =	sne.s32 s2, $0x0  }
0xdc: {  	s3 =	rddreg [dreg:$0x2];
	[bflag:$0x3] =	sbarrier.arrive $0xFFFF;
	s2 =	simm.s32 @!p0 $0x1C03  }
0xdd: {  	[timem:s3], [sflag:s2] =	dma.local @!p0 [hbm:s0], s1  }
0xde: {  	s0 =	simm.s32 @!p0 $0x3  }
0xdf: {  	_ =	swait.ge @!p0 [sflag:s0], s1  }
0xe0: {  	s1 =	ssub.s32 @!p0 $0x0, s1;
	[sflag:s0] =	ssyncset.done @!p0 $0x0  }
0xe1: {  	[sflag:s0] =	ssyncadd.s32 @!p0 s1  }
0xe2: {  	[bflag:$0x3] =	sbarrier.arrive $0xFFFF  }
0xe3: {  	_ =	shalt  }

// kernel: kernel.21.cloned.1.call-start
scs
__scs_entry_jumppad:
0x0: {  	(pc) =	sbr.rel $0x88, $3  }
0x1: {  	(tag) =	ssettag $0x0;
	lr =	simm.s32 $0x1  }
0x2: {  	[smem:$0x3F98] =	sst lr;
	_ =	strace $0xD0000000  }
0x3: {  	_ = 	snop  }
0x4: {  	_ = 	snop  }
0x5: {  	_ = 	snop  }
0x6: {  	_ = 	snop  }
0x7: {  	_ = 	snop  }
__scs_overlays_trampoline_lowered:
0x8: {  	[smem:$0x3FA7] =	sst s0  }
0x9: {  	[smem:$0x3FA8] =	sst s1  }
0xa: {  	[smem:$0x3FA9] =	sst s2  }
0xb: {  	[smem:$0x3FAA] =	sst s3  }
0xc: {  	[smem:$0x3FAB] =	sst s4  }
0xd: {  	[smem:$0x3FAC] =	sst s5  }
0xe: {  	[smem:$0x3FAD] =	sst s6  }
0xf: {  	[smem:$0x3FAE] =	sst s7  }
0x10: {  	[smem:$0x3FAF] =	sst s8  }
0x11: {  	[smem:$0x3FB0] =	sst s9;
	s0 =	simm.s32 @!p0 $0x0  }
0x12: {  	s1 =	sld [smem:$0x3F96];
	s0 =	simm.s32 @p0 $0x1  }
0x13: {  	[smem:$0x3FB1] =	sst s0;
	s0 =	simm.s32 @!p1 $0x0  }
0x14: {  	s2 =	sld [smem:$0x3F95];
	s0 =	simm.s32 @p1 $0x1  }
0x15: {  	[smem:$0x3FB2] =	sst s0;
	s0 =	simm.s32 @!p2 $0x0  }
0x16: {  	s3 =	sld [smem:$0x3FDB];
	s0 =	simm.s32 @p2 $0x1  }
0x17: {  	s4 =	simm.s32 $0x1BF5;
	[smem:$0x3FB4] =	sst s0  }
0x18: {  	s0 =	sld [smem:$0x3F97];
	_ =	swait.ge [sflag:s4], $0x0  }
0x19: {  	s7 =	sld [smem:$0x3F98]  }
0x1a: {  	s8 =	sadd.s32 $0xFFFFE003, lr  }
0x1b: {  	s9 =	sadd.s32 $0xFFFFFEF7, lr;
	s5 =	simm.s32 $0xFFFFFFFF;
	p2 =	slt.u32 s8, $0xFFFFF086  }
0x1c: {  	p1 =	slt.u32 s9, $0xF7A;
	s5 =	simm.s32 @!p2 $0x0  }
0x1d: {  	s5 =	simm.s32 @p1 $0x1;
	p0 =	seq.s32 s7, s2  }
0x1e: {  	s7 =	smul.u32 @!p0 $0xF7A, s2;
	p2 =	seq.s32 @!p0 s5, $0x0  }
0x1f: {  	s9 =	smul.u32 $0xF7A, s1;
	s8 =	simm.s32 @!p0 $0x1BF5;
	p2 =	por !p2, p0  }
0x20: {  	[sflag:s8] =	ssyncset.s32 @!p0 $0xFFFFF086;
	s6 =	sadd.s32 @!p0 s3, s7;
	s7 =	simm.s32 @!p0 $0x108  }
0x21: {  	s3 =	sadd.s32 s3, s9;
	s6 =	sadd.s32 @!p0 $0x88, s6;
	s7 =	simm.s32 @p2 $0x1082  }
0x22: {  	[simem:s7], [sflag:s8] =	dma.local @!p0 [hbm:s6], $0xF7A  }
0x23: {  	s9 =	sor.u32 $0xD0000000, s2;
	s6 =	simm.s32 $0x108;
	_ =	swait.ge @!p0 [sflag:s8], $0x0  }
0x24: {  	s3 =	sadd.s32 $0x88, s3;
	s6 =	simm.s32 @!p1 $0x1082;
	[sflag:s4] =	ssyncset.s32 $0xFFFFF086  }
0x25: {  	[simem:s6], [sflag:s4] =	dma.local [hbm:s3], $0xF7A  }
0x26: {  	[smem:$0x3F98] =	sst s1;
	(tag) =	ssettag s2;
	_ =	strace s9  }
0x27: {  	s1 =	sld [smem:$0x3FA8]  }
0x28: {  	s2 =	sld [smem:$0x3FA9]  }
0x29: {  	s4 =	sld [smem:$0x3FAB]  }
0x2a: {  	p0 =	seq.s32 s5, $0x0;
	s5 =	sld [smem:$0x3FAC]  }
0x2b: {  	s6 =	sld [smem:$0x3FAD]  }
0x2c: {  	s7 =	sld [smem:$0x3FAE]  }
0x2d: {  	s3 =	simm.s32 $0x108;
	s8 =	sld [smem:$0x3FAF]  }
0x2e: {  	s3 =	simm.s32 @!p0 $0x1082;
	s9 =	sld [smem:$0x3FB0]  }
0x2f: {  	lr =	sadd.s32 s0, s3;
	s0 =	sld [smem:$0x3FA7]  }
0x30: {  	s3 =	sld [smem:$0x3FAA]  }
0x31: {  	[smem:$0x3FB3] =	sst s10  }
0x32: {  	s10 =	sld [smem:$0x3FB1];
	_ =	sdelay $0x3  }
0x33: {  	p0 =	seq.s32 s10, $0x1;
	s10 =	sld [smem:$0x3FB3];
	_ =	sdelay $0x3  }
0x34: {  	[smem:$0x3FB3] =	sst s10  }
0x35: {  	s10 =	sld [smem:$0x3FB2];
	_ =	sdelay $0x3  }
0x36: {  	p1 =	seq.s32 s10, $0x1;
	s10 =	sld [smem:$0x3FB3];
	_ =	sdelay $0x3  }
0x37: {  	[smem:$0x3FB3] =	sst s10  }
0x38: {  	s10 =	sld [smem:$0x3FB4]  }
0x39: {  	_ = 	snop;
	(pc) =	sbr.ind lr, $3  }
0x3a: {  	_ = 	snop  }
0x3b: {  	_ = 	snop  }
0x3c: {  	p2 =	seq.s32 s10, $0x1;
	s10 =	sld [smem:$0x3FB3]  }
0x3d: {  	_ =	shalt  }
0x3e: {  	_ =	shalt  }
0x3f: {  	_ =	shalt  }
0x40: {  	_ =	shalt  }
0x41: {  	_ =	shalt  }
0x42: {  	_ =	shalt  }
0x43: {  	_ =	shalt  }
0x44: {  	_ =	shalt  }
0x45: {  	_ =	shalt  }
0x46: {  	_ =	shalt  }
0x47: {  	_ =	shalt  }
0x48: {  	_ =	shalt  }
0x49: {  	_ =	shalt  }
0x4a: {  	_ =	shalt  }
0x4b: {  	_ =	shalt  }
0x4c: {  	_ =	shalt  }
0x4d: {  	_ =	shalt  }
0x4e: {  	_ =	shalt  }
0x4f: {  	_ =	shalt  }
0x50: {  	_ =	shalt  }
0x51: {  	_ =	shalt  }
0x52: {  	_ =	shalt  }
0x53: {  	_ =	shalt  }
0x54: {  	_ =	shalt  }
0x55: {  	_ =	shalt  }
0x56: {  	_ =	shalt  }
0x57: {  	_ =	shalt  }
0x58: {  	_ =	shalt  }
0x59: {  	_ =	shalt  }
0x5a: {  	_ =	shalt  }
0x5b: {  	_ =	shalt  }
0x5c: {  	_ =	shalt  }
0x5d: {  	_ =	shalt  }
0x5e: {  	_ =	shalt  }
0x5f: {  	_ =	shalt  }
0x60: {  	_ =	shalt  }
0x61: {  	_ =	shalt  }
0x62: {  	_ =	shalt  }
0x63: {  	_ =	shalt  }
0x64: {  	_ =	shalt  }
0x65: {  	_ =	shalt  }
0x66: {  	_ =	shalt  }
0x67: {  	_ =	shalt  }
0x68: {  	_ =	shalt  }
0x69: {  	_ =	shalt  }
0x6a: {  	_ =	shalt  }
0x6b: {  	_ =	shalt  }
0x6c: {  	_ =	shalt  }
0x6d: {  	_ =	shalt  }
0x6e: {  	_ =	shalt  }
0x6f: {  	_ =	shalt  }
0x70: {  	_ =	shalt  }
0x71: {  	_ =	shalt  }
0x72: {  	_ =	shalt  }
0x73: {  	_ =	shalt  }
0x74: {  	_ =	shalt  }
0x75: {  	_ =	shalt  }
0x76: {  	_ =	shalt  }
0x77: {  	_ =	shalt  }
0x78: {  	_ =	shalt  }
0x79: {  	_ =	shalt  }
0x7a: {  	_ =	shalt  }
0x7b: {  	_ =	shalt  }
0x7c: {  	_ =	shalt  }
0x7d: {  	_ =	shalt  }
0x7e: {  	_ =	shalt  }
0x7f: {  	_ =	shalt  }
0x80: {  	_ =	shalt  }
0x81: {  	_ =	shalt  }
0x82: {  	_ =	shalt  }
0x83: {  	_ =	shalt  }
0x84: {  	_ =	shalt  }
0x85: {  	_ =	shalt  }
0x86: {  	_ =	shalt  }
0x87: {  	_ =	shalt  }
.Lfunc_end0:
.L_simem_size_0:
called_computation.3_lowered:
.L_overlay_start_0:
0x88: {  	s2 =	sld [smem:$0x3FD9]  }
0x89: {  	s3 =	sld [smem:$0x3FFE];
	_ =	sdelay $0x1  }
0x8a: {  	s1 =	srdreg.scid  }
0x8b: {  	s0 =	sand.u32 $0x1, s1  }
0x8c: {  	s16 =	sshll.u32 s0, $0xA;
	s2 =	sadd.s32 s3, s2  }
0x8d: {  	s2 =	sadd.s32 s2, s16  }
0x8e: {  	[smem:$0x3FBF] =	sst s2  }
0x8f: {  	_ = 	snop  }
0x90: {  	(tm) =	ssettm $0x1  }
0x91: {  	s17 =	sld [smem:$0x3FFB];
	_ =	sdelay $0x3  }
0x92: {  	_ =	strace s17  }
0x93: {  	s2 =	sld [smem:$0x3FFC];
	_ =	sdelay $0x3  }
0x94: {  	_ =	strace s2  }
0x95: {  	s2 =	sld [smem:$0x3FFD];
	_ =	sdelay $0x3  }
0x96: {  	_ =	strace s2  }
0x97: {  	_ =	strace $0x8FFFFFFF  }
0x98: {  	s18 =	sld [smem:$0x3FDB];
	_ =	sdelay $0x1  }
0x99: {  	s19 =	simm.s32 $_scs_section_size  }
0x9a: {  	s4 =	simm.s32 $_size__tile_overlayer_lowered;
	s5 =	simm.s32 $_tile_overlayer_lowered  }
0x9b: {  	s22 =	simm.s32 $0x1BFF;
	s21 =	sshll.u32 s5, $0x1;
	s2 =	sadd.s32 s19, s18  }
0x9c: {  	s6 =	simm.s32 $0x0;
	s20 =	sshll.u32 s4, $0x1;
	s4 =	sadd.s32 s21, s2  }
0x9d: {  	[timem:s6], [sflag:s22] =	dma.local [hbm:s4], s20  }
0x9e: {  	_ =	swait.ge [sflag:s22], s20  }
0x9f: {  	s3 =	ssub.s32 $0x0, s20;
	[sflag:s22] =	ssyncset.done $0x0  }
0xa0: {  	[sflag:s22] =	ssyncadd.s32 s3;
	_ =	sdelay $0x1  }
0xa1: {  	s23 =	simm.s32 $0x1B8B  }
0xa2: {  	_ =	swait.ge [sflag:s23], $0x1  }
0xa3: {  	[sflag:s23] =	ssyncset.done $0x0  }
0xa4: {  	s25 =	simm.s32 $0x1B8E;
	s24 =	sld [smem:$0x3FFE];
	[sflag:s23] =	ssyncadd.s32 $0xFFFFFFFF  }
0xa5: {  	s26 =	simm.s32 $execute0_lowered;
	[smem:$0x3FD2] =	sst s25  }
0xa6: {  	s4 =	sshll.u32 s26, $0x1;
	_ =	strace $0x8000004F;
	[dreg:$0x1] =	wrdreg $0xFFFFFFFF  }
0xa7: {  	s28 =	simm.s32 $_size_execute0_lowered;
	s2 =	sadd.s32 s2, s4;
	[dreg:$0x0] =	wrdreg $0x0  }
0xa8: {  	s4 =	sshll.u32 s28, $0x1;
	[dreg:$0x2] =	wrdreg s2  }
0xa9: {  	[dreg:$0x3] =	wrdreg s4  }
0xaa: {  	[dreg:$0x4] =	wrdreg $0xC0  }
0xab: {  	_ =	task [dreg:s6], $0x5FFFF  }
0xac: {  	[dreg:$0x1] =	wrdreg $0xFFFFFFFF  }
0xad: {  	[dreg:$0x0] =	wrdreg $0x60  }
0xae: {  	[dreg:$0x2] =	wrdreg s24  }
0xaf: {  	[dreg:$0x3] =	wrdreg $0x9E200  }
0xb0: {  	[dreg:$0x4] =	wrdreg $0x9  }
0xb1: {  	_ =	task.clear_ibuf [dreg:s6], $0x5FFFF;
	_ =	strace $0x9000004F  }
0xb2: {  	s29 =	simm.s32 $0x9;
	_ =	strace $0x80000051  }
0xb3: {  	_ =	swait.ge [sflag:s29], $0x1  }
0xb4: {  	[sflag:s29] =	ssyncadd.s32 $0xFFFFFFFF  }
0xb5: {  	_ =	strace $0x90000051  }
0xb6: {  	_ =	sfence  }
0xb7: {  	s30 =	sld [smem:$0x0];
	_ =	sdelay $0x2  }
0xb8: {  	s31 =	sshll.u32 s1, $0xD;
	s1 =	sshrl.u32 s1, $0x2  }
0xb9: {  	s3 =	sand.u32 $0x4000, s31;
	s1 =	sadd.s32 s1, s30  }
0xba: {  	s0 =	sor.u32 s3, s0;
	s1 =	sshll.u32 s1, $0x11  }
0xbb: {  	s0 =	sor.u32 s1, s0  }
0xbc: {  	s0 =	sadd.s32 $0x8F2B, s0  }
0xbd: {  	[sflag:s0] =	ssyncadd.remote.s32 $0x1  }
0xbe: {  	_ =	sfence.sel $0xFFFF  }
0xbf: {  	[dreg:$0x0] =	wrdreg $0xFFFFFFFF;
	(pc) =	sbr.abs _section_cstart, $3  }
0xc0: {  	[dreg:$0x1] =	wrdreg $0xFFFFFFFF  }
0xc1: {  	_ =	task.clear_ibuf [dreg:s6], $0x2FFFF;
	_ =	strace $0x9FFFFFFF  }
0xc2: {  	(tm) =	ssettm $0x7FFFFFFF  }
0xc3: {  	_ =	shalt  }
tec
execute0_lowered:
.L_overlay_start_1:
0x0: {  	(tag) =	ssettag $0x1  }
0x1: {  	s0 =	rddreg [dreg:$0x0]  }
0x2: {  	s1 =	srdreg.scid;
	s8 =	stileid.u32  }
0x3: {  	s2 =	rddreg [dreg:$0x1];
	s3 =	simm.s32 $0x0;
	s28 =	simm.s32 $0x1  }
0x4: {  	s29 =	simm.s32 $0x2;
	s30 =	simm.s32 $0x50;
	s1 =	sand.u32 $0x1, s1  }
0x5: {  	s4 =	sshll.u32 s8, $0x1;
	[smem:$0x7FF] =	sst s3;
	s14 =	smul.u32 $0x14000, s8  }
0x6: {  	s4 =	sor.u32 s1, s4;
	s6 =	ssub.s32 $0x2, s1;
	s1 =	smul.u32 $0x140000, s1  }
0x7: {  	s31 =	simm.s32 $0x4E20;
	_ =	strace $0x80000050;
	s5 =	smul.u32 $0x2710, s4  }
0x8: {  	s4 =	sadd.s32 $0x17600, s0;
	s23 =	sshrl.u32 s6, $0x1;
	s15 =	sor.u32 $0x2800, s14  }
0x9: {  	s17 =	sadd.s32 $0x5000, s14;
	s18 =	sadd.s32 $0x7800, s14;
	s19 =	sadd.s32 $0xA000, s14  }
0xa: {  	s20 =	sadd.s32 $0xC800, s14;
	s21 =	sadd.s32 $0xF000, s14;
	s22 =	sadd.s32 $0x11800, s14  }
0xb: {  	s23 =	ssub.s32 s6, s23;
	s8 =	sadd.s32 s15, s2;
	s9 =	sadd.s32 s17, s2  }
0xc: {  	s10 =	sadd.s32 s18, s2;
	s11 =	sadd.s32 s19, s2;
	s12 =	sadd.s32 s20, s2  }
0xd: {  	s13 =	sadd.s32 s21, s2;
	s16 =	sadd.s32 s14, s1;
	s15 =	sadd.s32 s1, s15  }
0xe: {  	s17 =	sadd.s32 s1, s17;
	s18 =	sadd.s32 s1, s18;
	s19 =	sadd.s32 s1, s19  }
0xf: {  	s20 =	sadd.s32 s1, s20;
	s21 =	sadd.s32 s1, s21;
	s1 =	sadd.s32 s1, s22  }
0x10: {  	s5 =	sshrl.u32 s5, $0x3;
	s16 =	sshrl.u32 s16, $0x3;
	s17 =	sshrl.u32 s17, $0x3  }
0x11: {  	s18 =	sshrl.u32 s18, $0x3;
	s19 =	sshrl.u32 s19, $0x3;
	s20 =	sshrl.u32 s20, $0x3  }
0x12: {  	s21 =	sshrl.u32 s21, $0x3;
	s1 =	sshrl.u32 s1, $0x3;
	s7 =	sadd.s32 s5, s0  }
0x13: {  	s23 =	smax.u32 s23, $0x1;
	s0 =	sadd.s32 $0x3F600, s0;
	s24 =	sadd.s32 $0x3C00, s7  }
0x14: {  	s25 =	sadd.s32 $0xD840, s7;
	s7 =	sadd.s32 s14, s2;
	s14 =	sadd.s32 s22, s2  }
0x15: {  	s26 =	sadd.s32 s0, s16;
	s17 =	sadd.s32 s0, s17;
	s18 =	sadd.s32 s0, s18  }
0x16: {  	s19 =	sadd.s32 s0, s19;
	s20 =	sadd.s32 s0, s20;
	[dreg:$0x3] =	wrdreg s24  }
0x17: {  	s21 =	sadd.s32 s0, s21;
	s22 =	sadd.s32 s0, s1;
	[dreg:$0x4] =	wrdreg s25  }
0x18: {  	s24 =	sshrl.u32 s15, $0x3;
	[dreg:$0x5] =	wrdreg s26;
	s25 =	simm.s32 $0x7620  }
0x19: {  	v0 =	vimm.f32 $0.0e+00;
	s26 =	simm.s32 $0x3;
	s16 =	sadd.s32 s0, s24;
	s0 =	simm.s32 $0x0  }
.LBB2_1:
0x1a: {  	s1 =	rddreg [dreg:$0x3]  }
0x1b: {  	[tilespmem:s3], [sflag:$0x1] =	stream.linear.gather [hbm4b:s1+s3], $0x2710, $0x38;
	[tilespmem:$0x1DE20] =	vst v63  }
0x1c: {  	s24 =	rddreg [dreg:$0x4];
	s5 =	simm.s32 $0x2710  }
0x1d: {  	[tilespmem:s5], [sflag:$0x2] =	stream.linear.gather [hbm4b:s24+s3], $0x2710, $0x38;
	[tilespmem:$0x1DE20] =	vst v63  }
0x1e: {  	s1 =	simm.s32 $0x200;
	s24 =	simm.s32 $0x0  }
.LBB2_2:
0x1f: {  	p0 =	sne.s32 s1, $0x9E00;
	[tilespmem:s24+$0x7690] =	vst v0  }
0x20: {  	[tilespmem:s24+$0x7620] =	vst v0  }
0x21: {  	[tilespmem:s24+$0x7630] =	vst v0  }
.Ltmp0:
0x22: {  	[tilespmem:s24+$0x7640] =	vst v0;
	(pc) =	sbr.rel @p0 .LBB2_2-.Ltmp0, $4  }
0x23: {  	[tilespmem:s24+$0x7650] =	vst v0  }
0x24: {  	[tilespmem:s24+$0x7660] =	vst v0  }
0x25: {  	[tilespmem:s24+$0x7670] =	vst v0  }
0x26: {  	[tilespmem:s24+$0x7680] =	vst v0;
	s24 =	sshra.s32 s1, $0x2;
	s1 =	sadd.s32 $0x200, s1  }
0x27: {  	[tilespmem:s24+$0x7690] =	vst v0  }
0x28: {  	[tilespmem:s24+$0x7620] =	vst v0  }
0x29: {  	[tilespmem:s24+$0x7630] =	vst v0  }
0x2a: {  	[tilespmem:s24+$0x7640] =	vst v0  }
0x2b: {  	[tilespmem:s24+$0x7650] =	vst v0  }
0x2c: {  	[tilespmem:s24+$0x7660] =	vst v0  }
0x2d: {  	[tilespmem:s24+$0x7670] =	vst v0  }
0x2e: {  	[tilespmem:s24+$0x7680] =	vst v0  }
0x2f: {  	[spmem:s7] =	stream.linear.scatter [tilespmem:s25], [sflag:$0x3], $0x2800, $0x38;
	[tilespmem:$0x1DE20] =	vst v63  }
0x30: {  	_ =	swait.ge [sflag:s26], $0x2800  }
0x31: {  	[sflag:s26] =	ssyncset.done $0x0  }
0x32: {  	[sflag:s26] =	ssyncadd.s32 $0xFFFFD800  }
0x33: {  	[spmem:s8] =	stream.linear.scatter [tilespmem:s25], [sflag:$0x3], $0x2800, $0x38;
	[tilespmem:$0x1DE20] =	vst v63  }
0x34: {  	_ =	swait.ge [sflag:s26], $0x2800  }
0x35: {  	[sflag:s26] =	ssyncset.done $0x0  }
0x36: {  	[sflag:s26] =	ssyncadd.s32 $0xFFFFD800  }
0x37: {  	[spmem:s9] =	stream.linear.scatter [tilespmem:s25], [sflag:$0x3], $0x2800, $0x38;
	[tilespmem:$0x1DE20] =	vst v63  }
0x38: {  	_ =	swait.ge [sflag:s26], $0x2800  }
0x39: {  	[sflag:s26] =	ssyncset.done $0x0  }
0x3a: {  	[sflag:s26] =	ssyncadd.s32 $0xFFFFD800  }
0x3b: {  	[spmem:s10] =	stream.linear.scatter [tilespmem:s25], [sflag:$0x3], $0x2800, $0x38;
	[tilespmem:$0x1DE20] =	vst v63  }
0x3c: {  	_ =	swait.ge [sflag:s26], $0x2800  }
0x3d: {  	[sflag:s26] =	ssyncset.done $0x0  }
0x3e: {  	[sflag:s26] =	ssyncadd.s32 $0xFFFFD800  }
0x3f: {  	[spmem:s11] =	stream.linear.scatter [tilespmem:s25], [sflag:$0x3], $0x2800, $0x38;
	[tilespmem:$0x1DE20] =	vst v63  }
0x40: {  	_ =	swait.ge [sflag:s26], $0x2800  }
0x41: {  	[sflag:s26] =	ssyncset.done $0x0  }
0x42: {  	[sflag:s26] =	ssyncadd.s32 $0xFFFFD800  }
0x43: {  	[spmem:s12] =	stream.linear.scatter [tilespmem:s25], [sflag:$0x3], $0x2800, $0x38;
	[tilespmem:$0x1DE20] =	vst v63  }
0x44: {  	_ =	swait.ge [sflag:s26], $0x2800  }
0x45: {  	[sflag:s26] =	ssyncset.done $0x0  }
0x46: {  	[sflag:s26] =	ssyncadd.s32 $0xFFFFD800  }
0x47: {  	[spmem:s13] =	stream.linear.scatter [tilespmem:s25], [sflag:$0x3], $0x2800, $0x38;
	[tilespmem:$0x1DE20] =	vst v63  }
0x48: {  	_ =	swait.ge [sflag:s26], $0x2800  }
0x49: {  	[sflag:s26] =	ssyncset.done $0x0  }
0x4a: {  	[sflag:s26] =	ssyncadd.s32 $0xFFFFD800  }
0x4b: {  	[spmem:s14] =	stream.linear.scatter [tilespmem:s25], [sflag:$0x3], $0x2800, $0x38;
	[tilespmem:$0x1DE20] =	vst v63  }
0x4c: {  	_ =	swait.ge [sflag:s26], $0x2800  }
0x4d: {  	[sflag:s26] =	ssyncset.done $0x0  }
0x4e: {  	[sflag:s26] =	ssyncadd.s32 $0xFFFFD800  }
0x4f: {  	_ =	swait.ge [sflag:s28], $0x2710  }
0x50: {  	[sflag:s28] =	ssyncset.done $0x0  }
0x51: {  	[sflag:s28] =	ssyncadd.s32 $0xFFFFD8F0  }
0x52: {  	_ =	swait.ge [sflag:s29], $0x2710  }
0x53: {  	[sflag:s29] =	ssyncset.done $0x0  }
0x54: {  	[sflag:s29] =	ssyncadd.s32 $0xFFFFD8F0  }
0x55: {  	s1 =	simm.s32 $0x0;
	[bflag:$0x0] =	sbarrier.arrive $0xFFFF  }
0x56: {  	[tilespmem:s31], [sflag:$0x1] =	stream.indirect.gather [hbm4b:s4+s30], $0x80, s1, s30, $0xb8;
	[tilespmem:$0x1DE20] =	vst v63  }
0x57: {  	s5 =	simm.s32 $0x50  }
0x58: {  	[tilespmem:s25], [sflag:$0x2] =	stream.indirect.gather [hbm4b:s4+s30], $0x80, s5, s30, $0xb8;
	[tilespmem:$0x1DE20] =	vst v63  }
0x59: {  	_ =	swait.ge [sflag:s28], $0x2800  }
0x5a: {  	[sflag:s28] =	ssyncset.done $0x0  }
0x5b: {  	s6 =	simm.s32 $0x2710;
	[sflag:s28] =	ssyncadd.s32 $0xFFFFD800  }
0x5c: {  	[spmem:s2] =	stream.indirect.scatter.add.f32 [tilespmem:s31], [sflag:$0x3], $0x80, s6, s30, $0xb8;
	[tilespmem:$0x1DE20] =	vst v63  }
0x5d: {  	_ =	swait.ge [sflag:s26], $0x2800  }
0x5e: {  	[sflag:s26] =	ssyncset.done $0x0  }
0x5f: {  	s15 =	simm.s32 $0xA0;
	[sflag:s26] =	ssyncadd.s32 $0xFFFFD800  }
0x60: {  	[tilespmem:s31], [sflag:$0x1] =	stream.indirect.gather [hbm4b:s4+s30], $0x80, s15, s30, $0xb8;
	[tilespmem:$0x1DE20] =	vst v63  }
0x61: {  	_ =	swait.ge [sflag:s29], $0x2800  }
0x62: {  	[sflag:s29] =	ssyncset.done $0x0  }
0x63: {  	s24 =	simm.s32 $0x2760;
	[sflag:s29] =	ssyncadd.s32 $0xFFFFD800  }
0x64: {  	[spmem:s2] =	stream.indirect.scatter.add.f32 [tilespmem:s25], [sflag:$0x3], $0x80, s24, s30, $0xb8;
	[tilespmem:$0x1DE20] =	vst v63  }
0x65: {  	_ =	swait.ge [sflag:s26], $0x2800  }
0x66: {  	s1 =	simm.s32 $0x500;
	s24 =	simm.s32 $0xA0;
	[sflag:s26] =	ssyncset.done $0x0  }
.LBB2_4:
0x67: {  	s5 =	sadd.s32 $0x50, s24  }
0x68: {  	[sflag:s26] =	ssyncadd.s32 $0xFFFFD800;
	s6 =	smov.u32 s1;
	s15 =	sadd.s32 $0x280, s1  }
0x69: {  	[tilespmem:s25], [sflag:$0x2] =	stream.indirect.gather [hbm4b:s4+s30], $0x80, s5, s30, $0xb8;
	[tilespmem:$0x1DE20] =	vst v63  }
0x6a: {  	p0 =	sne.s32 s1, $0x9880;
	_ =	swait.ge [sflag:s28], $0x2800  }
0x6b: {  	[sflag:s28] =	ssyncset.done $0x0  }
0x6c: {  	s1 =	sadd.s32 $0x2710, s24;
	[sflag:s28] =	ssyncadd.s32 $0xFFFFD800  }
0x6d: {  	[spmem:s2] =	stream.indirect.scatter.add.f32 [tilespmem:s31], [sflag:$0x3], $0x80, s1, s30, $0xb8;
	[tilespmem:$0x1DE20] =	vst v63  }
0x6e: {  	_ =	swait.ge [sflag:s26], $0x2800  }
0x6f: {  	[sflag:s26] =	ssyncset.done $0x0  }
0x70: {  	s1 =	sadd.s32 $0xA0, s24;
	[sflag:s26] =	ssyncadd.s32 $0xFFFFD800  }
0x71: {  	[tilespmem:s31], [sflag:$0x1] =	stream.indirect.gather [hbm4b:s4+s30], $0x80, s1, s30, $0xb8;
	[tilespmem:$0x1DE20] =	vst v63  }
0x72: {  	_ =	swait.ge [sflag:s29], $0x2800  }
.Ltmp1:
0x73: {  	[sflag:s29] =	ssyncset.done $0x0;
	(pc) =	sbr.rel @p0 .LBB2_4-.Ltmp1, $4  }
0x74: {  	s1 =	sadd.s32 $0x2760, s24;
	[sflag:s29] =	ssyncadd.s32 $0xFFFFD800  }
0x75: {  	[spmem:s2] =	stream.indirect.scatter.add.f32 [tilespmem:s25], [sflag:$0x3], $0x80, s1, s30, $0xb8;
	[tilespmem:$0x1DE20] =	vst v63  }
0x76: {  	_ =	swait.ge [sflag:s26], $0x2800  }
0x77: {  	s24 =	sshra.s32 s6, $0x2;
	s1 =	smov.u32 s15;
	[sflag:s26] =	ssyncset.done $0x0  }
0x78: {  	s1 =	sadd.s32 $0x50, s24;
	[sflag:s26] =	ssyncadd.s32 $0xFFFFD800  }
0x79: {  	[tilespmem:s25], [sflag:$0x2] =	stream.indirect.gather [hbm4b:s4+s30], $0x80, s1, s30, $0xb8;
	[tilespmem:$0x1DE20] =	vst v63  }
0x7a: {  	_ =	swait.ge [sflag:s28], $0x2800  }
0x7b: {  	[sflag:s28] =	ssyncset.done $0x0  }
0x7c: {  	s15 =	sadd.s32 $0x2710, s24;
	[sflag:s28] =	ssyncadd.s32 $0xFFFFD800  }
0x7d: {  	[spmem:s2] =	stream.indirect.scatter.add.f32 [tilespmem:s31], [sflag:$0x3], $0x80, s15, s30, $0xb8;
	[tilespmem:$0x1DE20] =	vst v63  }
0x7e: {  	_ =	swait.ge [sflag:s26], $0x2800  }
0x7f: {  	[sflag:s26] =	ssyncset.done $0x0  }
0x80: {  	s5 =	sadd.s32 $0xA0, s24;
	[sflag:s26] =	ssyncadd.s32 $0xFFFFD800  }
0x81: {  	[tilespmem:s31], [sflag:$0x1] =	stream.indirect.gather [hbm4b:s4+s30], $0x80, s5, s30, $0xb8;
	[tilespmem:$0x1DE20] =	vst v63  }
0x82: {  	_ =	swait.ge [sflag:s29], $0x2800  }
0x83: {  	[sflag:s29] =	ssyncset.done $0x0  }
0x84: {  	s6 =	sadd.s32 $0x2760, s24;
	[sflag:s29] =	ssyncadd.s32 $0xFFFFD800  }
0x85: {  	[spmem:s2] =	stream.indirect.scatter.add.f32 [tilespmem:s25], [sflag:$0x3], $0x80, s6, s30, $0xb8;
	[tilespmem:$0x1DE20] =	vst v63  }
0x86: {  	_ =	swait.ge [sflag:s26], $0x2800  }
0x87: {  	[sflag:s26] =	ssyncset.done $0x0  }
0x88: {  	[sflag:s26] =	ssyncadd.s32 $0xFFFFD800  }
0x89: {  	_ =	swait.ge [sflag:s28], $0x2800  }
0x8a: {  	[sflag:s28] =	ssyncset.done $0x0  }
0x8b: {  	s15 =	simm.s32 $0x4DD0;
	[sflag:s28] =	ssyncadd.s32 $0xFFFFD800  }
0x8c: {  	[spmem:s2] =	stream.indirect.scatter.add.f32 [tilespmem:s31], [sflag:$0x3], $0x80, s15, s30, $0xb8;
	[tilespmem:$0x1DE20] =	vst v63  }
0x8d: {  	_ =	swait.ge [sflag:s26], $0x2800  }
0x8e: {  	[sflag:s26] =	ssyncset.done $0x0  }
0x8f: {  	[sflag:s26] =	ssyncadd.s32 $0xFFFFD800  }
0x90: {  	[bflag:$0x0] =	sbarrier.arrive $0xFFFF  }
0x91: {  	[tilespmem:s31], [sflag:$0x3] =	stream.linear.gather [spmem:s7], $0x2800, $0x38;
	[tilespmem:$0x1DE20] =	vst v63  }
0x92: {  	_ =	swait.ge [sflag:s26], $0x2800  }
0x93: {  	[sflag:s26] =	ssyncset.done $0x0  }
0x94: {  	s24 =	rddreg [dreg:$0x5];
	[sflag:s26] =	ssyncadd.s32 $0xFFFFD800  }
0x95: {  	[hbm4b:s24+s3] =	stream.linear.scatter [tilespmem:s31], [sflag:$0x1], $0x2800, $0x38;
	[tilespmem:$0x1DE20] =	vst v63  }
0x96: {  	_ = 	snop  }
0x97: {  	[tilespmem:s25], [sflag:$0x3] =	stream.linear.gather [spmem:s8], $0x2800, $0x38;
	[tilespmem:$0x1DE20] =	vst v63  }
0x98: {  	_ =	swait.ge [sflag:s26], $0x2800  }
0x99: {  	[sflag:s26] =	ssyncset.done $0x0  }
0x9a: {  	[sflag:s26] =	ssyncadd.s32 $0xFFFFD800  }
0x9b: {  	[hbm4b:s16+s3] =	stream.linear.scatter [tilespmem:s25], [sflag:$0x2], $0x2800, $0x38;
	[tilespmem:$0x1DE20] =	vst v63  }
0x9c: {  	_ =	swait.ge [sflag:s28], $0x2800  }
0x9d: {  	[sflag:s28] =	ssyncset.done $0x0  }
0x9e: {  	[sflag:s28] =	ssyncadd.s32 $0xFFFFD800  }
0x9f: {  	[tilespmem:s31], [sflag:$0x3] =	stream.linear.gather [spmem:s9], $0x2800, $0x38;
	[tilespmem:$0x1DE20] =	vst v63  }
0xa0: {  	_ =	swait.ge [sflag:s26], $0x2800  }
0xa1: {  	[sflag:s26] =	ssyncset.done $0x0  }
0xa2: {  	[sflag:s26] =	ssyncadd.s32 $0xFFFFD800  }
0xa3: {  	[hbm4b:s17+s3] =	stream.linear.scatter [tilespmem:s31], [sflag:$0x1], $0x2800, $0x38;
	[tilespmem:$0x1DE20] =	vst v63  }
0xa4: {  	_ =	swait.ge [sflag:s29], $0x2800  }
0xa5: {  	[sflag:s29] =	ssyncset.done $0x0  }
0xa6: {  	[sflag:s29] =	ssyncadd.s32 $0xFFFFD800  }
0xa7: {  	[tilespmem:s25], [sflag:$0x3] =	stream.linear.gather [spmem:s10], $0x2800, $0x38;
	[tilespmem:$0x1DE20] =	vst v63  }
0xa8: {  	_ =	swait.ge [sflag:s26], $0x2800  }
0xa9: {  	[sflag:s26] =	ssyncset.done $0x0  }
0xaa: {  	[sflag:s26] =	ssyncadd.s32 $0xFFFFD800  }
0xab: {  	[hbm4b:s18+s3] =	stream.linear.scatter [tilespmem:s25], [sflag:$0x2], $0x2800, $0x38;
	[tilespmem:$0x1DE20] =	vst v63  }
0xac: {  	_ =	swait.ge [sflag:s28], $0x2800  }
0xad: {  	[sflag:s28] =	ssyncset.done $0x0  }
0xae: {  	[sflag:s28] =	ssyncadd.s32 $0xFFFFD800  }
0xaf: {  	[tilespmem:s31], [sflag:$0x3] =	stream.linear.gather [spmem:s11], $0x2800, $0x38;
	[tilespmem:$0x1DE20] =	vst v63  }
0xb0: {  	_ =	swait.ge [sflag:s26], $0x2800  }
0xb1: {  	[sflag:s26] =	ssyncset.done $0x0  }
0xb2: {  	[sflag:s26] =	ssyncadd.s32 $0xFFFFD800  }
0xb3: {  	[hbm4b:s19+s3] =	stream.linear.scatter [tilespmem:s31], [sflag:$0x1], $0x2800, $0x38;
	[tilespmem:$0x1DE20] =	vst v63  }
0xb4: {  	_ =	swait.ge [sflag:s29], $0x2800  }
0xb5: {  	[sflag:s29] =	ssyncset.done $0x0  }
0xb6: {  	[sflag:s29] =	ssyncadd.s32 $0xFFFFD800  }
0xb7: {  	[tilespmem:s25], [sflag:$0x3] =	stream.linear.gather [spmem:s12], $0x2800, $0x38;
	[tilespmem:$0x1DE20] =	vst v63  }
0xb8: {  	_ =	swait.ge [sflag:s26], $0x2800  }
0xb9: {  	[sflag:s26] =	ssyncset.done $0x0  }
0xba: {  	[sflag:s26] =	ssyncadd.s32 $0xFFFFD800  }
0xbb: {  	[hbm4b:s20+s3] =	stream.linear.scatter [tilespmem:s25], [sflag:$0x2], $0x2800, $0x38;
	[tilespmem:$0x1DE20] =	vst v63  }
0xbc: {  	_ =	swait.ge [sflag:s28], $0x2800  }
0xbd: {  	[sflag:s28] =	ssyncset.done $0x0  }
0xbe: {  	[sflag:s28] =	ssyncadd.s32 $0xFFFFD800  }
0xbf: {  	[tilespmem:s31], [sflag:$0x3] =	stream.linear.gather [spmem:s13], $0x2800, $0x38;
	[tilespmem:$0x1DE20] =	vst v63  }
0xc0: {  	_ =	swait.ge [sflag:s26], $0x2800  }
0xc1: {  	[sflag:s26] =	ssyncset.done $0x0  }
0xc2: {  	[sflag:s26] =	ssyncadd.s32 $0xFFFFD800  }
0xc3: {  	[hbm4b:s21+s3] =	stream.linear.scatter [tilespmem:s31], [sflag:$0x1], $0x2800, $0x38;
	[tilespmem:$0x1DE20] =	vst v63  }
0xc4: {  	_ =	swait.ge [sflag:s29], $0x2800  }
0xc5: {  	[sflag:s29] =	ssyncset.done $0x0  }
0xc6: {  	[sflag:s29] =	ssyncadd.s32 $0xFFFFD800  }
0xc7: {  	[tilespmem:s25], [sflag:$0x3] =	stream.linear.gather [spmem:s14], $0x2800, $0x38;
	[tilespmem:$0x1DE20] =	vst v63  }
0xc8: {  	_ =	swait.ge [sflag:s26], $0x2800  }
0xc9: {  	[sflag:s26] =	ssyncset.done $0x0  }
0xca: {  	s0 =	sadd.s32 $0x1, s0;
	[sflag:s26] =	ssyncadd.s32 $0xFFFFD800  }
0xcb: {  	[hbm4b:s22+s3] =	stream.linear.scatter [tilespmem:s25], [sflag:$0x2], $0x2800, $0x38;
	[tilespmem:$0x1DE20] =	vst v63  }
0xcc: {  	p0 =	sne.s32 s0, s23;
	_ =	swait.ge [sflag:s28], $0x2800  }
.Ltmp2:
0xcd: {  	[sflag:s28] =	ssyncset.done $0x0;
	(pc) =	sbr.rel @p0 .LBB2_1-.Ltmp2, $4  }
0xce: {  	[sflag:s28] =	ssyncadd.s32 $0xFFFFD800  }
0xcf: {  	_ =	swait.ge [sflag:s29], $0x2800  }
0xd0: {  	[sflag:s29] =	ssyncset.done $0x0  }
0xd1: {  	[sflag:s29] =	ssyncadd.s32 $0xFFFFD800  }
0xd2: {  	_ =	sfence.sel $0x180000  }
0xd3: {  	[bflag:$0x0] =	sbarrier.arrive $0xFFFF  }
0xd4: {  	_ =	strace $0x90000050  }
0xd5: {  	s0 =	stileid.u32;
	[bflag:$0x2] =	sbarrier.arrive $0xFFFF  }
0xd6: {  	p0 =	sne.s32 s0, $0x0;
	s0 =	rddreg [dreg:$0x2]  }
0xd7: {  	s0 =	sadd.s32 @!p0 $0x100000, s0  }
0xd8: {  	[sflag:s0] =	ssyncadd.tile.s32 @!p0 $0x1;
	_ =	shalt  }
.Lfunc_end2:
_tile_overlayer_lowered:
.L_overlay_start_2:
0xd9: {  	(tag) =	ssettag $0x2  }
0xda: {  	s0 =	rddreg [dreg:$0x0];
	s2 =	stileid.u32  }
0xdb: {  	s1 =	rddreg [dreg:$0x1];
	p0 =	sne.s32 s2, $0x0  }
0xdc: {  	s3 =	rddreg [dreg:$0x2];
	[bflag:$0x3] =	sbarrier.arrive $0xFFFF;
	s2 =	simm.s32 @!p0 $0x1C03  }
0xdd: {  	[timem:s3], [sflag:s2] =	dma.local @!p0 [hbm:s0], s1  }
0xde: {  	s0 =	simm.s32 @!p0 $0x3  }
0xdf: {  	_ =	swait.ge @!p0 [sflag:s0], s1  }
0xe0: {  	s1 =	ssub.s32 @!p0 $0x0, s1;
	[sflag:s0] =	ssyncset.done @!p0 $0x0  }
0xe1: {  	[sflag:s0] =	ssyncadd.s32 @!p0 s1  }
0xe2: {  	[bflag:$0x3] =	sbarrier.arrive $0xFFFF  }
0xe3: {  	_ =	shalt  }

// kernel: kernel.24.cloned.1.call-start
scs
__scs_entry_jumppad:
0x0: {  	(pc) =	sbr.rel $0x88, $3  }
0x1: {  	(tag) =	ssettag $0x0;
	lr =	simm.s32 $0x1  }
0x2: {  	[smem:$0x3F98] =	sst lr;
	_ =	strace $0xD0000000  }
0x3: {  	_ = 	snop  }
0x4: {  	_ = 	snop  }
0x5: {  	_ = 	snop  }
0x6: {  	_ = 	snop  }
0x7: {  	_ = 	snop  }
__scs_overlays_trampoline_lowered:
0x8: {  	[smem:$0x3FA7] =	sst s0  }
0x9: {  	[smem:$0x3FA8] =	sst s1  }
0xa: {  	[smem:$0x3FA9] =	sst s2  }
0xb: {  	[smem:$0x3FAA] =	sst s3  }
0xc: {  	[smem:$0x3FAB] =	sst s4  }
0xd: {  	[smem:$0x3FAC] =	sst s5  }
0xe: {  	[smem:$0x3FAD] =	sst s6  }
0xf: {  	[smem:$0x3FAE] =	sst s7  }
0x10: {  	[smem:$0x3FAF] =	sst s8  }
0x11: {  	[smem:$0x3FB0] =	sst s9;
	s0 =	simm.s32 @!p0 $0x0  }
0x12: {  	s1 =	sld [smem:$0x3F96];
	s0 =	simm.s32 @p0 $0x1  }
0x13: {  	[smem:$0x3FB1] =	sst s0;
	s0 =	simm.s32 @!p1 $0x0  }
0x14: {  	s2 =	sld [smem:$0x3F95];
	s0 =	simm.s32 @p1 $0x1  }
0x15: {  	[smem:$0x3FB2] =	sst s0;
	s0 =	simm.s32 @!p2 $0x0  }
0x16: {  	s3 =	sld [smem:$0x3FDB];
	s0 =	simm.s32 @p2 $0x1  }
0x17: {  	s4 =	simm.s32 $0x1BF5;
	[smem:$0x3FB4] =	sst s0  }
0x18: {  	s0 =	sld [smem:$0x3F97];
	_ =	swait.ge [sflag:s4], $0x0  }
0x19: {  	s7 =	sld [smem:$0x3F98]  }
0x1a: {  	s8 =	sadd.s32 $0xFFFFE003, lr  }
0x1b: {  	s9 =	sadd.s32 $0xFFFFFEF7, lr;
	s5 =	simm.s32 $0xFFFFFFFF;
	p2 =	slt.u32 s8, $0xFFFFF086  }
0x1c: {  	p1 =	slt.u32 s9, $0xF7A;
	s5 =	simm.s32 @!p2 $0x0  }
0x1d: {  	s5 =	simm.s32 @p1 $0x1;
	p0 =	seq.s32 s7, s2  }
0x1e: {  	s7 =	smul.u32 @!p0 $0xF7A, s2;
	p2 =	seq.s32 @!p0 s5, $0x0  }
0x1f: {  	s9 =	smul.u32 $0xF7A, s1;
	s8 =	simm.s32 @!p0 $0x1BF5;
	p2 =	por !p2, p0  }
0x20: {  	[sflag:s8] =	ssyncset.s32 @!p0 $0xFFFFF086;
	s6 =	sadd.s32 @!p0 s3, s7;
	s7 =	simm.s32 @!p0 $0x108  }
0x21: {  	s3 =	sadd.s32 s3, s9;
	s6 =	sadd.s32 @!p0 $0x88, s6;
	s7 =	simm.s32 @p2 $0x1082  }
0x22: {  	[simem:s7], [sflag:s8] =	dma.local @!p0 [hbm:s6], $0xF7A  }
0x23: {  	s9 =	sor.u32 $0xD0000000, s2;
	s6 =	simm.s32 $0x108;
	_ =	swait.ge @!p0 [sflag:s8], $0x0  }
0x24: {  	s3 =	sadd.s32 $0x88, s3;
	s6 =	simm.s32 @!p1 $0x1082;
	[sflag:s4] =	ssyncset.s32 $0xFFFFF086  }
0x25: {  	[simem:s6], [sflag:s4] =	dma.local [hbm:s3], $0xF7A  }
0x26: {  	[smem:$0x3F98] =	sst s1;
	(tag) =	ssettag s2;
	_ =	strace s9  }
0x27: {  	s1 =	sld [smem:$0x3FA8]  }
0x28: {  	s2 =	sld [smem:$0x3FA9]  }
0x29: {  	s4 =	sld [smem:$0x3FAB]  }
0x2a: {  	p0 =	seq.s32 s5, $0x0;
	s5 =	sld [smem:$0x3FAC]  }
0x2b: {  	s6 =	sld [smem:$0x3FAD]  }
0x2c: {  	s7 =	sld [smem:$0x3FAE]  }
0x2d: {  	s3 =	simm.s32 $0x108;
	s8 =	sld [smem:$0x3FAF]  }
0x2e: {  	s3 =	simm.s32 @!p0 $0x1082;
	s9 =	sld [smem:$0x3FB0]  }
0x2f: {  	lr =	sadd.s32 s0, s3;
	s0 =	sld [smem:$0x3FA7]  }
0x30: {  	s3 =	sld [smem:$0x3FAA]  }
0x31: {  	[smem:$0x3FB3] =	sst s10  }
0x32: {  	s10 =	sld [smem:$0x3FB1];
	_ =	sdelay $0x3  }
0x33: {  	p0 =	seq.s32 s10, $0x1;
	s10 =	sld [smem:$0x3FB3];
	_ =	sdelay $0x3  }
0x34: {  	[smem:$0x3FB3] =	sst s10  }
0x35: {  	s10 =	sld [smem:$0x3FB2];
	_ =	sdelay $0x3  }
0x36: {  	p1 =	seq.s32 s10, $0x1;
	s10 =	sld [smem:$0x3FB3];
	_ =	sdelay $0x3  }
0x37: {  	[smem:$0x3FB3] =	sst s10  }
0x38: {  	s10 =	sld [smem:$0x3FB4]  }
0x39: {  	_ = 	snop;
	(pc) =	sbr.ind lr, $3  }
0x3a: {  	_ = 	snop  }
0x3b: {  	_ = 	snop  }
0x3c: {  	p2 =	seq.s32 s10, $0x1;
	s10 =	sld [smem:$0x3FB3]  }
0x3d: {  	_ =	shalt  }
0x3e: {  	_ =	shalt  }
0x3f: {  	_ =	shalt  }
0x40: {  	_ =	shalt  }
0x41: {  	_ =	shalt  }
0x42: {  	_ =	shalt  }
0x43: {  	_ =	shalt  }
0x44: {  	_ =	shalt  }
0x45: {  	_ =	shalt  }
0x46: {  	_ =	shalt  }
0x47: {  	_ =	shalt  }
0x48: {  	_ =	shalt  }
0x49: {  	_ =	shalt  }
0x4a: {  	_ =	shalt  }
0x4b: {  	_ =	shalt  }
0x4c: {  	_ =	shalt  }
0x4d: {  	_ =	shalt  }
0x4e: {  	_ =	shalt  }
0x4f: {  	_ =	shalt  }
0x50: {  	_ =	shalt  }
0x51: {  	_ =	shalt  }
0x52: {  	_ =	shalt  }
0x53: {  	_ =	shalt  }
0x54: {  	_ =	shalt  }
0x55: {  	_ =	shalt  }
0x56: {  	_ =	shalt  }
0x57: {  	_ =	shalt  }
0x58: {  	_ =	shalt  }
0x59: {  	_ =	shalt  }
0x5a: {  	_ =	shalt  }
0x5b: {  	_ =	shalt  }
0x5c: {  	_ =	shalt  }
0x5d: {  	_ =	shalt  }
0x5e: {  	_ =	shalt  }
0x5f: {  	_ =	shalt  }
0x60: {  	_ =	shalt  }
0x61: {  	_ =	shalt  }
0x62: {  	_ =	shalt  }
0x63: {  	_ =	shalt  }
0x64: {  	_ =	shalt  }
0x65: {  	_ =	shalt  }
0x66: {  	_ =	shalt  }
0x67: {  	_ =	shalt  }
0x68: {  	_ =	shalt  }
0x69: {  	_ =	shalt  }
0x6a: {  	_ =	shalt  }
0x6b: {  	_ =	shalt  }
0x6c: {  	_ =	shalt  }
0x6d: {  	_ =	shalt  }
0x6e: {  	_ =	shalt  }
0x6f: {  	_ =	shalt  }
0x70: {  	_ =	shalt  }
0x71: {  	_ =	shalt  }
0x72: {  	_ =	shalt  }
0x73: {  	_ =	shalt  }
0x74: {  	_ =	shalt  }
0x75: {  	_ =	shalt  }
0x76: {  	_ =	shalt  }
0x77: {  	_ =	shalt  }
0x78: {  	_ =	shalt  }
0x79: {  	_ =	shalt  }
0x7a: {  	_ =	shalt  }
0x7b: {  	_ =	shalt  }
0x7c: {  	_ =	shalt  }
0x7d: {  	_ =	shalt  }
0x7e: {  	_ =	shalt  }
0x7f: {  	_ =	shalt  }
0x80: {  	_ =	shalt  }
0x81: {  	_ =	shalt  }
0x82: {  	_ =	shalt  }
0x83: {  	_ =	shalt  }
0x84: {  	_ =	shalt  }
0x85: {  	_ =	shalt  }
0x86: {  	_ =	shalt  }
0x87: {  	_ =	shalt  }
.Lfunc_end0:
.L_simem_size_0:
called_computation.4_lowered:
.L_overlay_start_0:
0x88: {  	s2 =	sld [smem:$0x3FD9]  }
0x89: {  	s3 =	sld [smem:$0x3FFE];
	_ =	sdelay $0x1  }
0x8a: {  	s1 =	srdreg.scid  }
0x8b: {  	s0 =	sand.u32 $0x1, s1  }
0x8c: {  	s16 =	sshll.u32 s0, $0xA;
	s2 =	sadd.s32 s3, s2  }
0x8d: {  	s2 =	sadd.s32 s2, s16  }
0x8e: {  	[smem:$0x3FBF] =	sst s2  }
0x8f: {  	_ = 	snop  }
0x90: {  	(tm) =	ssettm $0x1  }
0x91: {  	s17 =	sld [smem:$0x3FFB];
	_ =	sdelay $0x3  }
0x92: {  	_ =	strace s17  }
0x93: {  	s2 =	sld [smem:$0x3FFC];
	_ =	sdelay $0x3  }
0x94: {  	_ =	strace s2  }
0x95: {  	s2 =	sld [smem:$0x3FFD];
	_ =	sdelay $0x3  }
0x96: {  	_ =	strace s2  }
0x97: {  	_ =	strace $0x8FFFFFFF  }
0x98: {  	s18 =	sld [smem:$0x3FDB];
	_ =	sdelay $0x1  }
0x99: {  	s19 =	simm.s32 $_scs_section_size  }
0x9a: {  	s4 =	simm.s32 $_size__tile_overlayer_lowered;
	s5 =	simm.s32 $_tile_overlayer_lowered  }
0x9b: {  	s22 =	simm.s32 $0x1BFF;
	s21 =	sshll.u32 s5, $0x1;
	s2 =	sadd.s32 s19, s18  }
0x9c: {  	s6 =	simm.s32 $0x0;
	s20 =	sshll.u32 s4, $0x1;
	s4 =	sadd.s32 s21, s2  }
0x9d: {  	[timem:s6], [sflag:s22] =	dma.local [hbm:s4], s20  }
0x9e: {  	_ =	swait.ge [sflag:s22], s20  }
0x9f: {  	s3 =	ssub.s32 $0x0, s20;
	[sflag:s22] =	ssyncset.done $0x0  }
0xa0: {  	[sflag:s22] =	ssyncadd.s32 s3;
	_ =	sdelay $0x1  }
0xa1: {  	s23 =	simm.s32 $0x1B8B  }
0xa2: {  	_ =	swait.ge [sflag:s23], $0x1  }
0xa3: {  	[sflag:s23] =	ssyncset.done $0x0  }
0xa4: {  	s25 =	simm.s32 $0x1B8E;
	s24 =	sld [smem:$0x3FFE];
	[sflag:s23] =	ssyncadd.s32 $0xFFFFFFFF  }
0xa5: {  	s26 =	simm.s32 $execute0_lowered;
	[smem:$0x3FD2] =	sst s25  }
0xa6: {  	s4 =	sshll.u32 s26, $0x1;
	_ =	strace $0x80000052;
	[dreg:$0x1] =	wrdreg $0xFFFFFFFF  }
0xa7: {  	s28 =	simm.s32 $_size_execute0_lowered;
	s2 =	sadd.s32 s2, s4;
	[dreg:$0x0] =	wrdreg $0x0  }
0xa8: {  	s4 =	sshll.u32 s28, $0x1;
	[dreg:$0x2] =	wrdreg s2  }
0xa9: {  	[dreg:$0x3] =	wrdreg s4  }
0xaa: {  	[dreg:$0x4] =	wrdreg $0xC0  }
0xab: {  	_ =	task [dreg:s6], $0x5FFFF  }
0xac: {  	[dreg:$0x1] =	wrdreg $0xFFFFFFFF  }
0xad: {  	[dreg:$0x0] =	wrdreg $0x60  }
0xae: {  	[dreg:$0x2] =	wrdreg s24  }
0xaf: {  	[dreg:$0x3] =	wrdreg $0x9E200  }
0xb0: {  	[dreg:$0x4] =	wrdreg $0x9  }
0xb1: {  	_ =	task.clear_ibuf [dreg:s6], $0x5FFFF;
	_ =	strace $0x90000052  }
0xb2: {  	s29 =	simm.s32 $0x9;
	_ =	strace $0x80000054  }
0xb3: {  	_ =	swait.ge [sflag:s29], $0x1  }
0xb4: {  	[sflag:s29] =	ssyncadd.s32 $0xFFFFFFFF  }
0xb5: {  	_ =	strace $0x90000054  }
0xb6: {  	_ =	sfence  }
0xb7: {  	s30 =	sld [smem:$0x0];
	_ =	sdelay $0x2  }
0xb8: {  	s31 =	sshll.u32 s1, $0xD;
	s1 =	sshrl.u32 s1, $0x2  }
0xb9: {  	s3 =	sand.u32 $0x4000, s31;
	s1 =	sadd.s32 s1, s30  }
0xba: {  	s0 =	sor.u32 s3, s0;
	s1 =	sshll.u32 s1, $0x11  }
0xbb: {  	s0 =	sor.u32 s1, s0  }
0xbc: {  	s0 =	sadd.s32 $0x8F2B, s0  }
0xbd: {  	[sflag:s0] =	ssyncadd.remote.s32 $0x1  }
0xbe: {  	_ =	sfence.sel $0xFFFF  }
0xbf: {  	[dreg:$0x0] =	wrdreg $0xFFFFFFFF;
	(pc) =	sbr.abs _section_cstart, $3  }
0xc0: {  	[dreg:$0x1] =	wrdreg $0xFFFFFFFF  }
0xc1: {  	_ =	task.clear_ibuf [dreg:s6], $0x2FFFF;
	_ =	strace $0x9FFFFFFF  }
0xc2: {  	(tm) =	ssettm $0x7FFFFFFF  }
0xc3: {  	_ =	shalt  }
tec
execute0_lowered:
.L_overlay_start_1:
0x0: {  	(tag) =	ssettag $0x1  }
0x1: {  	s0 =	rddreg [dreg:$0x0]  }
0x2: {  	s1 =	srdreg.scid;
	s8 =	stileid.u32  }
0x3: {  	s2 =	rddreg [dreg:$0x1];
	s3 =	simm.s32 $0x0;
	s28 =	simm.s32 $0x1  }
0x4: {  	s29 =	simm.s32 $0x2;
	s30 =	simm.s32 $0x50;
	s1 =	sand.u32 $0x1, s1  }
0x5: {  	s4 =	sshll.u32 s8, $0x1;
	[smem:$0x7FF] =	sst s3;
	s14 =	smul.u32 $0x14000, s8  }
0x6: {  	s4 =	sor.u32 s1, s4;
	s6 =	ssub.s32 $0x2, s1;
	s1 =	smul.u32 $0x140000, s1  }
0x7: {  	s31 =	simm.s32 $0x4E20;
	_ =	strace $0x80000053;
	s5 =	smul.u32 $0x2710, s4  }
0x8: {  	s4 =	sadd.s32 $0x17600, s0;
	s23 =	sshrl.u32 s6, $0x1;
	s15 =	sor.u32 $0x2800, s14  }
0x9: {  	s17 =	sadd.s32 $0x5000, s14;
	s18 =	sadd.s32 $0x7800, s14;
	s19 =	sadd.s32 $0xA000, s14  }
0xa: {  	s20 =	sadd.s32 $0xC800, s14;
	s21 =	sadd.s32 $0xF000, s14;
	s22 =	sadd.s32 $0x11800, s14  }
0xb: {  	s23 =	ssub.s32 s6, s23;
	s8 =	sadd.s32 s15, s2;
	s9 =	sadd.s32 s17, s2  }
0xc: {  	s10 =	sadd.s32 s18, s2;
	s11 =	sadd.s32 s19, s2;
	s12 =	sadd.s32 s20, s2  }
0xd: {  	s13 =	sadd.s32 s21, s2;
	s16 =	sadd.s32 s14, s1;
	s15 =	sadd.s32 s1, s15  }
0xe: {  	s17 =	sadd.s32 s1, s17;
	s18 =	sadd.s32 s1, s18;
	s19 =	sadd.s32 s1, s19  }
0xf: {  	s20 =	sadd.s32 s1, s20;
	s21 =	sadd.s32 s1, s21;
	s1 =	sadd.s32 s1, s22  }
0x10: {  	s5 =	sshrl.u32 s5, $0x3;
	s16 =	sshrl.u32 s16, $0x3;
	s17 =	sshrl.u32 s17, $0x3  }
0x11: {  	s18 =	sshrl.u32 s18, $0x3;
	s19 =	sshrl.u32 s19, $0x3;
	s20 =	sshrl.u32 s20, $0x3  }
0x12: {  	s21 =	sshrl.u32 s21, $0x3;
	s1 =	sshrl.u32 s1, $0x3;
	s7 =	sadd.s32 s5, s0  }
0x13: {  	s23 =	smax.u32 s23, $0x1;
	s0 =	sadd.s32 $0x3F600, s0;
	s24 =	sadd.s32 $0xD840, s7  }
0x14: {  	s25 =	sadd.s32 $0x3C00, s7;
	s7 =	sadd.s32 s14, s2;
	s14 =	sadd.s32 s22, s2  }
0x15: {  	s26 =	sadd.s32 s0, s16;
	s17 =	sadd.s32 s0, s17;
	s18 =	sadd.s32 s0, s18  }
0x16: {  	s19 =	sadd.s32 s0, s19;
	s20 =	sadd.s32 s0, s20;
	[dreg:$0x3] =	wrdreg s24  }
0x17: {  	s21 =	sadd.s32 s0, s21;
	s22 =	sadd.s32 s0, s1;
	[dreg:$0x4] =	wrdreg s25  }
0x18: {  	s24 =	sshrl.u32 s15, $0x3;
	[dreg:$0x5] =	wrdreg s26;
	s25 =	simm.s32 $0x7620  }
0x19: {  	v0 =	vimm.f32 $0.0e+00;
	s26 =	simm.s32 $0x3;
	s16 =	sadd.s32 s0, s24;
	s0 =	simm.s32 $0x0  }
.LBB2_1:
0x1a: {  	s1 =	rddreg [dreg:$0x3]  }
0x1b: {  	[tilespmem:s3], [sflag:$0x1] =	stream.linear.gather [hbm4b:s1+s3], $0x2710, $0x38;
	[tilespmem:$0x1DE20] =	vst v63  }
0x1c: {  	s24 =	rddreg [dreg:$0x4];
	s5 =	simm.s32 $0x2710  }
0x1d: {  	[tilespmem:s5], [sflag:$0x2] =	stream.linear.gather [hbm4b:s24+s3], $0x2710, $0x38;
	[tilespmem:$0x1DE20] =	vst v63  }
0x1e: {  	s1 =	simm.s32 $0x200;
	s24 =	simm.s32 $0x0  }
.LBB2_2:
0x1f: {  	p0 =	sne.s32 s1, $0x9E00;
	[tilespmem:s24+$0x7690] =	vst v0  }
0x20: {  	[tilespmem:s24+$0x7620] =	vst v0  }
0x21: {  	[tilespmem:s24+$0x7630] =	vst v0  }
.Ltmp0:
0x22: {  	[tilespmem:s24+$0x7640] =	vst v0;
	(pc) =	sbr.rel @p0 .LBB2_2-.Ltmp0, $4  }
0x23: {  	[tilespmem:s24+$0x7650] =	vst v0  }
0x24: {  	[tilespmem:s24+$0x7660] =	vst v0  }
0x25: {  	[tilespmem:s24+$0x7670] =	vst v0  }
0x26: {  	[tilespmem:s24+$0x7680] =	vst v0;
	s24 =	sshra.s32 s1, $0x2;
	s1 =	sadd.s32 $0x200, s1  }
0x27: {  	[tilespmem:s24+$0x7690] =	vst v0  }
0x28: {  	[tilespmem:s24+$0x7620] =	vst v0  }
0x29: {  	[tilespmem:s24+$0x7630] =	vst v0  }
0x2a: {  	[tilespmem:s24+$0x7640] =	vst v0  }
0x2b: {  	[tilespmem:s24+$0x7650] =	vst v0  }
0x2c: {  	[tilespmem:s24+$0x7660] =	vst v0  }
0x2d: {  	[tilespmem:s24+$0x7670] =	vst v0  }
0x2e: {  	[tilespmem:s24+$0x7680] =	vst v0  }
0x2f: {  	[spmem:s7] =	stream.linear.scatter [tilespmem:s25], [sflag:$0x3], $0x2800, $0x38;
	[tilespmem:$0x1DE20] =	vst v63  }
0x30: {  	_ =	swait.ge [sflag:s26], $0x2800  }
0x31: {  	[sflag:s26] =	ssyncset.done $0x0  }
0x32: {  	[sflag:s26] =	ssyncadd.s32 $0xFFFFD800  }
0x33: {  	[spmem:s8] =	stream.linear.scatter [tilespmem:s25], [sflag:$0x3], $0x2800, $0x38;
	[tilespmem:$0x1DE20] =	vst v63  }
0x34: {  	_ =	swait.ge [sflag:s26], $0x2800  }
0x35: {  	[sflag:s26] =	ssyncset.done $0x0  }
0x36: {  	[sflag:s26] =	ssyncadd.s32 $0xFFFFD800  }
0x37: {  	[spmem:s9] =	stream.linear.scatter [tilespmem:s25], [sflag:$0x3], $0x2800, $0x38;
	[tilespmem:$0x1DE20] =	vst v63  }
0x38: {  	_ =	swait.ge [sflag:s26], $0x2800  }
0x39: {  	[sflag:s26] =	ssyncset.done $0x0  }
0x3a: {  	[sflag:s26] =	ssyncadd.s32 $0xFFFFD800  }
0x3b: {  	[spmem:s10] =	stream.linear.scatter [tilespmem:s25], [sflag:$0x3], $0x2800, $0x38;
	[tilespmem:$0x1DE20] =	vst v63  }
0x3c: {  	_ =	swait.ge [sflag:s26], $0x2800  }
0x3d: {  	[sflag:s26] =	ssyncset.done $0x0  }
0x3e: {  	[sflag:s26] =	ssyncadd.s32 $0xFFFFD800  }
0x3f: {  	[spmem:s11] =	stream.linear.scatter [tilespmem:s25], [sflag:$0x3], $0x2800, $0x38;
	[tilespmem:$0x1DE20] =	vst v63  }
0x40: {  	_ =	swait.ge [sflag:s26], $0x2800  }
0x41: {  	[sflag:s26] =	ssyncset.done $0x0  }
0x42: {  	[sflag:s26] =	ssyncadd.s32 $0xFFFFD800  }
0x43: {  	[spmem:s12] =	stream.linear.scatter [tilespmem:s25], [sflag:$0x3], $0x2800, $0x38;
	[tilespmem:$0x1DE20] =	vst v63  }
0x44: {  	_ =	swait.ge [sflag:s26], $0x2800  }
0x45: {  	[sflag:s26] =	ssyncset.done $0x0  }
0x46: {  	[sflag:s26] =	ssyncadd.s32 $0xFFFFD800  }
0x47: {  	[spmem:s13] =	stream.linear.scatter [tilespmem:s25], [sflag:$0x3], $0x2800, $0x38;
	[tilespmem:$0x1DE20] =	vst v63  }
0x48: {  	_ =	swait.ge [sflag:s26], $0x2800  }
0x49: {  	[sflag:s26] =	ssyncset.done $0x0  }
0x4a: {  	[sflag:s26] =	ssyncadd.s32 $0xFFFFD800  }
0x4b: {  	[spmem:s14] =	stream.linear.scatter [tilespmem:s25], [sflag:$0x3], $0x2800, $0x38;
	[tilespmem:$0x1DE20] =	vst v63  }
0x4c: {  	_ =	swait.ge [sflag:s26], $0x2800  }
0x4d: {  	[sflag:s26] =	ssyncset.done $0x0  }
0x4e: {  	[sflag:s26] =	ssyncadd.s32 $0xFFFFD800  }
0x4f: {  	_ =	swait.ge [sflag:s28], $0x2710  }
0x50: {  	[sflag:s28] =	ssyncset.done $0x0  }
0x51: {  	[sflag:s28] =	ssyncadd.s32 $0xFFFFD8F0  }
0x52: {  	_ =	swait.ge [sflag:s29], $0x2710  }
0x53: {  	[sflag:s29] =	ssyncset.done $0x0  }
0x54: {  	[sflag:s29] =	ssyncadd.s32 $0xFFFFD8F0  }
0x55: {  	s1 =	simm.s32 $0x0;
	[bflag:$0x0] =	sbarrier.arrive $0xFFFF  }
0x56: {  	[tilespmem:s31], [sflag:$0x1] =	stream.indirect.gather [hbm4b:s4+s30], $0x80, s1, s30, $0xb8;
	[tilespmem:$0x1DE20] =	vst v63  }
0x57: {  	s5 =	simm.s32 $0x50  }
0x58: {  	[tilespmem:s25], [sflag:$0x2] =	stream.indirect.gather [hbm4b:s4+s30], $0x80, s5, s30, $0xb8;
	[tilespmem:$0x1DE20] =	vst v63  }
0x59: {  	_ =	swait.ge [sflag:s28], $0x2800  }
0x5a: {  	[sflag:s28] =	ssyncset.done $0x0  }
0x5b: {  	s6 =	simm.s32 $0x2710;
	[sflag:s28] =	ssyncadd.s32 $0xFFFFD800  }
0x5c: {  	[spmem:s2] =	stream.indirect.scatter.add.f32 [tilespmem:s31], [sflag:$0x3], $0x80, s6, s30, $0xb8;
	[tilespmem:$0x1DE20] =	vst v63  }
0x5d: {  	_ =	swait.ge [sflag:s26], $0x2800  }
0x5e: {  	[sflag:s26] =	ssyncset.done $0x0  }
0x5f: {  	s15 =	simm.s32 $0xA0;
	[sflag:s26] =	ssyncadd.s32 $0xFFFFD800  }
0x60: {  	[tilespmem:s31], [sflag:$0x1] =	stream.indirect.gather [hbm4b:s4+s30], $0x80, s15, s30, $0xb8;
	[tilespmem:$0x1DE20] =	vst v63  }
0x61: {  	_ =	swait.ge [sflag:s29], $0x2800  }
0x62: {  	[sflag:s29] =	ssyncset.done $0x0  }
0x63: {  	s24 =	simm.s32 $0x2760;
	[sflag:s29] =	ssyncadd.s32 $0xFFFFD800  }
0x64: {  	[spmem:s2] =	stream.indirect.scatter.add.f32 [tilespmem:s25], [sflag:$0x3], $0x80, s24, s30, $0xb8;
	[tilespmem:$0x1DE20] =	vst v63  }
0x65: {  	_ =	swait.ge [sflag:s26], $0x2800  }
0x66: {  	s1 =	simm.s32 $0x500;
	s24 =	simm.s32 $0xA0;
	[sflag:s26] =	ssyncset.done $0x0  }
.LBB2_4:
0x67: {  	s5 =	sadd.s32 $0x50, s24  }
0x68: {  	[sflag:s26] =	ssyncadd.s32 $0xFFFFD800;
	s6 =	smov.u32 s1;
	s15 =	sadd.s32 $0x280, s1  }
0x69: {  	[tilespmem:s25], [sflag:$0x2] =	stream.indirect.gather [hbm4b:s4+s30], $0x80, s5, s30, $0xb8;
	[tilespmem:$0x1DE20] =	vst v63  }
0x6a: {  	p0 =	sne.s32 s1, $0x9880;
	_ =	swait.ge [sflag:s28], $0x2800  }
0x6b: {  	[sflag:s28] =	ssyncset.done $0x0  }
0x6c: {  	s1 =	sadd.s32 $0x2710, s24;
	[sflag:s28] =	ssyncadd.s32 $0xFFFFD800  }
0x6d: {  	[spmem:s2] =	stream.indirect.scatter.add.f32 [tilespmem:s31], [sflag:$0x3], $0x80, s1, s30, $0xb8;
	[tilespmem:$0x1DE20] =	vst v63  }
0x6e: {  	_ =	swait.ge [sflag:s26], $0x2800  }
0x6f: {  	[sflag:s26] =	ssyncset.done $0x0  }
0x70: {  	s1 =	sadd.s32 $0xA0, s24;
	[sflag:s26] =	ssyncadd.s32 $0xFFFFD800  }
0x71: {  	[tilespmem:s31], [sflag:$0x1] =	stream.indirect.gather [hbm4b:s4+s30], $0x80, s1, s30, $0xb8;
	[tilespmem:$0x1DE20] =	vst v63  }
0x72: {  	_ =	swait.ge [sflag:s29], $0x2800  }
.Ltmp1:
0x73: {  	[sflag:s29] =	ssyncset.done $0x0;
	(pc) =	sbr.rel @p0 .LBB2_4-.Ltmp1, $4  }
0x74: {  	s1 =	sadd.s32 $0x2760, s24;
	[sflag:s29] =	ssyncadd.s32 $0xFFFFD800  }
0x75: {  	[spmem:s2] =	stream.indirect.scatter.add.f32 [tilespmem:s25], [sflag:$0x3], $0x80, s1, s30, $0xb8;
	[tilespmem:$0x1DE20] =	vst v63  }
0x76: {  	_ =	swait.ge [sflag:s26], $0x2800  }
0x77: {  	s24 =	sshra.s32 s6, $0x2;
	s1 =	smov.u32 s15;
	[sflag:s26] =	ssyncset.done $0x0  }
0x78: {  	s1 =	sadd.s32 $0x50, s24;
	[sflag:s26] =	ssyncadd.s32 $0xFFFFD800  }
0x79: {  	[tilespmem:s25], [sflag:$0x2] =	stream.indirect.gather [hbm4b:s4+s30], $0x80, s1, s30, $0xb8;
	[tilespmem:$0x1DE20] =	vst v63  }
0x7a: {  	_ =	swait.ge [sflag:s28], $0x2800  }
0x7b: {  	[sflag:s28] =	ssyncset.done $0x0  }
0x7c: {  	s15 =	sadd.s32 $0x2710, s24;
	[sflag:s28] =	ssyncadd.s32 $0xFFFFD800  }
0x7d: {  	[spmem:s2] =	stream.indirect.scatter.add.f32 [tilespmem:s31], [sflag:$0x3], $0x80, s15, s30, $0xb8;
	[tilespmem:$0x1DE20] =	vst v63  }
0x7e: {  	_ =	swait.ge [sflag:s26], $0x2800  }
0x7f: {  	[sflag:s26] =	ssyncset.done $0x0  }
0x80: {  	s5 =	sadd.s32 $0xA0, s24;
	[sflag:s26] =	ssyncadd.s32 $0xFFFFD800  }
0x81: {  	[tilespmem:s31], [sflag:$0x1] =	stream.indirect.gather [hbm4b:s4+s30], $0x80, s5, s30, $0xb8;
	[tilespmem:$0x1DE20] =	vst v63  }
0x82: {  	_ =	swait.ge [sflag:s29], $0x2800  }
0x83: {  	[sflag:s29] =	ssyncset.done $0x0  }
0x84: {  	s6 =	sadd.s32 $0x2760, s24;
	[sflag:s29] =	ssyncadd.s32 $0xFFFFD800  }
0x85: {  	[spmem:s2] =	stream.indirect.scatter.add.f32 [tilespmem:s25], [sflag:$0x3], $0x80, s6, s30, $0xb8;
	[tilespmem:$0x1DE20] =	vst v63  }
0x86: {  	_ =	swait.ge [sflag:s26], $0x2800  }
0x87: {  	[sflag:s26] =	ssyncset.done $0x0  }
0x88: {  	[sflag:s26] =	ssyncadd.s32 $0xFFFFD800  }
0x89: {  	_ =	swait.ge [sflag:s28], $0x2800  }
0x8a: {  	[sflag:s28] =	ssyncset.done $0x0  }
0x8b: {  	s15 =	simm.s32 $0x4DD0;
	[sflag:s28] =	ssyncadd.s32 $0xFFFFD800  }
0x8c: {  	[spmem:s2] =	stream.indirect.scatter.add.f32 [tilespmem:s31], [sflag:$0x3], $0x80, s15, s30, $0xb8;
	[tilespmem:$0x1DE20] =	vst v63  }
0x8d: {  	_ =	swait.ge [sflag:s26], $0x2800  }
0x8e: {  	[sflag:s26] =	ssyncset.done $0x0  }
0x8f: {  	[sflag:s26] =	ssyncadd.s32 $0xFFFFD800  }
0x90: {  	[bflag:$0x0] =	sbarrier.arrive $0xFFFF  }
0x91: {  	[tilespmem:s31], [sflag:$0x3] =	stream.linear.gather [spmem:s7], $0x2800, $0x38;
	[tilespmem:$0x1DE20] =	vst v63  }
0x92: {  	_ =	swait.ge [sflag:s26], $0x2800  }
0x93: {  	[sflag:s26] =	ssyncset.done $0x0  }
0x94: {  	s24 =	rddreg [dreg:$0x5];
	[sflag:s26] =	ssyncadd.s32 $0xFFFFD800  }
0x95: {  	[hbm4b:s24+s3] =	stream.linear.scatter [tilespmem:s31], [sflag:$0x1], $0x2800, $0x38;
	[tilespmem:$0x1DE20] =	vst v63  }
0x96: {  	_ = 	snop  }
0x97: {  	[tilespmem:s25], [sflag:$0x3] =	stream.linear.gather [spmem:s8], $0x2800, $0x38;
	[tilespmem:$0x1DE20] =	vst v63  }
0x98: {  	_ =	swait.ge [sflag:s26], $0x2800  }
0x99: {  	[sflag:s26] =	ssyncset.done $0x0  }
0x9a: {  	[sflag:s26] =	ssyncadd.s32 $0xFFFFD800  }
0x9b: {  	[hbm4b:s16+s3] =	stream.linear.scatter [tilespmem:s25], [sflag:$0x2], $0x2800, $0x38;
	[tilespmem:$0x1DE20] =	vst v63  }
0x9c: {  	_ =	swait.ge [sflag:s28], $0x2800  }
0x9d: {  	[sflag:s28] =	ssyncset.done $0x0  }
0x9e: {  	[sflag:s28] =	ssyncadd.s32 $0xFFFFD800  }
0x9f: {  	[tilespmem:s31], [sflag:$0x3] =	stream.linear.gather [spmem:s9], $0x2800, $0x38;
	[tilespmem:$0x1DE20] =	vst v63  }
0xa0: {  	_ =	swait.ge [sflag:s26], $0x2800  }
0xa1: {  	[sflag:s26] =	ssyncset.done $0x0  }
0xa2: {  	[sflag:s26] =	ssyncadd.s32 $0xFFFFD800  }
0xa3: {  	[hbm4b:s17+s3] =	stream.linear.scatter [tilespmem:s31], [sflag:$0x1], $0x2800, $0x38;
	[tilespmem:$0x1DE20] =	vst v63  }
0xa4: {  	_ =	swait.ge [sflag:s29], $0x2800  }
0xa5: {  	[sflag:s29] =	ssyncset.done $0x0  }
0xa6: {  	[sflag:s29] =	ssyncadd.s32 $0xFFFFD800  }
0xa7: {  	[tilespmem:s25], [sflag:$0x3] =	stream.linear.gather [spmem:s10], $0x2800, $0x38;
	[tilespmem:$0x1DE20] =	vst v63  }
0xa8: {  	_ =	swait.ge [sflag:s26], $0x2800  }
0xa9: {  	[sflag:s26] =	ssyncset.done $0x0  }
0xaa: {  	[sflag:s26] =	ssyncadd.s32 $0xFFFFD800  }
0xab: {  	[hbm4b:s18+s3] =	stream.linear.scatter [tilespmem:s25], [sflag:$0x2], $0x2800, $0x38;
	[tilespmem:$0x1DE20] =	vst v63  }
0xac: {  	_ =	swait.ge [sflag:s28], $0x2800  }
0xad: {  	[sflag:s28] =	ssyncset.done $0x0  }
0xae: {  	[sflag:s28] =	ssyncadd.s32 $0xFFFFD800  }
0xaf: {  	[tilespmem:s31], [sflag:$0x3] =	stream.linear.gather [spmem:s11], $0x2800, $0x38;
	[tilespmem:$0x1DE20] =	vst v63  }
0xb0: {  	_ =	swait.ge [sflag:s26], $0x2800  }
0xb1: {  	[sflag:s26] =	ssyncset.done $0x0  }
0xb2: {  	[sflag:s26] =	ssyncadd.s32 $0xFFFFD800  }
0xb3: {  	[hbm4b:s19+s3] =	stream.linear.scatter [tilespmem:s31], [sflag:$0x1], $0x2800, $0x38;
	[tilespmem:$0x1DE20] =	vst v63  }
0xb4: {  	_ =	swait.ge [sflag:s29], $0x2800  }
0xb5: {  	[sflag:s29] =	ssyncset.done $0x0  }
0xb6: {  	[sflag:s29] =	ssyncadd.s32 $0xFFFFD800  }
0xb7: {  	[tilespmem:s25], [sflag:$0x3] =	stream.linear.gather [spmem:s12], $0x2800, $0x38;
	[tilespmem:$0x1DE20] =	vst v63  }
0xb8: {  	_ =	swait.ge [sflag:s26], $0x2800  }
0xb9: {  	[sflag:s26] =	ssyncset.done $0x0  }
0xba: {  	[sflag:s26] =	ssyncadd.s32 $0xFFFFD800  }
0xbb: {  	[hbm4b:s20+s3] =	stream.linear.scatter [tilespmem:s25], [sflag:$0x2], $0x2800, $0x38;
	[tilespmem:$0x1DE20] =	vst v63  }
0xbc: {  	_ =	swait.ge [sflag:s28], $0x2800  }
0xbd: {  	[sflag:s28] =	ssyncset.done $0x0  }
0xbe: {  	[sflag:s28] =	ssyncadd.s32 $0xFFFFD800  }
0xbf: {  	[tilespmem:s31], [sflag:$0x3] =	stream.linear.gather [spmem:s13], $0x2800, $0x38;
	[tilespmem:$0x1DE20] =	vst v63  }
0xc0: {  	_ =	swait.ge [sflag:s26], $0x2800  }
0xc1: {  	[sflag:s26] =	ssyncset.done $0x0  }
0xc2: {  	[sflag:s26] =	ssyncadd.s32 $0xFFFFD800  }
0xc3: {  	[hbm4b:s21+s3] =	stream.linear.scatter [tilespmem:s31], [sflag:$0x1], $0x2800, $0x38;
	[tilespmem:$0x1DE20] =	vst v63  }
0xc4: {  	_ =	swait.ge [sflag:s29], $0x2800  }
0xc5: {  	[sflag:s29] =	ssyncset.done $0x0  }
0xc6: {  	[sflag:s29] =	ssyncadd.s32 $0xFFFFD800  }
0xc7: {  	[tilespmem:s25], [sflag:$0x3] =	stream.linear.gather [spmem:s14], $0x2800, $0x38;
	[tilespmem:$0x1DE20] =	vst v63  }
0xc8: {  	_ =	swait.ge [sflag:s26], $0x2800  }
0xc9: {  	[sflag:s26] =	ssyncset.done $0x0  }
0xca: {  	s0 =	sadd.s32 $0x1, s0;
	[sflag:s26] =	ssyncadd.s32 $0xFFFFD800  }
0xcb: {  	[hbm4b:s22+s3] =	stream.linear.scatter [tilespmem:s25], [sflag:$0x2], $0x2800, $0x38;
	[tilespmem:$0x1DE20] =	vst v63  }
0xcc: {  	p0 =	sne.s32 s0, s23;
	_ =	swait.ge [sflag:s28], $0x2800  }
.Ltmp2:
0xcd: {  	[sflag:s28] =	ssyncset.done $0x0;
	(pc) =	sbr.rel @p0 .LBB2_1-.Ltmp2, $4  }
0xce: {  	[sflag:s28] =	ssyncadd.s32 $0xFFFFD800  }
0xcf: {  	_ =	swait.ge [sflag:s29], $0x2800  }
0xd0: {  	[sflag:s29] =	ssyncset.done $0x0  }
0xd1: {  	[sflag:s29] =	ssyncadd.s32 $0xFFFFD800  }
0xd2: {  	_ =	sfence.sel $0x180000  }
0xd3: {  	[bflag:$0x0] =	sbarrier.arrive $0xFFFF  }
0xd4: {  	_ =	strace $0x90000053  }
0xd5: {  	s0 =	stileid.u32;
	[bflag:$0x2] =	sbarrier.arrive $0xFFFF  }
0xd6: {  	p0 =	sne.s32 s0, $0x0;
	s0 =	rddreg [dreg:$0x2]  }
0xd7: {  	s0 =	sadd.s32 @!p0 $0x100000, s0  }
0xd8: {  	[sflag:s0] =	ssyncadd.tile.s32 @!p0 $0x1;
	_ =	shalt  }
.Lfunc_end2:
_tile_overlayer_lowered:
.L_overlay_start_2:
0xd9: {  	(tag) =	ssettag $0x2  }
0xda: {  	s0 =	rddreg [dreg:$0x0];
	s2 =	stileid.u32  }
0xdb: {  	s1 =	rddreg [dreg:$0x1];
	p0 =	sne.s32 s2, $0x0  }
0xdc: {  	s3 =	rddreg [dreg:$0x2];
	[bflag:$0x3] =	sbarrier.arrive $0xFFFF;
	s2 =	simm.s32 @!p0 $0x1C03  }
0xdd: {  	[timem:s3], [sflag:s2] =	dma.local @!p0 [hbm:s0], s1  }
0xde: {  	s0 =	simm.s32 @!p0 $0x3  }
0xdf: {  	_ =	swait.ge @!p0 [sflag:s0], s1  }
0xe0: {  	s1 =	ssub.s32 @!p0 $0x0, s1;
	[sflag:s0] =	ssyncset.done @!p0 $0x0  }
0xe1: {  	[sflag:s0] =	ssyncadd.s32 @!p0 s1  }
0xe2: {  	[bflag:$0x3] =	sbarrier.arrive $0xFFFF  }
0xe3: {  	_ =	shalt  }

</sc_bundles>
